<compile_context>
chip_gen: v7x
topology: tpu7x:2x2x1
jax: 0.10.2.dev20260603
libtpu: 0.0.44.dev20260713+nightly
codegen_flags: <defaults>
</compile_context>

<pallas_src>
import functools

import jax
import jax.numpy as jnp
from jax import lax
from jax.experimental import pallas as pl
from jax.experimental.pallas import tpu as pltpu
from jax.experimental.pallas import tpu_sc as plsc

N = 10000
E = 160000
NC, NS = 2, 16
NPAD = 10240

EW = 125
DR = 40
CW = 50
CPT = 200
PHASES = ((0, 56), (56, 48), (104, 48), (152, 48))
CPH = 56
NBUF = 4
RPT = NPAD // NS
RCH = 32

BN = 2048
GRID = NPAD // BN



def _deg_body(dst_hbm, ones_hbm, zeros_hbm, deg_hbm, idx_v, ones_v, acc,
              sem):
    c = lax.axis_index("c")
    s = lax.axis_index("s")
    wid = s * NC + c
    pltpu.sync_copy(zeros_hbm, acc.at[pl.ds(s * RPT, RPT)])
    pltpu.sync_copy(ones_hbm, ones_v)
    pltpu.sync_copy(dst_hbm.at[pl.ds(wid * DR, DR)], idx_v)
    plsc.subcore_barrier()

    def body(i, carry):
        pltpu.async_copy(ones_v, acc.at[idx_v.at[i]], sem, add=True)
        return carry

    lax.fori_loop(0, DR, body, 0)

    def drain(i, carry):
        pltpu.make_async_copy(ones_v, acc.at[idx_v.at[0]], sem).wait()
        return carry

    lax.fori_loop(0, DR, drain, 0)
    plsc.subcore_barrier()
    pltpu.sync_copy(acc.at[pl.ds(s * RPT, RPT)],
                    deg_hbm.at[c, 0, pl.ds(s * RPT, RPT)])




def _agg_body(t_hbm, sidx_hbm, didx_hbm, zeros_hbm, out_hbm,
              sidx_v, didx_v, bufs, acc, gsem, tsem):
    c = lax.axis_index("c")
    s = lax.axis_index("s")
    off0, rows0 = PHASES[0]
    pltpu.sync_copy(sidx_hbm.at[c, pl.ds(s * CPT + off0, rows0)],
                    sidx_v.at[pl.ds(0, rows0)])
    pltpu.sync_copy(didx_hbm.at[pl.ds(s * CPT + off0, rows0)],
                    didx_v.at[pl.ds(0, rows0)])
    for k in range(NBUF - 1):
        pltpu.async_copy(t_hbm.at[sidx_v.at[k]], bufs[k], gsem[k])
    pltpu.sync_copy(zeros_hbm, acc.at[pl.ds(s * RPT, RPT)])
    plsc.subcore_barrier()

    for pnum, (off, rows) in enumerate(PHASES):
        if pnum > 0:
            base = s * CPT + off
            pltpu.sync_copy(sidx_hbm.at[c, pl.ds(base, rows)],
                            sidx_v.at[pl.ds(0, rows)])
            pltpu.sync_copy(didx_hbm.at[pl.ds(base, rows)],
                            didx_v.at[pl.ds(0, rows)])
            for k in range(NBUF - 1):
                pltpu.async_copy(t_hbm.at[sidx_v.at[k]], bufs[k], gsem[k])

        def body(jj, carry):
            for k in range(NBUF):
                i = NBUF * jj + k
                kp = (k + NBUF - 1) % NBUF

                @pl.when(i + NBUF - 1 < rows)
                def _():
                    @pl.when(i >= 1)
                    def _():
                        pltpu.make_async_copy(
                            bufs[kp], acc.at[didx_v.at[0]], tsem[kp]).wait()
                    pltpu.async_copy(t_hbm.at[sidx_v.at[i + NBUF - 1]],
                                     bufs[kp], gsem[kp])

                pltpu.make_async_copy(t_hbm.at[sidx_v.at[i]], bufs[k],
                                      gsem[k]).wait()
                pltpu.async_copy(bufs[k], acc.at[didx_v.at[i]], tsem[k],
                                 add=True)
            return carry

        lax.fori_loop(0, rows // NBUF, body, 0)
        for k in range(NBUF):
            pltpu.make_async_copy(bufs[k], acc.at[didx_v.at[0]],
                                  tsem[k]).wait()
    plsc.subcore_barrier()
    pltpu.sync_copy(acc.at[pl.ds(s * RPT, RPT)],
                    out_hbm.at[c, pl.ds(s * RPT, RPT)])


@functools.cache
def _sc_calls():
    mesh = plsc.VectorSubcoreMesh(core_axis_name="c", subcore_axis_name="s",
                                  num_cores=NC, num_subcores=NS)
    deg_call = pl.kernel(
        _deg_body,
        out_type=jax.ShapeDtypeStruct((NC, 1, NPAD), jnp.float32),
        mesh=mesh,
        scratch_types=[
            pltpu.VMEM((DR, EW), jnp.int32),
            pltpu.VMEM((EW,), jnp.float32),
            pltpu.VMEM_SHARED((NPAD,), jnp.float32),
            pltpu.SemaphoreType.DMA,
        ],
    )
    agg_call = pl.kernel(
        _agg_body,
        out_type=jax.ShapeDtypeStruct((NC, NPAD, 128), jnp.float32),
        mesh=mesh,
        scratch_types=[
            pltpu.VMEM((CPH, CW), jnp.int32),
            pltpu.VMEM((CPH, CW), jnp.int32),
            tuple(pltpu.VMEM((CW, 128), jnp.float32) for _ in range(NBUF)),
            pltpu.VMEM_SHARED((NPAD, 128), jnp.float32),
            tuple(pltpu.SemaphoreType.DMA for _ in range(NBUF)),
            tuple(pltpu.SemaphoreType.DMA for _ in range(NBUF)),
        ],
    )
    return deg_call, agg_call


def _dinv_of(deg_ref):
    d = deg_ref[0].reshape(BN) + deg_ref[1].reshape(BN) + 1.0
    return lax.rsqrt(d)[:, None]


def _scale_kernel(x_ref, deg_ref, o_ref):
    dinv = _dinv_of(deg_ref)
    o_ref[0] = x_ref[:, :128] * dinv
    o_ref[1] = x_ref[:, 128:] * dinv


def _combine(agg_ref, t_ref, dinv):
    return jnp.concatenate([agg_ref[0] + t_ref[0], agg_ref[1] + t_ref[1]],
                           axis=1) * dinv


def _mm_kernel(agg_ref, t_ref, deg_ref, w1_ref, b1_ref, w2_ref, o_ref):
    dinv = _dinv_of(deg_ref)
    y = _combine(agg_ref, t_ref, dinv)
    h = jnp.dot(y, w1_ref[...], preferred_element_type=jnp.float32) + b1_ref[...]
    h = jnp.maximum(h, 0.0)
    q = jnp.dot(h, w2_ref[...], preferred_element_type=jnp.float32)
    q = q * dinv
    o_ref[0] = q[:, :128]
    o_ref[1] = q[:, 128:]


def _post_kernel(agg_ref, t_ref, deg_ref, b_ref, o_ref):
    dinv = _dinv_of(deg_ref)
    o_ref[...] = _combine(agg_ref, t_ref, dinv) + b_ref[...]


def _split_spec():
    return pl.BlockSpec((NC, BN, 128), lambda i: (0, i, 0))


def _deg_spec():
    return pl.BlockSpec((NC, BN // 128, 128), lambda i: (0, i, 0))


def _full(shape):
    return pl.BlockSpec(shape, lambda i: tuple(0 for _ in shape))


_scale_call = pl.pallas_call(
    _scale_kernel,
    grid=GRID,
    in_specs=[pl.BlockSpec((BN, 256), lambda i: (i, 0)), _deg_spec()],
    out_specs=_split_spec(),
    out_shape=jax.ShapeDtypeStruct((NC, NPAD, 128), jnp.float32),
)

_mm_call = pl.pallas_call(
    _mm_kernel,
    grid=GRID,
    in_specs=[_split_spec(), _split_spec(), _deg_spec(),
              _full((256, 512)), _full((1, 512)), _full((512, 256))],
    out_specs=_split_spec(),
    out_shape=jax.ShapeDtypeStruct((NC, NPAD, 128), jnp.float32),
)

_post_call = pl.pallas_call(
    _post_kernel,
    grid=GRID,
    in_specs=[_split_spec(), _split_spec(), _deg_spec(), _full((1, 256))],
    out_specs=pl.BlockSpec((BN, 256), lambda i: (i, 0)),
    out_shape=jax.ShapeDtypeStruct((N, 256), jnp.float32),
)


def kernel(x, edge_index, W1, b1, W2, b2):
    ei = edge_index.astype(jnp.int32)
    src = ei[0].reshape(E // CW, CW)
    src_stack = jnp.stack([src, src + NPAD])
    dst2d = ei[1].reshape(E // CW, CW)
    dstdeg = ei[1].reshape(E // EW, EW)
    ones_w = jnp.ones((EW,), jnp.float32)
    zeros1d = jnp.zeros((RPT,), jnp.float32)
    zeros2d = jnp.zeros((RPT, 128), jnp.float32)

    _deg_call, _agg_call = _sc_calls()
    deg2 = _deg_call(dstdeg, ones_w, zeros1d)
    deg2p = deg2.reshape(NC, NPAD // 128, 128)

    t1 = _scale_call(x, deg2p)
    agg1 = _agg_call(t1.reshape(NC * NPAD, 128), src_stack, dst2d, zeros2d)
    t2 = _mm_call(agg1, t1, deg2p, W1, b1.reshape(1, -1), W2)
    agg2 = _agg_call(t2.reshape(NC * NPAD, 128), src_stack, dst2d, zeros2d)
    return _post_call(agg2, t2, deg2p, b2.reshape(1, -1))

# --- scband reference (transcript-rebuilt; emitter-appended) ---
"""Pipeline reference for scband-gcnencoder-83528523973184 (READ-ONLY COPY).

The authoritative reference and input builder live on the scoring server;
editing this copy changes nothing except your own understanding.
"""

import jax, jax.numpy as jnp
import numpy as np

N_NODES = 10000
N_EDGES = 160000
IN_CH = 256
HID = 512
OUT_CH = 256

def setup_inputs(seed: int = 0) -> dict:
    key = jax.random.key(seed)
    k1, k2, k3, k4, k5, k6, k7 = jax.random.split(key, 7)
    x = jax.random.normal(k1, (N_NODES, IN_CH), dtype=jnp.float32)
    edge_index = jax.random.randint(k2, (2, N_EDGES), 0, N_NODES, dtype=jnp.int64)
    # Glorot-style init like PyG GCNConv
    W1 = jax.random.normal(k3, (IN_CH, HID), dtype=jnp.float32) * (1.0 / np.sqrt(IN_CH))
    b1 = jnp.zeros((HID,), dtype=jnp.float32)
    W2 = jax.random.normal(k4, (HID, OUT_CH), dtype=jnp.float32) * (1.0 / np.sqrt(HID))
    b2 = jnp.zeros((OUT_CH,), dtype=jnp.float32)
    return {"x": x, "edge_index": edge_index, "W1": W1, "b1": b1, "W2": W2, "b2": b2}

def _gcn_conv(x, edge_index, W, b):
    n = x.shape[0]
    # add self-loops (PyG GCNConv default)
    loop = jnp.arange(n, dtype=edge_index.dtype)
    row = jnp.concatenate([edge_index[0], loop])  # src
    col = jnp.concatenate([edge_index[1], loop])  # dst
    # symmetric normalization with edge_weight = 1
    deg = jax.ops.segment_sum(jnp.ones_like(col, dtype=x.dtype), col, num_segments=n)
    dinv = jnp.where(deg > 0, 1.0 / jnp.sqrt(deg), 0.0)
    norm = dinv[row] * dinv[col]
    h = x @ W
    msg = h[row] * norm[:, None]
    out = jnp.zeros((n, h.shape[1]), dtype=x.dtype).at[col].add(msg)
    return out + b

def reference(x, edge_index, W1, b1, W2, b2):
    h = _gcn_conv(x, edge_index, W1, b1)
    h = jax.nn.relu(h)
    # dropout p=0.0 -> identity
    out = _gcn_conv(h, edge_index, W2, b2)
    return out

if __name__ == "__main__":
    import jax
    _d = setup_inputs()
    print(jax.jit(kernel)(*tuple(_d.values())))

</pallas_src>

<mosaic_0001>
#map = affine_map<(d0, d1) -> (0, 0)>
#map1 = affine_map<(d0, d1) -> (0)>
#map2 = affine_map<(d0, d1) -> (0, 0, 0)>
module attributes {stable_mosaic.version = 14 : i64} {
  func.func @_deg_body(%arg0: i32, %arg1: i32, %arg2: memref<1280x125xi32, #tpu.memory_space<hbm>>, %arg3: memref<125xf32, #tpu.memory_space<hbm>>, %arg4: memref<640xf32, #tpu.memory_space<hbm>>, %arg5: memref<2x1x10240xf32, #tpu.memory_space<hbm>>, %arg6: memref<40x125xi32, #tpu.memory_space<vmem>>, %arg7: memref<125xf32, #tpu.memory_space<vmem>>, %arg8: memref<10240xf32, #tpu.memory_space<vmem_shared>>, %arg9: memref<!tpu.dma_semaphore, #tpu.memory_space<semaphore_mem>>) attributes {dimension_semantics = [#tpu.dimension_semantics<core_parallel>, #tpu.dimension_semantics<subcore_parallel>], iteration_bounds = array<i64: 2, 16>, scalar_prefetch = 0 : i64, scratch_operands = 4 : i64, tpu.core_type = #tpu.core_type<sc_vector_subcore>, window_params = [{transform_indices = #map}, {transform_indices = #map1}, {transform_indices = #map1}, {transform_indices = #map2}]} {
    %mul3A = arith.constant 2 : i32
    %mul3A_0 = arith.muli %arg1, %mul3A : i32
    %add3A = arith.addi %mul3A_0, %arg0 : i32
    %mul3A_1 = arith.constant 640 : i32
    %mul3A_2 = arith.muli %arg1, %mul3A_1 : i32
    "tpu.region"() ({
      %run_scoped3A_21 = tpu.sem_alloc : memref<!tpu.dma_semaphore, #tpu.memory_space<semaphore_mem>>
      %dma_start3A = tpu.memref_slice %arg8[%mul3A_2] : memref<10240xf32, #tpu.memory_space<vmem_shared>> -> memref<640xf32, #tpu.memory_space<vmem_shared>>
      tpu.enqueue_dma source(%arg4 : memref<640xf32, #tpu.memory_space<hbm>>) target(%dma_start3A : memref<640xf32, #tpu.memory_space<vmem_shared>>) target_semaphore(%run_scoped3A_21 : memref<!tpu.dma_semaphore, #tpu.memory_space<semaphore_mem>>)
      %dma_wait3A = tpu.memref_slice %arg8[%mul3A_2] : memref<10240xf32, #tpu.memory_space<vmem_shared>> -> memref<640xf32, #tpu.memory_space<vmem_shared>>
      tpu.wait_dma2 semaphore(%run_scoped3A_21 : memref<!tpu.dma_semaphore, #tpu.memory_space<semaphore_mem>>) src(%arg4 : memref<640xf32, #tpu.memory_space<hbm>>) dst(%dma_wait3A : memref<640xf32, #tpu.memory_space<vmem_shared>>)
      tpu.yield
    }) : () -> ()
    "tpu.region"() ({
      %run_scoped3A_21 = tpu.sem_alloc : memref<!tpu.dma_semaphore, #tpu.memory_space<semaphore_mem>>
      tpu.enqueue_dma source(%arg3 : memref<125xf32, #tpu.memory_space<hbm>>) target(%arg7 : memref<125xf32, #tpu.memory_space<vmem>>) target_semaphore(%run_scoped3A_21 : memref<!tpu.dma_semaphore, #tpu.memory_space<semaphore_mem>>)
      tpu.wait_dma2 semaphore(%run_scoped3A_21 : memref<!tpu.dma_semaphore, #tpu.memory_space<semaphore_mem>>) src(%arg3 : memref<125xf32, #tpu.memory_space<hbm>>) dst(%arg7 : memref<125xf32, #tpu.memory_space<vmem>>)
      tpu.yield
    }) : () -> ()
    %mul3A_3 = arith.constant 40 : i32
    %mul3A_4 = arith.muli %add3A, %mul3A_3 : i32
    "tpu.region"() ({
      %run_scoped3A_21 = tpu.sem_alloc : memref<!tpu.dma_semaphore, #tpu.memory_space<semaphore_mem>>
      %dma_start3A = arith.constant 0 : i32
      %dma_start3A_22 = tpu.memref_slice %arg2[%mul3A_4, %dma_start3A] : memref<1280x125xi32, #tpu.memory_space<hbm>> -> memref<40x125xi32, #tpu.memory_space<hbm>>
      %dma_start3A_23 = arith.constant 0 : i32
      %dma_start3A_24 = tpu.memref_slice %arg2[%mul3A_4, %dma_start3A_23] : memref<1280x125xi32, #tpu.memory_space<hbm>> -> memref<40x125xi32, #tpu.memory_space<hbm>>
      tpu.enqueue_dma source(%dma_start3A_24 : memref<40x125xi32, #tpu.memory_space<hbm>>) target(%arg6 : memref<40x125xi32, #tpu.memory_space<vmem>>) target_semaphore(%run_scoped3A_21 : memref<!tpu.dma_semaphore, #tpu.memory_space<semaphore_mem>>)
      %dma_wait3A = arith.constant 0 : i32
      %dma_wait3A_25 = tpu.memref_slice %arg2[%mul3A_4, %dma_wait3A] : memref<1280x125xi32, #tpu.memory_space<hbm>> -> memref<40x125xi32, #tpu.memory_space<hbm>>
      %dma_wait3A_26 = arith.constant 0 : i32
      %dma_wait3A_27 = tpu.memref_slice %arg2[%mul3A_4, %dma_wait3A_26] : memref<1280x125xi32, #tpu.memory_space<hbm>> -> memref<40x125xi32, #tpu.memory_space<hbm>>
      tpu.wait_dma2 semaphore(%run_scoped3A_21 : memref<!tpu.dma_semaphore, #tpu.memory_space<semaphore_mem>>) src(%dma_wait3A_27 : memref<40x125xi32, #tpu.memory_space<hbm>>) dst(%arg6 : memref<40x125xi32, #tpu.memory_space<vmem>>)
      tpu.yield
    }) : () -> ()
    %barrier3A = arith.constant 0 : index
    tpu.barrier barrier_id(%barrier3A)
    %scan3A = arith.constant 0 : i32
    %scan3A_5 = arith.constant 0 : i32
    %scan3A_6 = arith.constant 40 : i32
    %scan3A_7 = arith.addi %scan3A_5, %scan3A_6 : i32
    %scan3A_8 = arith.constant 1 : i32
    scf.for %scan3A_21 = %scan3A_5 to %scan3A_7 step %scan3A_8  : i32 {
      %dma_start3A = arith.constant 0 : i32
      %dma_start3A_22 = tpu.memref_slice %arg6[%scan3A_21, %dma_start3A] : memref<40x125xi32, #tpu.memory_space<vmem>> -> memref<1x125xi32, #tpu.memory_space<vmem>>
      %dma_start3A_23 = tpu.memref_squeeze %dma_start3A_22 : memref<1x125xi32, #tpu.memory_space<vmem>> -> memref<125xi32, #tpu.memory_space<vmem>>
      %dma_start3A_24 = arith.constant 0 : i32
      %dma_start3A_25 = tpu.memref_slice %arg8[%dma_start3A_24] : memref<10240xf32, #tpu.memory_space<vmem_shared>> -> memref<10240xf32, #tpu.memory_space<vmem_shared>>
      tpu.enqueue_indirect_dma source(%arg7 : memref<125xf32, #tpu.memory_space<vmem>>) target(%dma_start3A_25 : memref<10240xf32, #tpu.memory_space<vmem_shared>>) offsets(%dma_start3A_23 : memref<125xi32, #tpu.memory_space<vmem>>) semaphore(%arg9 : memref<!tpu.dma_semaphore, #tpu.memory_space<semaphore_mem>>) {add = true}
    }
    %scan3A_9 = arith.constant 40 : i32
    %scan3A_10 = arith.constant 0 : i32
    %scan3A_11 = arith.constant 0 : i32
    %scan3A_12 = arith.constant 40 : i32
    %scan3A_13 = arith.addi %scan3A_11, %scan3A_12 : i32
    %scan3A_14 = arith.constant 1 : i32
    scf.for %scan3A_21 = %scan3A_11 to %scan3A_13 step %scan3A_14  : i32 {
      %dma_wait3A = arith.constant 0 : i32
      %dma_wait3A_22 = arith.constant 0 : i32
      %dma_wait3A_23 = tpu.memref_slice %arg6[%dma_wait3A, %dma_wait3A_22] : memref<40x125xi32, #tpu.memory_space<vmem>> -> memref<1x125xi32, #tpu.memory_space<vmem>>
      %dma_wait3A_24 = tpu.memref_squeeze %dma_wait3A_23 : memref<1x125xi32, #tpu.memory_space<vmem>> -> memref<125xi32, #tpu.memory_space<vmem>>
      %dma_wait3A_25 = arith.constant 0 : i32
      %dma_wait3A_26 = tpu.memref_slice %arg8[%dma_wait3A_25] : memref<10240xf32, #tpu.memory_space<vmem_shared>> -> memref<10240xf32, #tpu.memory_space<vmem_shared>>
      tpu.wait_indirect_dma semaphore(%arg9 : memref<!tpu.dma_semaphore, #tpu.memory_space<semaphore_mem>>) src(%arg7 : memref<125xf32, #tpu.memory_space<vmem>>) dst(%dma_wait3A_26 : memref<10240xf32, #tpu.memory_space<vmem_shared>>)
    }
    %scan3A_15 = arith.constant 40 : i32
    %barrier3A_16 = arith.constant 0 : index
    tpu.barrier barrier_id(%barrier3A_16)
    %mul3A_17 = arith.constant 640 : i32
    %mul3A_18 = arith.muli %arg1, %mul3A_17 : i32
    %mul3A_19 = arith.constant 640 : i32
    %mul3A_20 = arith.muli %arg1, %mul3A_19 : i32
    %run_scoped3A = arith.constant 0 : i32
    "tpu.region"() ({
      %run_scoped3A_21 = tpu.sem_alloc : memref<!tpu.dma_semaphore, #tpu.memory_space<semaphore_mem>>
      %dma_start3A = tpu.memref_slice %arg5[%arg0, %run_scoped3A, %mul3A_20] : memref<2x1x10240xf32, #tpu.memory_space<hbm>> -> memref<1x1x640xf32, #tpu.memory_space<hbm>>
      %dma_start3A_22 = tpu.memref_squeeze %dma_start3A : memref<1x1x640xf32, #tpu.memory_space<hbm>> -> memref<640xf32, #tpu.memory_space<hbm>>
      %dma_start3A_23 = tpu.memref_slice %arg8[%mul3A_18] : memref<10240xf32, #tpu.memory_space<vmem_shared>> -> memref<640xf32, #tpu.memory_space<vmem_shared>>
      tpu.enqueue_dma source(%dma_start3A_23 : memref<640xf32, #tpu.memory_space<vmem_shared>>) target(%dma_start3A_22 : memref<640xf32, #tpu.memory_space<hbm>>) target_semaphore(%run_scoped3A_21 : memref<!tpu.dma_semaphore, #tpu.memory_space<semaphore_mem>>)
      %dma_wait3A = tpu.memref_slice %arg5[%arg0, %run_scoped3A, %mul3A_20] : memref<2x1x10240xf32, #tpu.memory_space<hbm>> -> memref<1x1x640xf32, #tpu.memory_space<hbm>>
      %dma_wait3A_24 = tpu.memref_squeeze %dma_wait3A : memref<1x1x640xf32, #tpu.memory_space<hbm>> -> memref<640xf32, #tpu.memory_space<hbm>>
      %dma_wait3A_25 = tpu.memref_slice %arg8[%mul3A_18] : memref<10240xf32, #tpu.memory_space<vmem_shared>> -> memref<640xf32, #tpu.memory_space<vmem_shared>>
      tpu.wait_dma2 semaphore(%run_scoped3A_21 : memref<!tpu.dma_semaphore, #tpu.memory_space<semaphore_mem>>) src(%dma_wait3A_25 : memref<640xf32, #tpu.memory_space<vmem_shared>>) dst(%dma_wait3A_24 : memref<640xf32, #tpu.memory_space<hbm>>)
      tpu.yield
    }) : () -> ()
    return
  }
}

#map = affine_map<(d0, d1) -> (0, 0)>
#map1 = affine_map<(d0, d1) -> (0, 0, 0)>
module attributes {stable_mosaic.version = 14 : i64} {
  func.func @_agg_body(%arg0: i32, %arg1: i32, %arg2: memref<20480x128xf32, #tpu.memory_space<hbm>>, %arg3: memref<2x3200x50xi32, #tpu.memory_space<hbm>>, %arg4: memref<3200x50xi32, #tpu.memory_space<hbm>>, %arg5: memref<640x128xf32, #tpu.memory_space<hbm>>, %arg6: memref<2x10240x128xf32, #tpu.memory_space<hbm>>, %arg7: memref<56x50xi32, #tpu.memory_space<vmem>>, %arg8: memref<56x50xi32, #tpu.memory_space<vmem>>, %arg9: memref<50x128xf32, #tpu.memory_space<vmem>>, %arg10: memref<50x128xf32, #tpu.memory_space<vmem>>, %arg11: memref<50x128xf32, #tpu.memory_space<vmem>>, %arg12: memref<50x128xf32, #tpu.memory_space<vmem>>, %arg13: memref<10240x128xf32, #tpu.memory_space<vmem_shared>>, %arg14: memref<!tpu.dma_semaphore, #tpu.memory_space<semaphore_mem>>, %arg15: memref<!tpu.dma_semaphore, #tpu.memory_space<semaphore_mem>>, %arg16: memref<!tpu.dma_semaphore, #tpu.memory_space<semaphore_mem>>, %arg17: memref<!tpu.dma_semaphore, #tpu.memory_space<semaphore_mem>>, %arg18: memref<!tpu.dma_semaphore, #tpu.memory_space<semaphore_mem>>, %arg19: memref<!tpu.dma_semaphore, #tpu.memory_space<semaphore_mem>>, %arg20: memref<!tpu.dma_semaphore, #tpu.memory_space<semaphore_mem>>, %arg21: memref<!tpu.dma_semaphore, #tpu.memory_space<semaphore_mem>>) attributes {dimension_semantics = [#tpu.dimension_semantics<core_parallel>, #tpu.dimension_semantics<subcore_parallel>], iteration_bounds = array<i64: 2, 16>, scalar_prefetch = 0 : i64, scratch_operands = 15 : i64, tpu.core_type = #tpu.core_type<sc_vector_subcore>, window_params = [{transform_indices = #map}, {transform_indices = #map1}, {transform_indices = #map}, {transform_indices = #map}, {transform_indices = #map1}]} {
    %mul3A = arith.constant 200 : i32
    %mul3A_0 = arith.muli %arg1, %mul3A : i32
    %add3A = arith.constant 0 : i32
    %add3A_1 = arith.addi %mul3A_0, %add3A : i32
    "tpu.region"() ({
      %run_scoped3A = tpu.sem_alloc : memref<!tpu.dma_semaphore, #tpu.memory_space<semaphore_mem>>
      %dma_start3A_242 = arith.constant 0 : i32
      %dma_start3A_243 = arith.constant 0 : i32
      %dma_start3A_244 = tpu.memref_slice %arg7[%dma_start3A_242, %dma_start3A_243] : memref<56x50xi32, #tpu.memory_space<vmem>> -> memref<56x50xi32, #tpu.memory_space<vmem>>
      %dma_start3A_245 = arith.constant 0 : i32
      %dma_start3A_246 = tpu.memref_slice %arg3[%arg0, %add3A_1, %dma_start3A_245] : memref<2x3200x50xi32, #tpu.memory_space<hbm>> -> memref<1x56x50xi32, #tpu.memory_space<hbm>>
      %dma_start3A_247 = tpu.memref_squeeze %dma_start3A_246 : memref<1x56x50xi32, #tpu.memory_space<hbm>> -> memref<56x50xi32, #tpu.memory_space<hbm>>
      %dma_start3A_248 = arith.constant 0 : i32
      %dma_start3A_249 = arith.constant 0 : i32
      %dma_start3A_250 = tpu.memref_slice %arg7[%dma_start3A_248, %dma_start3A_249] : memref<56x50xi32, #tpu.memory_space<vmem>> -> memref<56x50xi32, #tpu.memory_space<vmem>>
      %dma_start3A_251 = arith.constant 0 : i32
      %dma_start3A_252 = tpu.memref_slice %arg3[%arg0, %add3A_1, %dma_start3A_251] : memref<2x3200x50xi32, #tpu.memory_space<hbm>> -> memref<1x56x50xi32, #tpu.memory_space<hbm>>
      %dma_start3A_253 = tpu.memref_squeeze %dma_start3A_252 : memref<1x56x50xi32, #tpu.memory_space<hbm>> -> memref<56x50xi32, #tpu.memory_space<hbm>>
      tpu.enqueue_dma source(%dma_start3A_253 : memref<56x50xi32, #tpu.memory_space<hbm>>) target(%dma_start3A_250 : memref<56x50xi32, #tpu.memory_space<vmem>>) target_semaphore(%run_scoped3A : memref<!tpu.dma_semaphore, #tpu.memory_space<semaphore_mem>>)
      %dma_wait3A_254 = arith.constant 0 : i32
      %dma_wait3A_255 = arith.constant 0 : i32
      %dma_wait3A_256 = tpu.memref_slice %arg7[%dma_wait3A_254, %dma_wait3A_255] : memref<56x50xi32, #tpu.memory_space<vmem>> -> memref<56x50xi32, #tpu.memory_space<vmem>>
      %dma_wait3A_257 = arith.constant 0 : i32
      %dma_wait3A_258 = tpu.memref_slice %arg3[%arg0, %add3A_1, %dma_wait3A_257] : memref<2x3200x50xi32, #tpu.memory_space<hbm>> -> memref<1x56x50xi32, #tpu.memory_space<hbm>>
      %dma_wait3A_259 = tpu.memref_squeeze %dma_wait3A_258 : memref<1x56x50xi32, #tpu.memory_space<hbm>> -> memref<56x50xi32, #tpu.memory_space<hbm>>
      %dma_wait3A_260 = arith.constant 0 : i32
      %dma_wait3A_261 = arith.constant 0 : i32
      %dma_wait3A_262 = tpu.memref_slice %arg7[%dma_wait3A_260, %dma_wait3A_261] : memref<56x50xi32, #tpu.memory_space<vmem>> -> memref<56x50xi32, #tpu.memory_space<vmem>>
      %dma_wait3A_263 = arith.constant 0 : i32
      %dma_wait3A_264 = tpu.memref_slice %arg3[%arg0, %add3A_1, %dma_wait3A_263] : memref<2x3200x50xi32, #tpu.memory_space<hbm>> -> memref<1x56x50xi32, #tpu.memory_space<hbm>>
      %dma_wait3A_265 = tpu.memref_squeeze %dma_wait3A_264 : memref<1x56x50xi32, #tpu.memory_space<hbm>> -> memref<56x50xi32, #tpu.memory_space<hbm>>
      tpu.wait_dma2 semaphore(%run_scoped3A : memref<!tpu.dma_semaphore, #tpu.memory_space<semaphore_mem>>) src(%dma_wait3A_265 : memref<56x50xi32, #tpu.memory_space<hbm>>) dst(%dma_wait3A_262 : memref<56x50xi32, #tpu.memory_space<vmem>>)
      tpu.yield
    }) : () -> ()
    %mul3A_2 = arith.constant 200 : i32
    %mul3A_3 = arith.muli %arg1, %mul3A_2 : i32
    %add3A_4 = arith.constant 0 : i32
    %add3A_5 = arith.addi %mul3A_3, %add3A_4 : i32
    "tpu.region"() ({
      %run_scoped3A = tpu.sem_alloc : memref<!tpu.dma_semaphore, #tpu.memory_space<semaphore_mem>>
      %dma_start3A_242 = arith.constant 0 : i32
      %dma_start3A_243 = arith.constant 0 : i32
      %dma_start3A_244 = tpu.memref_slice %arg8[%dma_start3A_242, %dma_start3A_243] : memref<56x50xi32, #tpu.memory_space<vmem>> -> memref<56x50xi32, #tpu.memory_space<vmem>>
      %dma_start3A_245 = arith.constant 0 : i32
      %dma_start3A_246 = tpu.memref_slice %arg4[%add3A_5, %dma_start3A_245] : memref<3200x50xi32, #tpu.memory_space<hbm>> -> memref<56x50xi32, #tpu.memory_space<hbm>>
      %dma_start3A_247 = arith.constant 0 : i32
      %dma_start3A_248 = arith.constant 0 : i32
      %dma_start3A_249 = tpu.memref_slice %arg8[%dma_start3A_247, %dma_start3A_248] : memref<56x50xi32, #tpu.memory_space<vmem>> -> memref<56x50xi32, #tpu.memory_space<vmem>>
      %dma_start3A_250 = arith.constant 0 : i32
      %dma_start3A_251 = tpu.memref_slice %arg4[%add3A_5, %dma_start3A_250] : memref<3200x50xi32, #tpu.memory_space<hbm>> -> memref<56x50xi32, #tpu.memory_space<hbm>>
      tpu.enqueue_dma source(%dma_start3A_251 : memref<56x50xi32, #tpu.memory_space<hbm>>) target(%dma_start3A_249 : memref<56x50xi32, #tpu.memory_space<vmem>>) target_semaphore(%run_scoped3A : memref<!tpu.dma_semaphore, #tpu.memory_space<semaphore_mem>>)
      %dma_wait3A_252 = arith.constant 0 : i32
      %dma_wait3A_253 = arith.constant 0 : i32
      %dma_wait3A_254 = tpu.memref_slice %arg8[%dma_wait3A_252, %dma_wait3A_253] : memref<56x50xi32, #tpu.memory_space<vmem>> -> memref<56x50xi32, #tpu.memory_space<vmem>>
      %dma_wait3A_255 = arith.constant 0 : i32
      %dma_wait3A_256 = tpu.memref_slice %arg4[%add3A_5, %dma_wait3A_255] : memref<3200x50xi32, #tpu.memory_space<hbm>> -> memref<56x50xi32, #tpu.memory_space<hbm>>
      %dma_wait3A_257 = arith.constant 0 : i32
      %dma_wait3A_258 = arith.constant 0 : i32
      %dma_wait3A_259 = tpu.memref_slice %arg8[%dma_wait3A_257, %dma_wait3A_258] : memref<56x50xi32, #tpu.memory_space<vmem>> -> memref<56x50xi32, #tpu.memory_space<vmem>>
      %dma_wait3A_260 = arith.constant 0 : i32
      %dma_wait3A_261 = tpu.memref_slice %arg4[%add3A_5, %dma_wait3A_260] : memref<3200x50xi32, #tpu.memory_space<hbm>> -> memref<56x50xi32, #tpu.memory_space<hbm>>
      tpu.wait_dma2 semaphore(%run_scoped3A : memref<!tpu.dma_semaphore, #tpu.memory_space<semaphore_mem>>) src(%dma_wait3A_261 : memref<56x50xi32, #tpu.memory_space<hbm>>) dst(%dma_wait3A_259 : memref<56x50xi32, #tpu.memory_space<vmem>>)
      tpu.yield
    }) : () -> ()
    %dma_start3A = arith.constant 0 : i32
    %dma_start3A_6 = arith.constant 0 : i32
    %dma_start3A_7 = tpu.memref_slice %arg7[%dma_start3A, %dma_start3A_6] : memref<56x50xi32, #tpu.memory_space<vmem>> -> memref<1x50xi32, #tpu.memory_space<vmem>>
    %dma_start3A_8 = tpu.memref_squeeze %dma_start3A_7 : memref<1x50xi32, #tpu.memory_space<vmem>> -> memref<50xi32, #tpu.memory_space<vmem>>
    %dma_start3A_9 = arith.constant 0 : i32
    %dma_start3A_10 = arith.constant 0 : i32
    %dma_start3A_11 = tpu.memref_slice %arg2[%dma_start3A_9, %dma_start3A_10] : memref<20480x128xf32, #tpu.memory_space<hbm>> -> memref<20480x128xf32, #tpu.memory_space<hbm>>
    tpu.enqueue_indirect_dma source(%dma_start3A_11 : memref<20480x128xf32, #tpu.memory_space<hbm>>) target(%arg9 : memref<50x128xf32, #tpu.memory_space<vmem>>) offsets(%dma_start3A_8 : memref<50xi32, #tpu.memory_space<vmem>>) semaphore(%arg14 : memref<!tpu.dma_semaphore, #tpu.memory_space<semaphore_mem>>)
    %dma_start3A_12 = arith.constant 1 : i32
    %dma_start3A_13 = arith.constant 0 : i32
    %dma_start3A_14 = tpu.memref_slice %arg7[%dma_start3A_12, %dma_start3A_13] : memref<56x50xi32, #tpu.memory_space<vmem>> -> memref<1x50xi32, #tpu.memory_space<vmem>>
    %dma_start3A_15 = tpu.memref_squeeze %dma_start3A_14 : memref<1x50xi32, #tpu.memory_space<vmem>> -> memref<50xi32, #tpu.memory_space<vmem>>
    %dma_start3A_16 = arith.constant 0 : i32
    %dma_start3A_17 = arith.constant 0 : i32
    %dma_start3A_18 = tpu.memref_slice %arg2[%dma_start3A_16, %dma_start3A_17] : memref<20480x128xf32, #tpu.memory_space<hbm>> -> memref<20480x128xf32, #tpu.memory_space<hbm>>
    tpu.enqueue_indirect_dma source(%dma_start3A_18 : memref<20480x128xf32, #tpu.memory_space<hbm>>) target(%arg10 : memref<50x128xf32, #tpu.memory_space<vmem>>) offsets(%dma_start3A_15 : memref<50xi32, #tpu.memory_space<vmem>>) semaphore(%arg15 : memref<!tpu.dma_semaphore, #tpu.memory_space<semaphore_mem>>)
    %dma_start3A_19 = arith.constant 2 : i32
    %dma_start3A_20 = arith.constant 0 : i32
    %dma_start3A_21 = tpu.memref_slice %arg7[%dma_start3A_19, %dma_start3A_20] : memref<56x50xi32, #tpu.memory_space<vmem>> -> memref<1x50xi32, #tpu.memory_space<vmem>>
    %dma_start3A_22 = tpu.memref_squeeze %dma_start3A_21 : memref<1x50xi32, #tpu.memory_space<vmem>> -> memref<50xi32, #tpu.memory_space<vmem>>
    %dma_start3A_23 = arith.constant 0 : i32
    %dma_start3A_24 = arith.constant 0 : i32
    %dma_start3A_25 = tpu.memref_slice %arg2[%dma_start3A_23, %dma_start3A_24] : memref<20480x128xf32, #tpu.memory_space<hbm>> -> memref<20480x128xf32, #tpu.memory_space<hbm>>
    tpu.enqueue_indirect_dma source(%dma_start3A_25 : memref<20480x128xf32, #tpu.memory_space<hbm>>) target(%arg11 : memref<50x128xf32, #tpu.memory_space<vmem>>) offsets(%dma_start3A_22 : memref<50xi32, #tpu.memory_space<vmem>>) semaphore(%arg16 : memref<!tpu.dma_semaphore, #tpu.memory_space<semaphore_mem>>)
    %mul3A_26 = arith.constant 640 : i32
    %mul3A_27 = arith.muli %arg1, %mul3A_26 : i32
    "tpu.region"() ({
      %run_scoped3A = tpu.sem_alloc : memref<!tpu.dma_semaphore, #tpu.memory_space<semaphore_mem>>
      %dma_start3A_242 = arith.constant 0 : i32
      %dma_start3A_243 = tpu.memref_slice %arg13[%mul3A_27, %dma_start3A_242] : memref<10240x128xf32, #tpu.memory_space<vmem_shared>> -> memref<640x128xf32, #tpu.memory_space<vmem_shared>>
      tpu.enqueue_dma source(%arg5 : memref<640x128xf32, #tpu.memory_space<hbm>>) target(%dma_start3A_243 : memref<640x128xf32, #tpu.memory_space<vmem_shared>>) target_semaphore(%run_scoped3A : memref<!tpu.dma_semaphore, #tpu.memory_space<semaphore_mem>>)
      %dma_wait3A_244 = arith.constant 0 : i32
      %dma_wait3A_245 = tpu.memref_slice %arg13[%mul3A_27, %dma_wait3A_244] : memref<10240x128xf32, #tpu.memory_space<vmem_shared>> -> memref<640x128xf32, #tpu.memory_space<vmem_shared>>
      tpu.wait_dma2 semaphore(%run_scoped3A : memref<!tpu.dma_semaphore, #tpu.memory_space<semaphore_mem>>) src(%arg5 : memref<640x128xf32, #tpu.memory_space<hbm>>) dst(%dma_wait3A_245 : memref<640x128xf32, #tpu.memory_space<vmem_shared>>)
      tpu.yield
    }) : () -> ()
    %barrier3A = arith.constant 0 : index
    tpu.barrier barrier_id(%barrier3A)
    %scan3A = arith.constant 0 : i32
    %scan3A_28 = arith.constant 0 : i32
    %scan3A_29 = arith.constant 14 : i32
    %scan3A_30 = arith.addi %scan3A_28, %scan3A_29 : i32
    %scan3A_31 = arith.constant 1 : i32
    scf.for %scan3A_242 = %scan3A_28 to %scan3A_30 step %scan3A_31  : i32 {
      %mul3A_243 = arith.constant 4 : i32
      %mul3A_244 = arith.muli %mul3A_243, %scan3A_242 : i32
      %add3A_245 = arith.constant 0 : i32
      %add3A_246 = arith.addi %mul3A_244, %add3A_245 : i32
      %add3A_247 = arith.constant 4 : i32
      %add3A_248 = arith.addi %add3A_246, %add3A_247 : i32
      %sub3A = arith.constant 1 : i32
      %sub3A_249 = arith.subi %add3A_248, %sub3A : i32
      %lt3A = arith.constant 56 : i32
      %lt3A_250 = arith.cmpi slt, %sub3A_249, %lt3A : i32
      %convert_element_type3A = arith.extui %lt3A_250 : i1 to i32
      %cond3A = arith.constant 0 : i32
      %cond3A_251 = arith.cmpi ne, %convert_element_type3A, %cond3A : i32
      scf.if %cond3A_251 {
        %ge3A = arith.constant 1 : i32
        %ge3A_339 = arith.cmpi sge, %add3A_246, %ge3A : i32
        %convert_element_type3A_340 = arith.extui %ge3A_339 : i1 to i32
        %cond3A_341 = arith.constant 0 : i32
        %cond3A_342 = arith.cmpi ne, %convert_element_type3A_340, %cond3A_341 : i32
        scf.if %cond3A_342 {
          %dma_wait3A_353 = arith.constant 0 : i32
          %dma_wait3A_354 = arith.constant 0 : i32
          %dma_wait3A_355 = tpu.memref_slice %arg8[%dma_wait3A_353, %dma_wait3A_354] : memref<56x50xi32, #tpu.memory_space<vmem>> -> memref<1x50xi32, #tpu.memory_space<vmem>>
          %dma_wait3A_356 = tpu.memref_squeeze %dma_wait3A_355 : memref<1x50xi32, #tpu.memory_space<vmem>> -> memref<50xi32, #tpu.memory_space<vmem>>
          %dma_wait3A_357 = arith.constant 0 : i32
          %dma_wait3A_358 = arith.constant 0 : i32
          %dma_wait3A_359 = tpu.memref_slice %arg13[%dma_wait3A_357, %dma_wait3A_358] : memref<10240x128xf32, #tpu.memory_space<vmem_shared>> -> memref<10240x128xf32, #tpu.memory_space<vmem_shared>>
          tpu.wait_indirect_dma semaphore(%arg21 : memref<!tpu.dma_semaphore, #tpu.memory_space<semaphore_mem>>) src(%arg12 : memref<50x128xf32, #tpu.memory_space<vmem>>) dst(%dma_wait3A_359 : memref<10240x128xf32, #tpu.memory_space<vmem_shared>>)
        } else {
        }
        %add3A_343 = arith.constant 4 : i32
        %add3A_344 = arith.addi %add3A_246, %add3A_343 : i32
        %sub3A_345 = arith.constant 1 : i32
        %sub3A_346 = arith.subi %add3A_344, %sub3A_345 : i32
        %dma_start3A_347 = arith.constant 0 : i32
        %dma_start3A_348 = tpu.memref_slice %arg7[%sub3A_346, %dma_start3A_347] : memref<56x50xi32, #tpu.memory_space<vmem>> -> memref<1x50xi32, #tpu.memory_space<vmem>>
        %dma_start3A_349 = tpu.memref_squeeze %dma_start3A_348 : memref<1x50xi32, #tpu.memory_space<vmem>> -> memref<50xi32, #tpu.memory_space<vmem>>
        %dma_start3A_350 = arith.constant 0 : i32
        %dma_start3A_351 = arith.constant 0 : i32
        %dma_start3A_352 = tpu.memref_slice %arg2[%dma_start3A_350, %dma_start3A_351] : memref<20480x128xf32, #tpu.memory_space<hbm>> -> memref<20480x128xf32, #tpu.memory_space<hbm>>
        tpu.enqueue_indirect_dma source(%dma_start3A_352 : memref<20480x128xf32, #tpu.memory_space<hbm>>) target(%arg12 : memref<50x128xf32, #tpu.memory_space<vmem>>) offsets(%dma_start3A_349 : memref<50xi32, #tpu.memory_space<vmem>>) semaphore(%arg17 : memref<!tpu.dma_semaphore, #tpu.memory_space<semaphore_mem>>)
      } else {
      }
      %dma_wait3A_252 = arith.constant 0 : i32
      %dma_wait3A_253 = tpu.memref_slice %arg7[%add3A_246, %dma_wait3A_252] : memref<56x50xi32, #tpu.memory_space<vmem>> -> memref<1x50xi32, #tpu.memory_space<vmem>>
      %dma_wait3A_254 = tpu.memref_squeeze %dma_wait3A_253 : memref<1x50xi32, #tpu.memory_space<vmem>> -> memref<50xi32, #tpu.memory_space<vmem>>
      %dma_wait3A_255 = arith.constant 0 : i32
      %dma_wait3A_256 = arith.constant 0 : i32
      %dma_wait3A_257 = tpu.memref_slice %arg2[%dma_wait3A_255, %dma_wait3A_256] : memref<20480x128xf32, #tpu.memory_space<hbm>> -> memref<20480x128xf32, #tpu.memory_space<hbm>>
      tpu.wait_indirect_dma semaphore(%arg14 : memref<!tpu.dma_semaphore, #tpu.memory_space<semaphore_mem>>) src(%dma_wait3A_257 : memref<20480x128xf32, #tpu.memory_space<hbm>>) dst(%arg9 : memref<50x128xf32, #tpu.memory_space<vmem>>)
      %dma_start3A_258 = arith.constant 0 : i32
      %dma_start3A_259 = tpu.memref_slice %arg8[%add3A_246, %dma_start3A_258] : memref<56x50xi32, #tpu.memory_space<vmem>> -> memref<1x50xi32, #tpu.memory_space<vmem>>
      %dma_start3A_260 = tpu.memref_squeeze %dma_start3A_259 : memref<1x50xi32, #tpu.memory_space<vmem>> -> memref<50xi32, #tpu.memory_space<vmem>>
      %dma_start3A_261 = arith.constant 0 : i32
      %dma_start3A_262 = arith.constant 0 : i32
      %dma_start3A_263 = tpu.memref_slice %arg13[%dma_start3A_261, %dma_start3A_262] : memref<10240x128xf32, #tpu.memory_space<vmem_shared>> -> memref<10240x128xf32, #tpu.memory_space<vmem_shared>>
      tpu.enqueue_indirect_dma source(%arg9 : memref<50x128xf32, #tpu.memory_space<vmem>>) target(%dma_start3A_263 : memref<10240x128xf32, #tpu.memory_space<vmem_shared>>) offsets(%dma_start3A_260 : memref<50xi32, #tpu.memory_space<vmem>>) semaphore(%arg18 : memref<!tpu.dma_semaphore, #tpu.memory_space<semaphore_mem>>) {add = true}
      %mul3A_264 = arith.constant 4 : i32
      %mul3A_265 = arith.muli %mul3A_264, %scan3A_242 : i32
      %add3A_266 = arith.constant 1 : i32
      %add3A_267 = arith.addi %mul3A_265, %add3A_266 : i32
      %add3A_268 = arith.constant 4 : i32
      %add3A_269 = arith.addi %add3A_267, %add3A_268 : i32
      %sub3A_270 = arith.constant 1 : i32
      %sub3A_271 = arith.subi %add3A_269, %sub3A_270 : i32
      %lt3A_272 = arith.constant 56 : i32
      %lt3A_273 = arith.cmpi slt, %sub3A_271, %lt3A_272 : i32
      %convert_element_type3A_274 = arith.extui %lt3A_273 : i1 to i32
      %cond3A_275 = arith.constant 0 : i32
      %cond3A_276 = arith.cmpi ne, %convert_element_type3A_274, %cond3A_275 : i32
      scf.if %cond3A_276 {
        %ge3A = arith.constant 1 : i32
        %ge3A_339 = arith.cmpi sge, %add3A_267, %ge3A : i32
        %convert_element_type3A_340 = arith.extui %ge3A_339 : i1 to i32
        %cond3A_341 = arith.constant 0 : i32
        %cond3A_342 = arith.cmpi ne, %convert_element_type3A_340, %cond3A_341 : i32
        scf.if %cond3A_342 {
          %dma_wait3A_353 = arith.constant 0 : i32
          %dma_wait3A_354 = arith.constant 0 : i32
          %dma_wait3A_355 = tpu.memref_slice %arg8[%dma_wait3A_353, %dma_wait3A_354] : memref<56x50xi32, #tpu.memory_space<vmem>> -> memref<1x50xi32, #tpu.memory_space<vmem>>
          %dma_wait3A_356 = tpu.memref_squeeze %dma_wait3A_355 : memref<1x50xi32, #tpu.memory_space<vmem>> -> memref<50xi32, #tpu.memory_space<vmem>>
          %dma_wait3A_357 = arith.constant 0 : i32
          %dma_wait3A_358 = arith.constant 0 : i32
          %dma_wait3A_359 = tpu.memref_slice %arg13[%dma_wait3A_357, %dma_wait3A_358] : memref<10240x128xf32, #tpu.memory_space<vmem_shared>> -> memref<10240x128xf32, #tpu.memory_space<vmem_shared>>
          tpu.wait_indirect_dma semaphore(%arg18 : memref<!tpu.dma_semaphore, #tpu.memory_space<semaphore_mem>>) src(%arg9 : memref<50x128xf32, #tpu.memory_space<vmem>>) dst(%dma_wait3A_359 : memref<10240x128xf32, #tpu.memory_space<vmem_shared>>)
        } else {
        }
        %add3A_343 = arith.constant 4 : i32
        %add3A_344 = arith.addi %add3A_267, %add3A_343 : i32
        %sub3A_345 = arith.constant 1 : i32
        %sub3A_346 = arith.subi %add3A_344, %sub3A_345 : i32
        %dma_start3A_347 = arith.constant 0 : i32
        %dma_start3A_348 = tpu.memref_slice %arg7[%sub3A_346, %dma_start3A_347] : memref<56x50xi32, #tpu.memory_space<vmem>> -> memref<1x50xi32, #tpu.memory_space<vmem>>
        %dma_start3A_349 = tpu.memref_squeeze %dma_start3A_348 : memref<1x50xi32, #tpu.memory_space<vmem>> -> memref<50xi32, #tpu.memory_space<vmem>>
        %dma_start3A_350 = arith.constant 0 : i32
        %dma_start3A_351 = arith.constant 0 : i32
        %dma_start3A_352 = tpu.memref_slice %arg2[%dma_start3A_350, %dma_start3A_351] : memref<20480x128xf32, #tpu.memory_space<hbm>> -> memref<20480x128xf32, #tpu.memory_space<hbm>>
        tpu.enqueue_indirect_dma source(%dma_start3A_352 : memref<20480x128xf32, #tpu.memory_space<hbm>>) target(%arg9 : memref<50x128xf32, #tpu.memory_space<vmem>>) offsets(%dma_start3A_349 : memref<50xi32, #tpu.memory_space<vmem>>) semaphore(%arg14 : memref<!tpu.dma_semaphore, #tpu.memory_space<semaphore_mem>>)
      } else {
      }
      %dma_wait3A_277 = arith.constant 0 : i32
      %dma_wait3A_278 = tpu.memref_slice %arg7[%add3A_267, %dma_wait3A_277] : memref<56x50xi32, #tpu.memory_space<vmem>> -> memref<1x50xi32, #tpu.memory_space<vmem>>
      %dma_wait3A_279 = tpu.memref_squeeze %dma_wait3A_278 : memref<1x50xi32, #tpu.memory_space<vmem>> -> memref<50xi32, #tpu.memory_space<vmem>>
      %dma_wait3A_280 = arith.constant 0 : i32
      %dma_wait3A_281 = arith.constant 0 : i32
      %dma_wait3A_282 = tpu.memref_slice %arg2[%dma_wait3A_280, %dma_wait3A_281] : memref<20480x128xf32, #tpu.memory_space<hbm>> -> memref<20480x128xf32, #tpu.memory_space<hbm>>
      tpu.wait_indirect_dma semaphore(%arg15 : memref<!tpu.dma_semaphore, #tpu.memory_space<semaphore_mem>>) src(%dma_wait3A_282 : memref<20480x128xf32, #tpu.memory_space<hbm>>) dst(%arg10 : memref<50x128xf32, #tpu.memory_space<vmem>>)
      %dma_start3A_283 = arith.constant 0 : i32
      %dma_start3A_284 = tpu.memref_slice %arg8[%add3A_267, %dma_start3A_283] : memref<56x50xi32, #tpu.memory_space<vmem>> -> memref<1x50xi32, #tpu.memory_space<vmem>>
      %dma_start3A_285 = tpu.memref_squeeze %dma_start3A_284 : memref<1x50xi32, #tpu.memory_space<vmem>> -> memref<50xi32, #tpu.memory_space<vmem>>
      %dma_start3A_286 = arith.constant 0 : i32
      %dma_start3A_287 = arith.constant 0 : i32
      %dma_start3A_288 = tpu.memref_slice %arg13[%dma_start3A_286, %dma_start3A_287] : memref<10240x128xf32, #tpu.memory_space<vmem_shared>> -> memref<10240x128xf32, #tpu.memory_space<vmem_shared>>
      tpu.enqueue_indirect_dma source(%arg10 : memref<50x128xf32, #tpu.memory_space<vmem>>) target(%dma_start3A_288 : memref<10240x128xf32, #tpu.memory_space<vmem_shared>>) offsets(%dma_start3A_285 : memref<50xi32, #tpu.memory_space<vmem>>) semaphore(%arg19 : memref<!tpu.dma_semaphore, #tpu.memory_space<semaphore_mem>>) {add = true}
      %mul3A_289 = arith.constant 4 : i32
      %mul3A_290 = arith.muli %mul3A_289, %scan3A_242 : i32
      %add3A_291 = arith.constant 2 : i32
      %add3A_292 = arith.addi %mul3A_290, %add3A_291 : i32
      %add3A_293 = arith.constant 4 : i32
      %add3A_294 = arith.addi %add3A_292, %add3A_293 : i32
      %sub3A_295 = arith.constant 1 : i32
      %sub3A_296 = arith.subi %add3A_294, %sub3A_295 : i32
      %lt3A_297 = arith.constant 56 : i32
      %lt3A_298 = arith.cmpi slt, %sub3A_296, %lt3A_297 : i32
      %convert_element_type3A_299 = arith.extui %lt3A_298 : i1 to i32
      %cond3A_300 = arith.constant 0 : i32
      %cond3A_301 = arith.cmpi ne, %convert_element_type3A_299, %cond3A_300 : i32
      scf.if %cond3A_301 {
        %ge3A = arith.constant 1 : i32
        %ge3A_339 = arith.cmpi sge, %add3A_292, %ge3A : i32
        %convert_element_type3A_340 = arith.extui %ge3A_339 : i1 to i32
        %cond3A_341 = arith.constant 0 : i32
        %cond3A_342 = arith.cmpi ne, %convert_element_type3A_340, %cond3A_341 : i32
        scf.if %cond3A_342 {
          %dma_wait3A_353 = arith.constant 0 : i32
          %dma_wait3A_354 = arith.constant 0 : i32
          %dma_wait3A_355 = tpu.memref_slice %arg8[%dma_wait3A_353, %dma_wait3A_354] : memref<56x50xi32, #tpu.memory_space<vmem>> -> memref<1x50xi32, #tpu.memory_space<vmem>>
          %dma_wait3A_356 = tpu.memref_squeeze %dma_wait3A_355 : memref<1x50xi32, #tpu.memory_space<vmem>> -> memref<50xi32, #tpu.memory_space<vmem>>
          %dma_wait3A_357 = arith.constant 0 : i32
          %dma_wait3A_358 = arith.constant 0 : i32
          %dma_wait3A_359 = tpu.memref_slice %arg13[%dma_wait3A_357, %dma_wait3A_358] : memref<10240x128xf32, #tpu.memory_space<vmem_shared>> -> memref<10240x128xf32, #tpu.memory_space<vmem_shared>>
          tpu.wait_indirect_dma semaphore(%arg19 : memref<!tpu.dma_semaphore, #tpu.memory_space<semaphore_mem>>) src(%arg10 : memref<50x128xf32, #tpu.memory_space<vmem>>) dst(%dma_wait3A_359 : memref<10240x128xf32, #tpu.memory_space<vmem_shared>>)
        } else {
        }
        %add3A_343 = arith.constant 4 : i32
        %add3A_344 = arith.addi %add3A_292, %add3A_343 : i32
        %sub3A_345 = arith.constant 1 : i32
        %sub3A_346 = arith.subi %add3A_344, %sub3A_345 : i32
        %dma_start3A_347 = arith.constant 0 : i32
        %dma_start3A_348 = tpu.memref_slice %arg7[%sub3A_346, %dma_start3A_347] : memref<56x50xi32, #tpu.memory_space<vmem>> -> memref<1x50xi32, #tpu.memory_space<vmem>>
        %dma_start3A_349 = tpu.memref_squeeze %dma_start3A_348 : memref<1x50xi32, #tpu.memory_space<vmem>> -> memref<50xi32, #tpu.memory_space<vmem>>
        %dma_start3A_350 = arith.constant 0 : i32
        %dma_start3A_351 = arith.constant 0 : i32
        %dma_start3A_352 = tpu.memref_slice %arg2[%dma_start3A_350, %dma_start3A_351] : memref<20480x128xf32, #tpu.memory_space<hbm>> -> memref<20480x128xf32, #tpu.memory_space<hbm>>
        tpu.enqueue_indirect_dma source(%dma_start3A_352 : memref<20480x128xf32, #tpu.memory_space<hbm>>) target(%arg10 : memref<50x128xf32, #tpu.memory_space<vmem>>) offsets(%dma_start3A_349 : memref<50xi32, #tpu.memory_space<vmem>>) semaphore(%arg15 : memref<!tpu.dma_semaphore, #tpu.memory_space<semaphore_mem>>)
      } else {
      }
      %dma_wait3A_302 = arith.constant 0 : i32
      %dma_wait3A_303 = tpu.memref_slice %arg7[%add3A_292, %dma_wait3A_302] : memref<56x50xi32, #tpu.memory_space<vmem>> -> memref<1x50xi32, #tpu.memory_space<vmem>>
      %dma_wait3A_304 = tpu.memref_squeeze %dma_wait3A_303 : memref<1x50xi32, #tpu.memory_space<vmem>> -> memref<50xi32, #tpu.memory_space<vmem>>
      %dma_wait3A_305 = arith.constant 0 : i32
      %dma_wait3A_306 = arith.constant 0 : i32
      %dma_wait3A_307 = tpu.memref_slice %arg2[%dma_wait3A_305, %dma_wait3A_306] : memref<20480x128xf32, #tpu.memory_space<hbm>> -> memref<20480x128xf32, #tpu.memory_space<hbm>>
      tpu.wait_indirect_dma semaphore(%arg16 : memref<!tpu.dma_semaphore, #tpu.memory_space<semaphore_mem>>) src(%dma_wait3A_307 : memref<20480x128xf32, #tpu.memory_space<hbm>>) dst(%arg11 : memref<50x128xf32, #tpu.memory_space<vmem>>)
      %dma_start3A_308 = arith.constant 0 : i32
      %dma_start3A_309 = tpu.memref_slice %arg8[%add3A_292, %dma_start3A_308] : memref<56x50xi32, #tpu.memory_space<vmem>> -> memref<1x50xi32, #tpu.memory_space<vmem>>
      %dma_start3A_310 = tpu.memref_squeeze %dma_start3A_309 : memref<1x50xi32, #tpu.memory_space<vmem>> -> memref<50xi32, #tpu.memory_space<vmem>>
      %dma_start3A_311 = arith.constant 0 : i32
      %dma_start3A_312 = arith.constant 0 : i32
      %dma_start3A_313 = tpu.memref_slice %arg13[%dma_start3A_311, %dma_start3A_312] : memref<10240x128xf32, #tpu.memory_space<vmem_shared>> -> memref<10240x128xf32, #tpu.memory_space<vmem_shared>>
      tpu.enqueue_indirect_dma source(%arg11 : memref<50x128xf32, #tpu.memory_space<vmem>>) target(%dma_start3A_313 : memref<10240x128xf32, #tpu.memory_space<vmem_shared>>) offsets(%dma_start3A_310 : memref<50xi32, #tpu.memory_space<vmem>>) semaphore(%arg20 : memref<!tpu.dma_semaphore, #tpu.memory_space<semaphore_mem>>) {add = true}
      %mul3A_314 = arith.constant 4 : i32
      %mul3A_315 = arith.muli %mul3A_314, %scan3A_242 : i32
      %add3A_316 = arith.constant 3 : i32
      %add3A_317 = arith.addi %mul3A_315, %add3A_316 : i32
      %add3A_318 = arith.constant 4 : i32
      %add3A_319 = arith.addi %add3A_317, %add3A_318 : i32
      %sub3A_320 = arith.constant 1 : i32
      %sub3A_321 = arith.subi %add3A_319, %sub3A_320 : i32
      %lt3A_322 = arith.constant 56 : i32
      %lt3A_323 = arith.cmpi slt, %sub3A_321, %lt3A_322 : i32
      %convert_element_type3A_324 = arith.extui %lt3A_323 : i1 to i32
      %cond3A_325 = arith.constant 0 : i32
      %cond3A_326 = arith.cmpi ne, %convert_element_type3A_324, %cond3A_325 : i32
      scf.if %cond3A_326 {
        %ge3A = arith.constant 1 : i32
        %ge3A_339 = arith.cmpi sge, %add3A_317, %ge3A : i32
        %convert_element_type3A_340 = arith.extui %ge3A_339 : i1 to i32
        %cond3A_341 = arith.constant 0 : i32
        %cond3A_342 = arith.cmpi ne, %convert_element_type3A_340, %cond3A_341 : i32
        scf.if %cond3A_342 {
          %dma_wait3A_353 = arith.constant 0 : i32
          %dma_wait3A_354 = arith.constant 0 : i32
          %dma_wait3A_355 = tpu.memref_slice %arg8[%dma_wait3A_353, %dma_wait3A_354] : memref<56x50xi32, #tpu.memory_space<vmem>> -> memref<1x50xi32, #tpu.memory_space<vmem>>
          %dma_wait3A_356 = tpu.memref_squeeze %dma_wait3A_355 : memref<1x50xi32, #tpu.memory_space<vmem>> -> memref<50xi32, #tpu.memory_space<vmem>>
          %dma_wait3A_357 = arith.constant 0 : i32
          %dma_wait3A_358 = arith.constant 0 : i32
          %dma_wait3A_359 = tpu.memref_slice %arg13[%dma_wait3A_357, %dma_wait3A_358] : memref<10240x128xf32, #tpu.memory_space<vmem_shared>> -> memref<10240x128xf32, #tpu.memory_space<vmem_shared>>
          tpu.wait_indirect_dma semaphore(%arg20 : memref<!tpu.dma_semaphore, #tpu.memory_space<semaphore_mem>>) src(%arg11 : memref<50x128xf32, #tpu.memory_space<vmem>>) dst(%dma_wait3A_359 : memref<10240x128xf32, #tpu.memory_space<vmem_shared>>)
        } else {
        }
        %add3A_343 = arith.constant 4 : i32
        %add3A_344 = arith.addi %add3A_317, %add3A_343 : i32
        %sub3A_345 = arith.constant 1 : i32
        %sub3A_346 = arith.subi %add3A_344, %sub3A_345 : i32
        %dma_start3A_347 = arith.constant 0 : i32
        %dma_start3A_348 = tpu.memref_slice %arg7[%sub3A_346, %dma_start3A_347] : memref<56x50xi32, #tpu.memory_space<vmem>> -> memref<1x50xi32, #tpu.memory_space<vmem>>
        %dma_start3A_349 = tpu.memref_squeeze %dma_start3A_348 : memref<1x50xi32, #tpu.memory_space<vmem>> -> memref<50xi32, #tpu.memory_space<vmem>>
        %dma_start3A_350 = arith.constant 0 : i32
        %dma_start3A_351 = arith.constant 0 : i32
        %dma_start3A_352 = tpu.memref_slice %arg2[%dma_start3A_350, %dma_start3A_351] : memref<20480x128xf32, #tpu.memory_space<hbm>> -> memref<20480x128xf32, #tpu.memory_space<hbm>>
        tpu.enqueue_indirect_dma source(%dma_start3A_352 : memref<20480x128xf32, #tpu.memory_space<hbm>>) target(%arg11 : memref<50x128xf32, #tpu.memory_space<vmem>>) offsets(%dma_start3A_349 : memref<50xi32, #tpu.memory_space<vmem>>) semaphore(%arg16 : memref<!tpu.dma_semaphore, #tpu.memory_space<semaphore_mem>>)
      } else {
      }
      %dma_wait3A_327 = arith.constant 0 : i32
      %dma_wait3A_328 = tpu.memref_slice %arg7[%add3A_317, %dma_wait3A_327] : memref<56x50xi32, #tpu.memory_space<vmem>> -> memref<1x50xi32, #tpu.memory_space<vmem>>
      %dma_wait3A_329 = tpu.memref_squeeze %dma_wait3A_328 : memref<1x50xi32, #tpu.memory_space<vmem>> -> memref<50xi32, #tpu.memory_space<vmem>>
      %dma_wait3A_330 = arith.constant 0 : i32
      %dma_wait3A_331 = arith.constant 0 : i32
      %dma_wait3A_332 = tpu.memref_slice %arg2[%dma_wait3A_330, %dma_wait3A_331] : memref<20480x128xf32, #tpu.memory_space<hbm>> -> memref<20480x128xf32, #tpu.memory_space<hbm>>
      tpu.wait_indirect_dma semaphore(%arg17 : memref<!tpu.dma_semaphore, #tpu.memory_space<semaphore_mem>>) src(%dma_wait3A_332 : memref<20480x128xf32, #tpu.memory_space<hbm>>) dst(%arg12 : memref<50x128xf32, #tpu.memory_space<vmem>>)
      %dma_start3A_333 = arith.constant 0 : i32
      %dma_start3A_334 = tpu.memref_slice %arg8[%add3A_317, %dma_start3A_333] : memref<56x50xi32, #tpu.memory_space<vmem>> -> memref<1x50xi32, #tpu.memory_space<vmem>>
      %dma_start3A_335 = tpu.memref_squeeze %dma_start3A_334 : memref<1x50xi32, #tpu.memory_space<vmem>> -> memref<50xi32, #tpu.memory_space<vmem>>
      %dma_start3A_336 = arith.constant 0 : i32
      %dma_start3A_337 = arith.constant 0 : i32
      %dma_start3A_338 = tpu.memref_slice %arg13[%dma_start3A_336, %dma_start3A_337] : memref<10240x128xf32, #tpu.memory_space<vmem_shared>> -> memref<10240x128xf32, #tpu.memory_space<vmem_shared>>
      tpu.enqueue_indirect_dma source(%arg12 : memref<50x128xf32, #tpu.memory_space<vmem>>) target(%dma_start3A_338 : memref<10240x128xf32, #tpu.memory_space<vmem_shared>>) offsets(%dma_start3A_335 : memref<50xi32, #tpu.memory_space<vmem>>) semaphore(%arg21 : memref<!tpu.dma_semaphore, #tpu.memory_space<semaphore_mem>>) {add = true}
    }
    %scan3A_32 = arith.constant 14 : i32
    %dma_wait3A = arith.constant 0 : i32
    %dma_wait3A_33 = arith.constant 0 : i32
    %dma_wait3A_34 = tpu.memref_slice %arg8[%dma_wait3A, %dma_wait3A_33] : memref<56x50xi32, #tpu.memory_space<vmem>> -> memref<1x50xi32, #tpu.memory_space<vmem>>
    %dma_wait3A_35 = tpu.memref_squeeze %dma_wait3A_34 : memref<1x50xi32, #tpu.memory_space<vmem>> -> memref<50xi32, #tpu.memory_space<vmem>>
    %dma_wait3A_36 = arith.constant 0 : i32
    %dma_wait3A_37 = arith.constant 0 : i32
    %dma_wait3A_38 = tpu.memref_slice %arg13[%dma_wait3A_36, %dma_wait3A_37] : memref<10240x128xf32, #tpu.memory_space<vmem_shared>> -> memref<10240x128xf32, #tpu.memory_space<vmem_shared>>
    tpu.wait_indirect_dma semaphore(%arg18 : memref<!tpu.dma_semaphore, #tpu.memory_space<semaphore_mem>>) src(%arg9 : memref<50x128xf32, #tpu.memory_space<vmem>>) dst(%dma_wait3A_38 : memref<10240x128xf32, #tpu.memory_space<vmem_shared>>)
    %dma_wait3A_39 = arith.constant 0 : i32
    %dma_wait3A_40 = arith.constant 0 : i32
    %dma_wait3A_41 = tpu.memref_slice %arg8[%dma_wait3A_39, %dma_wait3A_40] : memref<56x50xi32, #tpu.memory_space<vmem>> -> memref<1x50xi32, #tpu.memory_space<vmem>>
    %dma_wait3A_42 = tpu.memref_squeeze %dma_wait3A_41 : memref<1x50xi32, #tpu.memory_space<vmem>> -> memref<50xi32, #tpu.memory_space<vmem>>
    %dma_wait3A_43 = arith.constant 0 : i32
    %dma_wait3A_44 = arith.constant 0 : i32
    %dma_wait3A_45 = tpu.memref_slice %arg13[%dma_wait3A_43, %dma_wait3A_44] : memref<10240x128xf32, #tpu.memory_space<vmem_shared>> -> memref<10240x128xf32, #tpu.memory_space<vmem_shared>>
    tpu.wait_indirect_dma semaphore(%arg19 : memref<!tpu.dma_semaphore, #tpu.memory_space<semaphore_mem>>) src(%arg10 : memref<50x128xf32, #tpu.memory_space<vmem>>) dst(%dma_wait3A_45 : memref<10240x128xf32, #tpu.memory_space<vmem_shared>>)
    %dma_wait3A_46 = arith.constant 0 : i32
    %dma_wait3A_47 = arith.constant 0 : i32
    %dma_wait3A_48 = tpu.memref_slice %arg8[%dma_wait3A_46, %dma_wait3A_47] : memref<56x50xi32, #tpu.memory_space<vmem>> -> memref<1x50xi32, #tpu.memory_space<vmem>>
    %dma_wait3A_49 = tpu.memref_squeeze %dma_wait3A_48 : memref<1x50xi32, #tpu.memory_space<vmem>> -> memref<50xi32, #tpu.memory_space<vmem>>
    %dma_wait3A_50 = arith.constant 0 : i32
    %dma_wait3A_51 = arith.constant 0 : i32
    %dma_wait3A_52 = tpu.memref_slice %arg13[%dma_wait3A_50, %dma_wait3A_51] : memref<10240x128xf32, #tpu.memory_space<vmem_shared>> -> memref<10240x128xf32, #tpu.memory_space<vmem_shared>>
    tpu.wait_indirect_dma semaphore(%arg20 : memref<!tpu.dma_semaphore, #tpu.memory_space<semaphore_mem>>) src(%arg11 : memref<50x128xf32, #tpu.memory_space<vmem>>) dst(%dma_wait3A_52 : memref<10240x128xf32, #tpu.memory_space<vmem_shared>>)
    %dma_wait3A_53 = arith.constant 0 : i32
    %dma_wait3A_54 = arith.constant 0 : i32
    %dma_wait3A_55 = tpu.memref_slice %arg8[%dma_wait3A_53, %dma_wait3A_54] : memref<56x50xi32, #tpu.memory_space<vmem>> -> memref<1x50xi32, #tpu.memory_space<vmem>>
    %dma_wait3A_56 = tpu.memref_squeeze %dma_wait3A_55 : memref<1x50xi32, #tpu.memory_space<vmem>> -> memref<50xi32, #tpu.memory_space<vmem>>
    %dma_wait3A_57 = arith.constant 0 : i32
    %dma_wait3A_58 = arith.constant 0 : i32
    %dma_wait3A_59 = tpu.memref_slice %arg13[%dma_wait3A_57, %dma_wait3A_58] : memref<10240x128xf32, #tpu.memory_space<vmem_shared>> -> memref<10240x128xf32, #tpu.memory_space<vmem_shared>>
    tpu.wait_indirect_dma semaphore(%arg21 : memref<!tpu.dma_semaphore, #tpu.memory_space<semaphore_mem>>) src(%arg12 : memref<50x128xf32, #tpu.memory_space<vmem>>) dst(%dma_wait3A_59 : memref<10240x128xf32, #tpu.memory_space<vmem_shared>>)
    %mul3A_60 = arith.constant 200 : i32
    %mul3A_61 = arith.muli %arg1, %mul3A_60 : i32
    %add3A_62 = arith.constant 56 : i32
    %add3A_63 = arith.addi %mul3A_61, %add3A_62 : i32
    "tpu.region"() ({
      %run_scoped3A = tpu.sem_alloc : memref<!tpu.dma_semaphore, #tpu.memory_space<semaphore_mem>>
      %dma_start3A_242 = arith.constant 0 : i32
      %dma_start3A_243 = arith.constant 0 : i32
      %dma_start3A_244 = tpu.memref_slice %arg7[%dma_start3A_242, %dma_start3A_243] : memref<56x50xi32, #tpu.memory_space<vmem>> -> memref<48x50xi32, #tpu.memory_space<vmem>>
      %dma_start3A_245 = arith.constant 0 : i32
      %dma_start3A_246 = tpu.memref_slice %arg3[%arg0, %add3A_63, %dma_start3A_245] : memref<2x3200x50xi32, #tpu.memory_space<hbm>> -> memref<1x48x50xi32, #tpu.memory_space<hbm>>
      %dma_start3A_247 = tpu.memref_squeeze %dma_start3A_246 : memref<1x48x50xi32, #tpu.memory_space<hbm>> -> memref<48x50xi32, #tpu.memory_space<hbm>>
      %dma_start3A_248 = arith.constant 0 : i32
      %dma_start3A_249 = arith.constant 0 : i32
      %dma_start3A_250 = tpu.memref_slice %arg7[%dma_start3A_248, %dma_start3A_249] : memref<56x50xi32, #tpu.memory_space<vmem>> -> memref<48x50xi32, #tpu.memory_space<vmem>>
      %dma_start3A_251 = arith.constant 0 : i32
      %dma_start3A_252 = tpu.memref_slice %arg3[%arg0, %add3A_63, %dma_start3A_251] : memref<2x3200x50xi32, #tpu.memory_space<hbm>> -> memref<1x48x50xi32, #tpu.memory_space<hbm>>
      %dma_start3A_253 = tpu.memref_squeeze %dma_start3A_252 : memref<1x48x50xi32, #tpu.memory_space<hbm>> -> memref<48x50xi32, #tpu.memory_space<hbm>>
      tpu.enqueue_dma source(%dma_start3A_253 : memref<48x50xi32, #tpu.memory_space<hbm>>) target(%dma_start3A_250 : memref<48x50xi32, #tpu.memory_space<vmem>>) target_semaphore(%run_scoped3A : memref<!tpu.dma_semaphore, #tpu.memory_space<semaphore_mem>>)
      %dma_wait3A_254 = arith.constant 0 : i32
      %dma_wait3A_255 = arith.constant 0 : i32
      %dma_wait3A_256 = tpu.memref_slice %arg7[%dma_wait3A_254, %dma_wait3A_255] : memref<56x50xi32, #tpu.memory_space<vmem>> -> memref<48x50xi32, #tpu.memory_space<vmem>>
      %dma_wait3A_257 = arith.constant 0 : i32
      %dma_wait3A_258 = tpu.memref_slice %arg3[%arg0, %add3A_63, %dma_wait3A_257] : memref<2x3200x50xi32, #tpu.memory_space<hbm>> -> memref<1x48x50xi32, #tpu.memory_space<hbm>>
      %dma_wait3A_259 = tpu.memref_squeeze %dma_wait3A_258 : memref<1x48x50xi32, #tpu.memory_space<hbm>> -> memref<48x50xi32, #tpu.memory_space<hbm>>
      %dma_wait3A_260 = arith.constant 0 : i32
      %dma_wait3A_261 = arith.constant 0 : i32
      %dma_wait3A_262 = tpu.memref_slice %arg7[%dma_wait3A_260, %dma_wait3A_261] : memref<56x50xi32, #tpu.memory_space<vmem>> -> memref<48x50xi32, #tpu.memory_space<vmem>>
      %dma_wait3A_263 = arith.constant 0 : i32
      %dma_wait3A_264 = tpu.memref_slice %arg3[%arg0, %add3A_63, %dma_wait3A_263] : memref<2x3200x50xi32, #tpu.memory_space<hbm>> -> memref<1x48x50xi32, #tpu.memory_space<hbm>>
      %dma_wait3A_265 = tpu.memref_squeeze %dma_wait3A_264 : memref<1x48x50xi32, #tpu.memory_space<hbm>> -> memref<48x50xi32, #tpu.memory_space<hbm>>
      tpu.wait_dma2 semaphore(%run_scoped3A : memref<!tpu.dma_semaphore, #tpu.memory_space<semaphore_mem>>) src(%dma_wait3A_265 : memref<48x50xi32, #tpu.memory_space<hbm>>) dst(%dma_wait3A_262 : memref<48x50xi32, #tpu.memory_space<vmem>>)
      tpu.yield
    }) : () -> ()
    "tpu.region"() ({
      %run_scoped3A = tpu.sem_alloc : memref<!tpu.dma_semaphore, #tpu.memory_space<semaphore_mem>>
      %dma_start3A_242 = arith.constant 0 : i32
      %dma_start3A_243 = arith.constant 0 : i32
      %dma_start3A_244 = tpu.memref_slice %arg8[%dma_start3A_242, %dma_start3A_243] : memref<56x50xi32, #tpu.memory_space<vmem>> -> memref<48x50xi32, #tpu.memory_space<vmem>>
      %dma_start3A_245 = arith.constant 0 : i32
      %dma_start3A_246 = tpu.memref_slice %arg4[%add3A_63, %dma_start3A_245] : memref<3200x50xi32, #tpu.memory_space<hbm>> -> memref<48x50xi32, #tpu.memory_space<hbm>>
      %dma_start3A_247 = arith.constant 0 : i32
      %dma_start3A_248 = arith.constant 0 : i32
      %dma_start3A_249 = tpu.memref_slice %arg8[%dma_start3A_247, %dma_start3A_248] : memref<56x50xi32, #tpu.memory_space<vmem>> -> memref<48x50xi32, #tpu.memory_space<vmem>>
      %dma_start3A_250 = arith.constant 0 : i32
      %dma_start3A_251 = tpu.memref_slice %arg4[%add3A_63, %dma_start3A_250] : memref<3200x50xi32, #tpu.memory_space<hbm>> -> memref<48x50xi32, #tpu.memory_space<hbm>>
      tpu.enqueue_dma source(%dma_start3A_251 : memref<48x50xi32, #tpu.memory_space<hbm>>) target(%dma_start3A_249 : memref<48x50xi32, #tpu.memory_space<vmem>>) target_semaphore(%run_scoped3A : memref<!tpu.dma_semaphore, #tpu.memory_space<semaphore_mem>>)
      %dma_wait3A_252 = arith.constant 0 : i32
      %dma_wait3A_253 = arith.constant 0 : i32
      %dma_wait3A_254 = tpu.memref_slice %arg8[%dma_wait3A_252, %dma_wait3A_253] : memref<56x50xi32, #tpu.memory_space<vmem>> -> memref<48x50xi32, #tpu.memory_space<vmem>>
      %dma_wait3A_255 = arith.constant 0 : i32
      %dma_wait3A_256 = tpu.memref_slice %arg4[%add3A_63, %dma_wait3A_255] : memref<3200x50xi32, #tpu.memory_space<hbm>> -> memref<48x50xi32, #tpu.memory_space<hbm>>
      %dma_wait3A_257 = arith.constant 0 : i32
      %dma_wait3A_258 = arith.constant 0 : i32
      %dma_wait3A_259 = tpu.memref_slice %arg8[%dma_wait3A_257, %dma_wait3A_258] : memref<56x50xi32, #tpu.memory_space<vmem>> -> memref<48x50xi32, #tpu.memory_space<vmem>>
      %dma_wait3A_260 = arith.constant 0 : i32
      %dma_wait3A_261 = tpu.memref_slice %arg4[%add3A_63, %dma_wait3A_260] : memref<3200x50xi32, #tpu.memory_space<hbm>> -> memref<48x50xi32, #tpu.memory_space<hbm>>
      tpu.wait_dma2 semaphore(%run_scoped3A : memref<!tpu.dma_semaphore, #tpu.memory_space<semaphore_mem>>) src(%dma_wait3A_261 : memref<48x50xi32, #tpu.memory_space<hbm>>) dst(%dma_wait3A_259 : memref<48x50xi32, #tpu.memory_space<vmem>>)
      tpu.yield
    }) : () -> ()
    %dma_start3A_64 = arith.constant 0 : i32
    %dma_start3A_65 = arith.constant 0 : i32
    %dma_start3A_66 = tpu.memref_slice %arg7[%dma_start3A_64, %dma_start3A_65] : memref<56x50xi32, #tpu.memory_space<vmem>> -> memref<1x50xi32, #tpu.memory_space<vmem>>
    %dma_start3A_67 = tpu.memref_squeeze %dma_start3A_66 : memref<1x50xi32, #tpu.memory_space<vmem>> -> memref<50xi32, #tpu.memory_space<vmem>>
    %dma_start3A_68 = arith.constant 0 : i32
    %dma_start3A_69 = arith.constant 0 : i32
    %dma_start3A_70 = tpu.memref_slice %arg2[%dma_start3A_68, %dma_start3A_69] : memref<20480x128xf32, #tpu.memory_space<hbm>> -> memref<20480x128xf32, #tpu.memory_space<hbm>>
    tpu.enqueue_indirect_dma source(%dma_start3A_70 : memref<20480x128xf32, #tpu.memory_space<hbm>>) target(%arg9 : memref<50x128xf32, #tpu.memory_space<vmem>>) offsets(%dma_start3A_67 : memref<50xi32, #tpu.memory_space<vmem>>) semaphore(%arg14 : memref<!tpu.dma_semaphore, #tpu.memory_space<semaphore_mem>>)
    %dma_start3A_71 = arith.constant 1 : i32
    %dma_start3A_72 = arith.constant 0 : i32
    %dma_start3A_73 = tpu.memref_slice %arg7[%dma_start3A_71, %dma_start3A_72] : memref<56x50xi32, #tpu.memory_space<vmem>> -> memref<1x50xi32, #tpu.memory_space<vmem>>
    %dma_start3A_74 = tpu.memref_squeeze %dma_start3A_73 : memref<1x50xi32, #tpu.memory_space<vmem>> -> memref<50xi32, #tpu.memory_space<vmem>>
    %dma_start3A_75 = arith.constant 0 : i32
    %dma_start3A_76 = arith.constant 0 : i32
    %dma_start3A_77 = tpu.memref_slice %arg2[%dma_start3A_75, %dma_start3A_76] : memref<20480x128xf32, #tpu.memory_space<hbm>> -> memref<20480x128xf32, #tpu.memory_space<hbm>>
    tpu.enqueue_indirect_dma source(%dma_start3A_77 : memref<20480x128xf32, #tpu.memory_space<hbm>>) target(%arg10 : memref<50x128xf32, #tpu.memory_space<vmem>>) offsets(%dma_start3A_74 : memref<50xi32, #tpu.memory_space<vmem>>) semaphore(%arg15 : memref<!tpu.dma_semaphore, #tpu.memory_space<semaphore_mem>>)
    %dma_start3A_78 = arith.constant 2 : i32
    %dma_start3A_79 = arith.constant 0 : i32
    %dma_start3A_80 = tpu.memref_slice %arg7[%dma_start3A_78, %dma_start3A_79] : memref<56x50xi32, #tpu.memory_space<vmem>> -> memref<1x50xi32, #tpu.memory_space<vmem>>
    %dma_start3A_81 = tpu.memref_squeeze %dma_start3A_80 : memref<1x50xi32, #tpu.memory_space<vmem>> -> memref<50xi32, #tpu.memory_space<vmem>>
    %dma_start3A_82 = arith.constant 0 : i32
    %dma_start3A_83 = arith.constant 0 : i32
    %dma_start3A_84 = tpu.memref_slice %arg2[%dma_start3A_82, %dma_start3A_83] : memref<20480x128xf32, #tpu.memory_space<hbm>> -> memref<20480x128xf32, #tpu.memory_space<hbm>>
    tpu.enqueue_indirect_dma source(%dma_start3A_84 : memref<20480x128xf32, #tpu.memory_space<hbm>>) target(%arg11 : memref<50x128xf32, #tpu.memory_space<vmem>>) offsets(%dma_start3A_81 : memref<50xi32, #tpu.memory_space<vmem>>) semaphore(%arg16 : memref<!tpu.dma_semaphore, #tpu.memory_space<semaphore_mem>>)
    %scan3A_85 = arith.constant 0 : i32
    %scan3A_86 = arith.constant 0 : i32
    %scan3A_87 = arith.constant 12 : i32
    %scan3A_88 = arith.addi %scan3A_86, %scan3A_87 : i32
    %scan3A_89 = arith.constant 1 : i32
    scf.for %scan3A_242 = %scan3A_86 to %scan3A_88 step %scan3A_89  : i32 {
      %mul3A_243 = arith.constant 4 : i32
      %mul3A_244 = arith.muli %mul3A_243, %scan3A_242 : i32
      %add3A_245 = arith.constant 0 : i32
      %add3A_246 = arith.addi %mul3A_244, %add3A_245 : i32
      %add3A_247 = arith.constant 4 : i32
      %add3A_248 = arith.addi %add3A_246, %add3A_247 : i32
      %sub3A = arith.constant 1 : i32
      %sub3A_249 = arith.subi %add3A_248, %sub3A : i32
      %lt3A = arith.constant 48 : i32
      %lt3A_250 = arith.cmpi slt, %sub3A_249, %lt3A : i32
      %convert_element_type3A = arith.extui %lt3A_250 : i1 to i32
      %cond3A = arith.constant 0 : i32
      %cond3A_251 = arith.cmpi ne, %convert_element_type3A, %cond3A : i32
      scf.if %cond3A_251 {
        %ge3A = arith.constant 1 : i32
        %ge3A_339 = arith.cmpi sge, %add3A_246, %ge3A : i32
        %convert_element_type3A_340 = arith.extui %ge3A_339 : i1 to i32
        %cond3A_341 = arith.constant 0 : i32
        %cond3A_342 = arith.cmpi ne, %convert_element_type3A_340, %cond3A_341 : i32
        scf.if %cond3A_342 {
          %dma_wait3A_353 = arith.constant 0 : i32
          %dma_wait3A_354 = arith.constant 0 : i32
          %dma_wait3A_355 = tpu.memref_slice %arg8[%dma_wait3A_353, %dma_wait3A_354] : memref<56x50xi32, #tpu.memory_space<vmem>> -> memref<1x50xi32, #tpu.memory_space<vmem>>
          %dma_wait3A_356 = tpu.memref_squeeze %dma_wait3A_355 : memref<1x50xi32, #tpu.memory_space<vmem>> -> memref<50xi32, #tpu.memory_space<vmem>>
          %dma_wait3A_357 = arith.constant 0 : i32
          %dma_wait3A_358 = arith.constant 0 : i32
          %dma_wait3A_359 = tpu.memref_slice %arg13[%dma_wait3A_357, %dma_wait3A_358] : memref<10240x128xf32, #tpu.memory_space<vmem_shared>> -> memref<10240x128xf32, #tpu.memory_space<vmem_shared>>
          tpu.wait_indirect_dma semaphore(%arg21 : memref<!tpu.dma_semaphore, #tpu.memory_space<semaphore_mem>>) src(%arg12 : memref<50x128xf32, #tpu.memory_space<vmem>>) dst(%dma_wait3A_359 : memref<10240x128xf32, #tpu.memory_space<vmem_shared>>)
        } else {
        }
        %add3A_343 = arith.constant 4 : i32
        %add3A_344 = arith.addi %add3A_246, %add3A_343 : i32
        %sub3A_345 = arith.constant 1 : i32
        %sub3A_346 = arith.subi %add3A_344, %sub3A_345 : i32
        %dma_start3A_347 = arith.constant 0 : i32
        %dma_start3A_348 = tpu.memref_slice %arg7[%sub3A_346, %dma_start3A_347] : memref<56x50xi32, #tpu.memory_space<vmem>> -> memref<1x50xi32, #tpu.memory_space<vmem>>
        %dma_start3A_349 = tpu.memref_squeeze %dma_start3A_348 : memref<1x50xi32, #tpu.memory_space<vmem>> -> memref<50xi32, #tpu.memory_space<vmem>>
        %dma_start3A_350 = arith.constant 0 : i32
        %dma_start3A_351 = arith.constant 0 : i32
        %dma_start3A_352 = tpu.memref_slice %arg2[%dma_start3A_350, %dma_start3A_351] : memref<20480x128xf32, #tpu.memory_space<hbm>> -> memref<20480x128xf32, #tpu.memory_space<hbm>>
        tpu.enqueue_indirect_dma source(%dma_start3A_352 : memref<20480x128xf32, #tpu.memory_space<hbm>>) target(%arg12 : memref<50x128xf32, #tpu.memory_space<vmem>>) offsets(%dma_start3A_349 : memref<50xi32, #tpu.memory_space<vmem>>) semaphore(%arg17 : memref<!tpu.dma_semaphore, #tpu.memory_space<semaphore_mem>>)
      } else {
      }
      %dma_wait3A_252 = arith.constant 0 : i32
      %dma_wait3A_253 = tpu.memref_slice %arg7[%add3A_246, %dma_wait3A_252] : memref<56x50xi32, #tpu.memory_space<vmem>> -> memref<1x50xi32, #tpu.memory_space<vmem>>
      %dma_wait3A_254 = tpu.memref_squeeze %dma_wait3A_253 : memref<1x50xi32, #tpu.memory_space<vmem>> -> memref<50xi32, #tpu.memory_space<vmem>>
      %dma_wait3A_255 = arith.constant 0 : i32
      %dma_wait3A_256 = arith.constant 0 : i32
      %dma_wait3A_257 = tpu.memref_slice %arg2[%dma_wait3A_255, %dma_wait3A_256] : memref<20480x128xf32, #tpu.memory_space<hbm>> -> memref<20480x128xf32, #tpu.memory_space<hbm>>
      tpu.wait_indirect_dma semaphore(%arg14 : memref<!tpu.dma_semaphore, #tpu.memory_space<semaphore_mem>>) src(%dma_wait3A_257 : memref<20480x128xf32, #tpu.memory_space<hbm>>) dst(%arg9 : memref<50x128xf32, #tpu.memory_space<vmem>>)
      %dma_start3A_258 = arith.constant 0 : i32
      %dma_start3A_259 = tpu.memref_slice %arg8[%add3A_246, %dma_start3A_258] : memref<56x50xi32, #tpu.memory_space<vmem>> -> memref<1x50xi32, #tpu.memory_space<vmem>>
      %dma_start3A_260 = tpu.memref_squeeze %dma_start3A_259 : memref<1x50xi32, #tpu.memory_space<vmem>> -> memref<50xi32, #tpu.memory_space<vmem>>
      %dma_start3A_261 = arith.constant 0 : i32
      %dma_start3A_262 = arith.constant 0 : i32
      %dma_start3A_263 = tpu.memref_slice %arg13[%dma_start3A_261, %dma_start3A_262] : memref<10240x128xf32, #tpu.memory_space<vmem_shared>> -> memref<10240x128xf32, #tpu.memory_space<vmem_shared>>
      tpu.enqueue_indirect_dma source(%arg9 : memref<50x128xf32, #tpu.memory_space<vmem>>) target(%dma_start3A_263 : memref<10240x128xf32, #tpu.memory_space<vmem_shared>>) offsets(%dma_start3A_260 : memref<50xi32, #tpu.memory_space<vmem>>) semaphore(%arg18 : memref<!tpu.dma_semaphore, #tpu.memory_space<semaphore_mem>>) {add = true}
      %mul3A_264 = arith.constant 4 : i32
      %mul3A_265 = arith.muli %mul3A_264, %scan3A_242 : i32
      %add3A_266 = arith.constant 1 : i32
      %add3A_267 = arith.addi %mul3A_265, %add3A_266 : i32
      %add3A_268 = arith.constant 4 : i32
      %add3A_269 = arith.addi %add3A_267, %add3A_268 : i32
      %sub3A_270 = arith.constant 1 : i32
      %sub3A_271 = arith.subi %add3A_269, %sub3A_270 : i32
      %lt3A_272 = arith.constant 48 : i32
      %lt3A_273 = arith.cmpi slt, %sub3A_271, %lt3A_272 : i32
      %convert_element_type3A_274 = arith.extui %lt3A_273 : i1 to i32
      %cond3A_275 = arith.constant 0 : i32
      %cond3A_276 = arith.cmpi ne, %convert_element_type3A_274, %cond3A_275 : i32
      scf.if %cond3A_276 {
        %ge3A = arith.constant 1 : i32
        %ge3A_339 = arith.cmpi sge, %add3A_267, %ge3A : i32
        %convert_element_type3A_340 = arith.extui %ge3A_339 : i1 to i32
        %cond3A_341 = arith.constant 0 : i32
        %cond3A_342 = arith.cmpi ne, %convert_element_type3A_340, %cond3A_341 : i32
        scf.if %cond3A_342 {
          %dma_wait3A_353 = arith.constant 0 : i32
          %dma_wait3A_354 = arith.constant 0 : i32
          %dma_wait3A_355 = tpu.memref_slice %arg8[%dma_wait3A_353, %dma_wait3A_354] : memref<56x50xi32, #tpu.memory_space<vmem>> -> memref<1x50xi32, #tpu.memory_space<vmem>>
          %dma_wait3A_356 = tpu.memref_squeeze %dma_wait3A_355 : memref<1x50xi32, #tpu.memory_space<vmem>> -> memref<50xi32, #tpu.memory_space<vmem>>
          %dma_wait3A_357 = arith.constant 0 : i32
          %dma_wait3A_358 = arith.constant 0 : i32
          %dma_wait3A_359 = tpu.memref_slice %arg13[%dma_wait3A_357, %dma_wait3A_358] : memref<10240x128xf32, #tpu.memory_space<vmem_shared>> -> memref<10240x128xf32, #tpu.memory_space<vmem_shared>>
          tpu.wait_indirect_dma semaphore(%arg18 : memref<!tpu.dma_semaphore, #tpu.memory_space<semaphore_mem>>) src(%arg9 : memref<50x128xf32, #tpu.memory_space<vmem>>) dst(%dma_wait3A_359 : memref<10240x128xf32, #tpu.memory_space<vmem_shared>>)
        } else {
        }
        %add3A_343 = arith.constant 4 : i32
        %add3A_344 = arith.addi %add3A_267, %add3A_343 : i32
        %sub3A_345 = arith.constant 1 : i32
        %sub3A_346 = arith.subi %add3A_344, %sub3A_345 : i32
        %dma_start3A_347 = arith.constant 0 : i32
        %dma_start3A_348 = tpu.memref_slice %arg7[%sub3A_346, %dma_start3A_347] : memref<56x50xi32, #tpu.memory_space<vmem>> -> memref<1x50xi32, #tpu.memory_space<vmem>>
        %dma_start3A_349 = tpu.memref_squeeze %dma_start3A_348 : memref<1x50xi32, #tpu.memory_space<vmem>> -> memref<50xi32, #tpu.memory_space<vmem>>
        %dma_start3A_350 = arith.constant 0 : i32
        %dma_start3A_351 = arith.constant 0 : i32
        %dma_start3A_352 = tpu.memref_slice %arg2[%dma_start3A_350, %dma_start3A_351] : memref<20480x128xf32, #tpu.memory_space<hbm>> -> memref<20480x128xf32, #tpu.memory_space<hbm>>
        tpu.enqueue_indirect_dma source(%dma_start3A_352 : memref<20480x128xf32, #tpu.memory_space<hbm>>) target(%arg9 : memref<50x128xf32, #tpu.memory_space<vmem>>) offsets(%dma_start3A_349 : memref<50xi32, #tpu.memory_space<vmem>>) semaphore(%arg14 : memref<!tpu.dma_semaphore, #tpu.memory_space<semaphore_mem>>)
      } else {
      }
      %dma_wait3A_277 = arith.constant 0 : i32
      %dma_wait3A_278 = tpu.memref_slice %arg7[%add3A_267, %dma_wait3A_277] : memref<56x50xi32, #tpu.memory_space<vmem>> -> memref<1x50xi32, #tpu.memory_space<vmem>>
      %dma_wait3A_279 = tpu.memref_squeeze %dma_wait3A_278 : memref<1x50xi32, #tpu.memory_space<vmem>> -> memref<50xi32, #tpu.memory_space<vmem>>
      %dma_wait3A_280 = arith.constant 0 : i32
      %dma_wait3A_281 = arith.constant 0 : i32
      %dma_wait3A_282 = tpu.memref_slice %arg2[%dma_wait3A_280, %dma_wait3A_281] : memref<20480x128xf32, #tpu.memory_space<hbm>> -> memref<20480x128xf32, #tpu.memory_space<hbm>>
      tpu.wait_indirect_dma semaphore(%arg15 : memref<!tpu.dma_semaphore, #tpu.memory_space<semaphore_mem>>) src(%dma_wait3A_282 : memref<20480x128xf32, #tpu.memory_space<hbm>>) dst(%arg10 : memref<50x128xf32, #tpu.memory_space<vmem>>)
      %dma_start3A_283 = arith.constant 0 : i32
      %dma_start3A_284 = tpu.memref_slice %arg8[%add3A_267, %dma_start3A_283] : memref<56x50xi32, #tpu.memory_space<vmem>> -> memref<1x50xi32, #tpu.memory_space<vmem>>
      %dma_start3A_285 = tpu.memref_squeeze %dma_start3A_284 : memref<1x50xi32, #tpu.memory_space<vmem>> -> memref<50xi32, #tpu.memory_space<vmem>>
      %dma_start3A_286 = arith.constant 0 : i32
      %dma_start3A_287 = arith.constant 0 : i32
      %dma_start3A_288 = tpu.memref_slice %arg13[%dma_start3A_286, %dma_start3A_287] : memref<10240x128xf32, #tpu.memory_space<vmem_shared>> -> memref<10240x128xf32, #tpu.memory_space<vmem_shared>>
      tpu.enqueue_indirect_dma source(%arg10 : memref<50x128xf32, #tpu.memory_space<vmem>>) target(%dma_start3A_288 : memref<10240x128xf32, #tpu.memory_space<vmem_shared>>) offsets(%dma_start3A_285 : memref<50xi32, #tpu.memory_space<vmem>>) semaphore(%arg19 : memref<!tpu.dma_semaphore, #tpu.memory_space<semaphore_mem>>) {add = true}
      %mul3A_289 = arith.constant 4 : i32
      %mul3A_290 = arith.muli %mul3A_289, %scan3A_242 : i32
      %add3A_291 = arith.constant 2 : i32
      %add3A_292 = arith.addi %mul3A_290, %add3A_291 : i32
      %add3A_293 = arith.constant 4 : i32
      %add3A_294 = arith.addi %add3A_292, %add3A_293 : i32
      %sub3A_295 = arith.constant 1 : i32
      %sub3A_296 = arith.subi %add3A_294, %sub3A_295 : i32
      %lt3A_297 = arith.constant 48 : i32
      %lt3A_298 = arith.cmpi slt, %sub3A_296, %lt3A_297 : i32
      %convert_element_type3A_299 = arith.extui %lt3A_298 : i1 to i32
      %cond3A_300 = arith.constant 0 : i32
      %cond3A_301 = arith.cmpi ne, %convert_element_type3A_299, %cond3A_300 : i32
      scf.if %cond3A_301 {
        %ge3A = arith.constant 1 : i32
        %ge3A_339 = arith.cmpi sge, %add3A_292, %ge3A : i32
        %convert_element_type3A_340 = arith.extui %ge3A_339 : i1 to i32
        %cond3A_341 = arith.constant 0 : i32
        %cond3A_342 = arith.cmpi ne, %convert_element_type3A_340, %cond3A_341 : i32
        scf.if %cond3A_342 {
          %dma_wait3A_353 = arith.constant 0 : i32
          %dma_wait3A_354 = arith.constant 0 : i32
          %dma_wait3A_355 = tpu.memref_slice %arg8[%dma_wait3A_353, %dma_wait3A_354] : memref<56x50xi32, #tpu.memory_space<vmem>> -> memref<1x50xi32, #tpu.memory_space<vmem>>
          %dma_wait3A_356 = tpu.memref_squeeze %dma_wait3A_355 : memref<1x50xi32, #tpu.memory_space<vmem>> -> memref<50xi32, #tpu.memory_space<vmem>>
          %dma_wait3A_357 = arith.constant 0 : i32
          %dma_wait3A_358 = arith.constant 0 : i32
          %dma_wait3A_359 = tpu.memref_slice %arg13[%dma_wait3A_357, %dma_wait3A_358] : memref<10240x128xf32, #tpu.memory_space<vmem_shared>> -> memref<10240x128xf32, #tpu.memory_space<vmem_shared>>
          tpu.wait_indirect_dma semaphore(%arg19 : memref<!tpu.dma_semaphore, #tpu.memory_space<semaphore_mem>>) src(%arg10 : memref<50x128xf32, #tpu.memory_space<vmem>>) dst(%dma_wait3A_359 : memref<10240x128xf32, #tpu.memory_space<vmem_shared>>)
        } else {
        }
        %add3A_343 = arith.constant 4 : i32
        %add3A_344 = arith.addi %add3A_292, %add3A_343 : i32
        %sub3A_345 = arith.constant 1 : i32
        %sub3A_346 = arith.subi %add3A_344, %sub3A_345 : i32
        %dma_start3A_347 = arith.constant 0 : i32
        %dma_start3A_348 = tpu.memref_slice %arg7[%sub3A_346, %dma_start3A_347] : memref<56x50xi32, #tpu.memory_space<vmem>> -> memref<1x50xi32, #tpu.memory_space<vmem>>
        %dma_start3A_349 = tpu.memref_squeeze %dma_start3A_348 : memref<1x50xi32, #tpu.memory_space<vmem>> -> memref<50xi32, #tpu.memory_space<vmem>>
        %dma_start3A_350 = arith.constant 0 : i32
        %dma_start3A_351 = arith.constant 0 : i32
        %dma_start3A_352 = tpu.memref_slice %arg2[%dma_start3A_350, %dma_start3A_351] : memref<20480x128xf32, #tpu.memory_space<hbm>> -> memref<20480x128xf32, #tpu.memory_space<hbm>>
        tpu.enqueue_indirect_dma source(%dma_start3A_352 : memref<20480x128xf32, #tpu.memory_space<hbm>>) target(%arg10 : memref<50x128xf32, #tpu.memory_space<vmem>>) offsets(%dma_start3A_349 : memref<50xi32, #tpu.memory_space<vmem>>) semaphore(%arg15 : memref<!tpu.dma_semaphore, #tpu.memory_space<semaphore_mem>>)
      } else {
      }
      %dma_wait3A_302 = arith.constant 0 : i32
      %dma_wait3A_303 = tpu.memref_slice %arg7[%add3A_292, %dma_wait3A_302] : memref<56x50xi32, #tpu.memory_space<vmem>> -> memref<1x50xi32, #tpu.memory_space<vmem>>
      %dma_wait3A_304 = tpu.memref_squeeze %dma_wait3A_303 : memref<1x50xi32, #tpu.memory_space<vmem>> -> memref<50xi32, #tpu.memory_space<vmem>>
      %dma_wait3A_305 = arith.constant 0 : i32
      %dma_wait3A_306 = arith.constant 0 : i32
      %dma_wait3A_307 = tpu.memref_slice %arg2[%dma_wait3A_305, %dma_wait3A_306] : memref<20480x128xf32, #tpu.memory_space<hbm>> -> memref<20480x128xf32, #tpu.memory_space<hbm>>
      tpu.wait_indirect_dma semaphore(%arg16 : memref<!tpu.dma_semaphore, #tpu.memory_space<semaphore_mem>>) src(%dma_wait3A_307 : memref<20480x128xf32, #tpu.memory_space<hbm>>) dst(%arg11 : memref<50x128xf32, #tpu.memory_space<vmem>>)
      %dma_start3A_308 = arith.constant 0 : i32
      %dma_start3A_309 = tpu.memref_slice %arg8[%add3A_292, %dma_start3A_308] : memref<56x50xi32, #tpu.memory_space<vmem>> -> memref<1x50xi32, #tpu.memory_space<vmem>>
      %dma_start3A_310 = tpu.memref_squeeze %dma_start3A_309 : memref<1x50xi32, #tpu.memory_space<vmem>> -> memref<50xi32, #tpu.memory_space<vmem>>
      %dma_start3A_311 = arith.constant 0 : i32
      %dma_start3A_312 = arith.constant 0 : i32
      %dma_start3A_313 = tpu.memref_slice %arg13[%dma_start3A_311, %dma_start3A_312] : memref<10240x128xf32, #tpu.memory_space<vmem_shared>> -> memref<10240x128xf32, #tpu.memory_space<vmem_shared>>
      tpu.enqueue_indirect_dma source(%arg11 : memref<50x128xf32, #tpu.memory_space<vmem>>) target(%dma_start3A_313 : memref<10240x128xf32, #tpu.memory_space<vmem_shared>>) offsets(%dma_start3A_310 : memref<50xi32, #tpu.memory_space<vmem>>) semaphore(%arg20 : memref<!tpu.dma_semaphore, #tpu.memory_space<semaphore_mem>>) {add = true}
      %mul3A_314 = arith.constant 4 : i32
      %mul3A_315 = arith.muli %mul3A_314, %scan3A_242 : i32
      %add3A_316 = arith.constant 3 : i32
      %add3A_317 = arith.addi %mul3A_315, %add3A_316 : i32
      %add3A_318 = arith.constant 4 : i32
      %add3A_319 = arith.addi %add3A_317, %add3A_318 : i32
      %sub3A_320 = arith.constant 1 : i32
      %sub3A_321 = arith.subi %add3A_319, %sub3A_320 : i32
      %lt3A_322 = arith.constant 48 : i32
      %lt3A_323 = arith.cmpi slt, %sub3A_321, %lt3A_322 : i32
      %convert_element_type3A_324 = arith.extui %lt3A_323 : i1 to i32
      %cond3A_325 = arith.constant 0 : i32
      %cond3A_326 = arith.cmpi ne, %convert_element_type3A_324, %cond3A_325 : i32
      scf.if %cond3A_326 {
        %ge3A = arith.constant 1 : i32
        %ge3A_339 = arith.cmpi sge, %add3A_317, %ge3A : i32
        %convert_element_type3A_340 = arith.extui %ge3A_339 : i1 to i32
        %cond3A_341 = arith.constant 0 : i32
        %cond3A_342 = arith.cmpi ne, %convert_element_type3A_340, %cond3A_341 : i32
        scf.if %cond3A_342 {
          %dma_wait3A_353 = arith.constant 0 : i32
          %dma_wait3A_354 = arith.constant 0 : i32
          %dma_wait3A_355 = tpu.memref_slice %arg8[%dma_wait3A_353, %dma_wait3A_354] : memref<56x50xi32, #tpu.memory_space<vmem>> -> memref<1x50xi32, #tpu.memory_space<vmem>>
          %dma_wait3A_356 = tpu.memref_squeeze %dma_wait3A_355 : memref<1x50xi32, #tpu.memory_space<vmem>> -> memref<50xi32, #tpu.memory_space<vmem>>
          %dma_wait3A_357 = arith.constant 0 : i32
          %dma_wait3A_358 = arith.constant 0 : i32
          %dma_wait3A_359 = tpu.memref_slice %arg13[%dma_wait3A_357, %dma_wait3A_358] : memref<10240x128xf32, #tpu.memory_space<vmem_shared>> -> memref<10240x128xf32, #tpu.memory_space<vmem_shared>>
          tpu.wait_indirect_dma semaphore(%arg20 : memref<!tpu.dma_semaphore, #tpu.memory_space<semaphore_mem>>) src(%arg11 : memref<50x128xf32, #tpu.memory_space<vmem>>) dst(%dma_wait3A_359 : memref<10240x128xf32, #tpu.memory_space<vmem_shared>>)
        } else {
        }
        %add3A_343 = arith.constant 4 : i32
        %add3A_344 = arith.addi %add3A_317, %add3A_343 : i32
        %sub3A_345 = arith.constant 1 : i32
        %sub3A_346 = arith.subi %add3A_344, %sub3A_345 : i32
        %dma_start3A_347 = arith.constant 0 : i32
        %dma_start3A_348 = tpu.memref_slice %arg7[%sub3A_346, %dma_start3A_347] : memref<56x50xi32, #tpu.memory_space<vmem>> -> memref<1x50xi32, #tpu.memory_space<vmem>>
        %dma_start3A_349 = tpu.memref_squeeze %dma_start3A_348 : memref<1x50xi32, #tpu.memory_space<vmem>> -> memref<50xi32, #tpu.memory_space<vmem>>
        %dma_start3A_350 = arith.constant 0 : i32
        %dma_start3A_351 = arith.constant 0 : i32
        %dma_start3A_352 = tpu.memref_slice %arg2[%dma_start3A_350, %dma_start3A_351] : memref<20480x128xf32, #tpu.memory_space<hbm>> -> memref<20480x128xf32, #tpu.memory_space<hbm>>
        tpu.enqueue_indirect_dma source(%dma_start3A_352 : memref<20480x128xf32, #tpu.memory_space<hbm>>) target(%arg11 : memref<50x128xf32, #tpu.memory_space<vmem>>) offsets(%dma_start3A_349 : memref<50xi32, #tpu.memory_space<vmem>>) semaphore(%arg16 : memref<!tpu.dma_semaphore, #tpu.memory_space<semaphore_mem>>)
      } else {
      }
      %dma_wait3A_327 = arith.constant 0 : i32
      %dma_wait3A_328 = tpu.memref_slice %arg7[%add3A_317, %dma_wait3A_327] : memref<56x50xi32, #tpu.memory_space<vmem>> -> memref<1x50xi32, #tpu.memory_space<vmem>>
      %dma_wait3A_329 = tpu.memref_squeeze %dma_wait3A_328 : memref<1x50xi32, #tpu.memory_space<vmem>> -> memref<50xi32, #tpu.memory_space<vmem>>
      %dma_wait3A_330 = arith.constant 0 : i32
      %dma_wait3A_331 = arith.constant 0 : i32
      %dma_wait3A_332 = tpu.memref_slice %arg2[%dma_wait3A_330, %dma_wait3A_331] : memref<20480x128xf32, #tpu.memory_space<hbm>> -> memref<20480x128xf32, #tpu.memory_space<hbm>>
      tpu.wait_indirect_dma semaphore(%arg17 : memref<!tpu.dma_semaphore, #tpu.memory_space<semaphore_mem>>) src(%dma_wait3A_332 : memref<20480x128xf32, #tpu.memory_space<hbm>>) dst(%arg12 : memref<50x128xf32, #tpu.memory_space<vmem>>)
      %dma_start3A_333 = arith.constant 0 : i32
      %dma_start3A_334 = tpu.memref_slice %arg8[%add3A_317, %dma_start3A_333] : memref<56x50xi32, #tpu.memory_space<vmem>> -> memref<1x50xi32, #tpu.memory_space<vmem>>
      %dma_start3A_335 = tpu.memref_squeeze %dma_start3A_334 : memref<1x50xi32, #tpu.memory_space<vmem>> -> memref<50xi32, #tpu.memory_space<vmem>>
      %dma_start3A_336 = arith.constant 0 : i32
      %dma_start3A_337 = arith.constant 0 : i32
      %dma_start3A_338 = tpu.memref_slice %arg13[%dma_start3A_336, %dma_start3A_337] : memref<10240x128xf32, #tpu.memory_space<vmem_shared>> -> memref<10240x128xf32, #tpu.memory_space<vmem_shared>>
      tpu.enqueue_indirect_dma source(%arg12 : memref<50x128xf32, #tpu.memory_space<vmem>>) target(%dma_start3A_338 : memref<10240x128xf32, #tpu.memory_space<vmem_shared>>) offsets(%dma_start3A_335 : memref<50xi32, #tpu.memory_space<vmem>>) semaphore(%arg21 : memref<!tpu.dma_semaphore, #tpu.memory_space<semaphore_mem>>) {add = true}
    }
    %scan3A_90 = arith.constant 12 : i32
    %dma_wait3A_91 = arith.constant 0 : i32
    %dma_wait3A_92 = arith.constant 0 : i32
    %dma_wait3A_93 = tpu.memref_slice %arg8[%dma_wait3A_91, %dma_wait3A_92] : memref<56x50xi32, #tpu.memory_space<vmem>> -> memref<1x50xi32, #tpu.memory_space<vmem>>
    %dma_wait3A_94 = tpu.memref_squeeze %dma_wait3A_93 : memref<1x50xi32, #tpu.memory_space<vmem>> -> memref<50xi32, #tpu.memory_space<vmem>>
    %dma_wait3A_95 = arith.constant 0 : i32
    %dma_wait3A_96 = arith.constant 0 : i32
    %dma_wait3A_97 = tpu.memref_slice %arg13[%dma_wait3A_95, %dma_wait3A_96] : memref<10240x128xf32, #tpu.memory_space<vmem_shared>> -> memref<10240x128xf32, #tpu.memory_space<vmem_shared>>
    tpu.wait_indirect_dma semaphore(%arg18 : memref<!tpu.dma_semaphore, #tpu.memory_space<semaphore_mem>>) src(%arg9 : memref<50x128xf32, #tpu.memory_space<vmem>>) dst(%dma_wait3A_97 : memref<10240x128xf32, #tpu.memory_space<vmem_shared>>)
    %dma_wait3A_98 = arith.constant 0 : i32
    %dma_wait3A_99 = arith.constant 0 : i32
    %dma_wait3A_100 = tpu.memref_slice %arg8[%dma_wait3A_98, %dma_wait3A_99] : memref<56x50xi32, #tpu.memory_space<vmem>> -> memref<1x50xi32, #tpu.memory_space<vmem>>
    %dma_wait3A_101 = tpu.memref_squeeze %dma_wait3A_100 : memref<1x50xi32, #tpu.memory_space<vmem>> -> memref<50xi32, #tpu.memory_space<vmem>>
    %dma_wait3A_102 = arith.constant 0 : i32
    %dma_wait3A_103 = arith.constant 0 : i32
    %dma_wait3A_104 = tpu.memref_slice %arg13[%dma_wait3A_102, %dma_wait3A_103] : memref<10240x128xf32, #tpu.memory_space<vmem_shared>> -> memref<10240x128xf32, #tpu.memory_space<vmem_shared>>
    tpu.wait_indirect_dma semaphore(%arg19 : memref<!tpu.dma_semaphore, #tpu.memory_space<semaphore_mem>>) src(%arg10 : memref<50x128xf32, #tpu.memory_space<vmem>>) dst(%dma_wait3A_104 : memref<10240x128xf32, #tpu.memory_space<vmem_shared>>)
    %dma_wait3A_105 = arith.constant 0 : i32
    %dma_wait3A_106 = arith.constant 0 : i32
    %dma_wait3A_107 = tpu.memref_slice %arg8[%dma_wait3A_105, %dma_wait3A_106] : memref<56x50xi32, #tpu.memory_space<vmem>> -> memref<1x50xi32, #tpu.memory_space<vmem>>
    %dma_wait3A_108 = tpu.memref_squeeze %dma_wait3A_107 : memref<1x50xi32, #tpu.memory_space<vmem>> -> memref<50xi32, #tpu.memory_space<vmem>>
    %dma_wait3A_109 = arith.constant 0 : i32
    %dma_wait3A_110 = arith.constant 0 : i32
    %dma_wait3A_111 = tpu.memref_slice %arg13[%dma_wait3A_109, %dma_wait3A_110] : memref<10240x128xf32, #tpu.memory_space<vmem_shared>> -> memref<10240x128xf32, #tpu.memory_space<vmem_shared>>
    tpu.wait_indirect_dma semaphore(%arg20 : memref<!tpu.dma_semaphore, #tpu.memory_space<semaphore_mem>>) src(%arg11 : memref<50x128xf32, #tpu.memory_space<vmem>>) dst(%dma_wait3A_111 : memref<10240x128xf32, #tpu.memory_space<vmem_shared>>)
    %dma_wait3A_112 = arith.constant 0 : i32
    %dma_wait3A_113 = arith.constant 0 : i32
    %dma_wait3A_114 = tpu.memref_slice %arg8[%dma_wait3A_112, %dma_wait3A_113] : memref<56x50xi32, #tpu.memory_space<vmem>> -> memref<1x50xi32, #tpu.memory_space<vmem>>
    %dma_wait3A_115 = tpu.memref_squeeze %dma_wait3A_114 : memref<1x50xi32, #tpu.memory_space<vmem>> -> memref<50xi32, #tpu.memory_space<vmem>>
    %dma_wait3A_116 = arith.constant 0 : i32
    %dma_wait3A_117 = arith.constant 0 : i32
    %dma_wait3A_118 = tpu.memref_slice %arg13[%dma_wait3A_116, %dma_wait3A_117] : memref<10240x128xf32, #tpu.memory_space<vmem_shared>> -> memref<10240x128xf32, #tpu.memory_space<vmem_shared>>
    tpu.wait_indirect_dma semaphore(%arg21 : memref<!tpu.dma_semaphore, #tpu.memory_space<semaphore_mem>>) src(%arg12 : memref<50x128xf32, #tpu.memory_space<vmem>>) dst(%dma_wait3A_118 : memref<10240x128xf32, #tpu.memory_space<vmem_shared>>)
    %mul3A_119 = arith.constant 200 : i32
    %mul3A_120 = arith.muli %arg1, %mul3A_119 : i32
    %add3A_121 = arith.constant 104 : i32
    %add3A_122 = arith.addi %mul3A_120, %add3A_121 : i32
    "tpu.region"() ({
      %run_scoped3A = tpu.sem_alloc : memref<!tpu.dma_semaphore, #tpu.memory_space<semaphore_mem>>
      %dma_start3A_242 = arith.constant 0 : i32
      %dma_start3A_243 = arith.constant 0 : i32
      %dma_start3A_244 = tpu.memref_slice %arg7[%dma_start3A_242, %dma_start3A_243] : memref<56x50xi32, #tpu.memory_space<vmem>> -> memref<48x50xi32, #tpu.memory_space<vmem>>
      %dma_start3A_245 = arith.constant 0 : i32
      %dma_start3A_246 = tpu.memref_slice %arg3[%arg0, %add3A_122, %dma_start3A_245] : memref<2x3200x50xi32, #tpu.memory_space<hbm>> -> memref<1x48x50xi32, #tpu.memory_space<hbm>>
      %dma_start3A_247 = tpu.memref_squeeze %dma_start3A_246 : memref<1x48x50xi32, #tpu.memory_space<hbm>> -> memref<48x50xi32, #tpu.memory_space<hbm>>
      %dma_start3A_248 = arith.constant 0 : i32
      %dma_start3A_249 = arith.constant 0 : i32
      %dma_start3A_250 = tpu.memref_slice %arg7[%dma_start3A_248, %dma_start3A_249] : memref<56x50xi32, #tpu.memory_space<vmem>> -> memref<48x50xi32, #tpu.memory_space<vmem>>
      %dma_start3A_251 = arith.constant 0 : i32
      %dma_start3A_252 = tpu.memref_slice %arg3[%arg0, %add3A_122, %dma_start3A_251] : memref<2x3200x50xi32, #tpu.memory_space<hbm>> -> memref<1x48x50xi32, #tpu.memory_space<hbm>>
      %dma_start3A_253 = tpu.memref_squeeze %dma_start3A_252 : memref<1x48x50xi32, #tpu.memory_space<hbm>> -> memref<48x50xi32, #tpu.memory_space<hbm>>
      tpu.enqueue_dma source(%dma_start3A_253 : memref<48x50xi32, #tpu.memory_space<hbm>>) target(%dma_start3A_250 : memref<48x50xi32, #tpu.memory_space<vmem>>) target_semaphore(%run_scoped3A : memref<!tpu.dma_semaphore, #tpu.memory_space<semaphore_mem>>)
      %dma_wait3A_254 = arith.constant 0 : i32
      %dma_wait3A_255 = arith.constant 0 : i32
      %dma_wait3A_256 = tpu.memref_slice %arg7[%dma_wait3A_254, %dma_wait3A_255] : memref<56x50xi32, #tpu.memory_space<vmem>> -> memref<48x50xi32, #tpu.memory_space<vmem>>
      %dma_wait3A_257 = arith.constant 0 : i32
      %dma_wait3A_258 = tpu.memref_slice %arg3[%arg0, %add3A_122, %dma_wait3A_257] : memref<2x3200x50xi32, #tpu.memory_space<hbm>> -> memref<1x48x50xi32, #tpu.memory_space<hbm>>
      %dma_wait3A_259 = tpu.memref_squeeze %dma_wait3A_258 : memref<1x48x50xi32, #tpu.memory_space<hbm>> -> memref<48x50xi32, #tpu.memory_space<hbm>>
      %dma_wait3A_260 = arith.constant 0 : i32
      %dma_wait3A_261 = arith.constant 0 : i32
      %dma_wait3A_262 = tpu.memref_slice %arg7[%dma_wait3A_260, %dma_wait3A_261] : memref<56x50xi32, #tpu.memory_space<vmem>> -> memref<48x50xi32, #tpu.memory_space<vmem>>
      %dma_wait3A_263 = arith.constant 0 : i32
      %dma_wait3A_264 = tpu.memref_slice %arg3[%arg0, %add3A_122, %dma_wait3A_263] : memref<2x3200x50xi32, #tpu.memory_space<hbm>> -> memref<1x48x50xi32, #tpu.memory_space<hbm>>
      %dma_wait3A_265 = tpu.memref_squeeze %dma_wait3A_264 : memref<1x48x50xi32, #tpu.memory_space<hbm>> -> memref<48x50xi32, #tpu.memory_space<hbm>>
      tpu.wait_dma2 semaphore(%run_scoped3A : memref<!tpu.dma_semaphore, #tpu.memory_space<semaphore_mem>>) src(%dma_wait3A_265 : memref<48x50xi32, #tpu.memory_space<hbm>>) dst(%dma_wait3A_262 : memref<48x50xi32, #tpu.memory_space<vmem>>)
      tpu.yield
    }) : () -> ()
    "tpu.region"() ({
      %run_scoped3A = tpu.sem_alloc : memref<!tpu.dma_semaphore, #tpu.memory_space<semaphore_mem>>
      %dma_start3A_242 = arith.constant 0 : i32
      %dma_start3A_243 = arith.constant 0 : i32
      %dma_start3A_244 = tpu.memref_slice %arg8[%dma_start3A_242, %dma_start3A_243] : memref<56x50xi32, #tpu.memory_space<vmem>> -> memref<48x50xi32, #tpu.memory_space<vmem>>
      %dma_start3A_245 = arith.constant 0 : i32
      %dma_start3A_246 = tpu.memref_slice %arg4[%add3A_122, %dma_start3A_245] : memref<3200x50xi32, #tpu.memory_space<hbm>> -> memref<48x50xi32, #tpu.memory_space<hbm>>
      %dma_start3A_247 = arith.constant 0 : i32
      %dma_start3A_248 = arith.constant 0 : i32
      %dma_start3A_249 = tpu.memref_slice %arg8[%dma_start3A_247, %dma_start3A_248] : memref<56x50xi32, #tpu.memory_space<vmem>> -> memref<48x50xi32, #tpu.memory_space<vmem>>
      %dma_start3A_250 = arith.constant 0 : i32
      %dma_start3A_251 = tpu.memref_slice %arg4[%add3A_122, %dma_start3A_250] : memref<3200x50xi32, #tpu.memory_space<hbm>> -> memref<48x50xi32, #tpu.memory_space<hbm>>
      tpu.enqueue_dma source(%dma_start3A_251 : memref<48x50xi32, #tpu.memory_space<hbm>>) target(%dma_start3A_249 : memref<48x50xi32, #tpu.memory_space<vmem>>) target_semaphore(%run_scoped3A : memref<!tpu.dma_semaphore, #tpu.memory_space<semaphore_mem>>)
      %dma_wait3A_252 = arith.constant 0 : i32
      %dma_wait3A_253 = arith.constant 0 : i32
      %dma_wait3A_254 = tpu.memref_slice %arg8[%dma_wait3A_252, %dma_wait3A_253] : memref<56x50xi32, #tpu.memory_space<vmem>> -> memref<48x50xi32, #tpu.memory_space<vmem>>
      %dma_wait3A_255 = arith.constant 0 : i32
      %dma_wait3A_256 = tpu.memref_slice %arg4[%add3A_122, %dma_wait3A_255] : memref<3200x50xi32, #tpu.memory_space<hbm>> -> memref<48x50xi32, #tpu.memory_space<hbm>>
      %dma_wait3A_257 = arith.constant 0 : i32
      %dma_wait3A_258 = arith.constant 0 : i32
      %dma_wait3A_259 = tpu.memref_slice %arg8[%dma_wait3A_257, %dma_wait3A_258] : memref<56x50xi32, #tpu.memory_space<vmem>> -> memref<48x50xi32, #tpu.memory_space<vmem>>
      %dma_wait3A_260 = arith.constant 0 : i32
      %dma_wait3A_261 = tpu.memref_slice %arg4[%add3A_122, %dma_wait3A_260] : memref<3200x50xi32, #tpu.memory_space<hbm>> -> memref<48x50xi32, #tpu.memory_space<hbm>>
      tpu.wait_dma2 semaphore(%run_scoped3A : memref<!tpu.dma_semaphore, #tpu.memory_space<semaphore_mem>>) src(%dma_wait3A_261 : memref<48x50xi32, #tpu.memory_space<hbm>>) dst(%dma_wait3A_259 : memref<48x50xi32, #tpu.memory_space<vmem>>)
      tpu.yield
    }) : () -> ()
    %dma_start3A_123 = arith.constant 0 : i32
    %dma_start3A_124 = arith.constant 0 : i32
    %dma_start3A_125 = tpu.memref_slice %arg7[%dma_start3A_123, %dma_start3A_124] : memref<56x50xi32, #tpu.memory_space<vmem>> -> memref<1x50xi32, #tpu.memory_space<vmem>>
    %dma_start3A_126 = tpu.memref_squeeze %dma_start3A_125 : memref<1x50xi32, #tpu.memory_space<vmem>> -> memref<50xi32, #tpu.memory_space<vmem>>
    %dma_start3A_127 = arith.constant 0 : i32
    %dma_start3A_128 = arith.constant 0 : i32
    %dma_start3A_129 = tpu.memref_slice %arg2[%dma_start3A_127, %dma_start3A_128] : memref<20480x128xf32, #tpu.memory_space<hbm>> -> memref<20480x128xf32, #tpu.memory_space<hbm>>
    tpu.enqueue_indirect_dma source(%dma_start3A_129 : memref<20480x128xf32, #tpu.memory_space<hbm>>) target(%arg9 : memref<50x128xf32, #tpu.memory_space<vmem>>) offsets(%dma_start3A_126 : memref<50xi32, #tpu.memory_space<vmem>>) semaphore(%arg14 : memref<!tpu.dma_semaphore, #tpu.memory_space<semaphore_mem>>)
    %dma_start3A_130 = arith.constant 1 : i32
    %dma_start3A_131 = arith.constant 0 : i32
    %dma_start3A_132 = tpu.memref_slice %arg7[%dma_start3A_130, %dma_start3A_131] : memref<56x50xi32, #tpu.memory_space<vmem>> -> memref<1x50xi32, #tpu.memory_space<vmem>>
    %dma_start3A_133 = tpu.memref_squeeze %dma_start3A_132 : memref<1x50xi32, #tpu.memory_space<vmem>> -> memref<50xi32, #tpu.memory_space<vmem>>
    %dma_start3A_134 = arith.constant 0 : i32
    %dma_start3A_135 = arith.constant 0 : i32
    %dma_start3A_136 = tpu.memref_slice %arg2[%dma_start3A_134, %dma_start3A_135] : memref<20480x128xf32, #tpu.memory_space<hbm>> -> memref<20480x128xf32, #tpu.memory_space<hbm>>
    tpu.enqueue_indirect_dma source(%dma_start3A_136 : memref<20480x128xf32, #tpu.memory_space<hbm>>) target(%arg10 : memref<50x128xf32, #tpu.memory_space<vmem>>) offsets(%dma_start3A_133 : memref<50xi32, #tpu.memory_space<vmem>>) semaphore(%arg15 : memref<!tpu.dma_semaphore, #tpu.memory_space<semaphore_mem>>)
    %dma_start3A_137 = arith.constant 2 : i32
    %dma_start3A_138 = arith.constant 0 : i32
    %dma_start3A_139 = tpu.memref_slice %arg7[%dma_start3A_137, %dma_start3A_138] : memref<56x50xi32, #tpu.memory_space<vmem>> -> memref<1x50xi32, #tpu.memory_space<vmem>>
    %dma_start3A_140 = tpu.memref_squeeze %dma_start3A_139 : memref<1x50xi32, #tpu.memory_space<vmem>> -> memref<50xi32, #tpu.memory_space<vmem>>
    %dma_start3A_141 = arith.constant 0 : i32
    %dma_start3A_142 = arith.constant 0 : i32
    %dma_start3A_143 = tpu.memref_slice %arg2[%dma_start3A_141, %dma_start3A_142] : memref<20480x128xf32, #tpu.memory_space<hbm>> -> memref<20480x128xf32, #tpu.memory_space<hbm>>
    tpu.enqueue_indirect_dma source(%dma_start3A_143 : memref<20480x128xf32, #tpu.memory_space<hbm>>) target(%arg11 : memref<50x128xf32, #tpu.memory_space<vmem>>) offsets(%dma_start3A_140 : memref<50xi32, #tpu.memory_space<vmem>>) semaphore(%arg16 : memref<!tpu.dma_semaphore, #tpu.memory_space<semaphore_mem>>)
    %scan3A_144 = arith.constant 0 : i32
    %scan3A_145 = arith.constant 0 : i32
    %scan3A_146 = arith.constant 12 : i32
    %scan3A_147 = arith.addi %scan3A_145, %scan3A_146 : i32
    %scan3A_148 = arith.constant 1 : i32
    scf.for %scan3A_242 = %scan3A_145 to %scan3A_147 step %scan3A_148  : i32 {
      %mul3A_243 = arith.constant 4 : i32
      %mul3A_244 = arith.muli %mul3A_243, %scan3A_242 : i32
      %add3A_245 = arith.constant 0 : i32
      %add3A_246 = arith.addi %mul3A_244, %add3A_245 : i32
      %add3A_247 = arith.constant 4 : i32
      %add3A_248 = arith.addi %add3A_246, %add3A_247 : i32
      %sub3A = arith.constant 1 : i32
      %sub3A_249 = arith.subi %add3A_248, %sub3A : i32
      %lt3A = arith.constant 48 : i32
      %lt3A_250 = arith.cmpi slt, %sub3A_249, %lt3A : i32
      %convert_element_type3A = arith.extui %lt3A_250 : i1 to i32
      %cond3A = arith.constant 0 : i32
      %cond3A_251 = arith.cmpi ne, %convert_element_type3A, %cond3A : i32
      scf.if %cond3A_251 {
        %ge3A = arith.constant 1 : i32
        %ge3A_339 = arith.cmpi sge, %add3A_246, %ge3A : i32
        %convert_element_type3A_340 = arith.extui %ge3A_339 : i1 to i32
        %cond3A_341 = arith.constant 0 : i32
        %cond3A_342 = arith.cmpi ne, %convert_element_type3A_340, %cond3A_341 : i32
        scf.if %cond3A_342 {
          %dma_wait3A_353 = arith.constant 0 : i32
          %dma_wait3A_354 = arith.constant 0 : i32
          %dma_wait3A_355 = tpu.memref_slice %arg8[%dma_wait3A_353, %dma_wait3A_354] : memref<56x50xi32, #tpu.memory_space<vmem>> -> memref<1x50xi32, #tpu.memory_space<vmem>>
          %dma_wait3A_356 = tpu.memref_squeeze %dma_wait3A_355 : memref<1x50xi32, #tpu.memory_space<vmem>> -> memref<50xi32, #tpu.memory_space<vmem>>
          %dma_wait3A_357 = arith.constant 0 : i32
          %dma_wait3A_358 = arith.constant 0 : i32
          %dma_wait3A_359 = tpu.memref_slice %arg13[%dma_wait3A_357, %dma_wait3A_358] : memref<10240x128xf32, #tpu.memory_space<vmem_shared>> -> memref<10240x128xf32, #tpu.memory_space<vmem_shared>>
          tpu.wait_indirect_dma semaphore(%arg21 : memref<!tpu.dma_semaphore, #tpu.memory_space<semaphore_mem>>) src(%arg12 : memref<50x128xf32, #tpu.memory_space<vmem>>) dst(%dma_wait3A_359 : memref<10240x128xf32, #tpu.memory_space<vmem_shared>>)
        } else {
        }
        %add3A_343 = arith.constant 4 : i32
        %add3A_344 = arith.addi %add3A_246, %add3A_343 : i32
        %sub3A_345 = arith.constant 1 : i32
        %sub3A_346 = arith.subi %add3A_344, %sub3A_345 : i32
        %dma_start3A_347 = arith.constant 0 : i32
        %dma_start3A_348 = tpu.memref_slice %arg7[%sub3A_346, %dma_start3A_347] : memref<56x50xi32, #tpu.memory_space<vmem>> -> memref<1x50xi32, #tpu.memory_space<vmem>>
        %dma_start3A_349 = tpu.memref_squeeze %dma_start3A_348 : memref<1x50xi32, #tpu.memory_space<vmem>> -> memref<50xi32, #tpu.memory_space<vmem>>
        %dma_start3A_350 = arith.constant 0 : i32
        %dma_start3A_351 = arith.constant 0 : i32
        %dma_start3A_352 = tpu.memref_slice %arg2[%dma_start3A_350, %dma_start3A_351] : memref<20480x128xf32, #tpu.memory_space<hbm>> -> memref<20480x128xf32, #tpu.memory_space<hbm>>
        tpu.enqueue_indirect_dma source(%dma_start3A_352 : memref<20480x128xf32, #tpu.memory_space<hbm>>) target(%arg12 : memref<50x128xf32, #tpu.memory_space<vmem>>) offsets(%dma_start3A_349 : memref<50xi32, #tpu.memory_space<vmem>>) semaphore(%arg17 : memref<!tpu.dma_semaphore, #tpu.memory_space<semaphore_mem>>)
      } else {
      }
      %dma_wait3A_252 = arith.constant 0 : i32
      %dma_wait3A_253 = tpu.memref_slice %arg7[%add3A_246, %dma_wait3A_252] : memref<56x50xi32, #tpu.memory_space<vmem>> -> memref<1x50xi32, #tpu.memory_space<vmem>>
      %dma_wait3A_254 = tpu.memref_squeeze %dma_wait3A_253 : memref<1x50xi32, #tpu.memory_space<vmem>> -> memref<50xi32, #tpu.memory_space<vmem>>
      %dma_wait3A_255 = arith.constant 0 : i32
      %dma_wait3A_256 = arith.constant 0 : i32
      %dma_wait3A_257 = tpu.memref_slice %arg2[%dma_wait3A_255, %dma_wait3A_256] : memref<20480x128xf32, #tpu.memory_space<hbm>> -> memref<20480x128xf32, #tpu.memory_space<hbm>>
      tpu.wait_indirect_dma semaphore(%arg14 : memref<!tpu.dma_semaphore, #tpu.memory_space<semaphore_mem>>) src(%dma_wait3A_257 : memref<20480x128xf32, #tpu.memory_space<hbm>>) dst(%arg9 : memref<50x128xf32, #tpu.memory_space<vmem>>)
      %dma_start3A_258 = arith.constant 0 : i32
      %dma_start3A_259 = tpu.memref_slice %arg8[%add3A_246, %dma_start3A_258] : memref<56x50xi32, #tpu.memory_space<vmem>> -> memref<1x50xi32, #tpu.memory_space<vmem>>
      %dma_start3A_260 = tpu.memref_squeeze %dma_start3A_259 : memref<1x50xi32, #tpu.memory_space<vmem>> -> memref<50xi32, #tpu.memory_space<vmem>>
      %dma_start3A_261 = arith.constant 0 : i32
      %dma_start3A_262 = arith.constant 0 : i32
      %dma_start3A_263 = tpu.memref_slice %arg13[%dma_start3A_261, %dma_start3A_262] : memref<10240x128xf32, #tpu.memory_space<vmem_shared>> -> memref<10240x128xf32, #tpu.memory_space<vmem_shared>>
      tpu.enqueue_indirect_dma source(%arg9 : memref<50x128xf32, #tpu.memory_space<vmem>>) target(%dma_start3A_263 : memref<10240x128xf32, #tpu.memory_space<vmem_shared>>) offsets(%dma_start3A_260 : memref<50xi32, #tpu.memory_space<vmem>>) semaphore(%arg18 : memref<!tpu.dma_semaphore, #tpu.memory_space<semaphore_mem>>) {add = true}
      %mul3A_264 = arith.constant 4 : i32
      %mul3A_265 = arith.muli %mul3A_264, %scan3A_242 : i32
      %add3A_266 = arith.constant 1 : i32
      %add3A_267 = arith.addi %mul3A_265, %add3A_266 : i32
      %add3A_268 = arith.constant 4 : i32
      %add3A_269 = arith.addi %add3A_267, %add3A_268 : i32
      %sub3A_270 = arith.constant 1 : i32
      %sub3A_271 = arith.subi %add3A_269, %sub3A_270 : i32
      %lt3A_272 = arith.constant 48 : i32
      %lt3A_273 = arith.cmpi slt, %sub3A_271, %lt3A_272 : i32
      %convert_element_type3A_274 = arith.extui %lt3A_273 : i1 to i32
      %cond3A_275 = arith.constant 0 : i32
      %cond3A_276 = arith.cmpi ne, %convert_element_type3A_274, %cond3A_275 : i32
      scf.if %cond3A_276 {
        %ge3A = arith.constant 1 : i32
        %ge3A_339 = arith.cmpi sge, %add3A_267, %ge3A : i32
        %convert_element_type3A_340 = arith.extui %ge3A_339 : i1 to i32
        %cond3A_341 = arith.constant 0 : i32
        %cond3A_342 = arith.cmpi ne, %convert_element_type3A_340, %cond3A_341 : i32
        scf.if %cond3A_342 {
          %dma_wait3A_353 = arith.constant 0 : i32
          %dma_wait3A_354 = arith.constant 0 : i32
          %dma_wait3A_355 = tpu.memref_slice %arg8[%dma_wait3A_353, %dma_wait3A_354] : memref<56x50xi32, #tpu.memory_space<vmem>> -> memref<1x50xi32, #tpu.memory_space<vmem>>
          %dma_wait3A_356 = tpu.memref_squeeze %dma_wait3A_355 : memref<1x50xi32, #tpu.memory_space<vmem>> -> memref<50xi32, #tpu.memory_space<vmem>>
          %dma_wait3A_357 = arith.constant 0 : i32
          %dma_wait3A_358 = arith.constant 0 : i32
          %dma_wait3A_359 = tpu.memref_slice %arg13[%dma_wait3A_357, %dma_wait3A_358] : memref<10240x128xf32, #tpu.memory_space<vmem_shared>> -> memref<10240x128xf32, #tpu.memory_space<vmem_shared>>
          tpu.wait_indirect_dma semaphore(%arg18 : memref<!tpu.dma_semaphore, #tpu.memory_space<semaphore_mem>>) src(%arg9 : memref<50x128xf32, #tpu.memory_space<vmem>>) dst(%dma_wait3A_359 : memref<10240x128xf32, #tpu.memory_space<vmem_shared>>)
        } else {
        }
        %add3A_343 = arith.constant 4 : i32
        %add3A_344 = arith.addi %add3A_267, %add3A_343 : i32
        %sub3A_345 = arith.constant 1 : i32
        %sub3A_346 = arith.subi %add3A_344, %sub3A_345 : i32
        %dma_start3A_347 = arith.constant 0 : i32
        %dma_start3A_348 = tpu.memref_slice %arg7[%sub3A_346, %dma_start3A_347] : memref<56x50xi32, #tpu.memory_space<vmem>> -> memref<1x50xi32, #tpu.memory_space<vmem>>
        %dma_start3A_349 = tpu.memref_squeeze %dma_start3A_348 : memref<1x50xi32, #tpu.memory_space<vmem>> -> memref<50xi32, #tpu.memory_space<vmem>>
        %dma_start3A_350 = arith.constant 0 : i32
        %dma_start3A_351 = arith.constant 0 : i32
        %dma_start3A_352 = tpu.memref_slice %arg2[%dma_start3A_350, %dma_start3A_351] : memref<20480x128xf32, #tpu.memory_space<hbm>> -> memref<20480x128xf32, #tpu.memory_space<hbm>>
        tpu.enqueue_indirect_dma source(%dma_start3A_352 : memref<20480x128xf32, #tpu.memory_space<hbm>>) target(%arg9 : memref<50x128xf32, #tpu.memory_space<vmem>>) offsets(%dma_start3A_349 : memref<50xi32, #tpu.memory_space<vmem>>) semaphore(%arg14 : memref<!tpu.dma_semaphore, #tpu.memory_space<semaphore_mem>>)
      } else {
      }
      %dma_wait3A_277 = arith.constant 0 : i32
      %dma_wait3A_278 = tpu.memref_slice %arg7[%add3A_267, %dma_wait3A_277] : memref<56x50xi32, #tpu.memory_space<vmem>> -> memref<1x50xi32, #tpu.memory_space<vmem>>
      %dma_wait3A_279 = tpu.memref_squeeze %dma_wait3A_278 : memref<1x50xi32, #tpu.memory_space<vmem>> -> memref<50xi32, #tpu.memory_space<vmem>>
      %dma_wait3A_280 = arith.constant 0 : i32
      %dma_wait3A_281 = arith.constant 0 : i32
      %dma_wait3A_282 = tpu.memref_slice %arg2[%dma_wait3A_280, %dma_wait3A_281] : memref<20480x128xf32, #tpu.memory_space<hbm>> -> memref<20480x128xf32, #tpu.memory_space<hbm>>
      tpu.wait_indirect_dma semaphore(%arg15 : memref<!tpu.dma_semaphore, #tpu.memory_space<semaphore_mem>>) src(%dma_wait3A_282 : memref<20480x128xf32, #tpu.memory_space<hbm>>) dst(%arg10 : memref<50x128xf32, #tpu.memory_space<vmem>>)
      %dma_start3A_283 = arith.constant 0 : i32
      %dma_start3A_284 = tpu.memref_slice %arg8[%add3A_267, %dma_start3A_283] : memref<56x50xi32, #tpu.memory_space<vmem>> -> memref<1x50xi32, #tpu.memory_space<vmem>>
      %dma_start3A_285 = tpu.memref_squeeze %dma_start3A_284 : memref<1x50xi32, #tpu.memory_space<vmem>> -> memref<50xi32, #tpu.memory_space<vmem>>
      %dma_start3A_286 = arith.constant 0 : i32
      %dma_start3A_287 = arith.constant 0 : i32
      %dma_start3A_288 = tpu.memref_slice %arg13[%dma_start3A_286, %dma_start3A_287] : memref<10240x128xf32, #tpu.memory_space<vmem_shared>> -> memref<10240x128xf32, #tpu.memory_space<vmem_shared>>
      tpu.enqueue_indirect_dma source(%arg10 : memref<50x128xf32, #tpu.memory_space<vmem>>) target(%dma_start3A_288 : memref<10240x128xf32, #tpu.memory_space<vmem_shared>>) offsets(%dma_start3A_285 : memref<50xi32, #tpu.memory_space<vmem>>) semaphore(%arg19 : memref<!tpu.dma_semaphore, #tpu.memory_space<semaphore_mem>>) {add = true}
      %mul3A_289 = arith.constant 4 : i32
      %mul3A_290 = arith.muli %mul3A_289, %scan3A_242 : i32
      %add3A_291 = arith.constant 2 : i32
      %add3A_292 = arith.addi %mul3A_290, %add3A_291 : i32
      %add3A_293 = arith.constant 4 : i32
      %add3A_294 = arith.addi %add3A_292, %add3A_293 : i32
      %sub3A_295 = arith.constant 1 : i32
      %sub3A_296 = arith.subi %add3A_294, %sub3A_295 : i32
      %lt3A_297 = arith.constant 48 : i32
      %lt3A_298 = arith.cmpi slt, %sub3A_296, %lt3A_297 : i32
      %convert_element_type3A_299 = arith.extui %lt3A_298 : i1 to i32
      %cond3A_300 = arith.constant 0 : i32
      %cond3A_301 = arith.cmpi ne, %convert_element_type3A_299, %cond3A_300 : i32
      scf.if %cond3A_301 {
        %ge3A = arith.constant 1 : i32
        %ge3A_339 = arith.cmpi sge, %add3A_292, %ge3A : i32
        %convert_element_type3A_340 = arith.extui %ge3A_339 : i1 to i32
        %cond3A_341 = arith.constant 0 : i32
        %cond3A_342 = arith.cmpi ne, %convert_element_type3A_340, %cond3A_341 : i32
        scf.if %cond3A_342 {
          %dma_wait3A_353 = arith.constant 0 : i32
          %dma_wait3A_354 = arith.constant 0 : i32
          %dma_wait3A_355 = tpu.memref_slice %arg8[%dma_wait3A_353, %dma_wait3A_354] : memref<56x50xi32, #tpu.memory_space<vmem>> -> memref<1x50xi32, #tpu.memory_space<vmem>>
          %dma_wait3A_356 = tpu.memref_squeeze %dma_wait3A_355 : memref<1x50xi32, #tpu.memory_space<vmem>> -> memref<50xi32, #tpu.memory_space<vmem>>
          %dma_wait3A_357 = arith.constant 0 : i32
          %dma_wait3A_358 = arith.constant 0 : i32
          %dma_wait3A_359 = tpu.memref_slice %arg13[%dma_wait3A_357, %dma_wait3A_358] : memref<10240x128xf32, #tpu.memory_space<vmem_shared>> -> memref<10240x128xf32, #tpu.memory_space<vmem_shared>>
          tpu.wait_indirect_dma semaphore(%arg19 : memref<!tpu.dma_semaphore, #tpu.memory_space<semaphore_mem>>) src(%arg10 : memref<50x128xf32, #tpu.memory_space<vmem>>) dst(%dma_wait3A_359 : memref<10240x128xf32, #tpu.memory_space<vmem_shared>>)
        } else {
        }
        %add3A_343 = arith.constant 4 : i32
        %add3A_344 = arith.addi %add3A_292, %add3A_343 : i32
        %sub3A_345 = arith.constant 1 : i32
        %sub3A_346 = arith.subi %add3A_344, %sub3A_345 : i32
        %dma_start3A_347 = arith.constant 0 : i32
        %dma_start3A_348 = tpu.memref_slice %arg7[%sub3A_346, %dma_start3A_347] : memref<56x50xi32, #tpu.memory_space<vmem>> -> memref<1x50xi32, #tpu.memory_space<vmem>>
        %dma_start3A_349 = tpu.memref_squeeze %dma_start3A_348 : memref<1x50xi32, #tpu.memory_space<vmem>> -> memref<50xi32, #tpu.memory_space<vmem>>
        %dma_start3A_350 = arith.constant 0 : i32
        %dma_start3A_351 = arith.constant 0 : i32
        %dma_start3A_352 = tpu.memref_slice %arg2[%dma_start3A_350, %dma_start3A_351] : memref<20480x128xf32, #tpu.memory_space<hbm>> -> memref<20480x128xf32, #tpu.memory_space<hbm>>
        tpu.enqueue_indirect_dma source(%dma_start3A_352 : memref<20480x128xf32, #tpu.memory_space<hbm>>) target(%arg10 : memref<50x128xf32, #tpu.memory_space<vmem>>) offsets(%dma_start3A_349 : memref<50xi32, #tpu.memory_space<vmem>>) semaphore(%arg15 : memref<!tpu.dma_semaphore, #tpu.memory_space<semaphore_mem>>)
      } else {
      }
      %dma_wait3A_302 = arith.constant 0 : i32
      %dma_wait3A_303 = tpu.memref_slice %arg7[%add3A_292, %dma_wait3A_302] : memref<56x50xi32, #tpu.memory_space<vmem>> -> memref<1x50xi32, #tpu.memory_space<vmem>>
      %dma_wait3A_304 = tpu.memref_squeeze %dma_wait3A_303 : memref<1x50xi32, #tpu.memory_space<vmem>> -> memref<50xi32, #tpu.memory_space<vmem>>
      %dma_wait3A_305 = arith.constant 0 : i32
      %dma_wait3A_306 = arith.constant 0 : i32
      %dma_wait3A_307 = tpu.memref_slice %arg2[%dma_wait3A_305, %dma_wait3A_306] : memref<20480x128xf32, #tpu.memory_space<hbm>> -> memref<20480x128xf32, #tpu.memory_space<hbm>>
      tpu.wait_indirect_dma semaphore(%arg16 : memref<!tpu.dma_semaphore, #tpu.memory_space<semaphore_mem>>) src(%dma_wait3A_307 : memref<20480x128xf32, #tpu.memory_space<hbm>>) dst(%arg11 : memref<50x128xf32, #tpu.memory_space<vmem>>)
      %dma_start3A_308 = arith.constant 0 : i32
      %dma_start3A_309 = tpu.memref_slice %arg8[%add3A_292, %dma_start3A_308] : memref<56x50xi32, #tpu.memory_space<vmem>> -> memref<1x50xi32, #tpu.memory_space<vmem>>
      %dma_start3A_310 = tpu.memref_squeeze %dma_start3A_309 : memref<1x50xi32, #tpu.memory_space<vmem>> -> memref<50xi32, #tpu.memory_space<vmem>>
      %dma_start3A_311 = arith.constant 0 : i32
      %dma_start3A_312 = arith.constant 0 : i32
      %dma_start3A_313 = tpu.memref_slice %arg13[%dma_start3A_311, %dma_start3A_312] : memref<10240x128xf32, #tpu.memory_space<vmem_shared>> -> memref<10240x128xf32, #tpu.memory_space<vmem_shared>>
      tpu.enqueue_indirect_dma source(%arg11 : memref<50x128xf32, #tpu.memory_space<vmem>>) target(%dma_start3A_313 : memref<10240x128xf32, #tpu.memory_space<vmem_shared>>) offsets(%dma_start3A_310 : memref<50xi32, #tpu.memory_space<vmem>>) semaphore(%arg20 : memref<!tpu.dma_semaphore, #tpu.memory_space<semaphore_mem>>) {add = true}
      %mul3A_314 = arith.constant 4 : i32
      %mul3A_315 = arith.muli %mul3A_314, %scan3A_242 : i32
      %add3A_316 = arith.constant 3 : i32
      %add3A_317 = arith.addi %mul3A_315, %add3A_316 : i32
      %add3A_318 = arith.constant 4 : i32
      %add3A_319 = arith.addi %add3A_317, %add3A_318 : i32
      %sub3A_320 = arith.constant 1 : i32
      %sub3A_321 = arith.subi %add3A_319, %sub3A_320 : i32
      %lt3A_322 = arith.constant 48 : i32
      %lt3A_323 = arith.cmpi slt, %sub3A_321, %lt3A_322 : i32
      %convert_element_type3A_324 = arith.extui %lt3A_323 : i1 to i32
      %cond3A_325 = arith.constant 0 : i32
      %cond3A_326 = arith.cmpi ne, %convert_element_type3A_324, %cond3A_325 : i32
      scf.if %cond3A_326 {
        %ge3A = arith.constant 1 : i32
        %ge3A_339 = arith.cmpi sge, %add3A_317, %ge3A : i32
        %convert_element_type3A_340 = arith.extui %ge3A_339 : i1 to i32
        %cond3A_341 = arith.constant 0 : i32
        %cond3A_342 = arith.cmpi ne, %convert_element_type3A_340, %cond3A_341 : i32
        scf.if %cond3A_342 {
          %dma_wait3A_353 = arith.constant 0 : i32
          %dma_wait3A_354 = arith.constant 0 : i32
          %dma_wait3A_355 = tpu.memref_slice %arg8[%dma_wait3A_353, %dma_wait3A_354] : memref<56x50xi32, #tpu.memory_space<vmem>> -> memref<1x50xi32, #tpu.memory_space<vmem>>
          %dma_wait3A_356 = tpu.memref_squeeze %dma_wait3A_355 : memref<1x50xi32, #tpu.memory_space<vmem>> -> memref<50xi32, #tpu.memory_space<vmem>>
          %dma_wait3A_357 = arith.constant 0 : i32
          %dma_wait3A_358 = arith.constant 0 : i32
          %dma_wait3A_359 = tpu.memref_slice %arg13[%dma_wait3A_357, %dma_wait3A_358] : memref<10240x128xf32, #tpu.memory_space<vmem_shared>> -> memref<10240x128xf32, #tpu.memory_space<vmem_shared>>
          tpu.wait_indirect_dma semaphore(%arg20 : memref<!tpu.dma_semaphore, #tpu.memory_space<semaphore_mem>>) src(%arg11 : memref<50x128xf32, #tpu.memory_space<vmem>>) dst(%dma_wait3A_359 : memref<10240x128xf32, #tpu.memory_space<vmem_shared>>)
        } else {
        }
        %add3A_343 = arith.constant 4 : i32
        %add3A_344 = arith.addi %add3A_317, %add3A_343 : i32
        %sub3A_345 = arith.constant 1 : i32
        %sub3A_346 = arith.subi %add3A_344, %sub3A_345 : i32
        %dma_start3A_347 = arith.constant 0 : i32
        %dma_start3A_348 = tpu.memref_slice %arg7[%sub3A_346, %dma_start3A_347] : memref<56x50xi32, #tpu.memory_space<vmem>> -> memref<1x50xi32, #tpu.memory_space<vmem>>
        %dma_start3A_349 = tpu.memref_squeeze %dma_start3A_348 : memref<1x50xi32, #tpu.memory_space<vmem>> -> memref<50xi32, #tpu.memory_space<vmem>>
        %dma_start3A_350 = arith.constant 0 : i32
        %dma_start3A_351 = arith.constant 0 : i32
        %dma_start3A_352 = tpu.memref_slice %arg2[%dma_start3A_350, %dma_start3A_351] : memref<20480x128xf32, #tpu.memory_space<hbm>> -> memref<20480x128xf32, #tpu.memory_space<hbm>>
        tpu.enqueue_indirect_dma source(%dma_start3A_352 : memref<20480x128xf32, #tpu.memory_space<hbm>>) target(%arg11 : memref<50x128xf32, #tpu.memory_space<vmem>>) offsets(%dma_start3A_349 : memref<50xi32, #tpu.memory_space<vmem>>) semaphore(%arg16 : memref<!tpu.dma_semaphore, #tpu.memory_space<semaphore_mem>>)
      } else {
      }
      %dma_wait3A_327 = arith.constant 0 : i32
      %dma_wait3A_328 = tpu.memref_slice %arg7[%add3A_317, %dma_wait3A_327] : memref<56x50xi32, #tpu.memory_space<vmem>> -> memref<1x50xi32, #tpu.memory_space<vmem>>
      %dma_wait3A_329 = tpu.memref_squeeze %dma_wait3A_328 : memref<1x50xi32, #tpu.memory_space<vmem>> -> memref<50xi32, #tpu.memory_space<vmem>>
      %dma_wait3A_330 = arith.constant 0 : i32
      %dma_wait3A_331 = arith.constant 0 : i32
      %dma_wait3A_332 = tpu.memref_slice %arg2[%dma_wait3A_330, %dma_wait3A_331] : memref<20480x128xf32, #tpu.memory_space<hbm>> -> memref<20480x128xf32, #tpu.memory_space<hbm>>
      tpu.wait_indirect_dma semaphore(%arg17 : memref<!tpu.dma_semaphore, #tpu.memory_space<semaphore_mem>>) src(%dma_wait3A_332 : memref<20480x128xf32, #tpu.memory_space<hbm>>) dst(%arg12 : memref<50x128xf32, #tpu.memory_space<vmem>>)
      %dma_start3A_333 = arith.constant 0 : i32
      %dma_start3A_334 = tpu.memref_slice %arg8[%add3A_317, %dma_start3A_333] : memref<56x50xi32, #tpu.memory_space<vmem>> -> memref<1x50xi32, #tpu.memory_space<vmem>>
      %dma_start3A_335 = tpu.memref_squeeze %dma_start3A_334 : memref<1x50xi32, #tpu.memory_space<vmem>> -> memref<50xi32, #tpu.memory_space<vmem>>
      %dma_start3A_336 = arith.constant 0 : i32
      %dma_start3A_337 = arith.constant 0 : i32
      %dma_start3A_338 = tpu.memref_slice %arg13[%dma_start3A_336, %dma_start3A_337] : memref<10240x128xf32, #tpu.memory_space<vmem_shared>> -> memref<10240x128xf32, #tpu.memory_space<vmem_shared>>
      tpu.enqueue_indirect_dma source(%arg12 : memref<50x128xf32, #tpu.memory_space<vmem>>) target(%dma_start3A_338 : memref<10240x128xf32, #tpu.memory_space<vmem_shared>>) offsets(%dma_start3A_335 : memref<50xi32, #tpu.memory_space<vmem>>) semaphore(%arg21 : memref<!tpu.dma_semaphore, #tpu.memory_space<semaphore_mem>>) {add = true}
    }
    %scan3A_149 = arith.constant 12 : i32
    %dma_wait3A_150 = arith.constant 0 : i32
    %dma_wait3A_151 = arith.constant 0 : i32
    %dma_wait3A_152 = tpu.memref_slice %arg8[%dma_wait3A_150, %dma_wait3A_151] : memref<56x50xi32, #tpu.memory_space<vmem>> -> memref<1x50xi32, #tpu.memory_space<vmem>>
    %dma_wait3A_153 = tpu.memref_squeeze %dma_wait3A_152 : memref<1x50xi32, #tpu.memory_space<vmem>> -> memref<50xi32, #tpu.memory_space<vmem>>
    %dma_wait3A_154 = arith.constant 0 : i32
    %dma_wait3A_155 = arith.constant 0 : i32
    %dma_wait3A_156 = tpu.memref_slice %arg13[%dma_wait3A_154, %dma_wait3A_155] : memref<10240x128xf32, #tpu.memory_space<vmem_shared>> -> memref<10240x128xf32, #tpu.memory_space<vmem_shared>>
    tpu.wait_indirect_dma semaphore(%arg18 : memref<!tpu.dma_semaphore, #tpu.memory_space<semaphore_mem>>) src(%arg9 : memref<50x128xf32, #tpu.memory_space<vmem>>) dst(%dma_wait3A_156 : memref<10240x128xf32, #tpu.memory_space<vmem_shared>>)
    %dma_wait3A_157 = arith.constant 0 : i32
    %dma_wait3A_158 = arith.constant 0 : i32
    %dma_wait3A_159 = tpu.memref_slice %arg8[%dma_wait3A_157, %dma_wait3A_158] : memref<56x50xi32, #tpu.memory_space<vmem>> -> memref<1x50xi32, #tpu.memory_space<vmem>>
    %dma_wait3A_160 = tpu.memref_squeeze %dma_wait3A_159 : memref<1x50xi32, #tpu.memory_space<vmem>> -> memref<50xi32, #tpu.memory_space<vmem>>
    %dma_wait3A_161 = arith.constant 0 : i32
    %dma_wait3A_162 = arith.constant 0 : i32
    %dma_wait3A_163 = tpu.memref_slice %arg13[%dma_wait3A_161, %dma_wait3A_162] : memref<10240x128xf32, #tpu.memory_space<vmem_shared>> -> memref<10240x128xf32, #tpu.memory_space<vmem_shared>>
    tpu.wait_indirect_dma semaphore(%arg19 : memref<!tpu.dma_semaphore, #tpu.memory_space<semaphore_mem>>) src(%arg10 : memref<50x128xf32, #tpu.memory_space<vmem>>) dst(%dma_wait3A_163 : memref<10240x128xf32, #tpu.memory_space<vmem_shared>>)
    %dma_wait3A_164 = arith.constant 0 : i32
    %dma_wait3A_165 = arith.constant 0 : i32
    %dma_wait3A_166 = tpu.memref_slice %arg8[%dma_wait3A_164, %dma_wait3A_165] : memref<56x50xi32, #tpu.memory_space<vmem>> -> memref<1x50xi32, #tpu.memory_space<vmem>>
    %dma_wait3A_167 = tpu.memref_squeeze %dma_wait3A_166 : memref<1x50xi32, #tpu.memory_space<vmem>> -> memref<50xi32, #tpu.memory_space<vmem>>
    %dma_wait3A_168 = arith.constant 0 : i32
    %dma_wait3A_169 = arith.constant 0 : i32
    %dma_wait3A_170 = tpu.memref_slice %arg13[%dma_wait3A_168, %dma_wait3A_169] : memref<10240x128xf32, #tpu.memory_space<vmem_shared>> -> memref<10240x128xf32, #tpu.memory_space<vmem_shared>>
    tpu.wait_indirect_dma semaphore(%arg20 : memref<!tpu.dma_semaphore, #tpu.memory_space<semaphore_mem>>) src(%arg11 : memref<50x128xf32, #tpu.memory_space<vmem>>) dst(%dma_wait3A_170 : memref<10240x128xf32, #tpu.memory_space<vmem_shared>>)
    %dma_wait3A_171 = arith.constant 0 : i32
    %dma_wait3A_172 = arith.constant 0 : i32
    %dma_wait3A_173 = tpu.memref_slice %arg8[%dma_wait3A_171, %dma_wait3A_172] : memref<56x50xi32, #tpu.memory_space<vmem>> -> memref<1x50xi32, #tpu.memory_space<vmem>>
    %dma_wait3A_174 = tpu.memref_squeeze %dma_wait3A_173 : memref<1x50xi32, #tpu.memory_space<vmem>> -> memref<50xi32, #tpu.memory_space<vmem>>
    %dma_wait3A_175 = arith.constant 0 : i32
    %dma_wait3A_176 = arith.constant 0 : i32
    %dma_wait3A_177 = tpu.memref_slice %arg13[%dma_wait3A_175, %dma_wait3A_176] : memref<10240x128xf32, #tpu.memory_space<vmem_shared>> -> memref<10240x128xf32, #tpu.memory_space<vmem_shared>>
    tpu.wait_indirect_dma semaphore(%arg21 : memref<!tpu.dma_semaphore, #tpu.memory_space<semaphore_mem>>) src(%arg12 : memref<50x128xf32, #tpu.memory_space<vmem>>) dst(%dma_wait3A_177 : memref<10240x128xf32, #tpu.memory_space<vmem_shared>>)
    %mul3A_178 = arith.constant 200 : i32
    %mul3A_179 = arith.muli %arg1, %mul3A_178 : i32
    %add3A_180 = arith.constant 152 : i32
    %add3A_181 = arith.addi %mul3A_179, %add3A_180 : i32
    "tpu.region"() ({
      %run_scoped3A = tpu.sem_alloc : memref<!tpu.dma_semaphore, #tpu.memory_space<semaphore_mem>>
      %dma_start3A_242 = arith.constant 0 : i32
      %dma_start3A_243 = arith.constant 0 : i32
      %dma_start3A_244 = tpu.memref_slice %arg7[%dma_start3A_242, %dma_start3A_243] : memref<56x50xi32, #tpu.memory_space<vmem>> -> memref<48x50xi32, #tpu.memory_space<vmem>>
      %dma_start3A_245 = arith.constant 0 : i32
      %dma_start3A_246 = tpu.memref_slice %arg3[%arg0, %add3A_181, %dma_start3A_245] : memref<2x3200x50xi32, #tpu.memory_space<hbm>> -> memref<1x48x50xi32, #tpu.memory_space<hbm>>
      %dma_start3A_247 = tpu.memref_squeeze %dma_start3A_246 : memref<1x48x50xi32, #tpu.memory_space<hbm>> -> memref<48x50xi32, #tpu.memory_space<hbm>>
      %dma_start3A_248 = arith.constant 0 : i32
      %dma_start3A_249 = arith.constant 0 : i32
      %dma_start3A_250 = tpu.memref_slice %arg7[%dma_start3A_248, %dma_start3A_249] : memref<56x50xi32, #tpu.memory_space<vmem>> -> memref<48x50xi32, #tpu.memory_space<vmem>>
      %dma_start3A_251 = arith.constant 0 : i32
      %dma_start3A_252 = tpu.memref_slice %arg3[%arg0, %add3A_181, %dma_start3A_251] : memref<2x3200x50xi32, #tpu.memory_space<hbm>> -> memref<1x48x50xi32, #tpu.memory_space<hbm>>
      %dma_start3A_253 = tpu.memref_squeeze %dma_start3A_252 : memref<1x48x50xi32, #tpu.memory_space<hbm>> -> memref<48x50xi32, #tpu.memory_space<hbm>>
      tpu.enqueue_dma source(%dma_start3A_253 : memref<48x50xi32, #tpu.memory_space<hbm>>) target(%dma_start3A_250 : memref<48x50xi32, #tpu.memory_space<vmem>>) target_semaphore(%run_scoped3A : memref<!tpu.dma_semaphore, #tpu.memory_space<semaphore_mem>>)
      %dma_wait3A_254 = arith.constant 0 : i32
      %dma_wait3A_255 = arith.constant 0 : i32
      %dma_wait3A_256 = tpu.memref_slice %arg7[%dma_wait3A_254, %dma_wait3A_255] : memref<56x50xi32, #tpu.memory_space<vmem>> -> memref<48x50xi32, #tpu.memory_space<vmem>>
      %dma_wait3A_257 = arith.constant 0 : i32
      %dma_wait3A_258 = tpu.memref_slice %arg3[%arg0, %add3A_181, %dma_wait3A_257] : memref<2x3200x50xi32, #tpu.memory_space<hbm>> -> memref<1x48x50xi32, #tpu.memory_space<hbm>>
      %dma_wait3A_259 = tpu.memref_squeeze %dma_wait3A_258 : memref<1x48x50xi32, #tpu.memory_space<hbm>> -> memref<48x50xi32, #tpu.memory_space<hbm>>
      %dma_wait3A_260 = arith.constant 0 : i32
      %dma_wait3A_261 = arith.constant 0 : i32
      %dma_wait3A_262 = tpu.memref_slice %arg7[%dma_wait3A_260, %dma_wait3A_261] : memref<56x50xi32, #tpu.memory_space<vmem>> -> memref<48x50xi32, #tpu.memory_space<vmem>>
      %dma_wait3A_263 = arith.constant 0 : i32
      %dma_wait3A_264 = tpu.memref_slice %arg3[%arg0, %add3A_181, %dma_wait3A_263] : memref<2x3200x50xi32, #tpu.memory_space<hbm>> -> memref<1x48x50xi32, #tpu.memory_space<hbm>>
      %dma_wait3A_265 = tpu.memref_squeeze %dma_wait3A_264 : memref<1x48x50xi32, #tpu.memory_space<hbm>> -> memref<48x50xi32, #tpu.memory_space<hbm>>
      tpu.wait_dma2 semaphore(%run_scoped3A : memref<!tpu.dma_semaphore, #tpu.memory_space<semaphore_mem>>) src(%dma_wait3A_265 : memref<48x50xi32, #tpu.memory_space<hbm>>) dst(%dma_wait3A_262 : memref<48x50xi32, #tpu.memory_space<vmem>>)
      tpu.yield
    }) : () -> ()
    "tpu.region"() ({
      %run_scoped3A = tpu.sem_alloc : memref<!tpu.dma_semaphore, #tpu.memory_space<semaphore_mem>>
      %dma_start3A_242 = arith.constant 0 : i32
      %dma_start3A_243 = arith.constant 0 : i32
      %dma_start3A_244 = tpu.memref_slice %arg8[%dma_start3A_242, %dma_start3A_243] : memref<56x50xi32, #tpu.memory_space<vmem>> -> memref<48x50xi32, #tpu.memory_space<vmem>>
      %dma_start3A_245 = arith.constant 0 : i32
      %dma_start3A_246 = tpu.memref_slice %arg4[%add3A_181, %dma_start3A_245] : memref<3200x50xi32, #tpu.memory_space<hbm>> -> memref<48x50xi32, #tpu.memory_space<hbm>>
      %dma_start3A_247 = arith.constant 0 : i32
      %dma_start3A_248 = arith.constant 0 : i32
      %dma_start3A_249 = tpu.memref_slice %arg8[%dma_start3A_247, %dma_start3A_248] : memref<56x50xi32, #tpu.memory_space<vmem>> -> memref<48x50xi32, #tpu.memory_space<vmem>>
      %dma_start3A_250 = arith.constant 0 : i32
      %dma_start3A_251 = tpu.memref_slice %arg4[%add3A_181, %dma_start3A_250] : memref<3200x50xi32, #tpu.memory_space<hbm>> -> memref<48x50xi32, #tpu.memory_space<hbm>>
      tpu.enqueue_dma source(%dma_start3A_251 : memref<48x50xi32, #tpu.memory_space<hbm>>) target(%dma_start3A_249 : memref<48x50xi32, #tpu.memory_space<vmem>>) target_semaphore(%run_scoped3A : memref<!tpu.dma_semaphore, #tpu.memory_space<semaphore_mem>>)
      %dma_wait3A_252 = arith.constant 0 : i32
      %dma_wait3A_253 = arith.constant 0 : i32
      %dma_wait3A_254 = tpu.memref_slice %arg8[%dma_wait3A_252, %dma_wait3A_253] : memref<56x50xi32, #tpu.memory_space<vmem>> -> memref<48x50xi32, #tpu.memory_space<vmem>>
      %dma_wait3A_255 = arith.constant 0 : i32
      %dma_wait3A_256 = tpu.memref_slice %arg4[%add3A_181, %dma_wait3A_255] : memref<3200x50xi32, #tpu.memory_space<hbm>> -> memref<48x50xi32, #tpu.memory_space<hbm>>
      %dma_wait3A_257 = arith.constant 0 : i32
      %dma_wait3A_258 = arith.constant 0 : i32
      %dma_wait3A_259 = tpu.memref_slice %arg8[%dma_wait3A_257, %dma_wait3A_258] : memref<56x50xi32, #tpu.memory_space<vmem>> -> memref<48x50xi32, #tpu.memory_space<vmem>>
      %dma_wait3A_260 = arith.constant 0 : i32
      %dma_wait3A_261 = tpu.memref_slice %arg4[%add3A_181, %dma_wait3A_260] : memref<3200x50xi32, #tpu.memory_space<hbm>> -> memref<48x50xi32, #tpu.memory_space<hbm>>
      tpu.wait_dma2 semaphore(%run_scoped3A : memref<!tpu.dma_semaphore, #tpu.memory_space<semaphore_mem>>) src(%dma_wait3A_261 : memref<48x50xi32, #tpu.memory_space<hbm>>) dst(%dma_wait3A_259 : memref<48x50xi32, #tpu.memory_space<vmem>>)
      tpu.yield
    }) : () -> ()
    %dma_start3A_182 = arith.constant 0 : i32
    %dma_start3A_183 = arith.constant 0 : i32
    %dma_start3A_184 = tpu.memref_slice %arg7[%dma_start3A_182, %dma_start3A_183] : memref<56x50xi32, #tpu.memory_space<vmem>> -> memref<1x50xi32, #tpu.memory_space<vmem>>
    %dma_start3A_185 = tpu.memref_squeeze %dma_start3A_184 : memref<1x50xi32, #tpu.memory_space<vmem>> -> memref<50xi32, #tpu.memory_space<vmem>>
    %dma_start3A_186 = arith.constant 0 : i32
    %dma_start3A_187 = arith.constant 0 : i32
    %dma_start3A_188 = tpu.memref_slice %arg2[%dma_start3A_186, %dma_start3A_187] : memref<20480x128xf32, #tpu.memory_space<hbm>> -> memref<20480x128xf32, #tpu.memory_space<hbm>>
    tpu.enqueue_indirect_dma source(%dma_start3A_188 : memref<20480x128xf32, #tpu.memory_space<hbm>>) target(%arg9 : memref<50x128xf32, #tpu.memory_space<vmem>>) offsets(%dma_start3A_185 : memref<50xi32, #tpu.memory_space<vmem>>) semaphore(%arg14 : memref<!tpu.dma_semaphore, #tpu.memory_space<semaphore_mem>>)
    %dma_start3A_189 = arith.constant 1 : i32
    %dma_start3A_190 = arith.constant 0 : i32
    %dma_start3A_191 = tpu.memref_slice %arg7[%dma_start3A_189, %dma_start3A_190] : memref<56x50xi32, #tpu.memory_space<vmem>> -> memref<1x50xi32, #tpu.memory_space<vmem>>
    %dma_start3A_192 = tpu.memref_squeeze %dma_start3A_191 : memref<1x50xi32, #tpu.memory_space<vmem>> -> memref<50xi32, #tpu.memory_space<vmem>>
    %dma_start3A_193 = arith.constant 0 : i32
    %dma_start3A_194 = arith.constant 0 : i32
    %dma_start3A_195 = tpu.memref_slice %arg2[%dma_start3A_193, %dma_start3A_194] : memref<20480x128xf32, #tpu.memory_space<hbm>> -> memref<20480x128xf32, #tpu.memory_space<hbm>>
    tpu.enqueue_indirect_dma source(%dma_start3A_195 : memref<20480x128xf32, #tpu.memory_space<hbm>>) target(%arg10 : memref<50x128xf32, #tpu.memory_space<vmem>>) offsets(%dma_start3A_192 : memref<50xi32, #tpu.memory_space<vmem>>) semaphore(%arg15 : memref<!tpu.dma_semaphore, #tpu.memory_space<semaphore_mem>>)
    %dma_start3A_196 = arith.constant 2 : i32
    %dma_start3A_197 = arith.constant 0 : i32
    %dma_start3A_198 = tpu.memref_slice %arg7[%dma_start3A_196, %dma_start3A_197] : memref<56x50xi32, #tpu.memory_space<vmem>> -> memref<1x50xi32, #tpu.memory_space<vmem>>
    %dma_start3A_199 = tpu.memref_squeeze %dma_start3A_198 : memref<1x50xi32, #tpu.memory_space<vmem>> -> memref<50xi32, #tpu.memory_space<vmem>>
    %dma_start3A_200 = arith.constant 0 : i32
    %dma_start3A_201 = arith.constant 0 : i32
    %dma_start3A_202 = tpu.memref_slice %arg2[%dma_start3A_200, %dma_start3A_201] : memref<20480x128xf32, #tpu.memory_space<hbm>> -> memref<20480x128xf32, #tpu.memory_space<hbm>>
    tpu.enqueue_indirect_dma source(%dma_start3A_202 : memref<20480x128xf32, #tpu.memory_space<hbm>>) target(%arg11 : memref<50x128xf32, #tpu.memory_space<vmem>>) offsets(%dma_start3A_199 : memref<50xi32, #tpu.memory_space<vmem>>) semaphore(%arg16 : memref<!tpu.dma_semaphore, #tpu.memory_space<semaphore_mem>>)
    %scan3A_203 = arith.constant 0 : i32
    %scan3A_204 = arith.constant 0 : i32
    %scan3A_205 = arith.constant 12 : i32
    %scan3A_206 = arith.addi %scan3A_204, %scan3A_205 : i32
    %scan3A_207 = arith.constant 1 : i32
    scf.for %scan3A_242 = %scan3A_204 to %scan3A_206 step %scan3A_207  : i32 {
      %mul3A_243 = arith.constant 4 : i32
      %mul3A_244 = arith.muli %mul3A_243, %scan3A_242 : i32
      %add3A_245 = arith.constant 0 : i32
      %add3A_246 = arith.addi %mul3A_244, %add3A_245 : i32
      %add3A_247 = arith.constant 4 : i32
      %add3A_248 = arith.addi %add3A_246, %add3A_247 : i32
      %sub3A = arith.constant 1 : i32
      %sub3A_249 = arith.subi %add3A_248, %sub3A : i32
      %lt3A = arith.constant 48 : i32
      %lt3A_250 = arith.cmpi slt, %sub3A_249, %lt3A : i32
      %convert_element_type3A = arith.extui %lt3A_250 : i1 to i32
      %cond3A = arith.constant 0 : i32
      %cond3A_251 = arith.cmpi ne, %convert_element_type3A, %cond3A : i32
      scf.if %cond3A_251 {
        %ge3A = arith.constant 1 : i32
        %ge3A_339 = arith.cmpi sge, %add3A_246, %ge3A : i32
        %convert_element_type3A_340 = arith.extui %ge3A_339 : i1 to i32
        %cond3A_341 = arith.constant 0 : i32
        %cond3A_342 = arith.cmpi ne, %convert_element_type3A_340, %cond3A_341 : i32
        scf.if %cond3A_342 {
          %dma_wait3A_353 = arith.constant 0 : i32
          %dma_wait3A_354 = arith.constant 0 : i32
          %dma_wait3A_355 = tpu.memref_slice %arg8[%dma_wait3A_353, %dma_wait3A_354] : memref<56x50xi32, #tpu.memory_space<vmem>> -> memref<1x50xi32, #tpu.memory_space<vmem>>
          %dma_wait3A_356 = tpu.memref_squeeze %dma_wait3A_355 : memref<1x50xi32, #tpu.memory_space<vmem>> -> memref<50xi32, #tpu.memory_space<vmem>>
          %dma_wait3A_357 = arith.constant 0 : i32
          %dma_wait3A_358 = arith.constant 0 : i32
          %dma_wait3A_359 = tpu.memref_slice %arg13[%dma_wait3A_357, %dma_wait3A_358] : memref<10240x128xf32, #tpu.memory_space<vmem_shared>> -> memref<10240x128xf32, #tpu.memory_space<vmem_shared>>
          tpu.wait_indirect_dma semaphore(%arg21 : memref<!tpu.dma_semaphore, #tpu.memory_space<semaphore_mem>>) src(%arg12 : memref<50x128xf32, #tpu.memory_space<vmem>>) dst(%dma_wait3A_359 : memref<10240x128xf32, #tpu.memory_space<vmem_shared>>)
        } else {
        }
        %add3A_343 = arith.constant 4 : i32
        %add3A_344 = arith.addi %add3A_246, %add3A_343 : i32
        %sub3A_345 = arith.constant 1 : i32
        %sub3A_346 = arith.subi %add3A_344, %sub3A_345 : i32
        %dma_start3A_347 = arith.constant 0 : i32
        %dma_start3A_348 = tpu.memref_slice %arg7[%sub3A_346, %dma_start3A_347] : memref<56x50xi32, #tpu.memory_space<vmem>> -> memref<1x50xi32, #tpu.memory_space<vmem>>
        %dma_start3A_349 = tpu.memref_squeeze %dma_start3A_348 : memref<1x50xi32, #tpu.memory_space<vmem>> -> memref<50xi32, #tpu.memory_space<vmem>>
        %dma_start3A_350 = arith.constant 0 : i32
        %dma_start3A_351 = arith.constant 0 : i32
        %dma_start3A_352 = tpu.memref_slice %arg2[%dma_start3A_350, %dma_start3A_351] : memref<20480x128xf32, #tpu.memory_space<hbm>> -> memref<20480x128xf32, #tpu.memory_space<hbm>>
        tpu.enqueue_indirect_dma source(%dma_start3A_352 : memref<20480x128xf32, #tpu.memory_space<hbm>>) target(%arg12 : memref<50x128xf32, #tpu.memory_space<vmem>>) offsets(%dma_start3A_349 : memref<50xi32, #tpu.memory_space<vmem>>) semaphore(%arg17 : memref<!tpu.dma_semaphore, #tpu.memory_space<semaphore_mem>>)
      } else {
      }
      %dma_wait3A_252 = arith.constant 0 : i32
      %dma_wait3A_253 = tpu.memref_slice %arg7[%add3A_246, %dma_wait3A_252] : memref<56x50xi32, #tpu.memory_space<vmem>> -> memref<1x50xi32, #tpu.memory_space<vmem>>
      %dma_wait3A_254 = tpu.memref_squeeze %dma_wait3A_253 : memref<1x50xi32, #tpu.memory_space<vmem>> -> memref<50xi32, #tpu.memory_space<vmem>>
      %dma_wait3A_255 = arith.constant 0 : i32
      %dma_wait3A_256 = arith.constant 0 : i32
      %dma_wait3A_257 = tpu.memref_slice %arg2[%dma_wait3A_255, %dma_wait3A_256] : memref<20480x128xf32, #tpu.memory_space<hbm>> -> memref<20480x128xf32, #tpu.memory_space<hbm>>
      tpu.wait_indirect_dma semaphore(%arg14 : memref<!tpu.dma_semaphore, #tpu.memory_space<semaphore_mem>>) src(%dma_wait3A_257 : memref<20480x128xf32, #tpu.memory_space<hbm>>) dst(%arg9 : memref<50x128xf32, #tpu.memory_space<vmem>>)
      %dma_start3A_258 = arith.constant 0 : i32
      %dma_start3A_259 = tpu.memref_slice %arg8[%add3A_246, %dma_start3A_258] : memref<56x50xi32, #tpu.memory_space<vmem>> -> memref<1x50xi32, #tpu.memory_space<vmem>>
      %dma_start3A_260 = tpu.memref_squeeze %dma_start3A_259 : memref<1x50xi32, #tpu.memory_space<vmem>> -> memref<50xi32, #tpu.memory_space<vmem>>
      %dma_start3A_261 = arith.constant 0 : i32
      %dma_start3A_262 = arith.constant 0 : i32
      %dma_start3A_263 = tpu.memref_slice %arg13[%dma_start3A_261, %dma_start3A_262] : memref<10240x128xf32, #tpu.memory_space<vmem_shared>> -> memref<10240x128xf32, #tpu.memory_space<vmem_shared>>
      tpu.enqueue_indirect_dma source(%arg9 : memref<50x128xf32, #tpu.memory_space<vmem>>) target(%dma_start3A_263 : memref<10240x128xf32, #tpu.memory_space<vmem_shared>>) offsets(%dma_start3A_260 : memref<50xi32, #tpu.memory_space<vmem>>) semaphore(%arg18 : memref<!tpu.dma_semaphore, #tpu.memory_space<semaphore_mem>>) {add = true}
      %mul3A_264 = arith.constant 4 : i32
      %mul3A_265 = arith.muli %mul3A_264, %scan3A_242 : i32
      %add3A_266 = arith.constant 1 : i32
      %add3A_267 = arith.addi %mul3A_265, %add3A_266 : i32
      %add3A_268 = arith.constant 4 : i32
      %add3A_269 = arith.addi %add3A_267, %add3A_268 : i32
      %sub3A_270 = arith.constant 1 : i32
      %sub3A_271 = arith.subi %add3A_269, %sub3A_270 : i32
      %lt3A_272 = arith.constant 48 : i32
      %lt3A_273 = arith.cmpi slt, %sub3A_271, %lt3A_272 : i32
      %convert_element_type3A_274 = arith.extui %lt3A_273 : i1 to i32
      %cond3A_275 = arith.constant 0 : i32
      %cond3A_276 = arith.cmpi ne, %convert_element_type3A_274, %cond3A_275 : i32
      scf.if %cond3A_276 {
        %ge3A = arith.constant 1 : i32
        %ge3A_339 = arith.cmpi sge, %add3A_267, %ge3A : i32
        %convert_element_type3A_340 = arith.extui %ge3A_339 : i1 to i32
        %cond3A_341 = arith.constant 0 : i32
        %cond3A_342 = arith.cmpi ne, %convert_element_type3A_340, %cond3A_341 : i32
        scf.if %cond3A_342 {
          %dma_wait3A_353 = arith.constant 0 : i32
          %dma_wait3A_354 = arith.constant 0 : i32
          %dma_wait3A_355 = tpu.memref_slice %arg8[%dma_wait3A_353, %dma_wait3A_354] : memref<56x50xi32, #tpu.memory_space<vmem>> -> memref<1x50xi32, #tpu.memory_space<vmem>>
          %dma_wait3A_356 = tpu.memref_squeeze %dma_wait3A_355 : memref<1x50xi32, #tpu.memory_space<vmem>> -> memref<50xi32, #tpu.memory_space<vmem>>
          %dma_wait3A_357 = arith.constant 0 : i32
          %dma_wait3A_358 = arith.constant 0 : i32
          %dma_wait3A_359 = tpu.memref_slice %arg13[%dma_wait3A_357, %dma_wait3A_358] : memref<10240x128xf32, #tpu.memory_space<vmem_shared>> -> memref<10240x128xf32, #tpu.memory_space<vmem_shared>>
          tpu.wait_indirect_dma semaphore(%arg18 : memref<!tpu.dma_semaphore, #tpu.memory_space<semaphore_mem>>) src(%arg9 : memref<50x128xf32, #tpu.memory_space<vmem>>) dst(%dma_wait3A_359 : memref<10240x128xf32, #tpu.memory_space<vmem_shared>>)
        } else {
        }
        %add3A_343 = arith.constant 4 : i32
        %add3A_344 = arith.addi %add3A_267, %add3A_343 : i32
        %sub3A_345 = arith.constant 1 : i32
        %sub3A_346 = arith.subi %add3A_344, %sub3A_345 : i32
        %dma_start3A_347 = arith.constant 0 : i32
        %dma_start3A_348 = tpu.memref_slice %arg7[%sub3A_346, %dma_start3A_347] : memref<56x50xi32, #tpu.memory_space<vmem>> -> memref<1x50xi32, #tpu.memory_space<vmem>>
        %dma_start3A_349 = tpu.memref_squeeze %dma_start3A_348 : memref<1x50xi32, #tpu.memory_space<vmem>> -> memref<50xi32, #tpu.memory_space<vmem>>
        %dma_start3A_350 = arith.constant 0 : i32
        %dma_start3A_351 = arith.constant 0 : i32
        %dma_start3A_352 = tpu.memref_slice %arg2[%dma_start3A_350, %dma_start3A_351] : memref<20480x128xf32, #tpu.memory_space<hbm>> -> memref<20480x128xf32, #tpu.memory_space<hbm>>
        tpu.enqueue_indirect_dma source(%dma_start3A_352 : memref<20480x128xf32, #tpu.memory_space<hbm>>) target(%arg9 : memref<50x128xf32, #tpu.memory_space<vmem>>) offsets(%dma_start3A_349 : memref<50xi32, #tpu.memory_space<vmem>>) semaphore(%arg14 : memref<!tpu.dma_semaphore, #tpu.memory_space<semaphore_mem>>)
      } else {
      }
      %dma_wait3A_277 = arith.constant 0 : i32
      %dma_wait3A_278 = tpu.memref_slice %arg7[%add3A_267, %dma_wait3A_277] : memref<56x50xi32, #tpu.memory_space<vmem>> -> memref<1x50xi32, #tpu.memory_space<vmem>>
      %dma_wait3A_279 = tpu.memref_squeeze %dma_wait3A_278 : memref<1x50xi32, #tpu.memory_space<vmem>> -> memref<50xi32, #tpu.memory_space<vmem>>
      %dma_wait3A_280 = arith.constant 0 : i32
      %dma_wait3A_281 = arith.constant 0 : i32
      %dma_wait3A_282 = tpu.memref_slice %arg2[%dma_wait3A_280, %dma_wait3A_281] : memref<20480x128xf32, #tpu.memory_space<hbm>> -> memref<20480x128xf32, #tpu.memory_space<hbm>>
      tpu.wait_indirect_dma semaphore(%arg15 : memref<!tpu.dma_semaphore, #tpu.memory_space<semaphore_mem>>) src(%dma_wait3A_282 : memref<20480x128xf32, #tpu.memory_space<hbm>>) dst(%arg10 : memref<50x128xf32, #tpu.memory_space<vmem>>)
      %dma_start3A_283 = arith.constant 0 : i32
      %dma_start3A_284 = tpu.memref_slice %arg8[%add3A_267, %dma_start3A_283] : memref<56x50xi32, #tpu.memory_space<vmem>> -> memref<1x50xi32, #tpu.memory_space<vmem>>
      %dma_start3A_285 = tpu.memref_squeeze %dma_start3A_284 : memref<1x50xi32, #tpu.memory_space<vmem>> -> memref<50xi32, #tpu.memory_space<vmem>>
      %dma_start3A_286 = arith.constant 0 : i32
      %dma_start3A_287 = arith.constant 0 : i32
      %dma_start3A_288 = tpu.memref_slice %arg13[%dma_start3A_286, %dma_start3A_287] : memref<10240x128xf32, #tpu.memory_space<vmem_shared>> -> memref<10240x128xf32, #tpu.memory_space<vmem_shared>>
      tpu.enqueue_indirect_dma source(%arg10 : memref<50x128xf32, #tpu.memory_space<vmem>>) target(%dma_start3A_288 : memref<10240x128xf32, #tpu.memory_space<vmem_shared>>) offsets(%dma_start3A_285 : memref<50xi32, #tpu.memory_space<vmem>>) semaphore(%arg19 : memref<!tpu.dma_semaphore, #tpu.memory_space<semaphore_mem>>) {add = true}
      %mul3A_289 = arith.constant 4 : i32
      %mul3A_290 = arith.muli %mul3A_289, %scan3A_242 : i32
      %add3A_291 = arith.constant 2 : i32
      %add3A_292 = arith.addi %mul3A_290, %add3A_291 : i32
      %add3A_293 = arith.constant 4 : i32
      %add3A_294 = arith.addi %add3A_292, %add3A_293 : i32
      %sub3A_295 = arith.constant 1 : i32
      %sub3A_296 = arith.subi %add3A_294, %sub3A_295 : i32
      %lt3A_297 = arith.constant 48 : i32
      %lt3A_298 = arith.cmpi slt, %sub3A_296, %lt3A_297 : i32
      %convert_element_type3A_299 = arith.extui %lt3A_298 : i1 to i32
      %cond3A_300 = arith.constant 0 : i32
      %cond3A_301 = arith.cmpi ne, %convert_element_type3A_299, %cond3A_300 : i32
      scf.if %cond3A_301 {
        %ge3A = arith.constant 1 : i32
        %ge3A_339 = arith.cmpi sge, %add3A_292, %ge3A : i32
        %convert_element_type3A_340 = arith.extui %ge3A_339 : i1 to i32
        %cond3A_341 = arith.constant 0 : i32
        %cond3A_342 = arith.cmpi ne, %convert_element_type3A_340, %cond3A_341 : i32
        scf.if %cond3A_342 {
          %dma_wait3A_353 = arith.constant 0 : i32
          %dma_wait3A_354 = arith.constant 0 : i32
          %dma_wait3A_355 = tpu.memref_slice %arg8[%dma_wait3A_353, %dma_wait3A_354] : memref<56x50xi32, #tpu.memory_space<vmem>> -> memref<1x50xi32, #tpu.memory_space<vmem>>
          %dma_wait3A_356 = tpu.memref_squeeze %dma_wait3A_355 : memref<1x50xi32, #tpu.memory_space<vmem>> -> memref<50xi32, #tpu.memory_space<vmem>>
          %dma_wait3A_357 = arith.constant 0 : i32
          %dma_wait3A_358 = arith.constant 0 : i32
          %dma_wait3A_359 = tpu.memref_slice %arg13[%dma_wait3A_357, %dma_wait3A_358] : memref<10240x128xf32, #tpu.memory_space<vmem_shared>> -> memref<10240x128xf32, #tpu.memory_space<vmem_shared>>
          tpu.wait_indirect_dma semaphore(%arg19 : memref<!tpu.dma_semaphore, #tpu.memory_space<semaphore_mem>>) src(%arg10 : memref<50x128xf32, #tpu.memory_space<vmem>>) dst(%dma_wait3A_359 : memref<10240x128xf32, #tpu.memory_space<vmem_shared>>)
        } else {
        }
        %add3A_343 = arith.constant 4 : i32
        %add3A_344 = arith.addi %add3A_292, %add3A_343 : i32
        %sub3A_345 = arith.constant 1 : i32
        %sub3A_346 = arith.subi %add3A_344, %sub3A_345 : i32
        %dma_start3A_347 = arith.constant 0 : i32
        %dma_start3A_348 = tpu.memref_slice %arg7[%sub3A_346, %dma_start3A_347] : memref<56x50xi32, #tpu.memory_space<vmem>> -> memref<1x50xi32, #tpu.memory_space<vmem>>
        %dma_start3A_349 = tpu.memref_squeeze %dma_start3A_348 : memref<1x50xi32, #tpu.memory_space<vmem>> -> memref<50xi32, #tpu.memory_space<vmem>>
        %dma_start3A_350 = arith.constant 0 : i32
        %dma_start3A_351 = arith.constant 0 : i32
        %dma_start3A_352 = tpu.memref_slice %arg2[%dma_start3A_350, %dma_start3A_351] : memref<20480x128xf32, #tpu.memory_space<hbm>> -> memref<20480x128xf32, #tpu.memory_space<hbm>>
        tpu.enqueue_indirect_dma source(%dma_start3A_352 : memref<20480x128xf32, #tpu.memory_space<hbm>>) target(%arg10 : memref<50x128xf32, #tpu.memory_space<vmem>>) offsets(%dma_start3A_349 : memref<50xi32, #tpu.memory_space<vmem>>) semaphore(%arg15 : memref<!tpu.dma_semaphore, #tpu.memory_space<semaphore_mem>>)
      } else {
      }
      %dma_wait3A_302 = arith.constant 0 : i32
      %dma_wait3A_303 = tpu.memref_slice %arg7[%add3A_292, %dma_wait3A_302] : memref<56x50xi32, #tpu.memory_space<vmem>> -> memref<1x50xi32, #tpu.memory_space<vmem>>
      %dma_wait3A_304 = tpu.memref_squeeze %dma_wait3A_303 : memref<1x50xi32, #tpu.memory_space<vmem>> -> memref<50xi32, #tpu.memory_space<vmem>>
      %dma_wait3A_305 = arith.constant 0 : i32
      %dma_wait3A_306 = arith.constant 0 : i32
      %dma_wait3A_307 = tpu.memref_slice %arg2[%dma_wait3A_305, %dma_wait3A_306] : memref<20480x128xf32, #tpu.memory_space<hbm>> -> memref<20480x128xf32, #tpu.memory_space<hbm>>
      tpu.wait_indirect_dma semaphore(%arg16 : memref<!tpu.dma_semaphore, #tpu.memory_space<semaphore_mem>>) src(%dma_wait3A_307 : memref<20480x128xf32, #tpu.memory_space<hbm>>) dst(%arg11 : memref<50x128xf32, #tpu.memory_space<vmem>>)
      %dma_start3A_308 = arith.constant 0 : i32
      %dma_start3A_309 = tpu.memref_slice %arg8[%add3A_292, %dma_start3A_308] : memref<56x50xi32, #tpu.memory_space<vmem>> -> memref<1x50xi32, #tpu.memory_space<vmem>>
      %dma_start3A_310 = tpu.memref_squeeze %dma_start3A_309 : memref<1x50xi32, #tpu.memory_space<vmem>> -> memref<50xi32, #tpu.memory_space<vmem>>
      %dma_start3A_311 = arith.constant 0 : i32
      %dma_start3A_312 = arith.constant 0 : i32
      %dma_start3A_313 = tpu.memref_slice %arg13[%dma_start3A_311, %dma_start3A_312] : memref<10240x128xf32, #tpu.memory_space<vmem_shared>> -> memref<10240x128xf32, #tpu.memory_space<vmem_shared>>
      tpu.enqueue_indirect_dma source(%arg11 : memref<50x128xf32, #tpu.memory_space<vmem>>) target(%dma_start3A_313 : memref<10240x128xf32, #tpu.memory_space<vmem_shared>>) offsets(%dma_start3A_310 : memref<50xi32, #tpu.memory_space<vmem>>) semaphore(%arg20 : memref<!tpu.dma_semaphore, #tpu.memory_space<semaphore_mem>>) {add = true}
      %mul3A_314 = arith.constant 4 : i32
      %mul3A_315 = arith.muli %mul3A_314, %scan3A_242 : i32
      %add3A_316 = arith.constant 3 : i32
      %add3A_317 = arith.addi %mul3A_315, %add3A_316 : i32
      %add3A_318 = arith.constant 4 : i32
      %add3A_319 = arith.addi %add3A_317, %add3A_318 : i32
      %sub3A_320 = arith.constant 1 : i32
      %sub3A_321 = arith.subi %add3A_319, %sub3A_320 : i32
      %lt3A_322 = arith.constant 48 : i32
      %lt3A_323 = arith.cmpi slt, %sub3A_321, %lt3A_322 : i32
      %convert_element_type3A_324 = arith.extui %lt3A_323 : i1 to i32
      %cond3A_325 = arith.constant 0 : i32
      %cond3A_326 = arith.cmpi ne, %convert_element_type3A_324, %cond3A_325 : i32
      scf.if %cond3A_326 {
        %ge3A = arith.constant 1 : i32
        %ge3A_339 = arith.cmpi sge, %add3A_317, %ge3A : i32
        %convert_element_type3A_340 = arith.extui %ge3A_339 : i1 to i32
        %cond3A_341 = arith.constant 0 : i32
        %cond3A_342 = arith.cmpi ne, %convert_element_type3A_340, %cond3A_341 : i32
        scf.if %cond3A_342 {
          %dma_wait3A_353 = arith.constant 0 : i32
          %dma_wait3A_354 = arith.constant 0 : i32
          %dma_wait3A_355 = tpu.memref_slice %arg8[%dma_wait3A_353, %dma_wait3A_354] : memref<56x50xi32, #tpu.memory_space<vmem>> -> memref<1x50xi32, #tpu.memory_space<vmem>>
          %dma_wait3A_356 = tpu.memref_squeeze %dma_wait3A_355 : memref<1x50xi32, #tpu.memory_space<vmem>> -> memref<50xi32, #tpu.memory_space<vmem>>
          %dma_wait3A_357 = arith.constant 0 : i32
          %dma_wait3A_358 = arith.constant 0 : i32
          %dma_wait3A_359 = tpu.memref_slice %arg13[%dma_wait3A_357, %dma_wait3A_358] : memref<10240x128xf32, #tpu.memory_space<vmem_shared>> -> memref<10240x128xf32, #tpu.memory_space<vmem_shared>>
          tpu.wait_indirect_dma semaphore(%arg20 : memref<!tpu.dma_semaphore, #tpu.memory_space<semaphore_mem>>) src(%arg11 : memref<50x128xf32, #tpu.memory_space<vmem>>) dst(%dma_wait3A_359 : memref<10240x128xf32, #tpu.memory_space<vmem_shared>>)
        } else {
        }
        %add3A_343 = arith.constant 4 : i32
        %add3A_344 = arith.addi %add3A_317, %add3A_343 : i32
        %sub3A_345 = arith.constant 1 : i32
        %sub3A_346 = arith.subi %add3A_344, %sub3A_345 : i32
        %dma_start3A_347 = arith.constant 0 : i32
        %dma_start3A_348 = tpu.memref_slice %arg7[%sub3A_346, %dma_start3A_347] : memref<56x50xi32, #tpu.memory_space<vmem>> -> memref<1x50xi32, #tpu.memory_space<vmem>>
        %dma_start3A_349 = tpu.memref_squeeze %dma_start3A_348 : memref<1x50xi32, #tpu.memory_space<vmem>> -> memref<50xi32, #tpu.memory_space<vmem>>
        %dma_start3A_350 = arith.constant 0 : i32
        %dma_start3A_351 = arith.constant 0 : i32
        %dma_start3A_352 = tpu.memref_slice %arg2[%dma_start3A_350, %dma_start3A_351] : memref<20480x128xf32, #tpu.memory_space<hbm>> -> memref<20480x128xf32, #tpu.memory_space<hbm>>
        tpu.enqueue_indirect_dma source(%dma_start3A_352 : memref<20480x128xf32, #tpu.memory_space<hbm>>) target(%arg11 : memref<50x128xf32, #tpu.memory_space<vmem>>) offsets(%dma_start3A_349 : memref<50xi32, #tpu.memory_space<vmem>>) semaphore(%arg16 : memref<!tpu.dma_semaphore, #tpu.memory_space<semaphore_mem>>)
      } else {
      }
      %dma_wait3A_327 = arith.constant 0 : i32
      %dma_wait3A_328 = tpu.memref_slice %arg7[%add3A_317, %dma_wait3A_327] : memref<56x50xi32, #tpu.memory_space<vmem>> -> memref<1x50xi32, #tpu.memory_space<vmem>>
      %dma_wait3A_329 = tpu.memref_squeeze %dma_wait3A_328 : memref<1x50xi32, #tpu.memory_space<vmem>> -> memref<50xi32, #tpu.memory_space<vmem>>
      %dma_wait3A_330 = arith.constant 0 : i32
      %dma_wait3A_331 = arith.constant 0 : i32
      %dma_wait3A_332 = tpu.memref_slice %arg2[%dma_wait3A_330, %dma_wait3A_331] : memref<20480x128xf32, #tpu.memory_space<hbm>> -> memref<20480x128xf32, #tpu.memory_space<hbm>>
      tpu.wait_indirect_dma semaphore(%arg17 : memref<!tpu.dma_semaphore, #tpu.memory_space<semaphore_mem>>) src(%dma_wait3A_332 : memref<20480x128xf32, #tpu.memory_space<hbm>>) dst(%arg12 : memref<50x128xf32, #tpu.memory_space<vmem>>)
      %dma_start3A_333 = arith.constant 0 : i32
      %dma_start3A_334 = tpu.memref_slice %arg8[%add3A_317, %dma_start3A_333] : memref<56x50xi32, #tpu.memory_space<vmem>> -> memref<1x50xi32, #tpu.memory_space<vmem>>
      %dma_start3A_335 = tpu.memref_squeeze %dma_start3A_334 : memref<1x50xi32, #tpu.memory_space<vmem>> -> memref<50xi32, #tpu.memory_space<vmem>>
      %dma_start3A_336 = arith.constant 0 : i32
      %dma_start3A_337 = arith.constant 0 : i32
      %dma_start3A_338 = tpu.memref_slice %arg13[%dma_start3A_336, %dma_start3A_337] : memref<10240x128xf32, #tpu.memory_space<vmem_shared>> -> memref<10240x128xf32, #tpu.memory_space<vmem_shared>>
      tpu.enqueue_indirect_dma source(%arg12 : memref<50x128xf32, #tpu.memory_space<vmem>>) target(%dma_start3A_338 : memref<10240x128xf32, #tpu.memory_space<vmem_shared>>) offsets(%dma_start3A_335 : memref<50xi32, #tpu.memory_space<vmem>>) semaphore(%arg21 : memref<!tpu.dma_semaphore, #tpu.memory_space<semaphore_mem>>) {add = true}
    }
    %scan3A_208 = arith.constant 12 : i32
    %dma_wait3A_209 = arith.constant 0 : i32
    %dma_wait3A_210 = arith.constant 0 : i32
    %dma_wait3A_211 = tpu.memref_slice %arg8[%dma_wait3A_209, %dma_wait3A_210] : memref<56x50xi32, #tpu.memory_space<vmem>> -> memref<1x50xi32, #tpu.memory_space<vmem>>
    %dma_wait3A_212 = tpu.memref_squeeze %dma_wait3A_211 : memref<1x50xi32, #tpu.memory_space<vmem>> -> memref<50xi32, #tpu.memory_space<vmem>>
    %dma_wait3A_213 = arith.constant 0 : i32
    %dma_wait3A_214 = arith.constant 0 : i32
    %dma_wait3A_215 = tpu.memref_slice %arg13[%dma_wait3A_213, %dma_wait3A_214] : memref<10240x128xf32, #tpu.memory_space<vmem_shared>> -> memref<10240x128xf32, #tpu.memory_space<vmem_shared>>
    tpu.wait_indirect_dma semaphore(%arg18 : memref<!tpu.dma_semaphore, #tpu.memory_space<semaphore_mem>>) src(%arg9 : memref<50x128xf32, #tpu.memory_space<vmem>>) dst(%dma_wait3A_215 : memref<10240x128xf32, #tpu.memory_space<vmem_shared>>)
    %dma_wait3A_216 = arith.constant 0 : i32
    %dma_wait3A_217 = arith.constant 0 : i32
    %dma_wait3A_218 = tpu.memref_slice %arg8[%dma_wait3A_216, %dma_wait3A_217] : memref<56x50xi32, #tpu.memory_space<vmem>> -> memref<1x50xi32, #tpu.memory_space<vmem>>
    %dma_wait3A_219 = tpu.memref_squeeze %dma_wait3A_218 : memref<1x50xi32, #tpu.memory_space<vmem>> -> memref<50xi32, #tpu.memory_space<vmem>>
    %dma_wait3A_220 = arith.constant 0 : i32
    %dma_wait3A_221 = arith.constant 0 : i32
    %dma_wait3A_222 = tpu.memref_slice %arg13[%dma_wait3A_220, %dma_wait3A_221] : memref<10240x128xf32, #tpu.memory_space<vmem_shared>> -> memref<10240x128xf32, #tpu.memory_space<vmem_shared>>
    tpu.wait_indirect_dma semaphore(%arg19 : memref<!tpu.dma_semaphore, #tpu.memory_space<semaphore_mem>>) src(%arg10 : memref<50x128xf32, #tpu.memory_space<vmem>>) dst(%dma_wait3A_222 : memref<10240x128xf32, #tpu.memory_space<vmem_shared>>)
    %dma_wait3A_223 = arith.constant 0 : i32
    %dma_wait3A_224 = arith.constant 0 : i32
    %dma_wait3A_225 = tpu.memref_slice %arg8[%dma_wait3A_223, %dma_wait3A_224] : memref<56x50xi32, #tpu.memory_space<vmem>> -> memref<1x50xi32, #tpu.memory_space<vmem>>
    %dma_wait3A_226 = tpu.memref_squeeze %dma_wait3A_225 : memref<1x50xi32, #tpu.memory_space<vmem>> -> memref<50xi32, #tpu.memory_space<vmem>>
    %dma_wait3A_227 = arith.constant 0 : i32
    %dma_wait3A_228 = arith.constant 0 : i32
    %dma_wait3A_229 = tpu.memref_slice %arg13[%dma_wait3A_227, %dma_wait3A_228] : memref<10240x128xf32, #tpu.memory_space<vmem_shared>> -> memref<10240x128xf32, #tpu.memory_space<vmem_shared>>
    tpu.wait_indirect_dma semaphore(%arg20 : memref<!tpu.dma_semaphore, #tpu.memory_space<semaphore_mem>>) src(%arg11 : memref<50x128xf32, #tpu.memory_space<vmem>>) dst(%dma_wait3A_229 : memref<10240x128xf32, #tpu.memory_space<vmem_shared>>)
    %dma_wait3A_230 = arith.constant 0 : i32
    %dma_wait3A_231 = arith.constant 0 : i32
    %dma_wait3A_232 = tpu.memref_slice %arg8[%dma_wait3A_230, %dma_wait3A_231] : memref<56x50xi32, #tpu.memory_space<vmem>> -> memref<1x50xi32, #tpu.memory_space<vmem>>
    %dma_wait3A_233 = tpu.memref_squeeze %dma_wait3A_232 : memref<1x50xi32, #tpu.memory_space<vmem>> -> memref<50xi32, #tpu.memory_space<vmem>>
    %dma_wait3A_234 = arith.constant 0 : i32
    %dma_wait3A_235 = arith.constant 0 : i32
    %dma_wait3A_236 = tpu.memref_slice %arg13[%dma_wait3A_234, %dma_wait3A_235] : memref<10240x128xf32, #tpu.memory_space<vmem_shared>> -> memref<10240x128xf32, #tpu.memory_space<vmem_shared>>
    tpu.wait_indirect_dma semaphore(%arg21 : memref<!tpu.dma_semaphore, #tpu.memory_space<semaphore_mem>>) src(%arg12 : memref<50x128xf32, #tpu.memory_space<vmem>>) dst(%dma_wait3A_236 : memref<10240x128xf32, #tpu.memory_space<vmem_shared>>)
    %barrier3A_237 = arith.constant 0 : index
    tpu.barrier barrier_id(%barrier3A_237)
    %mul3A_238 = arith.constant 640 : i32
    %mul3A_239 = arith.muli %arg1, %mul3A_238 : i32
    %mul3A_240 = arith.constant 640 : i32
    %mul3A_241 = arith.muli %arg1, %mul3A_240 : i32
    "tpu.region"() ({
      %run_scoped3A = tpu.sem_alloc : memref<!tpu.dma_semaphore, #tpu.memory_space<semaphore_mem>>
      %dma_start3A_242 = arith.constant 0 : i32
      %dma_start3A_243 = tpu.memref_slice %arg6[%arg0, %mul3A_241, %dma_start3A_242] : memref<2x10240x128xf32, #tpu.memory_space<hbm>> -> memref<1x640x128xf32, #tpu.memory_space<hbm>>
      %dma_start3A_244 = tpu.memref_squeeze %dma_start3A_243 : memref<1x640x128xf32, #tpu.memory_space<hbm>> -> memref<640x128xf32, #tpu.memory_space<hbm>>
      %dma_start3A_245 = arith.constant 0 : i32
      %dma_start3A_246 = tpu.memref_slice %arg13[%mul3A_239, %dma_start3A_245] : memref<10240x128xf32, #tpu.memory_space<vmem_shared>> -> memref<640x128xf32, #tpu.memory_space<vmem_shared>>
      tpu.enqueue_dma source(%dma_start3A_246 : memref<640x128xf32, #tpu.memory_space<vmem_shared>>) target(%dma_start3A_244 : memref<640x128xf32, #tpu.memory_space<hbm>>) target_semaphore(%run_scoped3A : memref<!tpu.dma_semaphore, #tpu.memory_space<semaphore_mem>>)
      %dma_wait3A_247 = arith.constant 0 : i32
      %dma_wait3A_248 = tpu.memref_slice %arg6[%arg0, %mul3A_241, %dma_wait3A_247] : memref<2x10240x128xf32, #tpu.memory_space<hbm>> -> memref<1x640x128xf32, #tpu.memory_space<hbm>>
      %dma_wait3A_249 = tpu.memref_squeeze %dma_wait3A_248 : memref<1x640x128xf32, #tpu.memory_space<hbm>> -> memref<640x128xf32, #tpu.memory_space<hbm>>
      %dma_wait3A_250 = arith.constant 0 : i32
      %dma_wait3A_251 = tpu.memref_slice %arg13[%mul3A_239, %dma_wait3A_250] : memref<10240x128xf32, #tpu.memory_space<vmem_shared>> -> memref<640x128xf32, #tpu.memory_space<vmem_shared>>
      tpu.wait_dma2 semaphore(%run_scoped3A : memref<!tpu.dma_semaphore, #tpu.memory_space<semaphore_mem>>) src(%dma_wait3A_251 : memref<640x128xf32, #tpu.memory_space<vmem_shared>>) dst(%dma_wait3A_249 : memref<640x128xf32, #tpu.memory_space<hbm>>)
      tpu.yield
    }) : () -> ()
    return
  }
}

#map = affine_map<(d0, d1) -> (0, 0)>
#map1 = affine_map<(d0, d1) -> (0, 0, 0)>
module attributes {stable_mosaic.version = 14 : i64} {
  func.func @_agg_body(%arg0: i32, %arg1: i32, %arg2: memref<20480x128xf32, #tpu.memory_space<hbm>>, %arg3: memref<2x3200x50xi32, #tpu.memory_space<hbm>>, %arg4: memref<3200x50xi32, #tpu.memory_space<hbm>>, %arg5: memref<640x128xf32, #tpu.memory_space<hbm>>, %arg6: memref<2x10240x128xf32, #tpu.memory_space<hbm>>, %arg7: memref<56x50xi32, #tpu.memory_space<vmem>>, %arg8: memref<56x50xi32, #tpu.memory_space<vmem>>, %arg9: memref<50x128xf32, #tpu.memory_space<vmem>>, %arg10: memref<50x128xf32, #tpu.memory_space<vmem>>, %arg11: memref<50x128xf32, #tpu.memory_space<vmem>>, %arg12: memref<50x128xf32, #tpu.memory_space<vmem>>, %arg13: memref<10240x128xf32, #tpu.memory_space<vmem_shared>>, %arg14: memref<!tpu.dma_semaphore, #tpu.memory_space<semaphore_mem>>, %arg15: memref<!tpu.dma_semaphore, #tpu.memory_space<semaphore_mem>>, %arg16: memref<!tpu.dma_semaphore, #tpu.memory_space<semaphore_mem>>, %arg17: memref<!tpu.dma_semaphore, #tpu.memory_space<semaphore_mem>>, %arg18: memref<!tpu.dma_semaphore, #tpu.memory_space<semaphore_mem>>, %arg19: memref<!tpu.dma_semaphore, #tpu.memory_space<semaphore_mem>>, %arg20: memref<!tpu.dma_semaphore, #tpu.memory_space<semaphore_mem>>, %arg21: memref<!tpu.dma_semaphore, #tpu.memory_space<semaphore_mem>>) attributes {dimension_semantics = [#tpu.dimension_semantics<core_parallel>, #tpu.dimension_semantics<subcore_parallel>], iteration_bounds = array<i64: 2, 16>, scalar_prefetch = 0 : i64, scratch_operands = 15 : i64, tpu.core_type = #tpu.core_type<sc_vector_subcore>, window_params = [{transform_indices = #map}, {transform_indices = #map1}, {transform_indices = #map}, {transform_indices = #map}, {transform_indices = #map1}]} {
    %mul3A = arith.constant 200 : i32
    %mul3A_0 = arith.muli %arg1, %mul3A : i32
    %add3A = arith.constant 0 : i32
    %add3A_1 = arith.addi %mul3A_0, %add3A : i32
    "tpu.region"() ({
      %run_scoped3A = tpu.sem_alloc : memref<!tpu.dma_semaphore, #tpu.memory_space<semaphore_mem>>
      %dma_start3A_242 = arith.constant 0 : i32
      %dma_start3A_243 = arith.constant 0 : i32
      %dma_start3A_244 = tpu.memref_slice %arg7[%dma_start3A_242, %dma_start3A_243] : memref<56x50xi32, #tpu.memory_space<vmem>> -> memref<56x50xi32, #tpu.memory_space<vmem>>
      %dma_start3A_245 = arith.constant 0 : i32
      %dma_start3A_246 = tpu.memref_slice %arg3[%arg0, %add3A_1, %dma_start3A_245] : memref<2x3200x50xi32, #tpu.memory_space<hbm>> -> memref<1x56x50xi32, #tpu.memory_space<hbm>>
      %dma_start3A_247 = tpu.memref_squeeze %dma_start3A_246 : memref<1x56x50xi32, #tpu.memory_space<hbm>> -> memref<56x50xi32, #tpu.memory_space<hbm>>
      %dma_start3A_248 = arith.constant 0 : i32
      %dma_start3A_249 = arith.constant 0 : i32
      %dma_start3A_250 = tpu.memref_slice %arg7[%dma_start3A_248, %dma_start3A_249] : memref<56x50xi32, #tpu.memory_space<vmem>> -> memref<56x50xi32, #tpu.memory_space<vmem>>
      %dma_start3A_251 = arith.constant 0 : i32
      %dma_start3A_252 = tpu.memref_slice %arg3[%arg0, %add3A_1, %dma_start3A_251] : memref<2x3200x50xi32, #tpu.memory_space<hbm>> -> memref<1x56x50xi32, #tpu.memory_space<hbm>>
      %dma_start3A_253 = tpu.memref_squeeze %dma_start3A_252 : memref<1x56x50xi32, #tpu.memory_space<hbm>> -> memref<56x50xi32, #tpu.memory_space<hbm>>
      tpu.enqueue_dma source(%dma_start3A_253 : memref<56x50xi32, #tpu.memory_space<hbm>>) target(%dma_start3A_250 : memref<56x50xi32, #tpu.memory_space<vmem>>) target_semaphore(%run_scoped3A : memref<!tpu.dma_semaphore, #tpu.memory_space<semaphore_mem>>)
      %dma_wait3A_254 = arith.constant 0 : i32
      %dma_wait3A_255 = arith.constant 0 : i32
      %dma_wait3A_256 = tpu.memref_slice %arg7[%dma_wait3A_254, %dma_wait3A_255] : memref<56x50xi32, #tpu.memory_space<vmem>> -> memref<56x50xi32, #tpu.memory_space<vmem>>
      %dma_wait3A_257 = arith.constant 0 : i32
      %dma_wait3A_258 = tpu.memref_slice %arg3[%arg0, %add3A_1, %dma_wait3A_257] : memref<2x3200x50xi32, #tpu.memory_space<hbm>> -> memref<1x56x50xi32, #tpu.memory_space<hbm>>
      %dma_wait3A_259 = tpu.memref_squeeze %dma_wait3A_258 : memref<1x56x50xi32, #tpu.memory_space<hbm>> -> memref<56x50xi32, #tpu.memory_space<hbm>>
      %dma_wait3A_260 = arith.constant 0 : i32
      %dma_wait3A_261 = arith.constant 0 : i32
      %dma_wait3A_262 = tpu.memref_slice %arg7[%dma_wait3A_260, %dma_wait3A_261] : memref<56x50xi32, #tpu.memory_space<vmem>> -> memref<56x50xi32, #tpu.memory_space<vmem>>
      %dma_wait3A_263 = arith.constant 0 : i32
      %dma_wait3A_264 = tpu.memref_slice %arg3[%arg0, %add3A_1, %dma_wait3A_263] : memref<2x3200x50xi32, #tpu.memory_space<hbm>> -> memref<1x56x50xi32, #tpu.memory_space<hbm>>
      %dma_wait3A_265 = tpu.memref_squeeze %dma_wait3A_264 : memref<1x56x50xi32, #tpu.memory_space<hbm>> -> memref<56x50xi32, #tpu.memory_space<hbm>>
      tpu.wait_dma2 semaphore(%run_scoped3A : memref<!tpu.dma_semaphore, #tpu.memory_space<semaphore_mem>>) src(%dma_wait3A_265 : memref<56x50xi32, #tpu.memory_space<hbm>>) dst(%dma_wait3A_262 : memref<56x50xi32, #tpu.memory_space<vmem>>)
      tpu.yield
    }) : () -> ()
    %mul3A_2 = arith.constant 200 : i32
    %mul3A_3 = arith.muli %arg1, %mul3A_2 : i32
    %add3A_4 = arith.constant 0 : i32
    %add3A_5 = arith.addi %mul3A_3, %add3A_4 : i32
    "tpu.region"() ({
      %run_scoped3A = tpu.sem_alloc : memref<!tpu.dma_semaphore, #tpu.memory_space<semaphore_mem>>
      %dma_start3A_242 = arith.constant 0 : i32
      %dma_start3A_243 = arith.constant 0 : i32
      %dma_start3A_244 = tpu.memref_slice %arg8[%dma_start3A_242, %dma_start3A_243] : memref<56x50xi32, #tpu.memory_space<vmem>> -> memref<56x50xi32, #tpu.memory_space<vmem>>
      %dma_start3A_245 = arith.constant 0 : i32
      %dma_start3A_246 = tpu.memref_slice %arg4[%add3A_5, %dma_start3A_245] : memref<3200x50xi32, #tpu.memory_space<hbm>> -> memref<56x50xi32, #tpu.memory_space<hbm>>
      %dma_start3A_247 = arith.constant 0 : i32
      %dma_start3A_248 = arith.constant 0 : i32
      %dma_start3A_249 = tpu.memref_slice %arg8[%dma_start3A_247, %dma_start3A_248] : memref<56x50xi32, #tpu.memory_space<vmem>> -> memref<56x50xi32, #tpu.memory_space<vmem>>
      %dma_start3A_250 = arith.constant 0 : i32
      %dma_start3A_251 = tpu.memref_slice %arg4[%add3A_5, %dma_start3A_250] : memref<3200x50xi32, #tpu.memory_space<hbm>> -> memref<56x50xi32, #tpu.memory_space<hbm>>
      tpu.enqueue_dma source(%dma_start3A_251 : memref<56x50xi32, #tpu.memory_space<hbm>>) target(%dma_start3A_249 : memref<56x50xi32, #tpu.memory_space<vmem>>) target_semaphore(%run_scoped3A : memref<!tpu.dma_semaphore, #tpu.memory_space<semaphore_mem>>)
      %dma_wait3A_252 = arith.constant 0 : i32
      %dma_wait3A_253 = arith.constant 0 : i32
      %dma_wait3A_254 = tpu.memref_slice %arg8[%dma_wait3A_252, %dma_wait3A_253] : memref<56x50xi32, #tpu.memory_space<vmem>> -> memref<56x50xi32, #tpu.memory_space<vmem>>
      %dma_wait3A_255 = arith.constant 0 : i32
      %dma_wait3A_256 = tpu.memref_slice %arg4[%add3A_5, %dma_wait3A_255] : memref<3200x50xi32, #tpu.memory_space<hbm>> -> memref<56x50xi32, #tpu.memory_space<hbm>>
      %dma_wait3A_257 = arith.constant 0 : i32
      %dma_wait3A_258 = arith.constant 0 : i32
      %dma_wait3A_259 = tpu.memref_slice %arg8[%dma_wait3A_257, %dma_wait3A_258] : memref<56x50xi32, #tpu.memory_space<vmem>> -> memref<56x50xi32, #tpu.memory_space<vmem>>
      %dma_wait3A_260 = arith.constant 0 : i32
      %dma_wait3A_261 = tpu.memref_slice %arg4[%add3A_5, %dma_wait3A_260] : memref<3200x50xi32, #tpu.memory_space<hbm>> -> memref<56x50xi32, #tpu.memory_space<hbm>>
      tpu.wait_dma2 semaphore(%run_scoped3A : memref<!tpu.dma_semaphore, #tpu.memory_space<semaphore_mem>>) src(%dma_wait3A_261 : memref<56x50xi32, #tpu.memory_space<hbm>>) dst(%dma_wait3A_259 : memref<56x50xi32, #tpu.memory_space<vmem>>)
      tpu.yield
    }) : () -> ()
    %dma_start3A = arith.constant 0 : i32
    %dma_start3A_6 = arith.constant 0 : i32
    %dma_start3A_7 = tpu.memref_slice %arg7[%dma_start3A, %dma_start3A_6] : memref<56x50xi32, #tpu.memory_space<vmem>> -> memref<1x50xi32, #tpu.memory_space<vmem>>
    %dma_start3A_8 = tpu.memref_squeeze %dma_start3A_7 : memref<1x50xi32, #tpu.memory_space<vmem>> -> memref<50xi32, #tpu.memory_space<vmem>>
    %dma_start3A_9 = arith.constant 0 : i32
    %dma_start3A_10 = arith.constant 0 : i32
    %dma_start3A_11 = tpu.memref_slice %arg2[%dma_start3A_9, %dma_start3A_10] : memref<20480x128xf32, #tpu.memory_space<hbm>> -> memref<20480x128xf32, #tpu.memory_space<hbm>>
    tpu.enqueue_indirect_dma source(%dma_start3A_11 : memref<20480x128xf32, #tpu.memory_space<hbm>>) target(%arg9 : memref<50x128xf32, #tpu.memory_space<vmem>>) offsets(%dma_start3A_8 : memref<50xi32, #tpu.memory_space<vmem>>) semaphore(%arg14 : memref<!tpu.dma_semaphore, #tpu.memory_space<semaphore_mem>>)
    %dma_start3A_12 = arith.constant 1 : i32
    %dma_start3A_13 = arith.constant 0 : i32
    %dma_start3A_14 = tpu.memref_slice %arg7[%dma_start3A_12, %dma_start3A_13] : memref<56x50xi32, #tpu.memory_space<vmem>> -> memref<1x50xi32, #tpu.memory_space<vmem>>
    %dma_start3A_15 = tpu.memref_squeeze %dma_start3A_14 : memref<1x50xi32, #tpu.memory_space<vmem>> -> memref<50xi32, #tpu.memory_space<vmem>>
    %dma_start3A_16 = arith.constant 0 : i32
    %dma_start3A_17 = arith.constant 0 : i32
    %dma_start3A_18 = tpu.memref_slice %arg2[%dma_start3A_16, %dma_start3A_17] : memref<20480x128xf32, #tpu.memory_space<hbm>> -> memref<20480x128xf32, #tpu.memory_space<hbm>>
    tpu.enqueue_indirect_dma source(%dma_start3A_18 : memref<20480x128xf32, #tpu.memory_space<hbm>>) target(%arg10 : memref<50x128xf32, #tpu.memory_space<vmem>>) offsets(%dma_start3A_15 : memref<50xi32, #tpu.memory_space<vmem>>) semaphore(%arg15 : memref<!tpu.dma_semaphore, #tpu.memory_space<semaphore_mem>>)
    %dma_start3A_19 = arith.constant 2 : i32
    %dma_start3A_20 = arith.constant 0 : i32
    %dma_start3A_21 = tpu.memref_slice %arg7[%dma_start3A_19, %dma_start3A_20] : memref<56x50xi32, #tpu.memory_space<vmem>> -> memref<1x50xi32, #tpu.memory_space<vmem>>
    %dma_start3A_22 = tpu.memref_squeeze %dma_start3A_21 : memref<1x50xi32, #tpu.memory_space<vmem>> -> memref<50xi32, #tpu.memory_space<vmem>>
    %dma_start3A_23 = arith.constant 0 : i32
    %dma_start3A_24 = arith.constant 0 : i32
    %dma_start3A_25 = tpu.memref_slice %arg2[%dma_start3A_23, %dma_start3A_24] : memref<20480x128xf32, #tpu.memory_space<hbm>> -> memref<20480x128xf32, #tpu.memory_space<hbm>>
    tpu.enqueue_indirect_dma source(%dma_start3A_25 : memref<20480x128xf32, #tpu.memory_space<hbm>>) target(%arg11 : memref<50x128xf32, #tpu.memory_space<vmem>>) offsets(%dma_start3A_22 : memref<50xi32, #tpu.memory_space<vmem>>) semaphore(%arg16 : memref<!tpu.dma_semaphore, #tpu.memory_space<semaphore_mem>>)
    %mul3A_26 = arith.constant 640 : i32
    %mul3A_27 = arith.muli %arg1, %mul3A_26 : i32
    "tpu.region"() ({
      %run_scoped3A = tpu.sem_alloc : memref<!tpu.dma_semaphore, #tpu.memory_space<semaphore_mem>>
      %dma_start3A_242 = arith.constant 0 : i32
      %dma_start3A_243 = tpu.memref_slice %arg13[%mul3A_27, %dma_start3A_242] : memref<10240x128xf32, #tpu.memory_space<vmem_shared>> -> memref<640x128xf32, #tpu.memory_space<vmem_shared>>
      tpu.enqueue_dma source(%arg5 : memref<640x128xf32, #tpu.memory_space<hbm>>) target(%dma_start3A_243 : memref<640x128xf32, #tpu.memory_space<vmem_shared>>) target_semaphore(%run_scoped3A : memref<!tpu.dma_semaphore, #tpu.memory_space<semaphore_mem>>)
      %dma_wait3A_244 = arith.constant 0 : i32
      %dma_wait3A_245 = tpu.memref_slice %arg13[%mul3A_27, %dma_wait3A_244] : memref<10240x128xf32, #tpu.memory_space<vmem_shared>> -> memref<640x128xf32, #tpu.memory_space<vmem_shared>>
      tpu.wait_dma2 semaphore(%run_scoped3A : memref<!tpu.dma_semaphore, #tpu.memory_space<semaphore_mem>>) src(%arg5 : memref<640x128xf32, #tpu.memory_space<hbm>>) dst(%dma_wait3A_245 : memref<640x128xf32, #tpu.memory_space<vmem_shared>>)
      tpu.yield
    }) : () -> ()
    %barrier3A = arith.constant 0 : index
    tpu.barrier barrier_id(%barrier3A)
    %scan3A = arith.constant 0 : i32
    %scan3A_28 = arith.constant 0 : i32
    %scan3A_29 = arith.constant 14 : i32
    %scan3A_30 = arith.addi %scan3A_28, %scan3A_29 : i32
    %scan3A_31 = arith.constant 1 : i32
    scf.for %scan3A_242 = %scan3A_28 to %scan3A_30 step %scan3A_31  : i32 {
      %mul3A_243 = arith.constant 4 : i32
      %mul3A_244 = arith.muli %mul3A_243, %scan3A_242 : i32
      %add3A_245 = arith.constant 0 : i32
      %add3A_246 = arith.addi %mul3A_244, %add3A_245 : i32
      %add3A_247 = arith.constant 4 : i32
      %add3A_248 = arith.addi %add3A_246, %add3A_247 : i32
      %sub3A = arith.constant 1 : i32
      %sub3A_249 = arith.subi %add3A_248, %sub3A : i32
      %lt3A = arith.constant 56 : i32
      %lt3A_250 = arith.cmpi slt, %sub3A_249, %lt3A : i32
      %convert_element_type3A = arith.extui %lt3A_250 : i1 to i32
      %cond3A = arith.constant 0 : i32
      %cond3A_251 = arith.cmpi ne, %convert_element_type3A, %cond3A : i32
      scf.if %cond3A_251 {
        %ge3A = arith.constant 1 : i32
        %ge3A_339 = arith.cmpi sge, %add3A_246, %ge3A : i32
        %convert_element_type3A_340 = arith.extui %ge3A_339 : i1 to i32
        %cond3A_341 = arith.constant 0 : i32
        %cond3A_342 = arith.cmpi ne, %convert_element_type3A_340, %cond3A_341 : i32
        scf.if %cond3A_342 {
          %dma_wait3A_353 = arith.constant 0 : i32
          %dma_wait3A_354 = arith.constant 0 : i32
          %dma_wait3A_355 = tpu.memref_slice %arg8[%dma_wait3A_353, %dma_wait3A_354] : memref<56x50xi32, #tpu.memory_space<vmem>> -> memref<1x50xi32, #tpu.memory_space<vmem>>
          %dma_wait3A_356 = tpu.memref_squeeze %dma_wait3A_355 : memref<1x50xi32, #tpu.memory_space<vmem>> -> memref<50xi32, #tpu.memory_space<vmem>>
          %dma_wait3A_357 = arith.constant 0 : i32
          %dma_wait3A_358 = arith.constant 0 : i32
          %dma_wait3A_359 = tpu.memref_slice %arg13[%dma_wait3A_357, %dma_wait3A_358] : memref<10240x128xf32, #tpu.memory_space<vmem_shared>> -> memref<10240x128xf32, #tpu.memory_space<vmem_shared>>
          tpu.wait_indirect_dma semaphore(%arg21 : memref<!tpu.dma_semaphore, #tpu.memory_space<semaphore_mem>>) src(%arg12 : memref<50x128xf32, #tpu.memory_space<vmem>>) dst(%dma_wait3A_359 : memref<10240x128xf32, #tpu.memory_space<vmem_shared>>)
        } else {
        }
        %add3A_343 = arith.constant 4 : i32
        %add3A_344 = arith.addi %add3A_246, %add3A_343 : i32
        %sub3A_345 = arith.constant 1 : i32
        %sub3A_346 = arith.subi %add3A_344, %sub3A_345 : i32
        %dma_start3A_347 = arith.constant 0 : i32
        %dma_start3A_348 = tpu.memref_slice %arg7[%sub3A_346, %dma_start3A_347] : memref<56x50xi32, #tpu.memory_space<vmem>> -> memref<1x50xi32, #tpu.memory_space<vmem>>
        %dma_start3A_349 = tpu.memref_squeeze %dma_start3A_348 : memref<1x50xi32, #tpu.memory_space<vmem>> -> memref<50xi32, #tpu.memory_space<vmem>>
        %dma_start3A_350 = arith.constant 0 : i32
        %dma_start3A_351 = arith.constant 0 : i32
        %dma_start3A_352 = tpu.memref_slice %arg2[%dma_start3A_350, %dma_start3A_351] : memref<20480x128xf32, #tpu.memory_space<hbm>> -> memref<20480x128xf32, #tpu.memory_space<hbm>>
        tpu.enqueue_indirect_dma source(%dma_start3A_352 : memref<20480x128xf32, #tpu.memory_space<hbm>>) target(%arg12 : memref<50x128xf32, #tpu.memory_space<vmem>>) offsets(%dma_start3A_349 : memref<50xi32, #tpu.memory_space<vmem>>) semaphore(%arg17 : memref<!tpu.dma_semaphore, #tpu.memory_space<semaphore_mem>>)
      } else {
      }
      %dma_wait3A_252 = arith.constant 0 : i32
      %dma_wait3A_253 = tpu.memref_slice %arg7[%add3A_246, %dma_wait3A_252] : memref<56x50xi32, #tpu.memory_space<vmem>> -> memref<1x50xi32, #tpu.memory_space<vmem>>
      %dma_wait3A_254 = tpu.memref_squeeze %dma_wait3A_253 : memref<1x50xi32, #tpu.memory_space<vmem>> -> memref<50xi32, #tpu.memory_space<vmem>>
      %dma_wait3A_255 = arith.constant 0 : i32
      %dma_wait3A_256 = arith.constant 0 : i32
      %dma_wait3A_257 = tpu.memref_slice %arg2[%dma_wait3A_255, %dma_wait3A_256] : memref<20480x128xf32, #tpu.memory_space<hbm>> -> memref<20480x128xf32, #tpu.memory_space<hbm>>
      tpu.wait_indirect_dma semaphore(%arg14 : memref<!tpu.dma_semaphore, #tpu.memory_space<semaphore_mem>>) src(%dma_wait3A_257 : memref<20480x128xf32, #tpu.memory_space<hbm>>) dst(%arg9 : memref<50x128xf32, #tpu.memory_space<vmem>>)
      %dma_start3A_258 = arith.constant 0 : i32
      %dma_start3A_259 = tpu.memref_slice %arg8[%add3A_246, %dma_start3A_258] : memref<56x50xi32, #tpu.memory_space<vmem>> -> memref<1x50xi32, #tpu.memory_space<vmem>>
      %dma_start3A_260 = tpu.memref_squeeze %dma_start3A_259 : memref<1x50xi32, #tpu.memory_space<vmem>> -> memref<50xi32, #tpu.memory_space<vmem>>
      %dma_start3A_261 = arith.constant 0 : i32
      %dma_start3A_262 = arith.constant 0 : i32
      %dma_start3A_263 = tpu.memref_slice %arg13[%dma_start3A_261, %dma_start3A_262] : memref<10240x128xf32, #tpu.memory_space<vmem_shared>> -> memref<10240x128xf32, #tpu.memory_space<vmem_shared>>
      tpu.enqueue_indirect_dma source(%arg9 : memref<50x128xf32, #tpu.memory_space<vmem>>) target(%dma_start3A_263 : memref<10240x128xf32, #tpu.memory_space<vmem_shared>>) offsets(%dma_start3A_260 : memref<50xi32, #tpu.memory_space<vmem>>) semaphore(%arg18 : memref<!tpu.dma_semaphore, #tpu.memory_space<semaphore_mem>>) {add = true}
      %mul3A_264 = arith.constant 4 : i32
      %mul3A_265 = arith.muli %mul3A_264, %scan3A_242 : i32
      %add3A_266 = arith.constant 1 : i32
      %add3A_267 = arith.addi %mul3A_265, %add3A_266 : i32
      %add3A_268 = arith.constant 4 : i32
      %add3A_269 = arith.addi %add3A_267, %add3A_268 : i32
      %sub3A_270 = arith.constant 1 : i32
      %sub3A_271 = arith.subi %add3A_269, %sub3A_270 : i32
      %lt3A_272 = arith.constant 56 : i32
      %lt3A_273 = arith.cmpi slt, %sub3A_271, %lt3A_272 : i32
      %convert_element_type3A_274 = arith.extui %lt3A_273 : i1 to i32
      %cond3A_275 = arith.constant 0 : i32
      %cond3A_276 = arith.cmpi ne, %convert_element_type3A_274, %cond3A_275 : i32
      scf.if %cond3A_276 {
        %ge3A = arith.constant 1 : i32
        %ge3A_339 = arith.cmpi sge, %add3A_267, %ge3A : i32
        %convert_element_type3A_340 = arith.extui %ge3A_339 : i1 to i32
        %cond3A_341 = arith.constant 0 : i32
        %cond3A_342 = arith.cmpi ne, %convert_element_type3A_340, %cond3A_341 : i32
        scf.if %cond3A_342 {
          %dma_wait3A_353 = arith.constant 0 : i32
          %dma_wait3A_354 = arith.constant 0 : i32
          %dma_wait3A_355 = tpu.memref_slice %arg8[%dma_wait3A_353, %dma_wait3A_354] : memref<56x50xi32, #tpu.memory_space<vmem>> -> memref<1x50xi32, #tpu.memory_space<vmem>>
          %dma_wait3A_356 = tpu.memref_squeeze %dma_wait3A_355 : memref<1x50xi32, #tpu.memory_space<vmem>> -> memref<50xi32, #tpu.memory_space<vmem>>
          %dma_wait3A_357 = arith.constant 0 : i32
          %dma_wait3A_358 = arith.constant 0 : i32
          %dma_wait3A_359 = tpu.memref_slice %arg13[%dma_wait3A_357, %dma_wait3A_358] : memref<10240x128xf32, #tpu.memory_space<vmem_shared>> -> memref<10240x128xf32, #tpu.memory_space<vmem_shared>>
          tpu.wait_indirect_dma semaphore(%arg18 : memref<!tpu.dma_semaphore, #tpu.memory_space<semaphore_mem>>) src(%arg9 : memref<50x128xf32, #tpu.memory_space<vmem>>) dst(%dma_wait3A_359 : memref<10240x128xf32, #tpu.memory_space<vmem_shared>>)
        } else {
        }
        %add3A_343 = arith.constant 4 : i32
        %add3A_344 = arith.addi %add3A_267, %add3A_343 : i32
        %sub3A_345 = arith.constant 1 : i32
        %sub3A_346 = arith.subi %add3A_344, %sub3A_345 : i32
        %dma_start3A_347 = arith.constant 0 : i32
        %dma_start3A_348 = tpu.memref_slice %arg7[%sub3A_346, %dma_start3A_347] : memref<56x50xi32, #tpu.memory_space<vmem>> -> memref<1x50xi32, #tpu.memory_space<vmem>>
        %dma_start3A_349 = tpu.memref_squeeze %dma_start3A_348 : memref<1x50xi32, #tpu.memory_space<vmem>> -> memref<50xi32, #tpu.memory_space<vmem>>
        %dma_start3A_350 = arith.constant 0 : i32
        %dma_start3A_351 = arith.constant 0 : i32
        %dma_start3A_352 = tpu.memref_slice %arg2[%dma_start3A_350, %dma_start3A_351] : memref<20480x128xf32, #tpu.memory_space<hbm>> -> memref<20480x128xf32, #tpu.memory_space<hbm>>
        tpu.enqueue_indirect_dma source(%dma_start3A_352 : memref<20480x128xf32, #tpu.memory_space<hbm>>) target(%arg9 : memref<50x128xf32, #tpu.memory_space<vmem>>) offsets(%dma_start3A_349 : memref<50xi32, #tpu.memory_space<vmem>>) semaphore(%arg14 : memref<!tpu.dma_semaphore, #tpu.memory_space<semaphore_mem>>)
      } else {
      }
      %dma_wait3A_277 = arith.constant 0 : i32
      %dma_wait3A_278 = tpu.memref_slice %arg7[%add3A_267, %dma_wait3A_277] : memref<56x50xi32, #tpu.memory_space<vmem>> -> memref<1x50xi32, #tpu.memory_space<vmem>>
      %dma_wait3A_279 = tpu.memref_squeeze %dma_wait3A_278 : memref<1x50xi32, #tpu.memory_space<vmem>> -> memref<50xi32, #tpu.memory_space<vmem>>
      %dma_wait3A_280 = arith.constant 0 : i32
      %dma_wait3A_281 = arith.constant 0 : i32
      %dma_wait3A_282 = tpu.memref_slice %arg2[%dma_wait3A_280, %dma_wait3A_281] : memref<20480x128xf32, #tpu.memory_space<hbm>> -> memref<20480x128xf32, #tpu.memory_space<hbm>>
      tpu.wait_indirect_dma semaphore(%arg15 : memref<!tpu.dma_semaphore, #tpu.memory_space<semaphore_mem>>) src(%dma_wait3A_282 : memref<20480x128xf32, #tpu.memory_space<hbm>>) dst(%arg10 : memref<50x128xf32, #tpu.memory_space<vmem>>)
      %dma_start3A_283 = arith.constant 0 : i32
      %dma_start3A_284 = tpu.memref_slice %arg8[%add3A_267, %dma_start3A_283] : memref<56x50xi32, #tpu.memory_space<vmem>> -> memref<1x50xi32, #tpu.memory_space<vmem>>
      %dma_start3A_285 = tpu.memref_squeeze %dma_start3A_284 : memref<1x50xi32, #tpu.memory_space<vmem>> -> memref<50xi32, #tpu.memory_space<vmem>>
      %dma_start3A_286 = arith.constant 0 : i32
      %dma_start3A_287 = arith.constant 0 : i32
      %dma_start3A_288 = tpu.memref_slice %arg13[%dma_start3A_286, %dma_start3A_287] : memref<10240x128xf32, #tpu.memory_space<vmem_shared>> -> memref<10240x128xf32, #tpu.memory_space<vmem_shared>>
      tpu.enqueue_indirect_dma source(%arg10 : memref<50x128xf32, #tpu.memory_space<vmem>>) target(%dma_start3A_288 : memref<10240x128xf32, #tpu.memory_space<vmem_shared>>) offsets(%dma_start3A_285 : memref<50xi32, #tpu.memory_space<vmem>>) semaphore(%arg19 : memref<!tpu.dma_semaphore, #tpu.memory_space<semaphore_mem>>) {add = true}
      %mul3A_289 = arith.constant 4 : i32
      %mul3A_290 = arith.muli %mul3A_289, %scan3A_242 : i32
      %add3A_291 = arith.constant 2 : i32
      %add3A_292 = arith.addi %mul3A_290, %add3A_291 : i32
      %add3A_293 = arith.constant 4 : i32
      %add3A_294 = arith.addi %add3A_292, %add3A_293 : i32
      %sub3A_295 = arith.constant 1 : i32
      %sub3A_296 = arith.subi %add3A_294, %sub3A_295 : i32
      %lt3A_297 = arith.constant 56 : i32
      %lt3A_298 = arith.cmpi slt, %sub3A_296, %lt3A_297 : i32
      %convert_element_type3A_299 = arith.extui %lt3A_298 : i1 to i32
      %cond3A_300 = arith.constant 0 : i32
      %cond3A_301 = arith.cmpi ne, %convert_element_type3A_299, %cond3A_300 : i32
      scf.if %cond3A_301 {
        %ge3A = arith.constant 1 : i32
        %ge3A_339 = arith.cmpi sge, %add3A_292, %ge3A : i32
        %convert_element_type3A_340 = arith.extui %ge3A_339 : i1 to i32
        %cond3A_341 = arith.constant 0 : i32
        %cond3A_342 = arith.cmpi ne, %convert_element_type3A_340, %cond3A_341 : i32
        scf.if %cond3A_342 {
          %dma_wait3A_353 = arith.constant 0 : i32
          %dma_wait3A_354 = arith.constant 0 : i32
          %dma_wait3A_355 = tpu.memref_slice %arg8[%dma_wait3A_353, %dma_wait3A_354] : memref<56x50xi32, #tpu.memory_space<vmem>> -> memref<1x50xi32, #tpu.memory_space<vmem>>
          %dma_wait3A_356 = tpu.memref_squeeze %dma_wait3A_355 : memref<1x50xi32, #tpu.memory_space<vmem>> -> memref<50xi32, #tpu.memory_space<vmem>>
          %dma_wait3A_357 = arith.constant 0 : i32
          %dma_wait3A_358 = arith.constant 0 : i32
          %dma_wait3A_359 = tpu.memref_slice %arg13[%dma_wait3A_357, %dma_wait3A_358] : memref<10240x128xf32, #tpu.memory_space<vmem_shared>> -> memref<10240x128xf32, #tpu.memory_space<vmem_shared>>
          tpu.wait_indirect_dma semaphore(%arg19 : memref<!tpu.dma_semaphore, #tpu.memory_space<semaphore_mem>>) src(%arg10 : memref<50x128xf32, #tpu.memory_space<vmem>>) dst(%dma_wait3A_359 : memref<10240x128xf32, #tpu.memory_space<vmem_shared>>)
        } else {
        }
        %add3A_343 = arith.constant 4 : i32
        %add3A_344 = arith.addi %add3A_292, %add3A_343 : i32
        %sub3A_345 = arith.constant 1 : i32
        %sub3A_346 = arith.subi %add3A_344, %sub3A_345 : i32
        %dma_start3A_347 = arith.constant 0 : i32
        %dma_start3A_348 = tpu.memref_slice %arg7[%sub3A_346, %dma_start3A_347] : memref<56x50xi32, #tpu.memory_space<vmem>> -> memref<1x50xi32, #tpu.memory_space<vmem>>
        %dma_start3A_349 = tpu.memref_squeeze %dma_start3A_348 : memref<1x50xi32, #tpu.memory_space<vmem>> -> memref<50xi32, #tpu.memory_space<vmem>>
        %dma_start3A_350 = arith.constant 0 : i32
        %dma_start3A_351 = arith.constant 0 : i32
        %dma_start3A_352 = tpu.memref_slice %arg2[%dma_start3A_350, %dma_start3A_351] : memref<20480x128xf32, #tpu.memory_space<hbm>> -> memref<20480x128xf32, #tpu.memory_space<hbm>>
        tpu.enqueue_indirect_dma source(%dma_start3A_352 : memref<20480x128xf32, #tpu.memory_space<hbm>>) target(%arg10 : memref<50x128xf32, #tpu.memory_space<vmem>>) offsets(%dma_start3A_349 : memref<50xi32, #tpu.memory_space<vmem>>) semaphore(%arg15 : memref<!tpu.dma_semaphore, #tpu.memory_space<semaphore_mem>>)
      } else {
      }
      %dma_wait3A_302 = arith.constant 0 : i32
      %dma_wait3A_303 = tpu.memref_slice %arg7[%add3A_292, %dma_wait3A_302] : memref<56x50xi32, #tpu.memory_space<vmem>> -> memref<1x50xi32, #tpu.memory_space<vmem>>
      %dma_wait3A_304 = tpu.memref_squeeze %dma_wait3A_303 : memref<1x50xi32, #tpu.memory_space<vmem>> -> memref<50xi32, #tpu.memory_space<vmem>>
      %dma_wait3A_305 = arith.constant 0 : i32
      %dma_wait3A_306 = arith.constant 0 : i32
      %dma_wait3A_307 = tpu.memref_slice %arg2[%dma_wait3A_305, %dma_wait3A_306] : memref<20480x128xf32, #tpu.memory_space<hbm>> -> memref<20480x128xf32, #tpu.memory_space<hbm>>
      tpu.wait_indirect_dma semaphore(%arg16 : memref<!tpu.dma_semaphore, #tpu.memory_space<semaphore_mem>>) src(%dma_wait3A_307 : memref<20480x128xf32, #tpu.memory_space<hbm>>) dst(%arg11 : memref<50x128xf32, #tpu.memory_space<vmem>>)
      %dma_start3A_308 = arith.constant 0 : i32
      %dma_start3A_309 = tpu.memref_slice %arg8[%add3A_292, %dma_start3A_308] : memref<56x50xi32, #tpu.memory_space<vmem>> -> memref<1x50xi32, #tpu.memory_space<vmem>>
      %dma_start3A_310 = tpu.memref_squeeze %dma_start3A_309 : memref<1x50xi32, #tpu.memory_space<vmem>> -> memref<50xi32, #tpu.memory_space<vmem>>
      %dma_start3A_311 = arith.constant 0 : i32
      %dma_start3A_312 = arith.constant 0 : i32
      %dma_start3A_313 = tpu.memref_slice %arg13[%dma_start3A_311, %dma_start3A_312] : memref<10240x128xf32, #tpu.memory_space<vmem_shared>> -> memref<10240x128xf32, #tpu.memory_space<vmem_shared>>
      tpu.enqueue_indirect_dma source(%arg11 : memref<50x128xf32, #tpu.memory_space<vmem>>) target(%dma_start3A_313 : memref<10240x128xf32, #tpu.memory_space<vmem_shared>>) offsets(%dma_start3A_310 : memref<50xi32, #tpu.memory_space<vmem>>) semaphore(%arg20 : memref<!tpu.dma_semaphore, #tpu.memory_space<semaphore_mem>>) {add = true}
      %mul3A_314 = arith.constant 4 : i32
      %mul3A_315 = arith.muli %mul3A_314, %scan3A_242 : i32
      %add3A_316 = arith.constant 3 : i32
      %add3A_317 = arith.addi %mul3A_315, %add3A_316 : i32
      %add3A_318 = arith.constant 4 : i32
      %add3A_319 = arith.addi %add3A_317, %add3A_318 : i32
      %sub3A_320 = arith.constant 1 : i32
      %sub3A_321 = arith.subi %add3A_319, %sub3A_320 : i32
      %lt3A_322 = arith.constant 56 : i32
      %lt3A_323 = arith.cmpi slt, %sub3A_321, %lt3A_322 : i32
      %convert_element_type3A_324 = arith.extui %lt3A_323 : i1 to i32
      %cond3A_325 = arith.constant 0 : i32
      %cond3A_326 = arith.cmpi ne, %convert_element_type3A_324, %cond3A_325 : i32
      scf.if %cond3A_326 {
        %ge3A = arith.constant 1 : i32
        %ge3A_339 = arith.cmpi sge, %add3A_317, %ge3A : i32
        %convert_element_type3A_340 = arith.extui %ge3A_339 : i1 to i32
        %cond3A_341 = arith.constant 0 : i32
        %cond3A_342 = arith.cmpi ne, %convert_element_type3A_340, %cond3A_341 : i32
        scf.if %cond3A_342 {
          %dma_wait3A_353 = arith.constant 0 : i32
          %dma_wait3A_354 = arith.constant 0 : i32
          %dma_wait3A_355 = tpu.memref_slice %arg8[%dma_wait3A_353, %dma_wait3A_354] : memref<56x50xi32, #tpu.memory_space<vmem>> -> memref<1x50xi32, #tpu.memory_space<vmem>>
          %dma_wait3A_356 = tpu.memref_squeeze %dma_wait3A_355 : memref<1x50xi32, #tpu.memory_space<vmem>> -> memref<50xi32, #tpu.memory_space<vmem>>
          %dma_wait3A_357 = arith.constant 0 : i32
          %dma_wait3A_358 = arith.constant 0 : i32
          %dma_wait3A_359 = tpu.memref_slice %arg13[%dma_wait3A_357, %dma_wait3A_358] : memref<10240x128xf32, #tpu.memory_space<vmem_shared>> -> memref<10240x128xf32, #tpu.memory_space<vmem_shared>>
          tpu.wait_indirect_dma semaphore(%arg20 : memref<!tpu.dma_semaphore, #tpu.memory_space<semaphore_mem>>) src(%arg11 : memref<50x128xf32, #tpu.memory_space<vmem>>) dst(%dma_wait3A_359 : memref<10240x128xf32, #tpu.memory_space<vmem_shared>>)
        } else {
        }
        %add3A_343 = arith.constant 4 : i32
        %add3A_344 = arith.addi %add3A_317, %add3A_343 : i32
        %sub3A_345 = arith.constant 1 : i32
        %sub3A_346 = arith.subi %add3A_344, %sub3A_345 : i32
        %dma_start3A_347 = arith.constant 0 : i32
        %dma_start3A_348 = tpu.memref_slice %arg7[%sub3A_346, %dma_start3A_347] : memref<56x50xi32, #tpu.memory_space<vmem>> -> memref<1x50xi32, #tpu.memory_space<vmem>>
        %dma_start3A_349 = tpu.memref_squeeze %dma_start3A_348 : memref<1x50xi32, #tpu.memory_space<vmem>> -> memref<50xi32, #tpu.memory_space<vmem>>
        %dma_start3A_350 = arith.constant 0 : i32
        %dma_start3A_351 = arith.constant 0 : i32
        %dma_start3A_352 = tpu.memref_slice %arg2[%dma_start3A_350, %dma_start3A_351] : memref<20480x128xf32, #tpu.memory_space<hbm>> -> memref<20480x128xf32, #tpu.memory_space<hbm>>
        tpu.enqueue_indirect_dma source(%dma_start3A_352 : memref<20480x128xf32, #tpu.memory_space<hbm>>) target(%arg11 : memref<50x128xf32, #tpu.memory_space<vmem>>) offsets(%dma_start3A_349 : memref<50xi32, #tpu.memory_space<vmem>>) semaphore(%arg16 : memref<!tpu.dma_semaphore, #tpu.memory_space<semaphore_mem>>)
      } else {
      }
      %dma_wait3A_327 = arith.constant 0 : i32
      %dma_wait3A_328 = tpu.memref_slice %arg7[%add3A_317, %dma_wait3A_327] : memref<56x50xi32, #tpu.memory_space<vmem>> -> memref<1x50xi32, #tpu.memory_space<vmem>>
      %dma_wait3A_329 = tpu.memref_squeeze %dma_wait3A_328 : memref<1x50xi32, #tpu.memory_space<vmem>> -> memref<50xi32, #tpu.memory_space<vmem>>
      %dma_wait3A_330 = arith.constant 0 : i32
      %dma_wait3A_331 = arith.constant 0 : i32
      %dma_wait3A_332 = tpu.memref_slice %arg2[%dma_wait3A_330, %dma_wait3A_331] : memref<20480x128xf32, #tpu.memory_space<hbm>> -> memref<20480x128xf32, #tpu.memory_space<hbm>>
      tpu.wait_indirect_dma semaphore(%arg17 : memref<!tpu.dma_semaphore, #tpu.memory_space<semaphore_mem>>) src(%dma_wait3A_332 : memref<20480x128xf32, #tpu.memory_space<hbm>>) dst(%arg12 : memref<50x128xf32, #tpu.memory_space<vmem>>)
      %dma_start3A_333 = arith.constant 0 : i32
      %dma_start3A_334 = tpu.memref_slice %arg8[%add3A_317, %dma_start3A_333] : memref<56x50xi32, #tpu.memory_space<vmem>> -> memref<1x50xi32, #tpu.memory_space<vmem>>
      %dma_start3A_335 = tpu.memref_squeeze %dma_start3A_334 : memref<1x50xi32, #tpu.memory_space<vmem>> -> memref<50xi32, #tpu.memory_space<vmem>>
      %dma_start3A_336 = arith.constant 0 : i32
      %dma_start3A_337 = arith.constant 0 : i32
      %dma_start3A_338 = tpu.memref_slice %arg13[%dma_start3A_336, %dma_start3A_337] : memref<10240x128xf32, #tpu.memory_space<vmem_shared>> -> memref<10240x128xf32, #tpu.memory_space<vmem_shared>>
      tpu.enqueue_indirect_dma source(%arg12 : memref<50x128xf32, #tpu.memory_space<vmem>>) target(%dma_start3A_338 : memref<10240x128xf32, #tpu.memory_space<vmem_shared>>) offsets(%dma_start3A_335 : memref<50xi32, #tpu.memory_space<vmem>>) semaphore(%arg21 : memref<!tpu.dma_semaphore, #tpu.memory_space<semaphore_mem>>) {add = true}
    }
    %scan3A_32 = arith.constant 14 : i32
    %dma_wait3A = arith.constant 0 : i32
    %dma_wait3A_33 = arith.constant 0 : i32
    %dma_wait3A_34 = tpu.memref_slice %arg8[%dma_wait3A, %dma_wait3A_33] : memref<56x50xi32, #tpu.memory_space<vmem>> -> memref<1x50xi32, #tpu.memory_space<vmem>>
    %dma_wait3A_35 = tpu.memref_squeeze %dma_wait3A_34 : memref<1x50xi32, #tpu.memory_space<vmem>> -> memref<50xi32, #tpu.memory_space<vmem>>
    %dma_wait3A_36 = arith.constant 0 : i32
    %dma_wait3A_37 = arith.constant 0 : i32
    %dma_wait3A_38 = tpu.memref_slice %arg13[%dma_wait3A_36, %dma_wait3A_37] : memref<10240x128xf32, #tpu.memory_space<vmem_shared>> -> memref<10240x128xf32, #tpu.memory_space<vmem_shared>>
    tpu.wait_indirect_dma semaphore(%arg18 : memref<!tpu.dma_semaphore, #tpu.memory_space<semaphore_mem>>) src(%arg9 : memref<50x128xf32, #tpu.memory_space<vmem>>) dst(%dma_wait3A_38 : memref<10240x128xf32, #tpu.memory_space<vmem_shared>>)
    %dma_wait3A_39 = arith.constant 0 : i32
    %dma_wait3A_40 = arith.constant 0 : i32
    %dma_wait3A_41 = tpu.memref_slice %arg8[%dma_wait3A_39, %dma_wait3A_40] : memref<56x50xi32, #tpu.memory_space<vmem>> -> memref<1x50xi32, #tpu.memory_space<vmem>>
    %dma_wait3A_42 = tpu.memref_squeeze %dma_wait3A_41 : memref<1x50xi32, #tpu.memory_space<vmem>> -> memref<50xi32, #tpu.memory_space<vmem>>
    %dma_wait3A_43 = arith.constant 0 : i32
    %dma_wait3A_44 = arith.constant 0 : i32
    %dma_wait3A_45 = tpu.memref_slice %arg13[%dma_wait3A_43, %dma_wait3A_44] : memref<10240x128xf32, #tpu.memory_space<vmem_shared>> -> memref<10240x128xf32, #tpu.memory_space<vmem_shared>>
    tpu.wait_indirect_dma semaphore(%arg19 : memref<!tpu.dma_semaphore, #tpu.memory_space<semaphore_mem>>) src(%arg10 : memref<50x128xf32, #tpu.memory_space<vmem>>) dst(%dma_wait3A_45 : memref<10240x128xf32, #tpu.memory_space<vmem_shared>>)
    %dma_wait3A_46 = arith.constant 0 : i32
    %dma_wait3A_47 = arith.constant 0 : i32
    %dma_wait3A_48 = tpu.memref_slice %arg8[%dma_wait3A_46, %dma_wait3A_47] : memref<56x50xi32, #tpu.memory_space<vmem>> -> memref<1x50xi32, #tpu.memory_space<vmem>>
    %dma_wait3A_49 = tpu.memref_squeeze %dma_wait3A_48 : memref<1x50xi32, #tpu.memory_space<vmem>> -> memref<50xi32, #tpu.memory_space<vmem>>
    %dma_wait3A_50 = arith.constant 0 : i32
    %dma_wait3A_51 = arith.constant 0 : i32
    %dma_wait3A_52 = tpu.memref_slice %arg13[%dma_wait3A_50, %dma_wait3A_51] : memref<10240x128xf32, #tpu.memory_space<vmem_shared>> -> memref<10240x128xf32, #tpu.memory_space<vmem_shared>>
    tpu.wait_indirect_dma semaphore(%arg20 : memref<!tpu.dma_semaphore, #tpu.memory_space<semaphore_mem>>) src(%arg11 : memref<50x128xf32, #tpu.memory_space<vmem>>) dst(%dma_wait3A_52 : memref<10240x128xf32, #tpu.memory_space<vmem_shared>>)
    %dma_wait3A_53 = arith.constant 0 : i32
    %dma_wait3A_54 = arith.constant 0 : i32
    %dma_wait3A_55 = tpu.memref_slice %arg8[%dma_wait3A_53, %dma_wait3A_54] : memref<56x50xi32, #tpu.memory_space<vmem>> -> memref<1x50xi32, #tpu.memory_space<vmem>>
    %dma_wait3A_56 = tpu.memref_squeeze %dma_wait3A_55 : memref<1x50xi32, #tpu.memory_space<vmem>> -> memref<50xi32, #tpu.memory_space<vmem>>
    %dma_wait3A_57 = arith.constant 0 : i32
    %dma_wait3A_58 = arith.constant 0 : i32
    %dma_wait3A_59 = tpu.memref_slice %arg13[%dma_wait3A_57, %dma_wait3A_58] : memref<10240x128xf32, #tpu.memory_space<vmem_shared>> -> memref<10240x128xf32, #tpu.memory_space<vmem_shared>>
    tpu.wait_indirect_dma semaphore(%arg21 : memref<!tpu.dma_semaphore, #tpu.memory_space<semaphore_mem>>) src(%arg12 : memref<50x128xf32, #tpu.memory_space<vmem>>) dst(%dma_wait3A_59 : memref<10240x128xf32, #tpu.memory_space<vmem_shared>>)
    %mul3A_60 = arith.constant 200 : i32
    %mul3A_61 = arith.muli %arg1, %mul3A_60 : i32
    %add3A_62 = arith.constant 56 : i32
    %add3A_63 = arith.addi %mul3A_61, %add3A_62 : i32
    "tpu.region"() ({
      %run_scoped3A = tpu.sem_alloc : memref<!tpu.dma_semaphore, #tpu.memory_space<semaphore_mem>>
      %dma_start3A_242 = arith.constant 0 : i32
      %dma_start3A_243 = arith.constant 0 : i32
      %dma_start3A_244 = tpu.memref_slice %arg7[%dma_start3A_242, %dma_start3A_243] : memref<56x50xi32, #tpu.memory_space<vmem>> -> memref<48x50xi32, #tpu.memory_space<vmem>>
      %dma_start3A_245 = arith.constant 0 : i32
      %dma_start3A_246 = tpu.memref_slice %arg3[%arg0, %add3A_63, %dma_start3A_245] : memref<2x3200x50xi32, #tpu.memory_space<hbm>> -> memref<1x48x50xi32, #tpu.memory_space<hbm>>
      %dma_start3A_247 = tpu.memref_squeeze %dma_start3A_246 : memref<1x48x50xi32, #tpu.memory_space<hbm>> -> memref<48x50xi32, #tpu.memory_space<hbm>>
      %dma_start3A_248 = arith.constant 0 : i32
      %dma_start3A_249 = arith.constant 0 : i32
      %dma_start3A_250 = tpu.memref_slice %arg7[%dma_start3A_248, %dma_start3A_249] : memref<56x50xi32, #tpu.memory_space<vmem>> -> memref<48x50xi32, #tpu.memory_space<vmem>>
      %dma_start3A_251 = arith.constant 0 : i32
      %dma_start3A_252 = tpu.memref_slice %arg3[%arg0, %add3A_63, %dma_start3A_251] : memref<2x3200x50xi32, #tpu.memory_space<hbm>> -> memref<1x48x50xi32, #tpu.memory_space<hbm>>
      %dma_start3A_253 = tpu.memref_squeeze %dma_start3A_252 : memref<1x48x50xi32, #tpu.memory_space<hbm>> -> memref<48x50xi32, #tpu.memory_space<hbm>>
      tpu.enqueue_dma source(%dma_start3A_253 : memref<48x50xi32, #tpu.memory_space<hbm>>) target(%dma_start3A_250 : memref<48x50xi32, #tpu.memory_space<vmem>>) target_semaphore(%run_scoped3A : memref<!tpu.dma_semaphore, #tpu.memory_space<semaphore_mem>>)
      %dma_wait3A_254 = arith.constant 0 : i32
      %dma_wait3A_255 = arith.constant 0 : i32
      %dma_wait3A_256 = tpu.memref_slice %arg7[%dma_wait3A_254, %dma_wait3A_255] : memref<56x50xi32, #tpu.memory_space<vmem>> -> memref<48x50xi32, #tpu.memory_space<vmem>>
      %dma_wait3A_257 = arith.constant 0 : i32
      %dma_wait3A_258 = tpu.memref_slice %arg3[%arg0, %add3A_63, %dma_wait3A_257] : memref<2x3200x50xi32, #tpu.memory_space<hbm>> -> memref<1x48x50xi32, #tpu.memory_space<hbm>>
      %dma_wait3A_259 = tpu.memref_squeeze %dma_wait3A_258 : memref<1x48x50xi32, #tpu.memory_space<hbm>> -> memref<48x50xi32, #tpu.memory_space<hbm>>
      %dma_wait3A_260 = arith.constant 0 : i32
      %dma_wait3A_261 = arith.constant 0 : i32
      %dma_wait3A_262 = tpu.memref_slice %arg7[%dma_wait3A_260, %dma_wait3A_261] : memref<56x50xi32, #tpu.memory_space<vmem>> -> memref<48x50xi32, #tpu.memory_space<vmem>>
      %dma_wait3A_263 = arith.constant 0 : i32
      %dma_wait3A_264 = tpu.memref_slice %arg3[%arg0, %add3A_63, %dma_wait3A_263] : memref<2x3200x50xi32, #tpu.memory_space<hbm>> -> memref<1x48x50xi32, #tpu.memory_space<hbm>>
      %dma_wait3A_265 = tpu.memref_squeeze %dma_wait3A_264 : memref<1x48x50xi32, #tpu.memory_space<hbm>> -> memref<48x50xi32, #tpu.memory_space<hbm>>
      tpu.wait_dma2 semaphore(%run_scoped3A : memref<!tpu.dma_semaphore, #tpu.memory_space<semaphore_mem>>) src(%dma_wait3A_265 : memref<48x50xi32, #tpu.memory_space<hbm>>) dst(%dma_wait3A_262 : memref<48x50xi32, #tpu.memory_space<vmem>>)
      tpu.yield
    }) : () -> ()
    "tpu.region"() ({
      %run_scoped3A = tpu.sem_alloc : memref<!tpu.dma_semaphore, #tpu.memory_space<semaphore_mem>>
      %dma_start3A_242 = arith.constant 0 : i32
      %dma_start3A_243 = arith.constant 0 : i32
      %dma_start3A_244 = tpu.memref_slice %arg8[%dma_start3A_242, %dma_start3A_243] : memref<56x50xi32, #tpu.memory_space<vmem>> -> memref<48x50xi32, #tpu.memory_space<vmem>>
      %dma_start3A_245 = arith.constant 0 : i32
      %dma_start3A_246 = tpu.memref_slice %arg4[%add3A_63, %dma_start3A_245] : memref<3200x50xi32, #tpu.memory_space<hbm>> -> memref<48x50xi32, #tpu.memory_space<hbm>>
      %dma_start3A_247 = arith.constant 0 : i32
      %dma_start3A_248 = arith.constant 0 : i32
      %dma_start3A_249 = tpu.memref_slice %arg8[%dma_start3A_247, %dma_start3A_248] : memref<56x50xi32, #tpu.memory_space<vmem>> -> memref<48x50xi32, #tpu.memory_space<vmem>>
      %dma_start3A_250 = arith.constant 0 : i32
      %dma_start3A_251 = tpu.memref_slice %arg4[%add3A_63, %dma_start3A_250] : memref<3200x50xi32, #tpu.memory_space<hbm>> -> memref<48x50xi32, #tpu.memory_space<hbm>>
      tpu.enqueue_dma source(%dma_start3A_251 : memref<48x50xi32, #tpu.memory_space<hbm>>) target(%dma_start3A_249 : memref<48x50xi32, #tpu.memory_space<vmem>>) target_semaphore(%run_scoped3A : memref<!tpu.dma_semaphore, #tpu.memory_space<semaphore_mem>>)
      %dma_wait3A_252 = arith.constant 0 : i32
      %dma_wait3A_253 = arith.constant 0 : i32
      %dma_wait3A_254 = tpu.memref_slice %arg8[%dma_wait3A_252, %dma_wait3A_253] : memref<56x50xi32, #tpu.memory_space<vmem>> -> memref<48x50xi32, #tpu.memory_space<vmem>>
      %dma_wait3A_255 = arith.constant 0 : i32
      %dma_wait3A_256 = tpu.memref_slice %arg4[%add3A_63, %dma_wait3A_255] : memref<3200x50xi32, #tpu.memory_space<hbm>> -> memref<48x50xi32, #tpu.memory_space<hbm>>
      %dma_wait3A_257 = arith.constant 0 : i32
      %dma_wait3A_258 = arith.constant 0 : i32
      %dma_wait3A_259 = tpu.memref_slice %arg8[%dma_wait3A_257, %dma_wait3A_258] : memref<56x50xi32, #tpu.memory_space<vmem>> -> memref<48x50xi32, #tpu.memory_space<vmem>>
      %dma_wait3A_260 = arith.constant 0 : i32
      %dma_wait3A_261 = tpu.memref_slice %arg4[%add3A_63, %dma_wait3A_260] : memref<3200x50xi32, #tpu.memory_space<hbm>> -> memref<48x50xi32, #tpu.memory_space<hbm>>
      tpu.wait_dma2 semaphore(%run_scoped3A : memref<!tpu.dma_semaphore, #tpu.memory_space<semaphore_mem>>) src(%dma_wait3A_261 : memref<48x50xi32, #tpu.memory_space<hbm>>) dst(%dma_wait3A_259 : memref<48x50xi32, #tpu.memory_space<vmem>>)
      tpu.yield
    }) : () -> ()
    %dma_start3A_64 = arith.constant 0 : i32
    %dma_start3A_65 = arith.constant 0 : i32
    %dma_start3A_66 = tpu.memref_slice %arg7[%dma_start3A_64, %dma_start3A_65] : memref<56x50xi32, #tpu.memory_space<vmem>> -> memref<1x50xi32, #tpu.memory_space<vmem>>
    %dma_start3A_67 = tpu.memref_squeeze %dma_start3A_66 : memref<1x50xi32, #tpu.memory_space<vmem>> -> memref<50xi32, #tpu.memory_space<vmem>>
    %dma_start3A_68 = arith.constant 0 : i32
    %dma_start3A_69 = arith.constant 0 : i32
    %dma_start3A_70 = tpu.memref_slice %arg2[%dma_start3A_68, %dma_start3A_69] : memref<20480x128xf32, #tpu.memory_space<hbm>> -> memref<20480x128xf32, #tpu.memory_space<hbm>>
    tpu.enqueue_indirect_dma source(%dma_start3A_70 : memref<20480x128xf32, #tpu.memory_space<hbm>>) target(%arg9 : memref<50x128xf32, #tpu.memory_space<vmem>>) offsets(%dma_start3A_67 : memref<50xi32, #tpu.memory_space<vmem>>) semaphore(%arg14 : memref<!tpu.dma_semaphore, #tpu.memory_space<semaphore_mem>>)
    %dma_start3A_71 = arith.constant 1 : i32
    %dma_start3A_72 = arith.constant 0 : i32
    %dma_start3A_73 = tpu.memref_slice %arg7[%dma_start3A_71, %dma_start3A_72] : memref<56x50xi32, #tpu.memory_space<vmem>> -> memref<1x50xi32, #tpu.memory_space<vmem>>
    %dma_start3A_74 = tpu.memref_squeeze %dma_start3A_73 : memref<1x50xi32, #tpu.memory_space<vmem>> -> memref<50xi32, #tpu.memory_space<vmem>>
    %dma_start3A_75 = arith.constant 0 : i32
    %dma_start3A_76 = arith.constant 0 : i32
    %dma_start3A_77 = tpu.memref_slice %arg2[%dma_start3A_75, %dma_start3A_76] : memref<20480x128xf32, #tpu.memory_space<hbm>> -> memref<20480x128xf32, #tpu.memory_space<hbm>>
    tpu.enqueue_indirect_dma source(%dma_start3A_77 : memref<20480x128xf32, #tpu.memory_space<hbm>>) target(%arg10 : memref<50x128xf32, #tpu.memory_space<vmem>>) offsets(%dma_start3A_74 : memref<50xi32, #tpu.memory_space<vmem>>) semaphore(%arg15 : memref<!tpu.dma_semaphore, #tpu.memory_space<semaphore_mem>>)
    %dma_start3A_78 = arith.constant 2 : i32
    %dma_start3A_79 = arith.constant 0 : i32
    %dma_start3A_80 = tpu.memref_slice %arg7[%dma_start3A_78, %dma_start3A_79] : memref<56x50xi32, #tpu.memory_space<vmem>> -> memref<1x50xi32, #tpu.memory_space<vmem>>
    %dma_start3A_81 = tpu.memref_squeeze %dma_start3A_80 : memref<1x50xi32, #tpu.memory_space<vmem>> -> memref<50xi32, #tpu.memory_space<vmem>>
    %dma_start3A_82 = arith.constant 0 : i32
    %dma_start3A_83 = arith.constant 0 : i32
    %dma_start3A_84 = tpu.memref_slice %arg2[%dma_start3A_82, %dma_start3A_83] : memref<20480x128xf32, #tpu.memory_space<hbm>> -> memref<20480x128xf32, #tpu.memory_space<hbm>>
    tpu.enqueue_indirect_dma source(%dma_start3A_84 : memref<20480x128xf32, #tpu.memory_space<hbm>>) target(%arg11 : memref<50x128xf32, #tpu.memory_space<vmem>>) offsets(%dma_start3A_81 : memref<50xi32, #tpu.memory_space<vmem>>) semaphore(%arg16 : memref<!tpu.dma_semaphore, #tpu.memory_space<semaphore_mem>>)
    %scan3A_85 = arith.constant 0 : i32
    %scan3A_86 = arith.constant 0 : i32
    %scan3A_87 = arith.constant 12 : i32
    %scan3A_88 = arith.addi %scan3A_86, %scan3A_87 : i32
    %scan3A_89 = arith.constant 1 : i32
    scf.for %scan3A_242 = %scan3A_86 to %scan3A_88 step %scan3A_89  : i32 {
      %mul3A_243 = arith.constant 4 : i32
      %mul3A_244 = arith.muli %mul3A_243, %scan3A_242 : i32
      %add3A_245 = arith.constant 0 : i32
      %add3A_246 = arith.addi %mul3A_244, %add3A_245 : i32
      %add3A_247 = arith.constant 4 : i32
      %add3A_248 = arith.addi %add3A_246, %add3A_247 : i32
      %sub3A = arith.constant 1 : i32
      %sub3A_249 = arith.subi %add3A_248, %sub3A : i32
      %lt3A = arith.constant 48 : i32
      %lt3A_250 = arith.cmpi slt, %sub3A_249, %lt3A : i32
      %convert_element_type3A = arith.extui %lt3A_250 : i1 to i32
      %cond3A = arith.constant 0 : i32
      %cond3A_251 = arith.cmpi ne, %convert_element_type3A, %cond3A : i32
      scf.if %cond3A_251 {
        %ge3A = arith.constant 1 : i32
        %ge3A_339 = arith.cmpi sge, %add3A_246, %ge3A : i32
        %convert_element_type3A_340 = arith.extui %ge3A_339 : i1 to i32
        %cond3A_341 = arith.constant 0 : i32
        %cond3A_342 = arith.cmpi ne, %convert_element_type3A_340, %cond3A_341 : i32
        scf.if %cond3A_342 {
          %dma_wait3A_353 = arith.constant 0 : i32
          %dma_wait3A_354 = arith.constant 0 : i32
          %dma_wait3A_355 = tpu.memref_slice %arg8[%dma_wait3A_353, %dma_wait3A_354] : memref<56x50xi32, #tpu.memory_space<vmem>> -> memref<1x50xi32, #tpu.memory_space<vmem>>
          %dma_wait3A_356 = tpu.memref_squeeze %dma_wait3A_355 : memref<1x50xi32, #tpu.memory_space<vmem>> -> memref<50xi32, #tpu.memory_space<vmem>>
          %dma_wait3A_357 = arith.constant 0 : i32
          %dma_wait3A_358 = arith.constant 0 : i32
          %dma_wait3A_359 = tpu.memref_slice %arg13[%dma_wait3A_357, %dma_wait3A_358] : memref<10240x128xf32, #tpu.memory_space<vmem_shared>> -> memref<10240x128xf32, #tpu.memory_space<vmem_shared>>
          tpu.wait_indirect_dma semaphore(%arg21 : memref<!tpu.dma_semaphore, #tpu.memory_space<semaphore_mem>>) src(%arg12 : memref<50x128xf32, #tpu.memory_space<vmem>>) dst(%dma_wait3A_359 : memref<10240x128xf32, #tpu.memory_space<vmem_shared>>)
        } else {
        }
        %add3A_343 = arith.constant 4 : i32
        %add3A_344 = arith.addi %add3A_246, %add3A_343 : i32
        %sub3A_345 = arith.constant 1 : i32
        %sub3A_346 = arith.subi %add3A_344, %sub3A_345 : i32
        %dma_start3A_347 = arith.constant 0 : i32
        %dma_start3A_348 = tpu.memref_slice %arg7[%sub3A_346, %dma_start3A_347] : memref<56x50xi32, #tpu.memory_space<vmem>> -> memref<1x50xi32, #tpu.memory_space<vmem>>
        %dma_start3A_349 = tpu.memref_squeeze %dma_start3A_348 : memref<1x50xi32, #tpu.memory_space<vmem>> -> memref<50xi32, #tpu.memory_space<vmem>>
        %dma_start3A_350 = arith.constant 0 : i32
        %dma_start3A_351 = arith.constant 0 : i32
        %dma_start3A_352 = tpu.memref_slice %arg2[%dma_start3A_350, %dma_start3A_351] : memref<20480x128xf32, #tpu.memory_space<hbm>> -> memref<20480x128xf32, #tpu.memory_space<hbm>>
        tpu.enqueue_indirect_dma source(%dma_start3A_352 : memref<20480x128xf32, #tpu.memory_space<hbm>>) target(%arg12 : memref<50x128xf32, #tpu.memory_space<vmem>>) offsets(%dma_start3A_349 : memref<50xi32, #tpu.memory_space<vmem>>) semaphore(%arg17 : memref<!tpu.dma_semaphore, #tpu.memory_space<semaphore_mem>>)
      } else {
      }
      %dma_wait3A_252 = arith.constant 0 : i32
      %dma_wait3A_253 = tpu.memref_slice %arg7[%add3A_246, %dma_wait3A_252] : memref<56x50xi32, #tpu.memory_space<vmem>> -> memref<1x50xi32, #tpu.memory_space<vmem>>
      %dma_wait3A_254 = tpu.memref_squeeze %dma_wait3A_253 : memref<1x50xi32, #tpu.memory_space<vmem>> -> memref<50xi32, #tpu.memory_space<vmem>>
      %dma_wait3A_255 = arith.constant 0 : i32
      %dma_wait3A_256 = arith.constant 0 : i32
      %dma_wait3A_257 = tpu.memref_slice %arg2[%dma_wait3A_255, %dma_wait3A_256] : memref<20480x128xf32, #tpu.memory_space<hbm>> -> memref<20480x128xf32, #tpu.memory_space<hbm>>
      tpu.wait_indirect_dma semaphore(%arg14 : memref<!tpu.dma_semaphore, #tpu.memory_space<semaphore_mem>>) src(%dma_wait3A_257 : memref<20480x128xf32, #tpu.memory_space<hbm>>) dst(%arg9 : memref<50x128xf32, #tpu.memory_space<vmem>>)
      %dma_start3A_258 = arith.constant 0 : i32
      %dma_start3A_259 = tpu.memref_slice %arg8[%add3A_246, %dma_start3A_258] : memref<56x50xi32, #tpu.memory_space<vmem>> -> memref<1x50xi32, #tpu.memory_space<vmem>>
      %dma_start3A_260 = tpu.memref_squeeze %dma_start3A_259 : memref<1x50xi32, #tpu.memory_space<vmem>> -> memref<50xi32, #tpu.memory_space<vmem>>
      %dma_start3A_261 = arith.constant 0 : i32
      %dma_start3A_262 = arith.constant 0 : i32
      %dma_start3A_263 = tpu.memref_slice %arg13[%dma_start3A_261, %dma_start3A_262] : memref<10240x128xf32, #tpu.memory_space<vmem_shared>> -> memref<10240x128xf32, #tpu.memory_space<vmem_shared>>
      tpu.enqueue_indirect_dma source(%arg9 : memref<50x128xf32, #tpu.memory_space<vmem>>) target(%dma_start3A_263 : memref<10240x128xf32, #tpu.memory_space<vmem_shared>>) offsets(%dma_start3A_260 : memref<50xi32, #tpu.memory_space<vmem>>) semaphore(%arg18 : memref<!tpu.dma_semaphore, #tpu.memory_space<semaphore_mem>>) {add = true}
      %mul3A_264 = arith.constant 4 : i32
      %mul3A_265 = arith.muli %mul3A_264, %scan3A_242 : i32
      %add3A_266 = arith.constant 1 : i32
      %add3A_267 = arith.addi %mul3A_265, %add3A_266 : i32
      %add3A_268 = arith.constant 4 : i32
      %add3A_269 = arith.addi %add3A_267, %add3A_268 : i32
      %sub3A_270 = arith.constant 1 : i32
      %sub3A_271 = arith.subi %add3A_269, %sub3A_270 : i32
      %lt3A_272 = arith.constant 48 : i32
      %lt3A_273 = arith.cmpi slt, %sub3A_271, %lt3A_272 : i32
      %convert_element_type3A_274 = arith.extui %lt3A_273 : i1 to i32
      %cond3A_275 = arith.constant 0 : i32
      %cond3A_276 = arith.cmpi ne, %convert_element_type3A_274, %cond3A_275 : i32
      scf.if %cond3A_276 {
        %ge3A = arith.constant 1 : i32
        %ge3A_339 = arith.cmpi sge, %add3A_267, %ge3A : i32
        %convert_element_type3A_340 = arith.extui %ge3A_339 : i1 to i32
        %cond3A_341 = arith.constant 0 : i32
        %cond3A_342 = arith.cmpi ne, %convert_element_type3A_340, %cond3A_341 : i32
        scf.if %cond3A_342 {
          %dma_wait3A_353 = arith.constant 0 : i32
          %dma_wait3A_354 = arith.constant 0 : i32
          %dma_wait3A_355 = tpu.memref_slice %arg8[%dma_wait3A_353, %dma_wait3A_354] : memref<56x50xi32, #tpu.memory_space<vmem>> -> memref<1x50xi32, #tpu.memory_space<vmem>>
          %dma_wait3A_356 = tpu.memref_squeeze %dma_wait3A_355 : memref<1x50xi32, #tpu.memory_space<vmem>> -> memref<50xi32, #tpu.memory_space<vmem>>
          %dma_wait3A_357 = arith.constant 0 : i32
          %dma_wait3A_358 = arith.constant 0 : i32
          %dma_wait3A_359 = tpu.memref_slice %arg13[%dma_wait3A_357, %dma_wait3A_358] : memref<10240x128xf32, #tpu.memory_space<vmem_shared>> -> memref<10240x128xf32, #tpu.memory_space<vmem_shared>>
          tpu.wait_indirect_dma semaphore(%arg18 : memref<!tpu.dma_semaphore, #tpu.memory_space<semaphore_mem>>) src(%arg9 : memref<50x128xf32, #tpu.memory_space<vmem>>) dst(%dma_wait3A_359 : memref<10240x128xf32, #tpu.memory_space<vmem_shared>>)
        } else {
        }
        %add3A_343 = arith.constant 4 : i32
        %add3A_344 = arith.addi %add3A_267, %add3A_343 : i32
        %sub3A_345 = arith.constant 1 : i32
        %sub3A_346 = arith.subi %add3A_344, %sub3A_345 : i32
        %dma_start3A_347 = arith.constant 0 : i32
        %dma_start3A_348 = tpu.memref_slice %arg7[%sub3A_346, %dma_start3A_347] : memref<56x50xi32, #tpu.memory_space<vmem>> -> memref<1x50xi32, #tpu.memory_space<vmem>>
        %dma_start3A_349 = tpu.memref_squeeze %dma_start3A_348 : memref<1x50xi32, #tpu.memory_space<vmem>> -> memref<50xi32, #tpu.memory_space<vmem>>
        %dma_start3A_350 = arith.constant 0 : i32
        %dma_start3A_351 = arith.constant 0 : i32
        %dma_start3A_352 = tpu.memref_slice %arg2[%dma_start3A_350, %dma_start3A_351] : memref<20480x128xf32, #tpu.memory_space<hbm>> -> memref<20480x128xf32, #tpu.memory_space<hbm>>
        tpu.enqueue_indirect_dma source(%dma_start3A_352 : memref<20480x128xf32, #tpu.memory_space<hbm>>) target(%arg9 : memref<50x128xf32, #tpu.memory_space<vmem>>) offsets(%dma_start3A_349 : memref<50xi32, #tpu.memory_space<vmem>>) semaphore(%arg14 : memref<!tpu.dma_semaphore, #tpu.memory_space<semaphore_mem>>)
      } else {
      }
      %dma_wait3A_277 = arith.constant 0 : i32
      %dma_wait3A_278 = tpu.memref_slice %arg7[%add3A_267, %dma_wait3A_277] : memref<56x50xi32, #tpu.memory_space<vmem>> -> memref<1x50xi32, #tpu.memory_space<vmem>>
      %dma_wait3A_279 = tpu.memref_squeeze %dma_wait3A_278 : memref<1x50xi32, #tpu.memory_space<vmem>> -> memref<50xi32, #tpu.memory_space<vmem>>
      %dma_wait3A_280 = arith.constant 0 : i32
      %dma_wait3A_281 = arith.constant 0 : i32
      %dma_wait3A_282 = tpu.memref_slice %arg2[%dma_wait3A_280, %dma_wait3A_281] : memref<20480x128xf32, #tpu.memory_space<hbm>> -> memref<20480x128xf32, #tpu.memory_space<hbm>>
      tpu.wait_indirect_dma semaphore(%arg15 : memref<!tpu.dma_semaphore, #tpu.memory_space<semaphore_mem>>) src(%dma_wait3A_282 : memref<20480x128xf32, #tpu.memory_space<hbm>>) dst(%arg10 : memref<50x128xf32, #tpu.memory_space<vmem>>)
      %dma_start3A_283 = arith.constant 0 : i32
      %dma_start3A_284 = tpu.memref_slice %arg8[%add3A_267, %dma_start3A_283] : memref<56x50xi32, #tpu.memory_space<vmem>> -> memref<1x50xi32, #tpu.memory_space<vmem>>
      %dma_start3A_285 = tpu.memref_squeeze %dma_start3A_284 : memref<1x50xi32, #tpu.memory_space<vmem>> -> memref<50xi32, #tpu.memory_space<vmem>>
      %dma_start3A_286 = arith.constant 0 : i32
      %dma_start3A_287 = arith.constant 0 : i32
      %dma_start3A_288 = tpu.memref_slice %arg13[%dma_start3A_286, %dma_start3A_287] : memref<10240x128xf32, #tpu.memory_space<vmem_shared>> -> memref<10240x128xf32, #tpu.memory_space<vmem_shared>>
      tpu.enqueue_indirect_dma source(%arg10 : memref<50x128xf32, #tpu.memory_space<vmem>>) target(%dma_start3A_288 : memref<10240x128xf32, #tpu.memory_space<vmem_shared>>) offsets(%dma_start3A_285 : memref<50xi32, #tpu.memory_space<vmem>>) semaphore(%arg19 : memref<!tpu.dma_semaphore, #tpu.memory_space<semaphore_mem>>) {add = true}
      %mul3A_289 = arith.constant 4 : i32
      %mul3A_290 = arith.muli %mul3A_289, %scan3A_242 : i32
      %add3A_291 = arith.constant 2 : i32
      %add3A_292 = arith.addi %mul3A_290, %add3A_291 : i32
      %add3A_293 = arith.constant 4 : i32
      %add3A_294 = arith.addi %add3A_292, %add3A_293 : i32
      %sub3A_295 = arith.constant 1 : i32
      %sub3A_296 = arith.subi %add3A_294, %sub3A_295 : i32
      %lt3A_297 = arith.constant 48 : i32
      %lt3A_298 = arith.cmpi slt, %sub3A_296, %lt3A_297 : i32
      %convert_element_type3A_299 = arith.extui %lt3A_298 : i1 to i32
      %cond3A_300 = arith.constant 0 : i32
      %cond3A_301 = arith.cmpi ne, %convert_element_type3A_299, %cond3A_300 : i32
      scf.if %cond3A_301 {
        %ge3A = arith.constant 1 : i32
        %ge3A_339 = arith.cmpi sge, %add3A_292, %ge3A : i32
        %convert_element_type3A_340 = arith.extui %ge3A_339 : i1 to i32
        %cond3A_341 = arith.constant 0 : i32
        %cond3A_342 = arith.cmpi ne, %convert_element_type3A_340, %cond3A_341 : i32
        scf.if %cond3A_342 {
          %dma_wait3A_353 = arith.constant 0 : i32
          %dma_wait3A_354 = arith.constant 0 : i32
          %dma_wait3A_355 = tpu.memref_slice %arg8[%dma_wait3A_353, %dma_wait3A_354] : memref<56x50xi32, #tpu.memory_space<vmem>> -> memref<1x50xi32, #tpu.memory_space<vmem>>
          %dma_wait3A_356 = tpu.memref_squeeze %dma_wait3A_355 : memref<1x50xi32, #tpu.memory_space<vmem>> -> memref<50xi32, #tpu.memory_space<vmem>>
          %dma_wait3A_357 = arith.constant 0 : i32
          %dma_wait3A_358 = arith.constant 0 : i32
          %dma_wait3A_359 = tpu.memref_slice %arg13[%dma_wait3A_357, %dma_wait3A_358] : memref<10240x128xf32, #tpu.memory_space<vmem_shared>> -> memref<10240x128xf32, #tpu.memory_space<vmem_shared>>
          tpu.wait_indirect_dma semaphore(%arg19 : memref<!tpu.dma_semaphore, #tpu.memory_space<semaphore_mem>>) src(%arg10 : memref<50x128xf32, #tpu.memory_space<vmem>>) dst(%dma_wait3A_359 : memref<10240x128xf32, #tpu.memory_space<vmem_shared>>)
        } else {
        }
        %add3A_343 = arith.constant 4 : i32
        %add3A_344 = arith.addi %add3A_292, %add3A_343 : i32
        %sub3A_345 = arith.constant 1 : i32
        %sub3A_346 = arith.subi %add3A_344, %sub3A_345 : i32
        %dma_start3A_347 = arith.constant 0 : i32
        %dma_start3A_348 = tpu.memref_slice %arg7[%sub3A_346, %dma_start3A_347] : memref<56x50xi32, #tpu.memory_space<vmem>> -> memref<1x50xi32, #tpu.memory_space<vmem>>
        %dma_start3A_349 = tpu.memref_squeeze %dma_start3A_348 : memref<1x50xi32, #tpu.memory_space<vmem>> -> memref<50xi32, #tpu.memory_space<vmem>>
        %dma_start3A_350 = arith.constant 0 : i32
        %dma_start3A_351 = arith.constant 0 : i32
        %dma_start3A_352 = tpu.memref_slice %arg2[%dma_start3A_350, %dma_start3A_351] : memref<20480x128xf32, #tpu.memory_space<hbm>> -> memref<20480x128xf32, #tpu.memory_space<hbm>>
        tpu.enqueue_indirect_dma source(%dma_start3A_352 : memref<20480x128xf32, #tpu.memory_space<hbm>>) target(%arg10 : memref<50x128xf32, #tpu.memory_space<vmem>>) offsets(%dma_start3A_349 : memref<50xi32, #tpu.memory_space<vmem>>) semaphore(%arg15 : memref<!tpu.dma_semaphore, #tpu.memory_space<semaphore_mem>>)
      } else {
      }
      %dma_wait3A_302 = arith.constant 0 : i32
      %dma_wait3A_303 = tpu.memref_slice %arg7[%add3A_292, %dma_wait3A_302] : memref<56x50xi32, #tpu.memory_space<vmem>> -> memref<1x50xi32, #tpu.memory_space<vmem>>
      %dma_wait3A_304 = tpu.memref_squeeze %dma_wait3A_303 : memref<1x50xi32, #tpu.memory_space<vmem>> -> memref<50xi32, #tpu.memory_space<vmem>>
      %dma_wait3A_305 = arith.constant 0 : i32
      %dma_wait3A_306 = arith.constant 0 : i32
      %dma_wait3A_307 = tpu.memref_slice %arg2[%dma_wait3A_305, %dma_wait3A_306] : memref<20480x128xf32, #tpu.memory_space<hbm>> -> memref<20480x128xf32, #tpu.memory_space<hbm>>
      tpu.wait_indirect_dma semaphore(%arg16 : memref<!tpu.dma_semaphore, #tpu.memory_space<semaphore_mem>>) src(%dma_wait3A_307 : memref<20480x128xf32, #tpu.memory_space<hbm>>) dst(%arg11 : memref<50x128xf32, #tpu.memory_space<vmem>>)
      %dma_start3A_308 = arith.constant 0 : i32
      %dma_start3A_309 = tpu.memref_slice %arg8[%add3A_292, %dma_start3A_308] : memref<56x50xi32, #tpu.memory_space<vmem>> -> memref<1x50xi32, #tpu.memory_space<vmem>>
      %dma_start3A_310 = tpu.memref_squeeze %dma_start3A_309 : memref<1x50xi32, #tpu.memory_space<vmem>> -> memref<50xi32, #tpu.memory_space<vmem>>
      %dma_start3A_311 = arith.constant 0 : i32
      %dma_start3A_312 = arith.constant 0 : i32
      %dma_start3A_313 = tpu.memref_slice %arg13[%dma_start3A_311, %dma_start3A_312] : memref<10240x128xf32, #tpu.memory_space<vmem_shared>> -> memref<10240x128xf32, #tpu.memory_space<vmem_shared>>
      tpu.enqueue_indirect_dma source(%arg11 : memref<50x128xf32, #tpu.memory_space<vmem>>) target(%dma_start3A_313 : memref<10240x128xf32, #tpu.memory_space<vmem_shared>>) offsets(%dma_start3A_310 : memref<50xi32, #tpu.memory_space<vmem>>) semaphore(%arg20 : memref<!tpu.dma_semaphore, #tpu.memory_space<semaphore_mem>>) {add = true}
      %mul3A_314 = arith.constant 4 : i32
      %mul3A_315 = arith.muli %mul3A_314, %scan3A_242 : i32
      %add3A_316 = arith.constant 3 : i32
      %add3A_317 = arith.addi %mul3A_315, %add3A_316 : i32
      %add3A_318 = arith.constant 4 : i32
      %add3A_319 = arith.addi %add3A_317, %add3A_318 : i32
      %sub3A_320 = arith.constant 1 : i32
      %sub3A_321 = arith.subi %add3A_319, %sub3A_320 : i32
      %lt3A_322 = arith.constant 48 : i32
      %lt3A_323 = arith.cmpi slt, %sub3A_321, %lt3A_322 : i32
      %convert_element_type3A_324 = arith.extui %lt3A_323 : i1 to i32
      %cond3A_325 = arith.constant 0 : i32
      %cond3A_326 = arith.cmpi ne, %convert_element_type3A_324, %cond3A_325 : i32
      scf.if %cond3A_326 {
        %ge3A = arith.constant 1 : i32
        %ge3A_339 = arith.cmpi sge, %add3A_317, %ge3A : i32
        %convert_element_type3A_340 = arith.extui %ge3A_339 : i1 to i32
        %cond3A_341 = arith.constant 0 : i32
        %cond3A_342 = arith.cmpi ne, %convert_element_type3A_340, %cond3A_341 : i32
        scf.if %cond3A_342 {
          %dma_wait3A_353 = arith.constant 0 : i32
          %dma_wait3A_354 = arith.constant 0 : i32
          %dma_wait3A_355 = tpu.memref_slice %arg8[%dma_wait3A_353, %dma_wait3A_354] : memref<56x50xi32, #tpu.memory_space<vmem>> -> memref<1x50xi32, #tpu.memory_space<vmem>>
          %dma_wait3A_356 = tpu.memref_squeeze %dma_wait3A_355 : memref<1x50xi32, #tpu.memory_space<vmem>> -> memref<50xi32, #tpu.memory_space<vmem>>
          %dma_wait3A_357 = arith.constant 0 : i32
          %dma_wait3A_358 = arith.constant 0 : i32
          %dma_wait3A_359 = tpu.memref_slice %arg13[%dma_wait3A_357, %dma_wait3A_358] : memref<10240x128xf32, #tpu.memory_space<vmem_shared>> -> memref<10240x128xf32, #tpu.memory_space<vmem_shared>>
          tpu.wait_indirect_dma semaphore(%arg20 : memref<!tpu.dma_semaphore, #tpu.memory_space<semaphore_mem>>) src(%arg11 : memref<50x128xf32, #tpu.memory_space<vmem>>) dst(%dma_wait3A_359 : memref<10240x128xf32, #tpu.memory_space<vmem_shared>>)
        } else {
        }
        %add3A_343 = arith.constant 4 : i32
        %add3A_344 = arith.addi %add3A_317, %add3A_343 : i32
        %sub3A_345 = arith.constant 1 : i32
        %sub3A_346 = arith.subi %add3A_344, %sub3A_345 : i32
        %dma_start3A_347 = arith.constant 0 : i32
        %dma_start3A_348 = tpu.memref_slice %arg7[%sub3A_346, %dma_start3A_347] : memref<56x50xi32, #tpu.memory_space<vmem>> -> memref<1x50xi32, #tpu.memory_space<vmem>>
        %dma_start3A_349 = tpu.memref_squeeze %dma_start3A_348 : memref<1x50xi32, #tpu.memory_space<vmem>> -> memref<50xi32, #tpu.memory_space<vmem>>
        %dma_start3A_350 = arith.constant 0 : i32
        %dma_start3A_351 = arith.constant 0 : i32
        %dma_start3A_352 = tpu.memref_slice %arg2[%dma_start3A_350, %dma_start3A_351] : memref<20480x128xf32, #tpu.memory_space<hbm>> -> memref<20480x128xf32, #tpu.memory_space<hbm>>
        tpu.enqueue_indirect_dma source(%dma_start3A_352 : memref<20480x128xf32, #tpu.memory_space<hbm>>) target(%arg11 : memref<50x128xf32, #tpu.memory_space<vmem>>) offsets(%dma_start3A_349 : memref<50xi32, #tpu.memory_space<vmem>>) semaphore(%arg16 : memref<!tpu.dma_semaphore, #tpu.memory_space<semaphore_mem>>)
      } else {
      }
      %dma_wait3A_327 = arith.constant 0 : i32
      %dma_wait3A_328 = tpu.memref_slice %arg7[%add3A_317, %dma_wait3A_327] : memref<56x50xi32, #tpu.memory_space<vmem>> -> memref<1x50xi32, #tpu.memory_space<vmem>>
      %dma_wait3A_329 = tpu.memref_squeeze %dma_wait3A_328 : memref<1x50xi32, #tpu.memory_space<vmem>> -> memref<50xi32, #tpu.memory_space<vmem>>
      %dma_wait3A_330 = arith.constant 0 : i32
      %dma_wait3A_331 = arith.constant 0 : i32
      %dma_wait3A_332 = tpu.memref_slice %arg2[%dma_wait3A_330, %dma_wait3A_331] : memref<20480x128xf32, #tpu.memory_space<hbm>> -> memref<20480x128xf32, #tpu.memory_space<hbm>>
      tpu.wait_indirect_dma semaphore(%arg17 : memref<!tpu.dma_semaphore, #tpu.memory_space<semaphore_mem>>) src(%dma_wait3A_332 : memref<20480x128xf32, #tpu.memory_space<hbm>>) dst(%arg12 : memref<50x128xf32, #tpu.memory_space<vmem>>)
      %dma_start3A_333 = arith.constant 0 : i32
      %dma_start3A_334 = tpu.memref_slice %arg8[%add3A_317, %dma_start3A_333] : memref<56x50xi32, #tpu.memory_space<vmem>> -> memref<1x50xi32, #tpu.memory_space<vmem>>
      %dma_start3A_335 = tpu.memref_squeeze %dma_start3A_334 : memref<1x50xi32, #tpu.memory_space<vmem>> -> memref<50xi32, #tpu.memory_space<vmem>>
      %dma_start3A_336 = arith.constant 0 : i32
      %dma_start3A_337 = arith.constant 0 : i32
      %dma_start3A_338 = tpu.memref_slice %arg13[%dma_start3A_336, %dma_start3A_337] : memref<10240x128xf32, #tpu.memory_space<vmem_shared>> -> memref<10240x128xf32, #tpu.memory_space<vmem_shared>>
      tpu.enqueue_indirect_dma source(%arg12 : memref<50x128xf32, #tpu.memory_space<vmem>>) target(%dma_start3A_338 : memref<10240x128xf32, #tpu.memory_space<vmem_shared>>) offsets(%dma_start3A_335 : memref<50xi32, #tpu.memory_space<vmem>>) semaphore(%arg21 : memref<!tpu.dma_semaphore, #tpu.memory_space<semaphore_mem>>) {add = true}
    }
    %scan3A_90 = arith.constant 12 : i32
    %dma_wait3A_91 = arith.constant 0 : i32
    %dma_wait3A_92 = arith.constant 0 : i32
    %dma_wait3A_93 = tpu.memref_slice %arg8[%dma_wait3A_91, %dma_wait3A_92] : memref<56x50xi32, #tpu.memory_space<vmem>> -> memref<1x50xi32, #tpu.memory_space<vmem>>
    %dma_wait3A_94 = tpu.memref_squeeze %dma_wait3A_93 : memref<1x50xi32, #tpu.memory_space<vmem>> -> memref<50xi32, #tpu.memory_space<vmem>>
    %dma_wait3A_95 = arith.constant 0 : i32
    %dma_wait3A_96 = arith.constant 0 : i32
    %dma_wait3A_97 = tpu.memref_slice %arg13[%dma_wait3A_95, %dma_wait3A_96] : memref<10240x128xf32, #tpu.memory_space<vmem_shared>> -> memref<10240x128xf32, #tpu.memory_space<vmem_shared>>
    tpu.wait_indirect_dma semaphore(%arg18 : memref<!tpu.dma_semaphore, #tpu.memory_space<semaphore_mem>>) src(%arg9 : memref<50x128xf32, #tpu.memory_space<vmem>>) dst(%dma_wait3A_97 : memref<10240x128xf32, #tpu.memory_space<vmem_shared>>)
    %dma_wait3A_98 = arith.constant 0 : i32
    %dma_wait3A_99 = arith.constant 0 : i32
    %dma_wait3A_100 = tpu.memref_slice %arg8[%dma_wait3A_98, %dma_wait3A_99] : memref<56x50xi32, #tpu.memory_space<vmem>> -> memref<1x50xi32, #tpu.memory_space<vmem>>
    %dma_wait3A_101 = tpu.memref_squeeze %dma_wait3A_100 : memref<1x50xi32, #tpu.memory_space<vmem>> -> memref<50xi32, #tpu.memory_space<vmem>>
    %dma_wait3A_102 = arith.constant 0 : i32
    %dma_wait3A_103 = arith.constant 0 : i32
    %dma_wait3A_104 = tpu.memref_slice %arg13[%dma_wait3A_102, %dma_wait3A_103] : memref<10240x128xf32, #tpu.memory_space<vmem_shared>> -> memref<10240x128xf32, #tpu.memory_space<vmem_shared>>
    tpu.wait_indirect_dma semaphore(%arg19 : memref<!tpu.dma_semaphore, #tpu.memory_space<semaphore_mem>>) src(%arg10 : memref<50x128xf32, #tpu.memory_space<vmem>>) dst(%dma_wait3A_104 : memref<10240x128xf32, #tpu.memory_space<vmem_shared>>)
    %dma_wait3A_105 = arith.constant 0 : i32
    %dma_wait3A_106 = arith.constant 0 : i32
    %dma_wait3A_107 = tpu.memref_slice %arg8[%dma_wait3A_105, %dma_wait3A_106] : memref<56x50xi32, #tpu.memory_space<vmem>> -> memref<1x50xi32, #tpu.memory_space<vmem>>
    %dma_wait3A_108 = tpu.memref_squeeze %dma_wait3A_107 : memref<1x50xi32, #tpu.memory_space<vmem>> -> memref<50xi32, #tpu.memory_space<vmem>>
    %dma_wait3A_109 = arith.constant 0 : i32
    %dma_wait3A_110 = arith.constant 0 : i32
    %dma_wait3A_111 = tpu.memref_slice %arg13[%dma_wait3A_109, %dma_wait3A_110] : memref<10240x128xf32, #tpu.memory_space<vmem_shared>> -> memref<10240x128xf32, #tpu.memory_space<vmem_shared>>
    tpu.wait_indirect_dma semaphore(%arg20 : memref<!tpu.dma_semaphore, #tpu.memory_space<semaphore_mem>>) src(%arg11 : memref<50x128xf32, #tpu.memory_space<vmem>>) dst(%dma_wait3A_111 : memref<10240x128xf32, #tpu.memory_space<vmem_shared>>)
    %dma_wait3A_112 = arith.constant 0 : i32
    %dma_wait3A_113 = arith.constant 0 : i32
    %dma_wait3A_114 = tpu.memref_slice %arg8[%dma_wait3A_112, %dma_wait3A_113] : memref<56x50xi32, #tpu.memory_space<vmem>> -> memref<1x50xi32, #tpu.memory_space<vmem>>
    %dma_wait3A_115 = tpu.memref_squeeze %dma_wait3A_114 : memref<1x50xi32, #tpu.memory_space<vmem>> -> memref<50xi32, #tpu.memory_space<vmem>>
    %dma_wait3A_116 = arith.constant 0 : i32
    %dma_wait3A_117 = arith.constant 0 : i32
    %dma_wait3A_118 = tpu.memref_slice %arg13[%dma_wait3A_116, %dma_wait3A_117] : memref<10240x128xf32, #tpu.memory_space<vmem_shared>> -> memref<10240x128xf32, #tpu.memory_space<vmem_shared>>
    tpu.wait_indirect_dma semaphore(%arg21 : memref<!tpu.dma_semaphore, #tpu.memory_space<semaphore_mem>>) src(%arg12 : memref<50x128xf32, #tpu.memory_space<vmem>>) dst(%dma_wait3A_118 : memref<10240x128xf32, #tpu.memory_space<vmem_shared>>)
    %mul3A_119 = arith.constant 200 : i32
    %mul3A_120 = arith.muli %arg1, %mul3A_119 : i32
    %add3A_121 = arith.constant 104 : i32
    %add3A_122 = arith.addi %mul3A_120, %add3A_121 : i32
    "tpu.region"() ({
      %run_scoped3A = tpu.sem_alloc : memref<!tpu.dma_semaphore, #tpu.memory_space<semaphore_mem>>
      %dma_start3A_242 = arith.constant 0 : i32
      %dma_start3A_243 = arith.constant 0 : i32
      %dma_start3A_244 = tpu.memref_slice %arg7[%dma_start3A_242, %dma_start3A_243] : memref<56x50xi32, #tpu.memory_space<vmem>> -> memref<48x50xi32, #tpu.memory_space<vmem>>
      %dma_start3A_245 = arith.constant 0 : i32
      %dma_start3A_246 = tpu.memref_slice %arg3[%arg0, %add3A_122, %dma_start3A_245] : memref<2x3200x50xi32, #tpu.memory_space<hbm>> -> memref<1x48x50xi32, #tpu.memory_space<hbm>>
      %dma_start3A_247 = tpu.memref_squeeze %dma_start3A_246 : memref<1x48x50xi32, #tpu.memory_space<hbm>> -> memref<48x50xi32, #tpu.memory_space<hbm>>
      %dma_start3A_248 = arith.constant 0 : i32
      %dma_start3A_249 = arith.constant 0 : i32
      %dma_start3A_250 = tpu.memref_slice %arg7[%dma_start3A_248, %dma_start3A_249] : memref<56x50xi32, #tpu.memory_space<vmem>> -> memref<48x50xi32, #tpu.memory_space<vmem>>
      %dma_start3A_251 = arith.constant 0 : i32
      %dma_start3A_252 = tpu.memref_slice %arg3[%arg0, %add3A_122, %dma_start3A_251] : memref<2x3200x50xi32, #tpu.memory_space<hbm>> -> memref<1x48x50xi32, #tpu.memory_space<hbm>>
      %dma_start3A_253 = tpu.memref_squeeze %dma_start3A_252 : memref<1x48x50xi32, #tpu.memory_space<hbm>> -> memref<48x50xi32, #tpu.memory_space<hbm>>
      tpu.enqueue_dma source(%dma_start3A_253 : memref<48x50xi32, #tpu.memory_space<hbm>>) target(%dma_start3A_250 : memref<48x50xi32, #tpu.memory_space<vmem>>) target_semaphore(%run_scoped3A : memref<!tpu.dma_semaphore, #tpu.memory_space<semaphore_mem>>)
      %dma_wait3A_254 = arith.constant 0 : i32
      %dma_wait3A_255 = arith.constant 0 : i32
      %dma_wait3A_256 = tpu.memref_slice %arg7[%dma_wait3A_254, %dma_wait3A_255] : memref<56x50xi32, #tpu.memory_space<vmem>> -> memref<48x50xi32, #tpu.memory_space<vmem>>
      %dma_wait3A_257 = arith.constant 0 : i32
      %dma_wait3A_258 = tpu.memref_slice %arg3[%arg0, %add3A_122, %dma_wait3A_257] : memref<2x3200x50xi32, #tpu.memory_space<hbm>> -> memref<1x48x50xi32, #tpu.memory_space<hbm>>
      %dma_wait3A_259 = tpu.memref_squeeze %dma_wait3A_258 : memref<1x48x50xi32, #tpu.memory_space<hbm>> -> memref<48x50xi32, #tpu.memory_space<hbm>>
      %dma_wait3A_260 = arith.constant 0 : i32
      %dma_wait3A_261 = arith.constant 0 : i32
      %dma_wait3A_262 = tpu.memref_slice %arg7[%dma_wait3A_260, %dma_wait3A_261] : memref<56x50xi32, #tpu.memory_space<vmem>> -> memref<48x50xi32, #tpu.memory_space<vmem>>
      %dma_wait3A_263 = arith.constant 0 : i32
      %dma_wait3A_264 = tpu.memref_slice %arg3[%arg0, %add3A_122, %dma_wait3A_263] : memref<2x3200x50xi32, #tpu.memory_space<hbm>> -> memref<1x48x50xi32, #tpu.memory_space<hbm>>
      %dma_wait3A_265 = tpu.memref_squeeze %dma_wait3A_264 : memref<1x48x50xi32, #tpu.memory_space<hbm>> -> memref<48x50xi32, #tpu.memory_space<hbm>>
      tpu.wait_dma2 semaphore(%run_scoped3A : memref<!tpu.dma_semaphore, #tpu.memory_space<semaphore_mem>>) src(%dma_wait3A_265 : memref<48x50xi32, #tpu.memory_space<hbm>>) dst(%dma_wait3A_262 : memref<48x50xi32, #tpu.memory_space<vmem>>)
      tpu.yield
    }) : () -> ()
    "tpu.region"() ({
      %run_scoped3A = tpu.sem_alloc : memref<!tpu.dma_semaphore, #tpu.memory_space<semaphore_mem>>
      %dma_start3A_242 = arith.constant 0 : i32
      %dma_start3A_243 = arith.constant 0 : i32
      %dma_start3A_244 = tpu.memref_slice %arg8[%dma_start3A_242, %dma_start3A_243] : memref<56x50xi32, #tpu.memory_space<vmem>> -> memref<48x50xi32, #tpu.memory_space<vmem>>
      %dma_start3A_245 = arith.constant 0 : i32
      %dma_start3A_246 = tpu.memref_slice %arg4[%add3A_122, %dma_start3A_245] : memref<3200x50xi32, #tpu.memory_space<hbm>> -> memref<48x50xi32, #tpu.memory_space<hbm>>
      %dma_start3A_247 = arith.constant 0 : i32
      %dma_start3A_248 = arith.constant 0 : i32
      %dma_start3A_249 = tpu.memref_slice %arg8[%dma_start3A_247, %dma_start3A_248] : memref<56x50xi32, #tpu.memory_space<vmem>> -> memref<48x50xi32, #tpu.memory_space<vmem>>
      %dma_start3A_250 = arith.constant 0 : i32
      %dma_start3A_251 = tpu.memref_slice %arg4[%add3A_122, %dma_start3A_250] : memref<3200x50xi32, #tpu.memory_space<hbm>> -> memref<48x50xi32, #tpu.memory_space<hbm>>
      tpu.enqueue_dma source(%dma_start3A_251 : memref<48x50xi32, #tpu.memory_space<hbm>>) target(%dma_start3A_249 : memref<48x50xi32, #tpu.memory_space<vmem>>) target_semaphore(%run_scoped3A : memref<!tpu.dma_semaphore, #tpu.memory_space<semaphore_mem>>)
      %dma_wait3A_252 = arith.constant 0 : i32
      %dma_wait3A_253 = arith.constant 0 : i32
      %dma_wait3A_254 = tpu.memref_slice %arg8[%dma_wait3A_252, %dma_wait3A_253] : memref<56x50xi32, #tpu.memory_space<vmem>> -> memref<48x50xi32, #tpu.memory_space<vmem>>
      %dma_wait3A_255 = arith.constant 0 : i32
      %dma_wait3A_256 = tpu.memref_slice %arg4[%add3A_122, %dma_wait3A_255] : memref<3200x50xi32, #tpu.memory_space<hbm>> -> memref<48x50xi32, #tpu.memory_space<hbm>>
      %dma_wait3A_257 = arith.constant 0 : i32
      %dma_wait3A_258 = arith.constant 0 : i32
      %dma_wait3A_259 = tpu.memref_slice %arg8[%dma_wait3A_257, %dma_wait3A_258] : memref<56x50xi32, #tpu.memory_space<vmem>> -> memref<48x50xi32, #tpu.memory_space<vmem>>
      %dma_wait3A_260 = arith.constant 0 : i32
      %dma_wait3A_261 = tpu.memref_slice %arg4[%add3A_122, %dma_wait3A_260] : memref<3200x50xi32, #tpu.memory_space<hbm>> -> memref<48x50xi32, #tpu.memory_space<hbm>>
      tpu.wait_dma2 semaphore(%run_scoped3A : memref<!tpu.dma_semaphore, #tpu.memory_space<semaphore_mem>>) src(%dma_wait3A_261 : memref<48x50xi32, #tpu.memory_space<hbm>>) dst(%dma_wait3A_259 : memref<48x50xi32, #tpu.memory_space<vmem>>)
      tpu.yield
    }) : () -> ()
    %dma_start3A_123 = arith.constant 0 : i32
    %dma_start3A_124 = arith.constant 0 : i32
    %dma_start3A_125 = tpu.memref_slice %arg7[%dma_start3A_123, %dma_start3A_124] : memref<56x50xi32, #tpu.memory_space<vmem>> -> memref<1x50xi32, #tpu.memory_space<vmem>>
    %dma_start3A_126 = tpu.memref_squeeze %dma_start3A_125 : memref<1x50xi32, #tpu.memory_space<vmem>> -> memref<50xi32, #tpu.memory_space<vmem>>
    %dma_start3A_127 = arith.constant 0 : i32
    %dma_start3A_128 = arith.constant 0 : i32
    %dma_start3A_129 = tpu.memref_slice %arg2[%dma_start3A_127, %dma_start3A_128] : memref<20480x128xf32, #tpu.memory_space<hbm>> -> memref<20480x128xf32, #tpu.memory_space<hbm>>
    tpu.enqueue_indirect_dma source(%dma_start3A_129 : memref<20480x128xf32, #tpu.memory_space<hbm>>) target(%arg9 : memref<50x128xf32, #tpu.memory_space<vmem>>) offsets(%dma_start3A_126 : memref<50xi32, #tpu.memory_space<vmem>>) semaphore(%arg14 : memref<!tpu.dma_semaphore, #tpu.memory_space<semaphore_mem>>)
    %dma_start3A_130 = arith.constant 1 : i32
    %dma_start3A_131 = arith.constant 0 : i32
    %dma_start3A_132 = tpu.memref_slice %arg7[%dma_start3A_130, %dma_start3A_131] : memref<56x50xi32, #tpu.memory_space<vmem>> -> memref<1x50xi32, #tpu.memory_space<vmem>>
    %dma_start3A_133 = tpu.memref_squeeze %dma_start3A_132 : memref<1x50xi32, #tpu.memory_space<vmem>> -> memref<50xi32, #tpu.memory_space<vmem>>
    %dma_start3A_134 = arith.constant 0 : i32
    %dma_start3A_135 = arith.constant 0 : i32
    %dma_start3A_136 = tpu.memref_slice %arg2[%dma_start3A_134, %dma_start3A_135] : memref<20480x128xf32, #tpu.memory_space<hbm>> -> memref<20480x128xf32, #tpu.memory_space<hbm>>
    tpu.enqueue_indirect_dma source(%dma_start3A_136 : memref<20480x128xf32, #tpu.memory_space<hbm>>) target(%arg10 : memref<50x128xf32, #tpu.memory_space<vmem>>) offsets(%dma_start3A_133 : memref<50xi32, #tpu.memory_space<vmem>>) semaphore(%arg15 : memref<!tpu.dma_semaphore, #tpu.memory_space<semaphore_mem>>)
    %dma_start3A_137 = arith.constant 2 : i32
    %dma_start3A_138 = arith.constant 0 : i32
    %dma_start3A_139 = tpu.memref_slice %arg7[%dma_start3A_137, %dma_start3A_138] : memref<56x50xi32, #tpu.memory_space<vmem>> -> memref<1x50xi32, #tpu.memory_space<vmem>>
    %dma_start3A_140 = tpu.memref_squeeze %dma_start3A_139 : memref<1x50xi32, #tpu.memory_space<vmem>> -> memref<50xi32, #tpu.memory_space<vmem>>
    %dma_start3A_141 = arith.constant 0 : i32
    %dma_start3A_142 = arith.constant 0 : i32
    %dma_start3A_143 = tpu.memref_slice %arg2[%dma_start3A_141, %dma_start3A_142] : memref<20480x128xf32, #tpu.memory_space<hbm>> -> memref<20480x128xf32, #tpu.memory_space<hbm>>
    tpu.enqueue_indirect_dma source(%dma_start3A_143 : memref<20480x128xf32, #tpu.memory_space<hbm>>) target(%arg11 : memref<50x128xf32, #tpu.memory_space<vmem>>) offsets(%dma_start3A_140 : memref<50xi32, #tpu.memory_space<vmem>>) semaphore(%arg16 : memref<!tpu.dma_semaphore, #tpu.memory_space<semaphore_mem>>)
    %scan3A_144 = arith.constant 0 : i32
    %scan3A_145 = arith.constant 0 : i32
    %scan3A_146 = arith.constant 12 : i32
    %scan3A_147 = arith.addi %scan3A_145, %scan3A_146 : i32
    %scan3A_148 = arith.constant 1 : i32
    scf.for %scan3A_242 = %scan3A_145 to %scan3A_147 step %scan3A_148  : i32 {
      %mul3A_243 = arith.constant 4 : i32
      %mul3A_244 = arith.muli %mul3A_243, %scan3A_242 : i32
      %add3A_245 = arith.constant 0 : i32
      %add3A_246 = arith.addi %mul3A_244, %add3A_245 : i32
      %add3A_247 = arith.constant 4 : i32
      %add3A_248 = arith.addi %add3A_246, %add3A_247 : i32
      %sub3A = arith.constant 1 : i32
      %sub3A_249 = arith.subi %add3A_248, %sub3A : i32
      %lt3A = arith.constant 48 : i32
      %lt3A_250 = arith.cmpi slt, %sub3A_249, %lt3A : i32
      %convert_element_type3A = arith.extui %lt3A_250 : i1 to i32
      %cond3A = arith.constant 0 : i32
      %cond3A_251 = arith.cmpi ne, %convert_element_type3A, %cond3A : i32
      scf.if %cond3A_251 {
        %ge3A = arith.constant 1 : i32
        %ge3A_339 = arith.cmpi sge, %add3A_246, %ge3A : i32
        %convert_element_type3A_340 = arith.extui %ge3A_339 : i1 to i32
        %cond3A_341 = arith.constant 0 : i32
        %cond3A_342 = arith.cmpi ne, %convert_element_type3A_340, %cond3A_341 : i32
        scf.if %cond3A_342 {
          %dma_wait3A_353 = arith.constant 0 : i32
          %dma_wait3A_354 = arith.constant 0 : i32
          %dma_wait3A_355 = tpu.memref_slice %arg8[%dma_wait3A_353, %dma_wait3A_354] : memref<56x50xi32, #tpu.memory_space<vmem>> -> memref<1x50xi32, #tpu.memory_space<vmem>>
          %dma_wait3A_356 = tpu.memref_squeeze %dma_wait3A_355 : memref<1x50xi32, #tpu.memory_space<vmem>> -> memref<50xi32, #tpu.memory_space<vmem>>
          %dma_wait3A_357 = arith.constant 0 : i32
          %dma_wait3A_358 = arith.constant 0 : i32
          %dma_wait3A_359 = tpu.memref_slice %arg13[%dma_wait3A_357, %dma_wait3A_358] : memref<10240x128xf32, #tpu.memory_space<vmem_shared>> -> memref<10240x128xf32, #tpu.memory_space<vmem_shared>>
          tpu.wait_indirect_dma semaphore(%arg21 : memref<!tpu.dma_semaphore, #tpu.memory_space<semaphore_mem>>) src(%arg12 : memref<50x128xf32, #tpu.memory_space<vmem>>) dst(%dma_wait3A_359 : memref<10240x128xf32, #tpu.memory_space<vmem_shared>>)
        } else {
        }
        %add3A_343 = arith.constant 4 : i32
        %add3A_344 = arith.addi %add3A_246, %add3A_343 : i32
        %sub3A_345 = arith.constant 1 : i32
        %sub3A_346 = arith.subi %add3A_344, %sub3A_345 : i32
        %dma_start3A_347 = arith.constant 0 : i32
        %dma_start3A_348 = tpu.memref_slice %arg7[%sub3A_346, %dma_start3A_347] : memref<56x50xi32, #tpu.memory_space<vmem>> -> memref<1x50xi32, #tpu.memory_space<vmem>>
        %dma_start3A_349 = tpu.memref_squeeze %dma_start3A_348 : memref<1x50xi32, #tpu.memory_space<vmem>> -> memref<50xi32, #tpu.memory_space<vmem>>
        %dma_start3A_350 = arith.constant 0 : i32
        %dma_start3A_351 = arith.constant 0 : i32
        %dma_start3A_352 = tpu.memref_slice %arg2[%dma_start3A_350, %dma_start3A_351] : memref<20480x128xf32, #tpu.memory_space<hbm>> -> memref<20480x128xf32, #tpu.memory_space<hbm>>
        tpu.enqueue_indirect_dma source(%dma_start3A_352 : memref<20480x128xf32, #tpu.memory_space<hbm>>) target(%arg12 : memref<50x128xf32, #tpu.memory_space<vmem>>) offsets(%dma_start3A_349 : memref<50xi32, #tpu.memory_space<vmem>>) semaphore(%arg17 : memref<!tpu.dma_semaphore, #tpu.memory_space<semaphore_mem>>)
      } else {
      }
      %dma_wait3A_252 = arith.constant 0 : i32
      %dma_wait3A_253 = tpu.memref_slice %arg7[%add3A_246, %dma_wait3A_252] : memref<56x50xi32, #tpu.memory_space<vmem>> -> memref<1x50xi32, #tpu.memory_space<vmem>>
      %dma_wait3A_254 = tpu.memref_squeeze %dma_wait3A_253 : memref<1x50xi32, #tpu.memory_space<vmem>> -> memref<50xi32, #tpu.memory_space<vmem>>
      %dma_wait3A_255 = arith.constant 0 : i32
      %dma_wait3A_256 = arith.constant 0 : i32
      %dma_wait3A_257 = tpu.memref_slice %arg2[%dma_wait3A_255, %dma_wait3A_256] : memref<20480x128xf32, #tpu.memory_space<hbm>> -> memref<20480x128xf32, #tpu.memory_space<hbm>>
      tpu.wait_indirect_dma semaphore(%arg14 : memref<!tpu.dma_semaphore, #tpu.memory_space<semaphore_mem>>) src(%dma_wait3A_257 : memref<20480x128xf32, #tpu.memory_space<hbm>>) dst(%arg9 : memref<50x128xf32, #tpu.memory_space<vmem>>)
      %dma_start3A_258 = arith.constant 0 : i32
      %dma_start3A_259 = tpu.memref_slice %arg8[%add3A_246, %dma_start3A_258] : memref<56x50xi32, #tpu.memory_space<vmem>> -> memref<1x50xi32, #tpu.memory_space<vmem>>
      %dma_start3A_260 = tpu.memref_squeeze %dma_start3A_259 : memref<1x50xi32, #tpu.memory_space<vmem>> -> memref<50xi32, #tpu.memory_space<vmem>>
      %dma_start3A_261 = arith.constant 0 : i32
      %dma_start3A_262 = arith.constant 0 : i32
      %dma_start3A_263 = tpu.memref_slice %arg13[%dma_start3A_261, %dma_start3A_262] : memref<10240x128xf32, #tpu.memory_space<vmem_shared>> -> memref<10240x128xf32, #tpu.memory_space<vmem_shared>>
      tpu.enqueue_indirect_dma source(%arg9 : memref<50x128xf32, #tpu.memory_space<vmem>>) target(%dma_start3A_263 : memref<10240x128xf32, #tpu.memory_space<vmem_shared>>) offsets(%dma_start3A_260 : memref<50xi32, #tpu.memory_space<vmem>>) semaphore(%arg18 : memref<!tpu.dma_semaphore, #tpu.memory_space<semaphore_mem>>) {add = true}
      %mul3A_264 = arith.constant 4 : i32
      %mul3A_265 = arith.muli %mul3A_264, %scan3A_242 : i32
      %add3A_266 = arith.constant 1 : i32
      %add3A_267 = arith.addi %mul3A_265, %add3A_266 : i32
      %add3A_268 = arith.constant 4 : i32
      %add3A_269 = arith.addi %add3A_267, %add3A_268 : i32
      %sub3A_270 = arith.constant 1 : i32
      %sub3A_271 = arith.subi %add3A_269, %sub3A_270 : i32
      %lt3A_272 = arith.constant 48 : i32
      %lt3A_273 = arith.cmpi slt, %sub3A_271, %lt3A_272 : i32
      %convert_element_type3A_274 = arith.extui %lt3A_273 : i1 to i32
      %cond3A_275 = arith.constant 0 : i32
      %cond3A_276 = arith.cmpi ne, %convert_element_type3A_274, %cond3A_275 : i32
      scf.if %cond3A_276 {
        %ge3A = arith.constant 1 : i32
        %ge3A_339 = arith.cmpi sge, %add3A_267, %ge3A : i32
        %convert_element_type3A_340 = arith.extui %ge3A_339 : i1 to i32
        %cond3A_341 = arith.constant 0 : i32
        %cond3A_342 = arith.cmpi ne, %convert_element_type3A_340, %cond3A_341 : i32
        scf.if %cond3A_342 {
          %dma_wait3A_353 = arith.constant 0 : i32
          %dma_wait3A_354 = arith.constant 0 : i32
          %dma_wait3A_355 = tpu.memref_slice %arg8[%dma_wait3A_353, %dma_wait3A_354] : memref<56x50xi32, #tpu.memory_space<vmem>> -> memref<1x50xi32, #tpu.memory_space<vmem>>
          %dma_wait3A_356 = tpu.memref_squeeze %dma_wait3A_355 : memref<1x50xi32, #tpu.memory_space<vmem>> -> memref<50xi32, #tpu.memory_space<vmem>>
          %dma_wait3A_357 = arith.constant 0 : i32
          %dma_wait3A_358 = arith.constant 0 : i32
          %dma_wait3A_359 = tpu.memref_slice %arg13[%dma_wait3A_357, %dma_wait3A_358] : memref<10240x128xf32, #tpu.memory_space<vmem_shared>> -> memref<10240x128xf32, #tpu.memory_space<vmem_shared>>
          tpu.wait_indirect_dma semaphore(%arg18 : memref<!tpu.dma_semaphore, #tpu.memory_space<semaphore_mem>>) src(%arg9 : memref<50x128xf32, #tpu.memory_space<vmem>>) dst(%dma_wait3A_359 : memref<10240x128xf32, #tpu.memory_space<vmem_shared>>)
        } else {
        }
        %add3A_343 = arith.constant 4 : i32
        %add3A_344 = arith.addi %add3A_267, %add3A_343 : i32
        %sub3A_345 = arith.constant 1 : i32
        %sub3A_346 = arith.subi %add3A_344, %sub3A_345 : i32
        %dma_start3A_347 = arith.constant 0 : i32
        %dma_start3A_348 = tpu.memref_slice %arg7[%sub3A_346, %dma_start3A_347] : memref<56x50xi32, #tpu.memory_space<vmem>> -> memref<1x50xi32, #tpu.memory_space<vmem>>
        %dma_start3A_349 = tpu.memref_squeeze %dma_start3A_348 : memref<1x50xi32, #tpu.memory_space<vmem>> -> memref<50xi32, #tpu.memory_space<vmem>>
        %dma_start3A_350 = arith.constant 0 : i32
        %dma_start3A_351 = arith.constant 0 : i32
        %dma_start3A_352 = tpu.memref_slice %arg2[%dma_start3A_350, %dma_start3A_351] : memref<20480x128xf32, #tpu.memory_space<hbm>> -> memref<20480x128xf32, #tpu.memory_space<hbm>>
        tpu.enqueue_indirect_dma source(%dma_start3A_352 : memref<20480x128xf32, #tpu.memory_space<hbm>>) target(%arg9 : memref<50x128xf32, #tpu.memory_space<vmem>>) offsets(%dma_start3A_349 : memref<50xi32, #tpu.memory_space<vmem>>) semaphore(%arg14 : memref<!tpu.dma_semaphore, #tpu.memory_space<semaphore_mem>>)
      } else {
      }
      %dma_wait3A_277 = arith.constant 0 : i32
      %dma_wait3A_278 = tpu.memref_slice %arg7[%add3A_267, %dma_wait3A_277] : memref<56x50xi32, #tpu.memory_space<vmem>> -> memref<1x50xi32, #tpu.memory_space<vmem>>
      %dma_wait3A_279 = tpu.memref_squeeze %dma_wait3A_278 : memref<1x50xi32, #tpu.memory_space<vmem>> -> memref<50xi32, #tpu.memory_space<vmem>>
      %dma_wait3A_280 = arith.constant 0 : i32
      %dma_wait3A_281 = arith.constant 0 : i32
      %dma_wait3A_282 = tpu.memref_slice %arg2[%dma_wait3A_280, %dma_wait3A_281] : memref<20480x128xf32, #tpu.memory_space<hbm>> -> memref<20480x128xf32, #tpu.memory_space<hbm>>
      tpu.wait_indirect_dma semaphore(%arg15 : memref<!tpu.dma_semaphore, #tpu.memory_space<semaphore_mem>>) src(%dma_wait3A_282 : memref<20480x128xf32, #tpu.memory_space<hbm>>) dst(%arg10 : memref<50x128xf32, #tpu.memory_space<vmem>>)
      %dma_start3A_283 = arith.constant 0 : i32
      %dma_start3A_284 = tpu.memref_slice %arg8[%add3A_267, %dma_start3A_283] : memref<56x50xi32, #tpu.memory_space<vmem>> -> memref<1x50xi32, #tpu.memory_space<vmem>>
      %dma_start3A_285 = tpu.memref_squeeze %dma_start3A_284 : memref<1x50xi32, #tpu.memory_space<vmem>> -> memref<50xi32, #tpu.memory_space<vmem>>
      %dma_start3A_286 = arith.constant 0 : i32
      %dma_start3A_287 = arith.constant 0 : i32
      %dma_start3A_288 = tpu.memref_slice %arg13[%dma_start3A_286, %dma_start3A_287] : memref<10240x128xf32, #tpu.memory_space<vmem_shared>> -> memref<10240x128xf32, #tpu.memory_space<vmem_shared>>
      tpu.enqueue_indirect_dma source(%arg10 : memref<50x128xf32, #tpu.memory_space<vmem>>) target(%dma_start3A_288 : memref<10240x128xf32, #tpu.memory_space<vmem_shared>>) offsets(%dma_start3A_285 : memref<50xi32, #tpu.memory_space<vmem>>) semaphore(%arg19 : memref<!tpu.dma_semaphore, #tpu.memory_space<semaphore_mem>>) {add = true}
      %mul3A_289 = arith.constant 4 : i32
      %mul3A_290 = arith.muli %mul3A_289, %scan3A_242 : i32
      %add3A_291 = arith.constant 2 : i32
      %add3A_292 = arith.addi %mul3A_290, %add3A_291 : i32
      %add3A_293 = arith.constant 4 : i32
      %add3A_294 = arith.addi %add3A_292, %add3A_293 : i32
      %sub3A_295 = arith.constant 1 : i32
      %sub3A_296 = arith.subi %add3A_294, %sub3A_295 : i32
      %lt3A_297 = arith.constant 48 : i32
      %lt3A_298 = arith.cmpi slt, %sub3A_296, %lt3A_297 : i32
      %convert_element_type3A_299 = arith.extui %lt3A_298 : i1 to i32
      %cond3A_300 = arith.constant 0 : i32
      %cond3A_301 = arith.cmpi ne, %convert_element_type3A_299, %cond3A_300 : i32
      scf.if %cond3A_301 {
        %ge3A = arith.constant 1 : i32
        %ge3A_339 = arith.cmpi sge, %add3A_292, %ge3A : i32
        %convert_element_type3A_340 = arith.extui %ge3A_339 : i1 to i32
        %cond3A_341 = arith.constant 0 : i32
        %cond3A_342 = arith.cmpi ne, %convert_element_type3A_340, %cond3A_341 : i32
        scf.if %cond3A_342 {
          %dma_wait3A_353 = arith.constant 0 : i32
          %dma_wait3A_354 = arith.constant 0 : i32
          %dma_wait3A_355 = tpu.memref_slice %arg8[%dma_wait3A_353, %dma_wait3A_354] : memref<56x50xi32, #tpu.memory_space<vmem>> -> memref<1x50xi32, #tpu.memory_space<vmem>>
          %dma_wait3A_356 = tpu.memref_squeeze %dma_wait3A_355 : memref<1x50xi32, #tpu.memory_space<vmem>> -> memref<50xi32, #tpu.memory_space<vmem>>
          %dma_wait3A_357 = arith.constant 0 : i32
          %dma_wait3A_358 = arith.constant 0 : i32
          %dma_wait3A_359 = tpu.memref_slice %arg13[%dma_wait3A_357, %dma_wait3A_358] : memref<10240x128xf32, #tpu.memory_space<vmem_shared>> -> memref<10240x128xf32, #tpu.memory_space<vmem_shared>>
          tpu.wait_indirect_dma semaphore(%arg19 : memref<!tpu.dma_semaphore, #tpu.memory_space<semaphore_mem>>) src(%arg10 : memref<50x128xf32, #tpu.memory_space<vmem>>) dst(%dma_wait3A_359 : memref<10240x128xf32, #tpu.memory_space<vmem_shared>>)
        } else {
        }
        %add3A_343 = arith.constant 4 : i32
        %add3A_344 = arith.addi %add3A_292, %add3A_343 : i32
        %sub3A_345 = arith.constant 1 : i32
        %sub3A_346 = arith.subi %add3A_344, %sub3A_345 : i32
        %dma_start3A_347 = arith.constant 0 : i32
        %dma_start3A_348 = tpu.memref_slice %arg7[%sub3A_346, %dma_start3A_347] : memref<56x50xi32, #tpu.memory_space<vmem>> -> memref<1x50xi32, #tpu.memory_space<vmem>>
        %dma_start3A_349 = tpu.memref_squeeze %dma_start3A_348 : memref<1x50xi32, #tpu.memory_space<vmem>> -> memref<50xi32, #tpu.memory_space<vmem>>
        %dma_start3A_350 = arith.constant 0 : i32
        %dma_start3A_351 = arith.constant 0 : i32
        %dma_start3A_352 = tpu.memref_slice %arg2[%dma_start3A_350, %dma_start3A_351] : memref<20480x128xf32, #tpu.memory_space<hbm>> -> memref<20480x128xf32, #tpu.memory_space<hbm>>
        tpu.enqueue_indirect_dma source(%dma_start3A_352 : memref<20480x128xf32, #tpu.memory_space<hbm>>) target(%arg10 : memref<50x128xf32, #tpu.memory_space<vmem>>) offsets(%dma_start3A_349 : memref<50xi32, #tpu.memory_space<vmem>>) semaphore(%arg15 : memref<!tpu.dma_semaphore, #tpu.memory_space<semaphore_mem>>)
      } else {
      }
      %dma_wait3A_302 = arith.constant 0 : i32
      %dma_wait3A_303 = tpu.memref_slice %arg7[%add3A_292, %dma_wait3A_302] : memref<56x50xi32, #tpu.memory_space<vmem>> -> memref<1x50xi32, #tpu.memory_space<vmem>>
      %dma_wait3A_304 = tpu.memref_squeeze %dma_wait3A_303 : memref<1x50xi32, #tpu.memory_space<vmem>> -> memref<50xi32, #tpu.memory_space<vmem>>
      %dma_wait3A_305 = arith.constant 0 : i32
      %dma_wait3A_306 = arith.constant 0 : i32
      %dma_wait3A_307 = tpu.memref_slice %arg2[%dma_wait3A_305, %dma_wait3A_306] : memref<20480x128xf32, #tpu.memory_space<hbm>> -> memref<20480x128xf32, #tpu.memory_space<hbm>>
      tpu.wait_indirect_dma semaphore(%arg16 : memref<!tpu.dma_semaphore, #tpu.memory_space<semaphore_mem>>) src(%dma_wait3A_307 : memref<20480x128xf32, #tpu.memory_space<hbm>>) dst(%arg11 : memref<50x128xf32, #tpu.memory_space<vmem>>)
      %dma_start3A_308 = arith.constant 0 : i32
      %dma_start3A_309 = tpu.memref_slice %arg8[%add3A_292, %dma_start3A_308] : memref<56x50xi32, #tpu.memory_space<vmem>> -> memref<1x50xi32, #tpu.memory_space<vmem>>
      %dma_start3A_310 = tpu.memref_squeeze %dma_start3A_309 : memref<1x50xi32, #tpu.memory_space<vmem>> -> memref<50xi32, #tpu.memory_space<vmem>>
      %dma_start3A_311 = arith.constant 0 : i32
      %dma_start3A_312 = arith.constant 0 : i32
      %dma_start3A_313 = tpu.memref_slice %arg13[%dma_start3A_311, %dma_start3A_312] : memref<10240x128xf32, #tpu.memory_space<vmem_shared>> -> memref<10240x128xf32, #tpu.memory_space<vmem_shared>>
      tpu.enqueue_indirect_dma source(%arg11 : memref<50x128xf32, #tpu.memory_space<vmem>>) target(%dma_start3A_313 : memref<10240x128xf32, #tpu.memory_space<vmem_shared>>) offsets(%dma_start3A_310 : memref<50xi32, #tpu.memory_space<vmem>>) semaphore(%arg20 : memref<!tpu.dma_semaphore, #tpu.memory_space<semaphore_mem>>) {add = true}
      %mul3A_314 = arith.constant 4 : i32
      %mul3A_315 = arith.muli %mul3A_314, %scan3A_242 : i32
      %add3A_316 = arith.constant 3 : i32
      %add3A_317 = arith.addi %mul3A_315, %add3A_316 : i32
      %add3A_318 = arith.constant 4 : i32
      %add3A_319 = arith.addi %add3A_317, %add3A_318 : i32
      %sub3A_320 = arith.constant 1 : i32
      %sub3A_321 = arith.subi %add3A_319, %sub3A_320 : i32
      %lt3A_322 = arith.constant 48 : i32
      %lt3A_323 = arith.cmpi slt, %sub3A_321, %lt3A_322 : i32
      %convert_element_type3A_324 = arith.extui %lt3A_323 : i1 to i32
      %cond3A_325 = arith.constant 0 : i32
      %cond3A_326 = arith.cmpi ne, %convert_element_type3A_324, %cond3A_325 : i32
      scf.if %cond3A_326 {
        %ge3A = arith.constant 1 : i32
        %ge3A_339 = arith.cmpi sge, %add3A_317, %ge3A : i32
        %convert_element_type3A_340 = arith.extui %ge3A_339 : i1 to i32
        %cond3A_341 = arith.constant 0 : i32
        %cond3A_342 = arith.cmpi ne, %convert_element_type3A_340, %cond3A_341 : i32
        scf.if %cond3A_342 {
          %dma_wait3A_353 = arith.constant 0 : i32
          %dma_wait3A_354 = arith.constant 0 : i32
          %dma_wait3A_355 = tpu.memref_slice %arg8[%dma_wait3A_353, %dma_wait3A_354] : memref<56x50xi32, #tpu.memory_space<vmem>> -> memref<1x50xi32, #tpu.memory_space<vmem>>
          %dma_wait3A_356 = tpu.memref_squeeze %dma_wait3A_355 : memref<1x50xi32, #tpu.memory_space<vmem>> -> memref<50xi32, #tpu.memory_space<vmem>>
          %dma_wait3A_357 = arith.constant 0 : i32
          %dma_wait3A_358 = arith.constant 0 : i32
          %dma_wait3A_359 = tpu.memref_slice %arg13[%dma_wait3A_357, %dma_wait3A_358] : memref<10240x128xf32, #tpu.memory_space<vmem_shared>> -> memref<10240x128xf32, #tpu.memory_space<vmem_shared>>
          tpu.wait_indirect_dma semaphore(%arg20 : memref<!tpu.dma_semaphore, #tpu.memory_space<semaphore_mem>>) src(%arg11 : memref<50x128xf32, #tpu.memory_space<vmem>>) dst(%dma_wait3A_359 : memref<10240x128xf32, #tpu.memory_space<vmem_shared>>)
        } else {
        }
        %add3A_343 = arith.constant 4 : i32
        %add3A_344 = arith.addi %add3A_317, %add3A_343 : i32
        %sub3A_345 = arith.constant 1 : i32
        %sub3A_346 = arith.subi %add3A_344, %sub3A_345 : i32
        %dma_start3A_347 = arith.constant 0 : i32
        %dma_start3A_348 = tpu.memref_slice %arg7[%sub3A_346, %dma_start3A_347] : memref<56x50xi32, #tpu.memory_space<vmem>> -> memref<1x50xi32, #tpu.memory_space<vmem>>
        %dma_start3A_349 = tpu.memref_squeeze %dma_start3A_348 : memref<1x50xi32, #tpu.memory_space<vmem>> -> memref<50xi32, #tpu.memory_space<vmem>>
        %dma_start3A_350 = arith.constant 0 : i32
        %dma_start3A_351 = arith.constant 0 : i32
        %dma_start3A_352 = tpu.memref_slice %arg2[%dma_start3A_350, %dma_start3A_351] : memref<20480x128xf32, #tpu.memory_space<hbm>> -> memref<20480x128xf32, #tpu.memory_space<hbm>>
        tpu.enqueue_indirect_dma source(%dma_start3A_352 : memref<20480x128xf32, #tpu.memory_space<hbm>>) target(%arg11 : memref<50x128xf32, #tpu.memory_space<vmem>>) offsets(%dma_start3A_349 : memref<50xi32, #tpu.memory_space<vmem>>) semaphore(%arg16 : memref<!tpu.dma_semaphore, #tpu.memory_space<semaphore_mem>>)
      } else {
      }
      %dma_wait3A_327 = arith.constant 0 : i32
      %dma_wait3A_328 = tpu.memref_slice %arg7[%add3A_317, %dma_wait3A_327] : memref<56x50xi32, #tpu.memory_space<vmem>> -> memref<1x50xi32, #tpu.memory_space<vmem>>
      %dma_wait3A_329 = tpu.memref_squeeze %dma_wait3A_328 : memref<1x50xi32, #tpu.memory_space<vmem>> -> memref<50xi32, #tpu.memory_space<vmem>>
      %dma_wait3A_330 = arith.constant 0 : i32
      %dma_wait3A_331 = arith.constant 0 : i32
      %dma_wait3A_332 = tpu.memref_slice %arg2[%dma_wait3A_330, %dma_wait3A_331] : memref<20480x128xf32, #tpu.memory_space<hbm>> -> memref<20480x128xf32, #tpu.memory_space<hbm>>
      tpu.wait_indirect_dma semaphore(%arg17 : memref<!tpu.dma_semaphore, #tpu.memory_space<semaphore_mem>>) src(%dma_wait3A_332 : memref<20480x128xf32, #tpu.memory_space<hbm>>) dst(%arg12 : memref<50x128xf32, #tpu.memory_space<vmem>>)
      %dma_start3A_333 = arith.constant 0 : i32
      %dma_start3A_334 = tpu.memref_slice %arg8[%add3A_317, %dma_start3A_333] : memref<56x50xi32, #tpu.memory_space<vmem>> -> memref<1x50xi32, #tpu.memory_space<vmem>>
      %dma_start3A_335 = tpu.memref_squeeze %dma_start3A_334 : memref<1x50xi32, #tpu.memory_space<vmem>> -> memref<50xi32, #tpu.memory_space<vmem>>
      %dma_start3A_336 = arith.constant 0 : i32
      %dma_start3A_337 = arith.constant 0 : i32
      %dma_start3A_338 = tpu.memref_slice %arg13[%dma_start3A_336, %dma_start3A_337] : memref<10240x128xf32, #tpu.memory_space<vmem_shared>> -> memref<10240x128xf32, #tpu.memory_space<vmem_shared>>
      tpu.enqueue_indirect_dma source(%arg12 : memref<50x128xf32, #tpu.memory_space<vmem>>) target(%dma_start3A_338 : memref<10240x128xf32, #tpu.memory_space<vmem_shared>>) offsets(%dma_start3A_335 : memref<50xi32, #tpu.memory_space<vmem>>) semaphore(%arg21 : memref<!tpu.dma_semaphore, #tpu.memory_space<semaphore_mem>>) {add = true}
    }
    %scan3A_149 = arith.constant 12 : i32
    %dma_wait3A_150 = arith.constant 0 : i32
    %dma_wait3A_151 = arith.constant 0 : i32
    %dma_wait3A_152 = tpu.memref_slice %arg8[%dma_wait3A_150, %dma_wait3A_151] : memref<56x50xi32, #tpu.memory_space<vmem>> -> memref<1x50xi32, #tpu.memory_space<vmem>>
    %dma_wait3A_153 = tpu.memref_squeeze %dma_wait3A_152 : memref<1x50xi32, #tpu.memory_space<vmem>> -> memref<50xi32, #tpu.memory_space<vmem>>
    %dma_wait3A_154 = arith.constant 0 : i32
    %dma_wait3A_155 = arith.constant 0 : i32
    %dma_wait3A_156 = tpu.memref_slice %arg13[%dma_wait3A_154, %dma_wait3A_155] : memref<10240x128xf32, #tpu.memory_space<vmem_shared>> -> memref<10240x128xf32, #tpu.memory_space<vmem_shared>>
    tpu.wait_indirect_dma semaphore(%arg18 : memref<!tpu.dma_semaphore, #tpu.memory_space<semaphore_mem>>) src(%arg9 : memref<50x128xf32, #tpu.memory_space<vmem>>) dst(%dma_wait3A_156 : memref<10240x128xf32, #tpu.memory_space<vmem_shared>>)
    %dma_wait3A_157 = arith.constant 0 : i32
    %dma_wait3A_158 = arith.constant 0 : i32
    %dma_wait3A_159 = tpu.memref_slice %arg8[%dma_wait3A_157, %dma_wait3A_158] : memref<56x50xi32, #tpu.memory_space<vmem>> -> memref<1x50xi32, #tpu.memory_space<vmem>>
    %dma_wait3A_160 = tpu.memref_squeeze %dma_wait3A_159 : memref<1x50xi32, #tpu.memory_space<vmem>> -> memref<50xi32, #tpu.memory_space<vmem>>
    %dma_wait3A_161 = arith.constant 0 : i32
    %dma_wait3A_162 = arith.constant 0 : i32
    %dma_wait3A_163 = tpu.memref_slice %arg13[%dma_wait3A_161, %dma_wait3A_162] : memref<10240x128xf32, #tpu.memory_space<vmem_shared>> -> memref<10240x128xf32, #tpu.memory_space<vmem_shared>>
    tpu.wait_indirect_dma semaphore(%arg19 : memref<!tpu.dma_semaphore, #tpu.memory_space<semaphore_mem>>) src(%arg10 : memref<50x128xf32, #tpu.memory_space<vmem>>) dst(%dma_wait3A_163 : memref<10240x128xf32, #tpu.memory_space<vmem_shared>>)
    %dma_wait3A_164 = arith.constant 0 : i32
    %dma_wait3A_165 = arith.constant 0 : i32
    %dma_wait3A_166 = tpu.memref_slice %arg8[%dma_wait3A_164, %dma_wait3A_165] : memref<56x50xi32, #tpu.memory_space<vmem>> -> memref<1x50xi32, #tpu.memory_space<vmem>>
    %dma_wait3A_167 = tpu.memref_squeeze %dma_wait3A_166 : memref<1x50xi32, #tpu.memory_space<vmem>> -> memref<50xi32, #tpu.memory_space<vmem>>
    %dma_wait3A_168 = arith.constant 0 : i32
    %dma_wait3A_169 = arith.constant 0 : i32
    %dma_wait3A_170 = tpu.memref_slice %arg13[%dma_wait3A_168, %dma_wait3A_169] : memref<10240x128xf32, #tpu.memory_space<vmem_shared>> -> memref<10240x128xf32, #tpu.memory_space<vmem_shared>>
    tpu.wait_indirect_dma semaphore(%arg20 : memref<!tpu.dma_semaphore, #tpu.memory_space<semaphore_mem>>) src(%arg11 : memref<50x128xf32, #tpu.memory_space<vmem>>) dst(%dma_wait3A_170 : memref<10240x128xf32, #tpu.memory_space<vmem_shared>>)
    %dma_wait3A_171 = arith.constant 0 : i32
    %dma_wait3A_172 = arith.constant 0 : i32
    %dma_wait3A_173 = tpu.memref_slice %arg8[%dma_wait3A_171, %dma_wait3A_172] : memref<56x50xi32, #tpu.memory_space<vmem>> -> memref<1x50xi32, #tpu.memory_space<vmem>>
    %dma_wait3A_174 = tpu.memref_squeeze %dma_wait3A_173 : memref<1x50xi32, #tpu.memory_space<vmem>> -> memref<50xi32, #tpu.memory_space<vmem>>
    %dma_wait3A_175 = arith.constant 0 : i32
    %dma_wait3A_176 = arith.constant 0 : i32
    %dma_wait3A_177 = tpu.memref_slice %arg13[%dma_wait3A_175, %dma_wait3A_176] : memref<10240x128xf32, #tpu.memory_space<vmem_shared>> -> memref<10240x128xf32, #tpu.memory_space<vmem_shared>>
    tpu.wait_indirect_dma semaphore(%arg21 : memref<!tpu.dma_semaphore, #tpu.memory_space<semaphore_mem>>) src(%arg12 : memref<50x128xf32, #tpu.memory_space<vmem>>) dst(%dma_wait3A_177 : memref<10240x128xf32, #tpu.memory_space<vmem_shared>>)
    %mul3A_178 = arith.constant 200 : i32
    %mul3A_179 = arith.muli %arg1, %mul3A_178 : i32
    %add3A_180 = arith.constant 152 : i32
    %add3A_181 = arith.addi %mul3A_179, %add3A_180 : i32
    "tpu.region"() ({
      %run_scoped3A = tpu.sem_alloc : memref<!tpu.dma_semaphore, #tpu.memory_space<semaphore_mem>>
      %dma_start3A_242 = arith.constant 0 : i32
      %dma_start3A_243 = arith.constant 0 : i32
      %dma_start3A_244 = tpu.memref_slice %arg7[%dma_start3A_242, %dma_start3A_243] : memref<56x50xi32, #tpu.memory_space<vmem>> -> memref<48x50xi32, #tpu.memory_space<vmem>>
      %dma_start3A_245 = arith.constant 0 : i32
      %dma_start3A_246 = tpu.memref_slice %arg3[%arg0, %add3A_181, %dma_start3A_245] : memref<2x3200x50xi32, #tpu.memory_space<hbm>> -> memref<1x48x50xi32, #tpu.memory_space<hbm>>
      %dma_start3A_247 = tpu.memref_squeeze %dma_start3A_246 : memref<1x48x50xi32, #tpu.memory_space<hbm>> -> memref<48x50xi32, #tpu.memory_space<hbm>>
      %dma_start3A_248 = arith.constant 0 : i32
      %dma_start3A_249 = arith.constant 0 : i32
      %dma_start3A_250 = tpu.memref_slice %arg7[%dma_start3A_248, %dma_start3A_249] : memref<56x50xi32, #tpu.memory_space<vmem>> -> memref<48x50xi32, #tpu.memory_space<vmem>>
      %dma_start3A_251 = arith.constant 0 : i32
      %dma_start3A_252 = tpu.memref_slice %arg3[%arg0, %add3A_181, %dma_start3A_251] : memref<2x3200x50xi32, #tpu.memory_space<hbm>> -> memref<1x48x50xi32, #tpu.memory_space<hbm>>
      %dma_start3A_253 = tpu.memref_squeeze %dma_start3A_252 : memref<1x48x50xi32, #tpu.memory_space<hbm>> -> memref<48x50xi32, #tpu.memory_space<hbm>>
      tpu.enqueue_dma source(%dma_start3A_253 : memref<48x50xi32, #tpu.memory_space<hbm>>) target(%dma_start3A_250 : memref<48x50xi32, #tpu.memory_space<vmem>>) target_semaphore(%run_scoped3A : memref<!tpu.dma_semaphore, #tpu.memory_space<semaphore_mem>>)
      %dma_wait3A_254 = arith.constant 0 : i32
      %dma_wait3A_255 = arith.constant 0 : i32
      %dma_wait3A_256 = tpu.memref_slice %arg7[%dma_wait3A_254, %dma_wait3A_255] : memref<56x50xi32, #tpu.memory_space<vmem>> -> memref<48x50xi32, #tpu.memory_space<vmem>>
      %dma_wait3A_257 = arith.constant 0 : i32
      %dma_wait3A_258 = tpu.memref_slice %arg3[%arg0, %add3A_181, %dma_wait3A_257] : memref<2x3200x50xi32, #tpu.memory_space<hbm>> -> memref<1x48x50xi32, #tpu.memory_space<hbm>>
      %dma_wait3A_259 = tpu.memref_squeeze %dma_wait3A_258 : memref<1x48x50xi32, #tpu.memory_space<hbm>> -> memref<48x50xi32, #tpu.memory_space<hbm>>
      %dma_wait3A_260 = arith.constant 0 : i32
      %dma_wait3A_261 = arith.constant 0 : i32
      %dma_wait3A_262 = tpu.memref_slice %arg7[%dma_wait3A_260, %dma_wait3A_261] : memref<56x50xi32, #tpu.memory_space<vmem>> -> memref<48x50xi32, #tpu.memory_space<vmem>>
      %dma_wait3A_263 = arith.constant 0 : i32
      %dma_wait3A_264 = tpu.memref_slice %arg3[%arg0, %add3A_181, %dma_wait3A_263] : memref<2x3200x50xi32, #tpu.memory_space<hbm>> -> memref<1x48x50xi32, #tpu.memory_space<hbm>>
      %dma_wait3A_265 = tpu.memref_squeeze %dma_wait3A_264 : memref<1x48x50xi32, #tpu.memory_space<hbm>> -> memref<48x50xi32, #tpu.memory_space<hbm>>
      tpu.wait_dma2 semaphore(%run_scoped3A : memref<!tpu.dma_semaphore, #tpu.memory_space<semaphore_mem>>) src(%dma_wait3A_265 : memref<48x50xi32, #tpu.memory_space<hbm>>) dst(%dma_wait3A_262 : memref<48x50xi32, #tpu.memory_space<vmem>>)
      tpu.yield
    }) : () -> ()
    "tpu.region"() ({
      %run_scoped3A = tpu.sem_alloc : memref<!tpu.dma_semaphore, #tpu.memory_space<semaphore_mem>>
      %dma_start3A_242 = arith.constant 0 : i32
      %dma_start3A_243 = arith.constant 0 : i32
      %dma_start3A_244 = tpu.memref_slice %arg8[%dma_start3A_242, %dma_start3A_243] : memref<56x50xi32, #tpu.memory_space<vmem>> -> memref<48x50xi32, #tpu.memory_space<vmem>>
      %dma_start3A_245 = arith.constant 0 : i32
      %dma_start3A_246 = tpu.memref_slice %arg4[%add3A_181, %dma_start3A_245] : memref<3200x50xi32, #tpu.memory_space<hbm>> -> memref<48x50xi32, #tpu.memory_space<hbm>>
      %dma_start3A_247 = arith.constant 0 : i32
      %dma_start3A_248 = arith.constant 0 : i32
      %dma_start3A_249 = tpu.memref_slice %arg8[%dma_start3A_247, %dma_start3A_248] : memref<56x50xi32, #tpu.memory_space<vmem>> -> memref<48x50xi32, #tpu.memory_space<vmem>>
      %dma_start3A_250 = arith.constant 0 : i32
      %dma_start3A_251 = tpu.memref_slice %arg4[%add3A_181, %dma_start3A_250] : memref<3200x50xi32, #tpu.memory_space<hbm>> -> memref<48x50xi32, #tpu.memory_space<hbm>>
      tpu.enqueue_dma source(%dma_start3A_251 : memref<48x50xi32, #tpu.memory_space<hbm>>) target(%dma_start3A_249 : memref<48x50xi32, #tpu.memory_space<vmem>>) target_semaphore(%run_scoped3A : memref<!tpu.dma_semaphore, #tpu.memory_space<semaphore_mem>>)
      %dma_wait3A_252 = arith.constant 0 : i32
      %dma_wait3A_253 = arith.constant 0 : i32
      %dma_wait3A_254 = tpu.memref_slice %arg8[%dma_wait3A_252, %dma_wait3A_253] : memref<56x50xi32, #tpu.memory_space<vmem>> -> memref<48x50xi32, #tpu.memory_space<vmem>>
      %dma_wait3A_255 = arith.constant 0 : i32
      %dma_wait3A_256 = tpu.memref_slice %arg4[%add3A_181, %dma_wait3A_255] : memref<3200x50xi32, #tpu.memory_space<hbm>> -> memref<48x50xi32, #tpu.memory_space<hbm>>
      %dma_wait3A_257 = arith.constant 0 : i32
      %dma_wait3A_258 = arith.constant 0 : i32
      %dma_wait3A_259 = tpu.memref_slice %arg8[%dma_wait3A_257, %dma_wait3A_258] : memref<56x50xi32, #tpu.memory_space<vmem>> -> memref<48x50xi32, #tpu.memory_space<vmem>>
      %dma_wait3A_260 = arith.constant 0 : i32
      %dma_wait3A_261 = tpu.memref_slice %arg4[%add3A_181, %dma_wait3A_260] : memref<3200x50xi32, #tpu.memory_space<hbm>> -> memref<48x50xi32, #tpu.memory_space<hbm>>
      tpu.wait_dma2 semaphore(%run_scoped3A : memref<!tpu.dma_semaphore, #tpu.memory_space<semaphore_mem>>) src(%dma_wait3A_261 : memref<48x50xi32, #tpu.memory_space<hbm>>) dst(%dma_wait3A_259 : memref<48x50xi32, #tpu.memory_space<vmem>>)
      tpu.yield
    }) : () -> ()
    %dma_start3A_182 = arith.constant 0 : i32
    %dma_start3A_183 = arith.constant 0 : i32
    %dma_start3A_184 = tpu.memref_slice %arg7[%dma_start3A_182, %dma_start3A_183] : memref<56x50xi32, #tpu.memory_space<vmem>> -> memref<1x50xi32, #tpu.memory_space<vmem>>
    %dma_start3A_185 = tpu.memref_squeeze %dma_start3A_184 : memref<1x50xi32, #tpu.memory_space<vmem>> -> memref<50xi32, #tpu.memory_space<vmem>>
    %dma_start3A_186 = arith.constant 0 : i32
    %dma_start3A_187 = arith.constant 0 : i32
    %dma_start3A_188 = tpu.memref_slice %arg2[%dma_start3A_186, %dma_start3A_187] : memref<20480x128xf32, #tpu.memory_space<hbm>> -> memref<20480x128xf32, #tpu.memory_space<hbm>>
    tpu.enqueue_indirect_dma source(%dma_start3A_188 : memref<20480x128xf32, #tpu.memory_space<hbm>>) target(%arg9 : memref<50x128xf32, #tpu.memory_space<vmem>>) offsets(%dma_start3A_185 : memref<50xi32, #tpu.memory_space<vmem>>) semaphore(%arg14 : memref<!tpu.dma_semaphore, #tpu.memory_space<semaphore_mem>>)
    %dma_start3A_189 = arith.constant 1 : i32
    %dma_start3A_190 = arith.constant 0 : i32
    %dma_start3A_191 = tpu.memref_slice %arg7[%dma_start3A_189, %dma_start3A_190] : memref<56x50xi32, #tpu.memory_space<vmem>> -> memref<1x50xi32, #tpu.memory_space<vmem>>
    %dma_start3A_192 = tpu.memref_squeeze %dma_start3A_191 : memref<1x50xi32, #tpu.memory_space<vmem>> -> memref<50xi32, #tpu.memory_space<vmem>>
    %dma_start3A_193 = arith.constant 0 : i32
    %dma_start3A_194 = arith.constant 0 : i32
    %dma_start3A_195 = tpu.memref_slice %arg2[%dma_start3A_193, %dma_start3A_194] : memref<20480x128xf32, #tpu.memory_space<hbm>> -> memref<20480x128xf32, #tpu.memory_space<hbm>>
    tpu.enqueue_indirect_dma source(%dma_start3A_195 : memref<20480x128xf32, #tpu.memory_space<hbm>>) target(%arg10 : memref<50x128xf32, #tpu.memory_space<vmem>>) offsets(%dma_start3A_192 : memref<50xi32, #tpu.memory_space<vmem>>) semaphore(%arg15 : memref<!tpu.dma_semaphore, #tpu.memory_space<semaphore_mem>>)
    %dma_start3A_196 = arith.constant 2 : i32
    %dma_start3A_197 = arith.constant 0 : i32
    %dma_start3A_198 = tpu.memref_slice %arg7[%dma_start3A_196, %dma_start3A_197] : memref<56x50xi32, #tpu.memory_space<vmem>> -> memref<1x50xi32, #tpu.memory_space<vmem>>
    %dma_start3A_199 = tpu.memref_squeeze %dma_start3A_198 : memref<1x50xi32, #tpu.memory_space<vmem>> -> memref<50xi32, #tpu.memory_space<vmem>>
    %dma_start3A_200 = arith.constant 0 : i32
    %dma_start3A_201 = arith.constant 0 : i32
    %dma_start3A_202 = tpu.memref_slice %arg2[%dma_start3A_200, %dma_start3A_201] : memref<20480x128xf32, #tpu.memory_space<hbm>> -> memref<20480x128xf32, #tpu.memory_space<hbm>>
    tpu.enqueue_indirect_dma source(%dma_start3A_202 : memref<20480x128xf32, #tpu.memory_space<hbm>>) target(%arg11 : memref<50x128xf32, #tpu.memory_space<vmem>>) offsets(%dma_start3A_199 : memref<50xi32, #tpu.memory_space<vmem>>) semaphore(%arg16 : memref<!tpu.dma_semaphore, #tpu.memory_space<semaphore_mem>>)
    %scan3A_203 = arith.constant 0 : i32
    %scan3A_204 = arith.constant 0 : i32
    %scan3A_205 = arith.constant 12 : i32
    %scan3A_206 = arith.addi %scan3A_204, %scan3A_205 : i32
    %scan3A_207 = arith.constant 1 : i32
    scf.for %scan3A_242 = %scan3A_204 to %scan3A_206 step %scan3A_207  : i32 {
      %mul3A_243 = arith.constant 4 : i32
      %mul3A_244 = arith.muli %mul3A_243, %scan3A_242 : i32
      %add3A_245 = arith.constant 0 : i32
      %add3A_246 = arith.addi %mul3A_244, %add3A_245 : i32
      %add3A_247 = arith.constant 4 : i32
      %add3A_248 = arith.addi %add3A_246, %add3A_247 : i32
      %sub3A = arith.constant 1 : i32
      %sub3A_249 = arith.subi %add3A_248, %sub3A : i32
      %lt3A = arith.constant 48 : i32
      %lt3A_250 = arith.cmpi slt, %sub3A_249, %lt3A : i32
      %convert_element_type3A = arith.extui %lt3A_250 : i1 to i32
      %cond3A = arith.constant 0 : i32
      %cond3A_251 = arith.cmpi ne, %convert_element_type3A, %cond3A : i32
      scf.if %cond3A_251 {
        %ge3A = arith.constant 1 : i32
        %ge3A_339 = arith.cmpi sge, %add3A_246, %ge3A : i32
        %convert_element_type3A_340 = arith.extui %ge3A_339 : i1 to i32
        %cond3A_341 = arith.constant 0 : i32
        %cond3A_342 = arith.cmpi ne, %convert_element_type3A_340, %cond3A_341 : i32
        scf.if %cond3A_342 {
          %dma_wait3A_353 = arith.constant 0 : i32
          %dma_wait3A_354 = arith.constant 0 : i32
          %dma_wait3A_355 = tpu.memref_slice %arg8[%dma_wait3A_353, %dma_wait3A_354] : memref<56x50xi32, #tpu.memory_space<vmem>> -> memref<1x50xi32, #tpu.memory_space<vmem>>
          %dma_wait3A_356 = tpu.memref_squeeze %dma_wait3A_355 : memref<1x50xi32, #tpu.memory_space<vmem>> -> memref<50xi32, #tpu.memory_space<vmem>>
          %dma_wait3A_357 = arith.constant 0 : i32
          %dma_wait3A_358 = arith.constant 0 : i32
          %dma_wait3A_359 = tpu.memref_slice %arg13[%dma_wait3A_357, %dma_wait3A_358] : memref<10240x128xf32, #tpu.memory_space<vmem_shared>> -> memref<10240x128xf32, #tpu.memory_space<vmem_shared>>
          tpu.wait_indirect_dma semaphore(%arg21 : memref<!tpu.dma_semaphore, #tpu.memory_space<semaphore_mem>>) src(%arg12 : memref<50x128xf32, #tpu.memory_space<vmem>>) dst(%dma_wait3A_359 : memref<10240x128xf32, #tpu.memory_space<vmem_shared>>)
        } else {
        }
        %add3A_343 = arith.constant 4 : i32
        %add3A_344 = arith.addi %add3A_246, %add3A_343 : i32
        %sub3A_345 = arith.constant 1 : i32
        %sub3A_346 = arith.subi %add3A_344, %sub3A_345 : i32
        %dma_start3A_347 = arith.constant 0 : i32
        %dma_start3A_348 = tpu.memref_slice %arg7[%sub3A_346, %dma_start3A_347] : memref<56x50xi32, #tpu.memory_space<vmem>> -> memref<1x50xi32, #tpu.memory_space<vmem>>
        %dma_start3A_349 = tpu.memref_squeeze %dma_start3A_348 : memref<1x50xi32, #tpu.memory_space<vmem>> -> memref<50xi32, #tpu.memory_space<vmem>>
        %dma_start3A_350 = arith.constant 0 : i32
        %dma_start3A_351 = arith.constant 0 : i32
        %dma_start3A_352 = tpu.memref_slice %arg2[%dma_start3A_350, %dma_start3A_351] : memref<20480x128xf32, #tpu.memory_space<hbm>> -> memref<20480x128xf32, #tpu.memory_space<hbm>>
        tpu.enqueue_indirect_dma source(%dma_start3A_352 : memref<20480x128xf32, #tpu.memory_space<hbm>>) target(%arg12 : memref<50x128xf32, #tpu.memory_space<vmem>>) offsets(%dma_start3A_349 : memref<50xi32, #tpu.memory_space<vmem>>) semaphore(%arg17 : memref<!tpu.dma_semaphore, #tpu.memory_space<semaphore_mem>>)
      } else {
      }
      %dma_wait3A_252 = arith.constant 0 : i32
      %dma_wait3A_253 = tpu.memref_slice %arg7[%add3A_246, %dma_wait3A_252] : memref<56x50xi32, #tpu.memory_space<vmem>> -> memref<1x50xi32, #tpu.memory_space<vmem>>
      %dma_wait3A_254 = tpu.memref_squeeze %dma_wait3A_253 : memref<1x50xi32, #tpu.memory_space<vmem>> -> memref<50xi32, #tpu.memory_space<vmem>>
      %dma_wait3A_255 = arith.constant 0 : i32
      %dma_wait3A_256 = arith.constant 0 : i32
      %dma_wait3A_257 = tpu.memref_slice %arg2[%dma_wait3A_255, %dma_wait3A_256] : memref<20480x128xf32, #tpu.memory_space<hbm>> -> memref<20480x128xf32, #tpu.memory_space<hbm>>
      tpu.wait_indirect_dma semaphore(%arg14 : memref<!tpu.dma_semaphore, #tpu.memory_space<semaphore_mem>>) src(%dma_wait3A_257 : memref<20480x128xf32, #tpu.memory_space<hbm>>) dst(%arg9 : memref<50x128xf32, #tpu.memory_space<vmem>>)
      %dma_start3A_258 = arith.constant 0 : i32
      %dma_start3A_259 = tpu.memref_slice %arg8[%add3A_246, %dma_start3A_258] : memref<56x50xi32, #tpu.memory_space<vmem>> -> memref<1x50xi32, #tpu.memory_space<vmem>>
      %dma_start3A_260 = tpu.memref_squeeze %dma_start3A_259 : memref<1x50xi32, #tpu.memory_space<vmem>> -> memref<50xi32, #tpu.memory_space<vmem>>
      %dma_start3A_261 = arith.constant 0 : i32
      %dma_start3A_262 = arith.constant 0 : i32
      %dma_start3A_263 = tpu.memref_slice %arg13[%dma_start3A_261, %dma_start3A_262] : memref<10240x128xf32, #tpu.memory_space<vmem_shared>> -> memref<10240x128xf32, #tpu.memory_space<vmem_shared>>
      tpu.enqueue_indirect_dma source(%arg9 : memref<50x128xf32, #tpu.memory_space<vmem>>) target(%dma_start3A_263 : memref<10240x128xf32, #tpu.memory_space<vmem_shared>>) offsets(%dma_start3A_260 : memref<50xi32, #tpu.memory_space<vmem>>) semaphore(%arg18 : memref<!tpu.dma_semaphore, #tpu.memory_space<semaphore_mem>>) {add = true}
      %mul3A_264 = arith.constant 4 : i32
      %mul3A_265 = arith.muli %mul3A_264, %scan3A_242 : i32
      %add3A_266 = arith.constant 1 : i32
      %add3A_267 = arith.addi %mul3A_265, %add3A_266 : i32
      %add3A_268 = arith.constant 4 : i32
      %add3A_269 = arith.addi %add3A_267, %add3A_268 : i32
      %sub3A_270 = arith.constant 1 : i32
      %sub3A_271 = arith.subi %add3A_269, %sub3A_270 : i32
      %lt3A_272 = arith.constant 48 : i32
      %lt3A_273 = arith.cmpi slt, %sub3A_271, %lt3A_272 : i32
      %convert_element_type3A_274 = arith.extui %lt3A_273 : i1 to i32
      %cond3A_275 = arith.constant 0 : i32
      %cond3A_276 = arith.cmpi ne, %convert_element_type3A_274, %cond3A_275 : i32
      scf.if %cond3A_276 {
        %ge3A = arith.constant 1 : i32
        %ge3A_339 = arith.cmpi sge, %add3A_267, %ge3A : i32
        %convert_element_type3A_340 = arith.extui %ge3A_339 : i1 to i32
        %cond3A_341 = arith.constant 0 : i32
        %cond3A_342 = arith.cmpi ne, %convert_element_type3A_340, %cond3A_341 : i32
        scf.if %cond3A_342 {
          %dma_wait3A_353 = arith.constant 0 : i32
          %dma_wait3A_354 = arith.constant 0 : i32
          %dma_wait3A_355 = tpu.memref_slice %arg8[%dma_wait3A_353, %dma_wait3A_354] : memref<56x50xi32, #tpu.memory_space<vmem>> -> memref<1x50xi32, #tpu.memory_space<vmem>>
          %dma_wait3A_356 = tpu.memref_squeeze %dma_wait3A_355 : memref<1x50xi32, #tpu.memory_space<vmem>> -> memref<50xi32, #tpu.memory_space<vmem>>
          %dma_wait3A_357 = arith.constant 0 : i32
          %dma_wait3A_358 = arith.constant 0 : i32
          %dma_wait3A_359 = tpu.memref_slice %arg13[%dma_wait3A_357, %dma_wait3A_358] : memref<10240x128xf32, #tpu.memory_space<vmem_shared>> -> memref<10240x128xf32, #tpu.memory_space<vmem_shared>>
          tpu.wait_indirect_dma semaphore(%arg18 : memref<!tpu.dma_semaphore, #tpu.memory_space<semaphore_mem>>) src(%arg9 : memref<50x128xf32, #tpu.memory_space<vmem>>) dst(%dma_wait3A_359 : memref<10240x128xf32, #tpu.memory_space<vmem_shared>>)
        } else {
        }
        %add3A_343 = arith.constant 4 : i32
        %add3A_344 = arith.addi %add3A_267, %add3A_343 : i32
        %sub3A_345 = arith.constant 1 : i32
        %sub3A_346 = arith.subi %add3A_344, %sub3A_345 : i32
        %dma_start3A_347 = arith.constant 0 : i32
        %dma_start3A_348 = tpu.memref_slice %arg7[%sub3A_346, %dma_start3A_347] : memref<56x50xi32, #tpu.memory_space<vmem>> -> memref<1x50xi32, #tpu.memory_space<vmem>>
        %dma_start3A_349 = tpu.memref_squeeze %dma_start3A_348 : memref<1x50xi32, #tpu.memory_space<vmem>> -> memref<50xi32, #tpu.memory_space<vmem>>
        %dma_start3A_350 = arith.constant 0 : i32
        %dma_start3A_351 = arith.constant 0 : i32
        %dma_start3A_352 = tpu.memref_slice %arg2[%dma_start3A_350, %dma_start3A_351] : memref<20480x128xf32, #tpu.memory_space<hbm>> -> memref<20480x128xf32, #tpu.memory_space<hbm>>
        tpu.enqueue_indirect_dma source(%dma_start3A_352 : memref<20480x128xf32, #tpu.memory_space<hbm>>) target(%arg9 : memref<50x128xf32, #tpu.memory_space<vmem>>) offsets(%dma_start3A_349 : memref<50xi32, #tpu.memory_space<vmem>>) semaphore(%arg14 : memref<!tpu.dma_semaphore, #tpu.memory_space<semaphore_mem>>)
      } else {
      }
      %dma_wait3A_277 = arith.constant 0 : i32
      %dma_wait3A_278 = tpu.memref_slice %arg7[%add3A_267, %dma_wait3A_277] : memref<56x50xi32, #tpu.memory_space<vmem>> -> memref<1x50xi32, #tpu.memory_space<vmem>>
      %dma_wait3A_279 = tpu.memref_squeeze %dma_wait3A_278 : memref<1x50xi32, #tpu.memory_space<vmem>> -> memref<50xi32, #tpu.memory_space<vmem>>
      %dma_wait3A_280 = arith.constant 0 : i32
      %dma_wait3A_281 = arith.constant 0 : i32
      %dma_wait3A_282 = tpu.memref_slice %arg2[%dma_wait3A_280, %dma_wait3A_281] : memref<20480x128xf32, #tpu.memory_space<hbm>> -> memref<20480x128xf32, #tpu.memory_space<hbm>>
      tpu.wait_indirect_dma semaphore(%arg15 : memref<!tpu.dma_semaphore, #tpu.memory_space<semaphore_mem>>) src(%dma_wait3A_282 : memref<20480x128xf32, #tpu.memory_space<hbm>>) dst(%arg10 : memref<50x128xf32, #tpu.memory_space<vmem>>)
      %dma_start3A_283 = arith.constant 0 : i32
      %dma_start3A_284 = tpu.memref_slice %arg8[%add3A_267, %dma_start3A_283] : memref<56x50xi32, #tpu.memory_space<vmem>> -> memref<1x50xi32, #tpu.memory_space<vmem>>
      %dma_start3A_285 = tpu.memref_squeeze %dma_start3A_284 : memref<1x50xi32, #tpu.memory_space<vmem>> -> memref<50xi32, #tpu.memory_space<vmem>>
      %dma_start3A_286 = arith.constant 0 : i32
      %dma_start3A_287 = arith.constant 0 : i32
      %dma_start3A_288 = tpu.memref_slice %arg13[%dma_start3A_286, %dma_start3A_287] : memref<10240x128xf32, #tpu.memory_space<vmem_shared>> -> memref<10240x128xf32, #tpu.memory_space<vmem_shared>>
      tpu.enqueue_indirect_dma source(%arg10 : memref<50x128xf32, #tpu.memory_space<vmem>>) target(%dma_start3A_288 : memref<10240x128xf32, #tpu.memory_space<vmem_shared>>) offsets(%dma_start3A_285 : memref<50xi32, #tpu.memory_space<vmem>>) semaphore(%arg19 : memref<!tpu.dma_semaphore, #tpu.memory_space<semaphore_mem>>) {add = true}
      %mul3A_289 = arith.constant 4 : i32
      %mul3A_290 = arith.muli %mul3A_289, %scan3A_242 : i32
      %add3A_291 = arith.constant 2 : i32
      %add3A_292 = arith.addi %mul3A_290, %add3A_291 : i32
      %add3A_293 = arith.constant 4 : i32
      %add3A_294 = arith.addi %add3A_292, %add3A_293 : i32
      %sub3A_295 = arith.constant 1 : i32
      %sub3A_296 = arith.subi %add3A_294, %sub3A_295 : i32
      %lt3A_297 = arith.constant 48 : i32
      %lt3A_298 = arith.cmpi slt, %sub3A_296, %lt3A_297 : i32
      %convert_element_type3A_299 = arith.extui %lt3A_298 : i1 to i32
      %cond3A_300 = arith.constant 0 : i32
      %cond3A_301 = arith.cmpi ne, %convert_element_type3A_299, %cond3A_300 : i32
      scf.if %cond3A_301 {
        %ge3A = arith.constant 1 : i32
        %ge3A_339 = arith.cmpi sge, %add3A_292, %ge3A : i32
        %convert_element_type3A_340 = arith.extui %ge3A_339 : i1 to i32
        %cond3A_341 = arith.constant 0 : i32
        %cond3A_342 = arith.cmpi ne, %convert_element_type3A_340, %cond3A_341 : i32
        scf.if %cond3A_342 {
          %dma_wait3A_353 = arith.constant 0 : i32
          %dma_wait3A_354 = arith.constant 0 : i32
          %dma_wait3A_355 = tpu.memref_slice %arg8[%dma_wait3A_353, %dma_wait3A_354] : memref<56x50xi32, #tpu.memory_space<vmem>> -> memref<1x50xi32, #tpu.memory_space<vmem>>
          %dma_wait3A_356 = tpu.memref_squeeze %dma_wait3A_355 : memref<1x50xi32, #tpu.memory_space<vmem>> -> memref<50xi32, #tpu.memory_space<vmem>>
          %dma_wait3A_357 = arith.constant 0 : i32
          %dma_wait3A_358 = arith.constant 0 : i32
          %dma_wait3A_359 = tpu.memref_slice %arg13[%dma_wait3A_357, %dma_wait3A_358] : memref<10240x128xf32, #tpu.memory_space<vmem_shared>> -> memref<10240x128xf32, #tpu.memory_space<vmem_shared>>
          tpu.wait_indirect_dma semaphore(%arg19 : memref<!tpu.dma_semaphore, #tpu.memory_space<semaphore_mem>>) src(%arg10 : memref<50x128xf32, #tpu.memory_space<vmem>>) dst(%dma_wait3A_359 : memref<10240x128xf32, #tpu.memory_space<vmem_shared>>)
        } else {
        }
        %add3A_343 = arith.constant 4 : i32
        %add3A_344 = arith.addi %add3A_292, %add3A_343 : i32
        %sub3A_345 = arith.constant 1 : i32
        %sub3A_346 = arith.subi %add3A_344, %sub3A_345 : i32
        %dma_start3A_347 = arith.constant 0 : i32
        %dma_start3A_348 = tpu.memref_slice %arg7[%sub3A_346, %dma_start3A_347] : memref<56x50xi32, #tpu.memory_space<vmem>> -> memref<1x50xi32, #tpu.memory_space<vmem>>
        %dma_start3A_349 = tpu.memref_squeeze %dma_start3A_348 : memref<1x50xi32, #tpu.memory_space<vmem>> -> memref<50xi32, #tpu.memory_space<vmem>>
        %dma_start3A_350 = arith.constant 0 : i32
        %dma_start3A_351 = arith.constant 0 : i32
        %dma_start3A_352 = tpu.memref_slice %arg2[%dma_start3A_350, %dma_start3A_351] : memref<20480x128xf32, #tpu.memory_space<hbm>> -> memref<20480x128xf32, #tpu.memory_space<hbm>>
        tpu.enqueue_indirect_dma source(%dma_start3A_352 : memref<20480x128xf32, #tpu.memory_space<hbm>>) target(%arg10 : memref<50x128xf32, #tpu.memory_space<vmem>>) offsets(%dma_start3A_349 : memref<50xi32, #tpu.memory_space<vmem>>) semaphore(%arg15 : memref<!tpu.dma_semaphore, #tpu.memory_space<semaphore_mem>>)
      } else {
      }
      %dma_wait3A_302 = arith.constant 0 : i32
      %dma_wait3A_303 = tpu.memref_slice %arg7[%add3A_292, %dma_wait3A_302] : memref<56x50xi32, #tpu.memory_space<vmem>> -> memref<1x50xi32, #tpu.memory_space<vmem>>
      %dma_wait3A_304 = tpu.memref_squeeze %dma_wait3A_303 : memref<1x50xi32, #tpu.memory_space<vmem>> -> memref<50xi32, #tpu.memory_space<vmem>>
      %dma_wait3A_305 = arith.constant 0 : i32
      %dma_wait3A_306 = arith.constant 0 : i32
      %dma_wait3A_307 = tpu.memref_slice %arg2[%dma_wait3A_305, %dma_wait3A_306] : memref<20480x128xf32, #tpu.memory_space<hbm>> -> memref<20480x128xf32, #tpu.memory_space<hbm>>
      tpu.wait_indirect_dma semaphore(%arg16 : memref<!tpu.dma_semaphore, #tpu.memory_space<semaphore_mem>>) src(%dma_wait3A_307 : memref<20480x128xf32, #tpu.memory_space<hbm>>) dst(%arg11 : memref<50x128xf32, #tpu.memory_space<vmem>>)
      %dma_start3A_308 = arith.constant 0 : i32
      %dma_start3A_309 = tpu.memref_slice %arg8[%add3A_292, %dma_start3A_308] : memref<56x50xi32, #tpu.memory_space<vmem>> -> memref<1x50xi32, #tpu.memory_space<vmem>>
      %dma_start3A_310 = tpu.memref_squeeze %dma_start3A_309 : memref<1x50xi32, #tpu.memory_space<vmem>> -> memref<50xi32, #tpu.memory_space<vmem>>
      %dma_start3A_311 = arith.constant 0 : i32
      %dma_start3A_312 = arith.constant 0 : i32
      %dma_start3A_313 = tpu.memref_slice %arg13[%dma_start3A_311, %dma_start3A_312] : memref<10240x128xf32, #tpu.memory_space<vmem_shared>> -> memref<10240x128xf32, #tpu.memory_space<vmem_shared>>
      tpu.enqueue_indirect_dma source(%arg11 : memref<50x128xf32, #tpu.memory_space<vmem>>) target(%dma_start3A_313 : memref<10240x128xf32, #tpu.memory_space<vmem_shared>>) offsets(%dma_start3A_310 : memref<50xi32, #tpu.memory_space<vmem>>) semaphore(%arg20 : memref<!tpu.dma_semaphore, #tpu.memory_space<semaphore_mem>>) {add = true}
      %mul3A_314 = arith.constant 4 : i32
      %mul3A_315 = arith.muli %mul3A_314, %scan3A_242 : i32
      %add3A_316 = arith.constant 3 : i32
      %add3A_317 = arith.addi %mul3A_315, %add3A_316 : i32
      %add3A_318 = arith.constant 4 : i32
      %add3A_319 = arith.addi %add3A_317, %add3A_318 : i32
      %sub3A_320 = arith.constant 1 : i32
      %sub3A_321 = arith.subi %add3A_319, %sub3A_320 : i32
      %lt3A_322 = arith.constant 48 : i32
      %lt3A_323 = arith.cmpi slt, %sub3A_321, %lt3A_322 : i32
      %convert_element_type3A_324 = arith.extui %lt3A_323 : i1 to i32
      %cond3A_325 = arith.constant 0 : i32
      %cond3A_326 = arith.cmpi ne, %convert_element_type3A_324, %cond3A_325 : i32
      scf.if %cond3A_326 {
        %ge3A = arith.constant 1 : i32
        %ge3A_339 = arith.cmpi sge, %add3A_317, %ge3A : i32
        %convert_element_type3A_340 = arith.extui %ge3A_339 : i1 to i32
        %cond3A_341 = arith.constant 0 : i32
        %cond3A_342 = arith.cmpi ne, %convert_element_type3A_340, %cond3A_341 : i32
        scf.if %cond3A_342 {
          %dma_wait3A_353 = arith.constant 0 : i32
          %dma_wait3A_354 = arith.constant 0 : i32
          %dma_wait3A_355 = tpu.memref_slice %arg8[%dma_wait3A_353, %dma_wait3A_354] : memref<56x50xi32, #tpu.memory_space<vmem>> -> memref<1x50xi32, #tpu.memory_space<vmem>>
          %dma_wait3A_356 = tpu.memref_squeeze %dma_wait3A_355 : memref<1x50xi32, #tpu.memory_space<vmem>> -> memref<50xi32, #tpu.memory_space<vmem>>
          %dma_wait3A_357 = arith.constant 0 : i32
          %dma_wait3A_358 = arith.constant 0 : i32
          %dma_wait3A_359 = tpu.memref_slice %arg13[%dma_wait3A_357, %dma_wait3A_358] : memref<10240x128xf32, #tpu.memory_space<vmem_shared>> -> memref<10240x128xf32, #tpu.memory_space<vmem_shared>>
          tpu.wait_indirect_dma semaphore(%arg20 : memref<!tpu.dma_semaphore, #tpu.memory_space<semaphore_mem>>) src(%arg11 : memref<50x128xf32, #tpu.memory_space<vmem>>) dst(%dma_wait3A_359 : memref<10240x128xf32, #tpu.memory_space<vmem_shared>>)
        } else {
        }
        %add3A_343 = arith.constant 4 : i32
        %add3A_344 = arith.addi %add3A_317, %add3A_343 : i32
        %sub3A_345 = arith.constant 1 : i32
        %sub3A_346 = arith.subi %add3A_344, %sub3A_345 : i32
        %dma_start3A_347 = arith.constant 0 : i32
        %dma_start3A_348 = tpu.memref_slice %arg7[%sub3A_346, %dma_start3A_347] : memref<56x50xi32, #tpu.memory_space<vmem>> -> memref<1x50xi32, #tpu.memory_space<vmem>>
        %dma_start3A_349 = tpu.memref_squeeze %dma_start3A_348 : memref<1x50xi32, #tpu.memory_space<vmem>> -> memref<50xi32, #tpu.memory_space<vmem>>
        %dma_start3A_350 = arith.constant 0 : i32
        %dma_start3A_351 = arith.constant 0 : i32
        %dma_start3A_352 = tpu.memref_slice %arg2[%dma_start3A_350, %dma_start3A_351] : memref<20480x128xf32, #tpu.memory_space<hbm>> -> memref<20480x128xf32, #tpu.memory_space<hbm>>
        tpu.enqueue_indirect_dma source(%dma_start3A_352 : memref<20480x128xf32, #tpu.memory_space<hbm>>) target(%arg11 : memref<50x128xf32, #tpu.memory_space<vmem>>) offsets(%dma_start3A_349 : memref<50xi32, #tpu.memory_space<vmem>>) semaphore(%arg16 : memref<!tpu.dma_semaphore, #tpu.memory_space<semaphore_mem>>)
      } else {
      }
      %dma_wait3A_327 = arith.constant 0 : i32
      %dma_wait3A_328 = tpu.memref_slice %arg7[%add3A_317, %dma_wait3A_327] : memref<56x50xi32, #tpu.memory_space<vmem>> -> memref<1x50xi32, #tpu.memory_space<vmem>>
      %dma_wait3A_329 = tpu.memref_squeeze %dma_wait3A_328 : memref<1x50xi32, #tpu.memory_space<vmem>> -> memref<50xi32, #tpu.memory_space<vmem>>
      %dma_wait3A_330 = arith.constant 0 : i32
      %dma_wait3A_331 = arith.constant 0 : i32
      %dma_wait3A_332 = tpu.memref_slice %arg2[%dma_wait3A_330, %dma_wait3A_331] : memref<20480x128xf32, #tpu.memory_space<hbm>> -> memref<20480x128xf32, #tpu.memory_space<hbm>>
      tpu.wait_indirect_dma semaphore(%arg17 : memref<!tpu.dma_semaphore, #tpu.memory_space<semaphore_mem>>) src(%dma_wait3A_332 : memref<20480x128xf32, #tpu.memory_space<hbm>>) dst(%arg12 : memref<50x128xf32, #tpu.memory_space<vmem>>)
      %dma_start3A_333 = arith.constant 0 : i32
      %dma_start3A_334 = tpu.memref_slice %arg8[%add3A_317, %dma_start3A_333] : memref<56x50xi32, #tpu.memory_space<vmem>> -> memref<1x50xi32, #tpu.memory_space<vmem>>
      %dma_start3A_335 = tpu.memref_squeeze %dma_start3A_334 : memref<1x50xi32, #tpu.memory_space<vmem>> -> memref<50xi32, #tpu.memory_space<vmem>>
      %dma_start3A_336 = arith.constant 0 : i32
      %dma_start3A_337 = arith.constant 0 : i32
      %dma_start3A_338 = tpu.memref_slice %arg13[%dma_start3A_336, %dma_start3A_337] : memref<10240x128xf32, #tpu.memory_space<vmem_shared>> -> memref<10240x128xf32, #tpu.memory_space<vmem_shared>>
      tpu.enqueue_indirect_dma source(%arg12 : memref<50x128xf32, #tpu.memory_space<vmem>>) target(%dma_start3A_338 : memref<10240x128xf32, #tpu.memory_space<vmem_shared>>) offsets(%dma_start3A_335 : memref<50xi32, #tpu.memory_space<vmem>>) semaphore(%arg21 : memref<!tpu.dma_semaphore, #tpu.memory_space<semaphore_mem>>) {add = true}
    }
    %scan3A_208 = arith.constant 12 : i32
    %dma_wait3A_209 = arith.constant 0 : i32
    %dma_wait3A_210 = arith.constant 0 : i32
    %dma_wait3A_211 = tpu.memref_slice %arg8[%dma_wait3A_209, %dma_wait3A_210] : memref<56x50xi32, #tpu.memory_space<vmem>> -> memref<1x50xi32, #tpu.memory_space<vmem>>
    %dma_wait3A_212 = tpu.memref_squeeze %dma_wait3A_211 : memref<1x50xi32, #tpu.memory_space<vmem>> -> memref<50xi32, #tpu.memory_space<vmem>>
    %dma_wait3A_213 = arith.constant 0 : i32
    %dma_wait3A_214 = arith.constant 0 : i32
    %dma_wait3A_215 = tpu.memref_slice %arg13[%dma_wait3A_213, %dma_wait3A_214] : memref<10240x128xf32, #tpu.memory_space<vmem_shared>> -> memref<10240x128xf32, #tpu.memory_space<vmem_shared>>
    tpu.wait_indirect_dma semaphore(%arg18 : memref<!tpu.dma_semaphore, #tpu.memory_space<semaphore_mem>>) src(%arg9 : memref<50x128xf32, #tpu.memory_space<vmem>>) dst(%dma_wait3A_215 : memref<10240x128xf32, #tpu.memory_space<vmem_shared>>)
    %dma_wait3A_216 = arith.constant 0 : i32
    %dma_wait3A_217 = arith.constant 0 : i32
    %dma_wait3A_218 = tpu.memref_slice %arg8[%dma_wait3A_216, %dma_wait3A_217] : memref<56x50xi32, #tpu.memory_space<vmem>> -> memref<1x50xi32, #tpu.memory_space<vmem>>
    %dma_wait3A_219 = tpu.memref_squeeze %dma_wait3A_218 : memref<1x50xi32, #tpu.memory_space<vmem>> -> memref<50xi32, #tpu.memory_space<vmem>>
    %dma_wait3A_220 = arith.constant 0 : i32
    %dma_wait3A_221 = arith.constant 0 : i32
    %dma_wait3A_222 = tpu.memref_slice %arg13[%dma_wait3A_220, %dma_wait3A_221] : memref<10240x128xf32, #tpu.memory_space<vmem_shared>> -> memref<10240x128xf32, #tpu.memory_space<vmem_shared>>
    tpu.wait_indirect_dma semaphore(%arg19 : memref<!tpu.dma_semaphore, #tpu.memory_space<semaphore_mem>>) src(%arg10 : memref<50x128xf32, #tpu.memory_space<vmem>>) dst(%dma_wait3A_222 : memref<10240x128xf32, #tpu.memory_space<vmem_shared>>)
    %dma_wait3A_223 = arith.constant 0 : i32
    %dma_wait3A_224 = arith.constant 0 : i32
    %dma_wait3A_225 = tpu.memref_slice %arg8[%dma_wait3A_223, %dma_wait3A_224] : memref<56x50xi32, #tpu.memory_space<vmem>> -> memref<1x50xi32, #tpu.memory_space<vmem>>
    %dma_wait3A_226 = tpu.memref_squeeze %dma_wait3A_225 : memref<1x50xi32, #tpu.memory_space<vmem>> -> memref<50xi32, #tpu.memory_space<vmem>>
    %dma_wait3A_227 = arith.constant 0 : i32
    %dma_wait3A_228 = arith.constant 0 : i32
    %dma_wait3A_229 = tpu.memref_slice %arg13[%dma_wait3A_227, %dma_wait3A_228] : memref<10240x128xf32, #tpu.memory_space<vmem_shared>> -> memref<10240x128xf32, #tpu.memory_space<vmem_shared>>
    tpu.wait_indirect_dma semaphore(%arg20 : memref<!tpu.dma_semaphore, #tpu.memory_space<semaphore_mem>>) src(%arg11 : memref<50x128xf32, #tpu.memory_space<vmem>>) dst(%dma_wait3A_229 : memref<10240x128xf32, #tpu.memory_space<vmem_shared>>)
    %dma_wait3A_230 = arith.constant 0 : i32
    %dma_wait3A_231 = arith.constant 0 : i32
    %dma_wait3A_232 = tpu.memref_slice %arg8[%dma_wait3A_230, %dma_wait3A_231] : memref<56x50xi32, #tpu.memory_space<vmem>> -> memref<1x50xi32, #tpu.memory_space<vmem>>
    %dma_wait3A_233 = tpu.memref_squeeze %dma_wait3A_232 : memref<1x50xi32, #tpu.memory_space<vmem>> -> memref<50xi32, #tpu.memory_space<vmem>>
    %dma_wait3A_234 = arith.constant 0 : i32
    %dma_wait3A_235 = arith.constant 0 : i32
    %dma_wait3A_236 = tpu.memref_slice %arg13[%dma_wait3A_234, %dma_wait3A_235] : memref<10240x128xf32, #tpu.memory_space<vmem_shared>> -> memref<10240x128xf32, #tpu.memory_space<vmem_shared>>
    tpu.wait_indirect_dma semaphore(%arg21 : memref<!tpu.dma_semaphore, #tpu.memory_space<semaphore_mem>>) src(%arg12 : memref<50x128xf32, #tpu.memory_space<vmem>>) dst(%dma_wait3A_236 : memref<10240x128xf32, #tpu.memory_space<vmem_shared>>)
    %barrier3A_237 = arith.constant 0 : index
    tpu.barrier barrier_id(%barrier3A_237)
    %mul3A_238 = arith.constant 640 : i32
    %mul3A_239 = arith.muli %arg1, %mul3A_238 : i32
    %mul3A_240 = arith.constant 640 : i32
    %mul3A_241 = arith.muli %arg1, %mul3A_240 : i32
    "tpu.region"() ({
      %run_scoped3A = tpu.sem_alloc : memref<!tpu.dma_semaphore, #tpu.memory_space<semaphore_mem>>
      %dma_start3A_242 = arith.constant 0 : i32
      %dma_start3A_243 = tpu.memref_slice %arg6[%arg0, %mul3A_241, %dma_start3A_242] : memref<2x10240x128xf32, #tpu.memory_space<hbm>> -> memref<1x640x128xf32, #tpu.memory_space<hbm>>
      %dma_start3A_244 = tpu.memref_squeeze %dma_start3A_243 : memref<1x640x128xf32, #tpu.memory_space<hbm>> -> memref<640x128xf32, #tpu.memory_space<hbm>>
      %dma_start3A_245 = arith.constant 0 : i32
      %dma_start3A_246 = tpu.memref_slice %arg13[%mul3A_239, %dma_start3A_245] : memref<10240x128xf32, #tpu.memory_space<vmem_shared>> -> memref<640x128xf32, #tpu.memory_space<vmem_shared>>
      tpu.enqueue_dma source(%dma_start3A_246 : memref<640x128xf32, #tpu.memory_space<vmem_shared>>) target(%dma_start3A_244 : memref<640x128xf32, #tpu.memory_space<hbm>>) target_semaphore(%run_scoped3A : memref<!tpu.dma_semaphore, #tpu.memory_space<semaphore_mem>>)
      %dma_wait3A_247 = arith.constant 0 : i32
      %dma_wait3A_248 = tpu.memref_slice %arg6[%arg0, %mul3A_241, %dma_wait3A_247] : memref<2x10240x128xf32, #tpu.memory_space<hbm>> -> memref<1x640x128xf32, #tpu.memory_space<hbm>>
      %dma_wait3A_249 = tpu.memref_squeeze %dma_wait3A_248 : memref<1x640x128xf32, #tpu.memory_space<hbm>> -> memref<640x128xf32, #tpu.memory_space<hbm>>
      %dma_wait3A_250 = arith.constant 0 : i32
      %dma_wait3A_251 = tpu.memref_slice %arg13[%mul3A_239, %dma_wait3A_250] : memref<10240x128xf32, #tpu.memory_space<vmem_shared>> -> memref<640x128xf32, #tpu.memory_space<vmem_shared>>
      tpu.wait_dma2 semaphore(%run_scoped3A : memref<!tpu.dma_semaphore, #tpu.memory_space<semaphore_mem>>) src(%dma_wait3A_251 : memref<640x128xf32, #tpu.memory_space<vmem_shared>>) dst(%dma_wait3A_249 : memref<640x128xf32, #tpu.memory_space<hbm>>)
      tpu.yield
    }) : () -> ()
    return
  }
}

module attributes {stable_mosaic.version = 14 : i64} {
  func.func @_mm_kernel(%arg0: i32, %arg1: memref<2x2048x128xf32, #tpu.memory_space<vmem>>, %arg2: memref<2x2048x128xf32, #tpu.memory_space<vmem>>, %arg3: memref<2x16x128xf32, #tpu.memory_space<vmem>>, %arg4: memref<256x512xf32, #tpu.memory_space<vmem>>, %arg5: memref<1x512xf32, #tpu.memory_space<vmem>>, %arg6: memref<512x256xf32, #tpu.memory_space<vmem>>, %arg7: memref<2x2048x128xf32, #tpu.memory_space<vmem>>) attributes {dimension_semantics = [#tpu.dimension_semantics<arbitrary>], iteration_bounds = array<i64: 5>, scalar_prefetch = 0 : i64, scratch_operands = 0 : i64, tpu.core_type = #tpu.core_type<tc>, window_params = [{transform_indices = @transform_0, window_bounds = array<i64: 2, 2048, 128>}, {transform_indices = @transform_1, window_bounds = array<i64: 2, 2048, 128>}, {transform_indices = @transform_2, window_bounds = array<i64: 2, 16, 128>}, {pipeline_mode = #tpu.pipeline_mode<synchronous>, transform_indices = @transform_3, window_bounds = array<i64: 256, 512>}, {pipeline_mode = #tpu.pipeline_mode<synchronous>, transform_indices = @transform_4, window_bounds = array<i64: 1, 512>}, {pipeline_mode = #tpu.pipeline_mode<synchronous>, transform_indices = @transform_5, window_bounds = array<i64: 512, 256>}, {transform_indices = @transform_6, window_bounds = array<i64: 2, 2048, 128>}]} {
    %get3A = arith.constant 0 : index
    %get3A_0 = arith.constant 0 : index
    %get3A_1 = arith.constant 0 : index
    %get3A_2 = vector.load %arg3[%get3A, %get3A_0, %get3A_1] : memref<2x16x128xf32, #tpu.memory_space<vmem>>, vector<1x16x128xf32>
    %get3A_3 = vector.shape_cast %get3A_2 : vector<1x16x128xf32> to vector<16x128xf32>
    %reshape3A = vector.shape_cast %get3A_3 : vector<16x128xf32> to vector<2048xf32>
    %get3A_4 = arith.constant 1 : index
    %get3A_5 = arith.constant 0 : index
    %get3A_6 = arith.constant 0 : index
    %get3A_7 = vector.load %arg3[%get3A_4, %get3A_5, %get3A_6] : memref<2x16x128xf32, #tpu.memory_space<vmem>>, vector<1x16x128xf32>
    %get3A_8 = vector.shape_cast %get3A_7 : vector<1x16x128xf32> to vector<16x128xf32>
    %reshape3A_9 = vector.shape_cast %get3A_8 : vector<16x128xf32> to vector<2048xf32>
    %add3A = arith.addf %reshape3A, %reshape3A_9 : vector<2048xf32>
    %add3A_10 = arith.constant 1.000000e+00 : f32
    %add3A_11 = vector.broadcast %add3A_10 : f32 to vector<2048xf32>
    %add3A_12 = arith.addf %add3A, %add3A_11 : vector<2048xf32>
    %rsqrt3A = math.rsqrt %add3A_12 : vector<2048xf32>
    %broadcast_in_dim3A = vector.shape_cast %rsqrt3A : vector<2048xf32> to vector<2048x1xf32>
    %get3A_13 = arith.constant 0 : index
    %get3A_14 = arith.constant 0 : index
    %get3A_15 = arith.constant 0 : index
    %get3A_16 = vector.load %arg1[%get3A_13, %get3A_14, %get3A_15] : memref<2x2048x128xf32, #tpu.memory_space<vmem>>, vector<1x2048x128xf32>
    %get3A_17 = vector.shape_cast %get3A_16 : vector<1x2048x128xf32> to vector<2048x128xf32>
    %get3A_18 = arith.constant 0 : index
    %get3A_19 = arith.constant 0 : index
    %get3A_20 = arith.constant 0 : index
    %get3A_21 = vector.load %arg2[%get3A_18, %get3A_19, %get3A_20] : memref<2x2048x128xf32, #tpu.memory_space<vmem>>, vector<1x2048x128xf32>
    %get3A_22 = vector.shape_cast %get3A_21 : vector<1x2048x128xf32> to vector<2048x128xf32>
    %add3A_23 = arith.addf %get3A_17, %get3A_22 : vector<2048x128xf32>
    %get3A_24 = arith.constant 1 : index
    %get3A_25 = arith.constant 0 : index
    %get3A_26 = arith.constant 0 : index
    %get3A_27 = vector.load %arg1[%get3A_24, %get3A_25, %get3A_26] : memref<2x2048x128xf32, #tpu.memory_space<vmem>>, vector<1x2048x128xf32>
    %get3A_28 = vector.shape_cast %get3A_27 : vector<1x2048x128xf32> to vector<2048x128xf32>
    %get3A_29 = arith.constant 1 : index
    %get3A_30 = arith.constant 0 : index
    %get3A_31 = arith.constant 0 : index
    %get3A_32 = vector.load %arg2[%get3A_29, %get3A_30, %get3A_31] : memref<2x2048x128xf32, #tpu.memory_space<vmem>>, vector<1x2048x128xf32>
    %get3A_33 = vector.shape_cast %get3A_32 : vector<1x2048x128xf32> to vector<2048x128xf32>
    %add3A_34 = arith.addf %get3A_28, %get3A_33 : vector<2048x128xf32>
    %concatenate3A = tpu.concatenate %add3A_23, %add3A_34 in 1 : vector<2048x128xf32>, vector<2048x128xf32> -> vector<2048x256xf32>
    %mul3A = vector.broadcast %broadcast_in_dim3A : vector<2048x1xf32> to vector<2048x256xf32>
    %mul3A_35 = arith.mulf %concatenate3A, %mul3A : vector<2048x256xf32>
    %get3A_36 = arith.constant 0 : index
    %get3A_37 = arith.constant 0 : index
    %get3A_38 = vector.load %arg4[%get3A_36, %get3A_37] : memref<256x512xf32, #tpu.memory_space<vmem>>, vector<256x512xf32>
    %dot_general3A = arith.constant dense<0.000000e+00> : vector<2048x512xf32>
    %dot_general3A_39 = tpu.matmul %mul3A_35, %get3A_38, %dot_general3A {dimension_numbers = #tpu.dot_dimension_numbers<[1], [0], [0], [1], [0, 0, 1, 1], [], []>, transpose_lhs_hint = false} : vector<2048x256xf32>, vector<256x512xf32>, vector<2048x512xf32> -> vector<2048x512xf32>
    %get3A_40 = arith.constant 0 : index
    %get3A_41 = arith.constant 0 : index
    %get3A_42 = vector.load %arg5[%get3A_40, %get3A_41] : memref<1x512xf32, #tpu.memory_space<vmem>>, vector<1x512xf32>
    %add3A_43 = vector.broadcast %get3A_42 : vector<1x512xf32> to vector<2048x512xf32>
    %add3A_44 = arith.addf %dot_general3A_39, %add3A_43 : vector<2048x512xf32>
    %max3A = arith.constant 0.000000e+00 : f32
    %max3A_45 = vector.broadcast %max3A : f32 to vector<2048x512xf32>
    %max3A_46 = arith.maximumf %add3A_44, %max3A_45 : vector<2048x512xf32>
    %get3A_47 = arith.constant 0 : index
    %get3A_48 = arith.constant 0 : index
    %get3A_49 = vector.load %arg6[%get3A_47, %get3A_48] : memref<512x256xf32, #tpu.memory_space<vmem>>, vector<512x256xf32>
    %dot_general3A_50 = arith.constant dense<0.000000e+00> : vector<2048x256xf32>
    %dot_general3A_51 = tpu.matmul %max3A_46, %get3A_49, %dot_general3A_50 {dimension_numbers = #tpu.dot_dimension_numbers<[1], [0], [0], [1], [0, 0, 1, 1], [], []>, transpose_lhs_hint = false} : vector<2048x512xf32>, vector<512x256xf32>, vector<2048x256xf32> -> vector<2048x256xf32>
    %mul3A_52 = vector.broadcast %broadcast_in_dim3A : vector<2048x1xf32> to vector<2048x256xf32>
    %mul3A_53 = arith.mulf %dot_general3A_51, %mul3A_52 : vector<2048x256xf32>
    %slice3A = vector.extract_strided_slice %mul3A_53 {offsets = [0, 0], sizes = [2048, 128], strides = [1, 1]} : vector<2048x256xf32> to vector<2048x128xf32>
    %swap3A = arith.constant 0 : index
    %swap3A_54 = arith.constant 0 : index
    %swap3A_55 = arith.constant 0 : index
    %swap3A_56 = vector.load %arg7[%swap3A, %swap3A_54, %swap3A_55] : memref<2x2048x128xf32, #tpu.memory_space<vmem>>, vector<1x2048x128xf32>
    %swap3A_57 = vector.shape_cast %swap3A_56 : vector<1x2048x128xf32> to vector<2048x128xf32>
    %swap3A_58 = vector.shape_cast %slice3A : vector<2048x128xf32> to vector<1x2048x128xf32>
    tpu.vector_store %arg7[%swap3A, %swap3A_54, %swap3A_55], %swap3A_58 {strides = array<i32>} : memref<2x2048x128xf32, #tpu.memory_space<vmem>>, vector<1x2048x128xf32>,
    %slice3A_59 = vector.extract_strided_slice %mul3A_53 {offsets = [0, 128], sizes = [2048, 128], strides = [1, 1]} : vector<2048x256xf32> to vector<2048x128xf32>
    %swap3A_60 = arith.constant 1 : index
    %swap3A_61 = arith.constant 0 : index
    %swap3A_62 = arith.constant 0 : index
    %swap3A_63 = vector.load %arg7[%swap3A_60, %swap3A_61, %swap3A_62] : memref<2x2048x128xf32, #tpu.memory_space<vmem>>, vector<1x2048x128xf32>
    %swap3A_64 = vector.shape_cast %swap3A_63 : vector<1x2048x128xf32> to vector<2048x128xf32>
    %swap3A_65 = vector.shape_cast %slice3A_59 : vector<2048x128xf32> to vector<1x2048x128xf32>
    tpu.vector_store %arg7[%swap3A_60, %swap3A_61, %swap3A_62], %swap3A_65 {strides = array<i32>} : memref<2x2048x128xf32, #tpu.memory_space<vmem>>, vector<1x2048x128xf32>,
    return
  }
  func.func @transform_0(%arg0: i32) -> (i32, i32, i32) {
    %c0_i32 = arith.constant 0 : i32
    %c0_i32_0 = arith.constant 0 : i32
    %c0_i32_1 = arith.constant 0 : i32
    return %c0_i32, %arg0, %c0_i32_0 : i32, i32, i32
  }
  func.func @transform_1(%arg0: i32) -> (i32, i32, i32) {
    %c0_i32 = arith.constant 0 : i32
    %c0_i32_0 = arith.constant 0 : i32
    %c0_i32_1 = arith.constant 0 : i32
    return %c0_i32, %arg0, %c0_i32_0 : i32, i32, i32
  }
  func.func @transform_2(%arg0: i32) -> (i32, i32, i32) {
    %c0_i32 = arith.constant 0 : i32
    %c0_i32_0 = arith.constant 0 : i32
    %c0_i32_1 = arith.constant 0 : i32
    return %c0_i32, %arg0, %c0_i32_0 : i32, i32, i32
  }
  func.func @transform_3(%arg0: i32) -> (i32, i32) {
    %c0_i32 = arith.constant 0 : i32
    %c0_i32_0 = arith.constant 0 : i32
    %c0_i32_1 = arith.constant 0 : i32
    return %c0_i32, %c0_i32_0 : i32, i32
  }
  func.func @transform_4(%arg0: i32) -> (i32, i32) {
    %c0_i32 = arith.constant 0 : i32
    %c0_i32_0 = arith.constant 0 : i32
    %c0_i32_1 = arith.constant 0 : i32
    return %c0_i32, %c0_i32_0 : i32, i32
  }
  func.func @transform_5(%arg0: i32) -> (i32, i32) {
    %c0_i32 = arith.constant 0 : i32
    %c0_i32_0 = arith.constant 0 : i32
    %c0_i32_1 = arith.constant 0 : i32
    return %c0_i32, %c0_i32_0 : i32, i32
  }
  func.func @transform_6(%arg0: i32) -> (i32, i32, i32) {
    %c0_i32 = arith.constant 0 : i32
    %c0_i32_0 = arith.constant 0 : i32
    %c0_i32_1 = arith.constant 0 : i32
    return %c0_i32, %arg0, %c0_i32_0 : i32, i32, i32
  }
}

module attributes {stable_mosaic.version = 14 : i64} {
  func.func @_scale_kernel(%arg0: i32, %arg1: memref<2048x256xf32, #tpu.memory_space<vmem>>, %arg2: memref<2x16x128xf32, #tpu.memory_space<vmem>>, %arg3: memref<2x2048x128xf32, #tpu.memory_space<vmem>>) attributes {dimension_semantics = [#tpu.dimension_semantics<arbitrary>], iteration_bounds = array<i64: 5>, scalar_prefetch = 0 : i64, scratch_operands = 0 : i64, tpu.core_type = #tpu.core_type<tc>, window_params = [{transform_indices = @transform_0, window_bounds = array<i64: 2048, 256>}, {transform_indices = @transform_1, window_bounds = array<i64: 2, 16, 128>}, {transform_indices = @transform_2, window_bounds = array<i64: 2, 2048, 128>}]} {
    %get3A = arith.constant 0 : index
    %get3A_0 = arith.constant 0 : index
    %get3A_1 = arith.constant 0 : index
    %get3A_2 = vector.load %arg2[%get3A, %get3A_0, %get3A_1] : memref<2x16x128xf32, #tpu.memory_space<vmem>>, vector<1x16x128xf32>
    %get3A_3 = vector.shape_cast %get3A_2 : vector<1x16x128xf32> to vector<16x128xf32>
    %reshape3A = vector.shape_cast %get3A_3 : vector<16x128xf32> to vector<2048xf32>
    %get3A_4 = arith.constant 1 : index
    %get3A_5 = arith.constant 0 : index
    %get3A_6 = arith.constant 0 : index
    %get3A_7 = vector.load %arg2[%get3A_4, %get3A_5, %get3A_6] : memref<2x16x128xf32, #tpu.memory_space<vmem>>, vector<1x16x128xf32>
    %get3A_8 = vector.shape_cast %get3A_7 : vector<1x16x128xf32> to vector<16x128xf32>
    %reshape3A_9 = vector.shape_cast %get3A_8 : vector<16x128xf32> to vector<2048xf32>
    %add3A = arith.addf %reshape3A, %reshape3A_9 : vector<2048xf32>
    %add3A_10 = arith.constant 1.000000e+00 : f32
    %add3A_11 = vector.broadcast %add3A_10 : f32 to vector<2048xf32>
    %add3A_12 = arith.addf %add3A, %add3A_11 : vector<2048xf32>
    %rsqrt3A = math.rsqrt %add3A_12 : vector<2048xf32>
    %broadcast_in_dim3A = vector.shape_cast %rsqrt3A : vector<2048xf32> to vector<2048x1xf32>
    %get3A_13 = arith.constant 0 : index
    %get3A_14 = arith.constant 0 : index
    %get3A_15 = vector.load %arg1[%get3A_13, %get3A_14] : memref<2048x256xf32, #tpu.memory_space<vmem>>, vector<2048x128xf32>
    %mul3A = vector.broadcast %broadcast_in_dim3A : vector<2048x1xf32> to vector<2048x128xf32>
    %mul3A_16 = arith.mulf %get3A_15, %mul3A : vector<2048x128xf32>
    %swap3A = arith.constant 0 : index
    %swap3A_17 = arith.constant 0 : index
    %swap3A_18 = arith.constant 0 : index
    %swap3A_19 = vector.load %arg3[%swap3A, %swap3A_17, %swap3A_18] : memref<2x2048x128xf32, #tpu.memory_space<vmem>>, vector<1x2048x128xf32>
    %swap3A_20 = vector.shape_cast %swap3A_19 : vector<1x2048x128xf32> to vector<2048x128xf32>
    %swap3A_21 = vector.shape_cast %mul3A_16 : vector<2048x128xf32> to vector<1x2048x128xf32>
    tpu.vector_store %arg3[%swap3A, %swap3A_17, %swap3A_18], %swap3A_21 {strides = array<i32>} : memref<2x2048x128xf32, #tpu.memory_space<vmem>>, vector<1x2048x128xf32>,
    %get3A_22 = arith.constant 0 : index
    %get3A_23 = arith.constant 128 : index
    %get3A_24 = vector.load %arg1[%get3A_22, %get3A_23] : memref<2048x256xf32, #tpu.memory_space<vmem>>, vector<2048x128xf32>
    %mul3A_25 = vector.broadcast %broadcast_in_dim3A : vector<2048x1xf32> to vector<2048x128xf32>
    %mul3A_26 = arith.mulf %get3A_24, %mul3A_25 : vector<2048x128xf32>
    %swap3A_27 = arith.constant 1 : index
    %swap3A_28 = arith.constant 0 : index
    %swap3A_29 = arith.constant 0 : index
    %swap3A_30 = vector.load %arg3[%swap3A_27, %swap3A_28, %swap3A_29] : memref<2x2048x128xf32, #tpu.memory_space<vmem>>, vector<1x2048x128xf32>
    %swap3A_31 = vector.shape_cast %swap3A_30 : vector<1x2048x128xf32> to vector<2048x128xf32>
    %swap3A_32 = vector.shape_cast %mul3A_26 : vector<2048x128xf32> to vector<1x2048x128xf32>
    tpu.vector_store %arg3[%swap3A_27, %swap3A_28, %swap3A_29], %swap3A_32 {strides = array<i32>} : memref<2x2048x128xf32, #tpu.memory_space<vmem>>, vector<1x2048x128xf32>,
    return
  }
  func.func @transform_0(%arg0: i32) -> (i32, i32) {
    %c0_i32 = arith.constant 0 : i32
    %c0_i32_0 = arith.constant 0 : i32
    return %arg0, %c0_i32 : i32, i32
  }
  func.func @transform_1(%arg0: i32) -> (i32, i32, i32) {
    %c0_i32 = arith.constant 0 : i32
    %c0_i32_0 = arith.constant 0 : i32
    %c0_i32_1 = arith.constant 0 : i32
    return %c0_i32, %arg0, %c0_i32_0 : i32, i32, i32
  }
  func.func @transform_2(%arg0: i32) -> (i32, i32, i32) {
    %c0_i32 = arith.constant 0 : i32
    %c0_i32_0 = arith.constant 0 : i32
    %c0_i32_1 = arith.constant 0 : i32
    return %c0_i32, %arg0, %c0_i32_0 : i32, i32, i32
  }
}

module attributes {stable_mosaic.version = 14 : i64} {
  func.func @_post_kernel(%arg0: i32, %arg1: memref<2x2048x128xf32, #tpu.memory_space<vmem>>, %arg2: memref<2x2048x128xf32, #tpu.memory_space<vmem>>, %arg3: memref<2x16x128xf32, #tpu.memory_space<vmem>>, %arg4: memref<1x256xf32, #tpu.memory_space<vmem>>, %arg5: memref<2048x256xf32, #tpu.memory_space<vmem>>) attributes {dimension_semantics = [#tpu.dimension_semantics<arbitrary>], iteration_bounds = array<i64: 5>, scalar_prefetch = 0 : i64, scratch_operands = 0 : i64, tpu.core_type = #tpu.core_type<tc>, window_params = [{transform_indices = @transform_0, window_bounds = array<i64: 2, 2048, 128>}, {transform_indices = @transform_1, window_bounds = array<i64: 2, 2048, 128>}, {transform_indices = @transform_2, window_bounds = array<i64: 2, 16, 128>}, {pipeline_mode = #tpu.pipeline_mode<synchronous>, transform_indices = @transform_3, window_bounds = array<i64: 1, 256>}, {transform_indices = @transform_4, window_bounds = array<i64: 2048, 256>}]} {
    %get3A = arith.constant 0 : index
    %get3A_0 = arith.constant 0 : index
    %get3A_1 = arith.constant 0 : index
    %get3A_2 = vector.load %arg3[%get3A, %get3A_0, %get3A_1] : memref<2x16x128xf32, #tpu.memory_space<vmem>>, vector<1x16x128xf32>
    %get3A_3 = vector.shape_cast %get3A_2 : vector<1x16x128xf32> to vector<16x128xf32>
    %reshape3A = vector.shape_cast %get3A_3 : vector<16x128xf32> to vector<2048xf32>
    %get3A_4 = arith.constant 1 : index
    %get3A_5 = arith.constant 0 : index
    %get3A_6 = arith.constant 0 : index
    %get3A_7 = vector.load %arg3[%get3A_4, %get3A_5, %get3A_6] : memref<2x16x128xf32, #tpu.memory_space<vmem>>, vector<1x16x128xf32>
    %get3A_8 = vector.shape_cast %get3A_7 : vector<1x16x128xf32> to vector<16x128xf32>
    %reshape3A_9 = vector.shape_cast %get3A_8 : vector<16x128xf32> to vector<2048xf32>
    %add3A = arith.addf %reshape3A, %reshape3A_9 : vector<2048xf32>
    %add3A_10 = arith.constant 1.000000e+00 : f32
    %add3A_11 = vector.broadcast %add3A_10 : f32 to vector<2048xf32>
    %add3A_12 = arith.addf %add3A, %add3A_11 : vector<2048xf32>
    %rsqrt3A = math.rsqrt %add3A_12 : vector<2048xf32>
    %broadcast_in_dim3A = vector.shape_cast %rsqrt3A : vector<2048xf32> to vector<2048x1xf32>
    %get3A_13 = arith.constant 0 : index
    %get3A_14 = arith.constant 0 : index
    %get3A_15 = arith.constant 0 : index
    %get3A_16 = vector.load %arg1[%get3A_13, %get3A_14, %get3A_15] : memref<2x2048x128xf32, #tpu.memory_space<vmem>>, vector<1x2048x128xf32>
    %get3A_17 = vector.shape_cast %get3A_16 : vector<1x2048x128xf32> to vector<2048x128xf32>
    %get3A_18 = arith.constant 0 : index
    %get3A_19 = arith.constant 0 : index
    %get3A_20 = arith.constant 0 : index
    %get3A_21 = vector.load %arg2[%get3A_18, %get3A_19, %get3A_20] : memref<2x2048x128xf32, #tpu.memory_space<vmem>>, vector<1x2048x128xf32>
    %get3A_22 = vector.shape_cast %get3A_21 : vector<1x2048x128xf32> to vector<2048x128xf32>
    %add3A_23 = arith.addf %get3A_17, %get3A_22 : vector<2048x128xf32>
    %get3A_24 = arith.constant 1 : index
    %get3A_25 = arith.constant 0 : index
    %get3A_26 = arith.constant 0 : index
    %get3A_27 = vector.load %arg1[%get3A_24, %get3A_25, %get3A_26] : memref<2x2048x128xf32, #tpu.memory_space<vmem>>, vector<1x2048x128xf32>
    %get3A_28 = vector.shape_cast %get3A_27 : vector<1x2048x128xf32> to vector<2048x128xf32>
    %get3A_29 = arith.constant 1 : index
    %get3A_30 = arith.constant 0 : index
    %get3A_31 = arith.constant 0 : index
    %get3A_32 = vector.load %arg2[%get3A_29, %get3A_30, %get3A_31] : memref<2x2048x128xf32, #tpu.memory_space<vmem>>, vector<1x2048x128xf32>
    %get3A_33 = vector.shape_cast %get3A_32 : vector<1x2048x128xf32> to vector<2048x128xf32>
    %add3A_34 = arith.addf %get3A_28, %get3A_33 : vector<2048x128xf32>
    %concatenate3A = tpu.concatenate %add3A_23, %add3A_34 in 1 : vector<2048x128xf32>, vector<2048x128xf32> -> vector<2048x256xf32>
    %mul3A = vector.broadcast %broadcast_in_dim3A : vector<2048x1xf32> to vector<2048x256xf32>
    %mul3A_35 = arith.mulf %concatenate3A, %mul3A : vector<2048x256xf32>
    %get3A_36 = arith.constant 0 : index
    %get3A_37 = arith.constant 0 : index
    %get3A_38 = vector.load %arg4[%get3A_36, %get3A_37] : memref<1x256xf32, #tpu.memory_space<vmem>>, vector<1x256xf32>
    %add3A_39 = vector.broadcast %get3A_38 : vector<1x256xf32> to vector<2048x256xf32>
    %add3A_40 = arith.addf %mul3A_35, %add3A_39 : vector<2048x256xf32>
    %swap3A = arith.constant 0 : index
    %swap3A_41 = arith.constant 0 : index
    %swap3A_42 = vector.load %arg5[%swap3A, %swap3A_41] : memref<2048x256xf32, #tpu.memory_space<vmem>>, vector<2048x256xf32>
    tpu.vector_store %arg5[%swap3A, %swap3A_41], %add3A_40 {strides = array<i32>} : memref<2048x256xf32, #tpu.memory_space<vmem>>, vector<2048x256xf32>,
    return
  }
  func.func @transform_0(%arg0: i32) -> (i32, i32, i32) {
    %c0_i32 = arith.constant 0 : i32
    %c0_i32_0 = arith.constant 0 : i32
    %c0_i32_1 = arith.constant 0 : i32
    return %c0_i32, %arg0, %c0_i32_0 : i32, i32, i32
  }
  func.func @transform_1(%arg0: i32) -> (i32, i32, i32) {
    %c0_i32 = arith.constant 0 : i32
    %c0_i32_0 = arith.constant 0 : i32
    %c0_i32_1 = arith.constant 0 : i32
    return %c0_i32, %arg0, %c0_i32_0 : i32, i32, i32
  }
  func.func @transform_2(%arg0: i32) -> (i32, i32, i32) {
    %c0_i32 = arith.constant 0 : i32
    %c0_i32_0 = arith.constant 0 : i32
    %c0_i32_1 = arith.constant 0 : i32
    return %c0_i32, %arg0, %c0_i32_0 : i32, i32, i32
  }
  func.func @transform_3(%arg0: i32) -> (i32, i32) {
    %c0_i32 = arith.constant 0 : i32
    %c0_i32_0 = arith.constant 0 : i32
    %c0_i32_1 = arith.constant 0 : i32
    return %c0_i32, %c0_i32_0 : i32, i32
  }
  func.func @transform_4(%arg0: i32) -> (i32, i32) {
    %c0_i32 = arith.constant 0 : i32
    %c0_i32_0 = arith.constant 0 : i32
    return %arg0, %c0_i32 : i32, i32
  }
}

</mosaic_0001>

<sc_bundles>
// kernel: kernel.11.cloned.1.call-start
scs
__scs_entry_jumppad:
0x0: {  	(pc) =	sbr.rel $0x88, $3  }
0x1: {  	(tag) =	ssettag $0x0;
	lr =	simm.s32 $0x1  }
0x2: {  	[smem:$0x3F9B] =	sst lr;
	_ =	strace $0xD0000000  }
0x3: {  	_ = 	snop  }
0x4: {  	_ = 	snop  }
0x5: {  	_ = 	snop  }
0x6: {  	_ = 	snop  }
0x7: {  	_ = 	snop  }
__scs_overlays_trampoline_lowered:
0x8: {  	[smem:$0x3FAA] =	sst s0  }
0x9: {  	[smem:$0x3FAB] =	sst s1  }
0xa: {  	[smem:$0x3FAC] =	sst s2  }
0xb: {  	[smem:$0x3FAD] =	sst s3  }
0xc: {  	[smem:$0x3FAE] =	sst s4  }
0xd: {  	[smem:$0x3FAF] =	sst s5  }
0xe: {  	[smem:$0x3FB0] =	sst s6  }
0xf: {  	[smem:$0x3FB1] =	sst s7  }
0x10: {  	[smem:$0x3FB2] =	sst s8  }
0x11: {  	[smem:$0x3FB3] =	sst s9;
	s0 =	simm.s32 @!p0 $0x0  }
0x12: {  	s1 =	sld [smem:$0x3F99];
	s0 =	simm.s32 @p0 $0x1  }
0x13: {  	[smem:$0x3FB4] =	sst s0;
	s0 =	simm.s32 @!p1 $0x0  }
0x14: {  	s2 =	sld [smem:$0x3F98];
	s0 =	simm.s32 @p1 $0x1  }
0x15: {  	[smem:$0x3FB5] =	sst s0;
	s0 =	simm.s32 @!p2 $0x0  }
0x16: {  	s3 =	sld [smem:$0x3FDB];
	s0 =	simm.s32 @p2 $0x1  }
0x17: {  	s4 =	simm.s32 $0x1BF5;
	[smem:$0x3FB7] =	sst s0  }
0x18: {  	s0 =	sld [smem:$0x3F9A];
	_ =	swait.ge [sflag:s4], $0x0  }
0x19: {  	s7 =	sld [smem:$0x3F9B]  }
0x1a: {  	s8 =	sadd.s32 $0xFFFFE003, lr  }
0x1b: {  	s9 =	sadd.s32 $0xFFFFFEF7, lr;
	s5 =	simm.s32 $0xFFFFFFFF;
	p2 =	slt.u32 s8, $0xFFFFF086  }
0x1c: {  	p1 =	slt.u32 s9, $0xF7A;
	s5 =	simm.s32 @!p2 $0x0  }
0x1d: {  	s5 =	simm.s32 @p1 $0x1;
	p0 =	seq.s32 s7, s2  }
0x1e: {  	s7 =	smul.u32 @!p0 $0xF7A, s2;
	p2 =	seq.s32 @!p0 s5, $0x0  }
0x1f: {  	s9 =	smul.u32 $0xF7A, s1;
	s8 =	simm.s32 @!p0 $0x1BF5;
	p2 =	por !p2, p0  }
0x20: {  	[sflag:s8] =	ssyncset.s32 @!p0 $0xFFFFF086;
	s6 =	sadd.s32 @!p0 s3, s7;
	s7 =	simm.s32 @!p0 $0x108  }
0x21: {  	s3 =	sadd.s32 s3, s9;
	s6 =	sadd.s32 @!p0 $0x88, s6;
	s7 =	simm.s32 @p2 $0x1082  }
0x22: {  	[simem:s7], [sflag:s8] =	dma.local @!p0 [hbm:s6], $0xF7A  }
0x23: {  	s9 =	sor.u32 $0xD0000000, s2;
	s6 =	simm.s32 $0x108;
	_ =	swait.ge @!p0 [sflag:s8], $0x0  }
0x24: {  	s3 =	sadd.s32 $0x88, s3;
	s6 =	simm.s32 @!p1 $0x1082;
	[sflag:s4] =	ssyncset.s32 $0xFFFFF086  }
0x25: {  	[simem:s6], [sflag:s4] =	dma.local [hbm:s3], $0xF7A  }
0x26: {  	[smem:$0x3F9B] =	sst s1;
	(tag) =	ssettag s2;
	_ =	strace s9  }
0x27: {  	s1 =	sld [smem:$0x3FAB]  }
0x28: {  	s2 =	sld [smem:$0x3FAC]  }
0x29: {  	s4 =	sld [smem:$0x3FAE]  }
0x2a: {  	p0 =	seq.s32 s5, $0x0;
	s5 =	sld [smem:$0x3FAF]  }
0x2b: {  	s6 =	sld [smem:$0x3FB0]  }
0x2c: {  	s7 =	sld [smem:$0x3FB1]  }
0x2d: {  	s3 =	simm.s32 $0x108;
	s8 =	sld [smem:$0x3FB2]  }
0x2e: {  	s3 =	simm.s32 @!p0 $0x1082;
	s9 =	sld [smem:$0x3FB3]  }
0x2f: {  	lr =	sadd.s32 s0, s3;
	s0 =	sld [smem:$0x3FAA]  }
0x30: {  	s3 =	sld [smem:$0x3FAD]  }
0x31: {  	[smem:$0x3FB6] =	sst s10  }
0x32: {  	s10 =	sld [smem:$0x3FB4];
	_ =	sdelay $0x3  }
0x33: {  	p0 =	seq.s32 s10, $0x1;
	s10 =	sld [smem:$0x3FB6];
	_ =	sdelay $0x3  }
0x34: {  	[smem:$0x3FB6] =	sst s10  }
0x35: {  	s10 =	sld [smem:$0x3FB5];
	_ =	sdelay $0x3  }
0x36: {  	p1 =	seq.s32 s10, $0x1;
	s10 =	sld [smem:$0x3FB6];
	_ =	sdelay $0x3  }
0x37: {  	[smem:$0x3FB6] =	sst s10  }
0x38: {  	s10 =	sld [smem:$0x3FB7]  }
0x39: {  	_ = 	snop;
	(pc) =	sbr.ind lr, $3  }
0x3a: {  	_ = 	snop  }
0x3b: {  	_ = 	snop  }
0x3c: {  	p2 =	seq.s32 s10, $0x1;
	s10 =	sld [smem:$0x3FB6]  }
0x3d: {  	_ =	shalt  }
0x3e: {  	_ =	shalt  }
0x3f: {  	_ =	shalt  }
0x40: {  	_ =	shalt  }
0x41: {  	_ =	shalt  }
0x42: {  	_ =	shalt  }
0x43: {  	_ =	shalt  }
0x44: {  	_ =	shalt  }
0x45: {  	_ =	shalt  }
0x46: {  	_ =	shalt  }
0x47: {  	_ =	shalt  }
0x48: {  	_ =	shalt  }
0x49: {  	_ =	shalt  }
0x4a: {  	_ =	shalt  }
0x4b: {  	_ =	shalt  }
0x4c: {  	_ =	shalt  }
0x4d: {  	_ =	shalt  }
0x4e: {  	_ =	shalt  }
0x4f: {  	_ =	shalt  }
0x50: {  	_ =	shalt  }
0x51: {  	_ =	shalt  }
0x52: {  	_ =	shalt  }
0x53: {  	_ =	shalt  }
0x54: {  	_ =	shalt  }
0x55: {  	_ =	shalt  }
0x56: {  	_ =	shalt  }
0x57: {  	_ =	shalt  }
0x58: {  	_ =	shalt  }
0x59: {  	_ =	shalt  }
0x5a: {  	_ =	shalt  }
0x5b: {  	_ =	shalt  }
0x5c: {  	_ =	shalt  }
0x5d: {  	_ =	shalt  }
0x5e: {  	_ =	shalt  }
0x5f: {  	_ =	shalt  }
0x60: {  	_ =	shalt  }
0x61: {  	_ =	shalt  }
0x62: {  	_ =	shalt  }
0x63: {  	_ =	shalt  }
0x64: {  	_ =	shalt  }
0x65: {  	_ =	shalt  }
0x66: {  	_ =	shalt  }
0x67: {  	_ =	shalt  }
0x68: {  	_ =	shalt  }
0x69: {  	_ =	shalt  }
0x6a: {  	_ =	shalt  }
0x6b: {  	_ =	shalt  }
0x6c: {  	_ =	shalt  }
0x6d: {  	_ =	shalt  }
0x6e: {  	_ =	shalt  }
0x6f: {  	_ =	shalt  }
0x70: {  	_ =	shalt  }
0x71: {  	_ =	shalt  }
0x72: {  	_ =	shalt  }
0x73: {  	_ =	shalt  }
0x74: {  	_ =	shalt  }
0x75: {  	_ =	shalt  }
0x76: {  	_ =	shalt  }
0x77: {  	_ =	shalt  }
0x78: {  	_ =	shalt  }
0x79: {  	_ =	shalt  }
0x7a: {  	_ =	shalt  }
0x7b: {  	_ =	shalt  }
0x7c: {  	_ =	shalt  }
0x7d: {  	_ =	shalt  }
0x7e: {  	_ =	shalt  }
0x7f: {  	_ =	shalt  }
0x80: {  	_ =	shalt  }
0x81: {  	_ =	shalt  }
0x82: {  	_ =	shalt  }
0x83: {  	_ =	shalt  }
0x84: {  	_ =	shalt  }
0x85: {  	_ =	shalt  }
0x86: {  	_ =	shalt  }
0x87: {  	_ =	shalt  }
.Lfunc_end0:
.L_simem_size_0:
called_computation.1_lowered:
.L_overlay_start_0:
0x88: {  	s2 =	sld [smem:$0x3FD9]  }
0x89: {  	s3 =	sld [smem:$0x3FFE];
	_ =	sdelay $0x1  }
0x8a: {  	s1 =	srdreg.scid  }
0x8b: {  	s0 =	sand.u32 $0x1, s1  }
0x8c: {  	s17 =	sshll.u32 s0, $0xA;
	s2 =	sadd.s32 s3, s2  }
0x8d: {  	s2 =	sadd.s32 s2, s17  }
0x8e: {  	[smem:$0x3FC2] =	sst s2  }
0x8f: {  	_ = 	snop  }
0x90: {  	s2 =	sld [smem:$0x3FD0];
	(tm) =	ssettm $0x1  }
0x91: {  	s18 =	sld [smem:$0x3FFB];
	_ =	sdelay $0x3  }
0x92: {  	_ =	strace s18  }
0x93: {  	s3 =	sld [smem:$0x3FFC];
	_ =	sdelay $0x3  }
0x94: {  	_ =	strace s3  }
0x95: {  	s3 =	sld [smem:$0x3FFD];
	_ =	sdelay $0x3  }
0x96: {  	_ =	strace s3  }
0x97: {  	_ =	strace $0x8FFFFFFF  }
0x98: {  	s19 =	sld [smem:$0x3FDB];
	_ =	sdelay $0x1  }
0x99: {  	s4 =	simm.s32 $_scs_section_size  }
0x9a: {  	s5 =	simm.s32 $_size__tile_overlayer_lowered;
	s6 =	simm.s32 $_tile_overlayer_lowered  }
0x9b: {  	s22 =	simm.s32 $0x1BFF;
	s21 =	sshll.u32 s6, $0x1;
	s3 =	sadd.s32 s4, s19  }
0x9c: {  	s7 =	simm.s32 $0x0;
	s20 =	sshll.u32 s5, $0x1;
	s5 =	sadd.s32 s21, s3  }
0x9d: {  	[timem:s7], [sflag:s22] =	dma.local [hbm:s5], s20  }
0x9e: {  	_ =	swait.ge [sflag:s22], s20  }
0x9f: {  	s4 =	ssub.s32 $0x0, s20;
	[sflag:s22] =	ssyncset.done $0x0  }
0xa0: {  	[sflag:s22] =	ssyncadd.s32 s4;
	_ =	sdelay $0x1  }
0xa1: {  	s23 =	simm.s32 $0x1B8B  }
0xa2: {  	_ =	swait.ge [sflag:s23], $0x1  }
0xa3: {  	[sflag:s23] =	ssyncset.done $0x0  }
0xa4: {  	s25 =	simm.s32 $0x1B8E;
	s24 =	sld [smem:$0x3FFE];
	[sflag:s23] =	ssyncadd.s32 $0xFFFFFFFF  }
0xa5: {  	s26 =	simm.s32 $execute0_lowered;
	[smem:$0x3FD2] =	sst s25  }
0xa6: {  	s5 =	sshll.u32 s26, $0x1;
	_ =	strace $0x80000049;
	[dreg:$0x1] =	wrdreg $0xFFFFFFFF  }
0xa7: {  	s28 =	simm.s32 $_size_execute0_lowered;
	s3 =	sadd.s32 s3, s5;
	[dreg:$0x0] =	wrdreg $0x0  }
0xa8: {  	s5 =	sshll.u32 s28, $0x1;
	[dreg:$0x2] =	wrdreg s3  }
0xa9: {  	[dreg:$0x3] =	wrdreg s5  }
0xaa: {  	[dreg:$0x4] =	wrdreg $0xC0  }
0xab: {  	_ =	task [dreg:s7], $0x5FFFF  }
0xac: {  	[dreg:$0x1] =	wrdreg $0xFFFFFFFF  }
0xad: {  	[dreg:$0x0] =	wrdreg $0x60  }
0xae: {  	[dreg:$0x2] =	wrdreg s24  }
0xaf: {  	[dreg:$0x3] =	wrdreg s2  }
0xb0: {  	[dreg:$0x4] =	wrdreg $0xA8000  }
0xb1: {  	[dreg:$0x5] =	wrdreg $0x9  }
0xb2: {  	_ =	task.clear_ibuf [dreg:s7], $0x6FFFF;
	_ =	strace $0x90000049  }
0xb3: {  	s29 =	simm.s32 $0x9;
	_ =	strace $0x8000004B  }
0xb4: {  	_ =	swait.ge [sflag:s29], $0x1  }
0xb5: {  	[sflag:s29] =	ssyncadd.s32 $0xFFFFFFFF  }
0xb6: {  	_ =	strace $0x9000004B  }
0xb7: {  	_ =	sfence  }
0xb8: {  	s30 =	sld [smem:$0x0];
	_ =	sdelay $0x2  }
0xb9: {  	s31 =	sshll.u32 s1, $0xD;
	s1 =	sshrl.u32 s1, $0x2  }
0xba: {  	s3 =	sand.u32 $0x4000, s31;
	s1 =	sadd.s32 s1, s30  }
0xbb: {  	s0 =	sor.u32 s3, s0;
	s1 =	sshll.u32 s1, $0x11  }
0xbc: {  	s0 =	sor.u32 s1, s0  }
0xbd: {  	s0 =	sadd.s32 $0x8F2B, s0  }
0xbe: {  	[sflag:s0] =	ssyncadd.remote.s32 $0x1  }
0xbf: {  	_ =	sfence.sel $0xFFFF  }
0xc0: {  	[dreg:$0x0] =	wrdreg $0xFFFFFFFF;
	(pc) =	sbr.abs _section_cstart, $3  }
0xc1: {  	[dreg:$0x1] =	wrdreg $0xFFFFFFFF  }
0xc2: {  	_ =	task.clear_ibuf [dreg:s7], $0x2FFFF;
	_ =	strace $0x9FFFFFFF  }
0xc3: {  	(tm) =	ssettm $0x7FFFFFFF  }
tec
execute0_lowered:
.L_overlay_start_1:
0x0: {  	(tag) =	ssettag $0x1  }
0x1: {  	s0 =	rddreg [dreg:$0x0]  }
0x2: {  	s2 =	rddreg [dreg:$0x1]  }
0x3: {  	s1 =	rddreg [dreg:$0x2];
	s3 =	srdreg.scid;
	s4 =	simm.s32 $0x0  }
0x4: {  	s10 =	stileid.u32;
	s28 =	simm.s32 $0x1;
	s29 =	simm.s32 $0x5  }
0x5: {  	s30 =	simm.s32 $0x200;
	s31 =	simm.s32 $0x2;
	s6 =	smul.u32 $0x14000, s10  }
0x6: {  	s3 =	sand.u32 $0x1, s3;
	[smem:$0x7FF] =	sst s4;
	s26 =	smul.u32 $0x6400, s10  }
0x7: {  	s4 =	sadd.s32 $0x14A00, s0;
	s8 =	sadd.s32 $0x8200, s0;
	s13 =	smul.u32 $0x50000, s10  }
0x8: {  	s9 =	sadd.s32 $0x2400, s0;
	s10 =	simm.s32 $0x4;
	s5 =	smul.u32 $0x140000, s3  }
0x9: {  	_ =	strace $0x8000004A;
	s7 =	smul.u32 $0x64000, s3;
	s3 =	ssub.s32 $0x2, s3  }
0xa: {  	[dreg:$0x4] =	wrdreg s9;
	s9 =	sshrl.u32 s3, $0x1;
	s14 =	sshrl.u32 s26, $0x3  }
0xb: {  	s15 =	sadd.s32 $0x1C00, s26;
	s16 =	sshrl.u32 s13, $0x2;
	s19 =	sadd.s32 $0x3400, s26  }
0xc: {  	s13 =	simm.s32 $0x0;
	s5 =	sadd.s32 s6, s5;
	s11 =	sadd.s32 s26, s7  }
0xd: {  	s3 =	ssub.s32 s3, s9;
	s17 =	sadd.s32 s7, s15;
	s20 =	sshrl.u32 s15, $0x3  }
0xe: {  	s21 =	sadd.s32 s7, s19;
	s6 =	sadd.s32 $0x4C00, s26;
	s23 =	sshrl.u32 s19, $0x3  }
0xf: {  	s19 =	simm.s32 $0x32;
	s9 =	simm.s32 $0x300;
	s5 =	sshrl.u32 s5, $0x3  }
0x10: {  	s12 =	sshrl.u32 s11, $0x3;
	s18 =	sshrl.u32 s17, $0x3;
	s22 =	sshrl.u32 s21, $0x3  }
0x11: {  	s7 =	sadd.s32 s7, s6;
	s6 =	sshrl.u32 s6, $0x3;
	s26 =	smax.u32 s3, $0x1  }
0x12: {  	s17 =	simm.s32 $0x9;
	s11 =	simm.s32 $0x1D80;
	s0 =	sadd.s32 s5, s0  }
0x13: {  	s5 =	sadd.s32 s2, s12;
	s24 =	sshrl.u32 s7, $0x3;
	[dreg:$0xf] =	wrdreg s26  }
0x14: {  	s25 =	sadd.s32 s8, s6;
	s26 =	simm.s32 $0x8C00;
	[dreg:$0x5] =	wrdreg s5  }
0x15: {  	s6 =	simm.s32 $0x3;
	s5 =	sadd.s32 s8, s14;
	[dreg:$0xd] =	wrdreg s25  }
0x16: {  	s7 =	simm.s32 $0x1D00;
	s0 =	sadd.s32 $0x64A00, s0;
	[dreg:$0x6] =	wrdreg s5  }
0x17: {  	s12 =	simm.s32 $0x8;
	s5 =	sadd.s32 s16, s1;
	[dreg:$0xe] =	wrdreg s0  }
0x18: {  	s25 =	simm.s32 $0x180;
	[dreg:$0x7] =	wrdreg s5;
	s5 =	sadd.s32 s2, s18  }
0x19: {  	s0 =	simm.s32 $0x1C80;
	[dreg:$0x8] =	wrdreg s5;
	s5 =	sadd.s32 s8, s20  }
0x1a: {  	s18 =	simm.s32 $0x1C00;
	s20 =	simm.s32 $0x3800;
	[dreg:$0x9] =	wrdreg s5  }
0x1b: {  	s5 =	sadd.s32 s2, s22;
	s2 =	sadd.s32 s2, s24;
	s22 =	simm.s32 $0x5400  }
0x1c: {  	s24 =	simm.s32 $0x7000;
	[dreg:$0xa] =	wrdreg s5;
	s5 =	sadd.s32 s8, s23  }
0x1d: {  	[dreg:$0xc] =	wrdreg s2;
	s23 =	simm.s32 $0x100;
	s2 =	simm.s32 $0x6  }
0x1e: {  	s8 =	simm.s32 $0x7;
	[dreg:$0xb] =	wrdreg s5;
	s5 =	simm.s32 $0x280  }
.LBB2_1:
0x1f: {  	s3 =	simm.s32 $0x0;
	s14 =	rddreg [dreg:$0x5]  }
0x20: {  	[tilespmem:s3], [sflag:$0x9] =	stream.linear.gather [hbm4b:s14+s3], $0x1C00, $0x38;
	[tilespmem:$0x1E800] =	vst v63  }
0x21: {  	_ =	swait.ge [sflag:s17], $0x1C00  }
0x22: {  	[sflag:s17] =	ssyncset.done $0x0  }
0x23: {  	s16 =	rddreg [dreg:$0x6];
	[sflag:s17] =	ssyncadd.s32 $0xFFFFE400  }
0x24: {  	[tilespmem:s18], [sflag:$0x9] =	stream.linear.gather [hbm4b:s16+s3], $0x1C00, $0x38;
	[tilespmem:$0x1E800] =	vst v63  }
0x25: {  	_ =	swait.ge [sflag:s17], $0x1C00  }
0x26: {  	[sflag:s17] =	ssyncset.done $0x0  }
0x27: {  	s14 =	stileid.u32;
	[sflag:s17] =	ssyncadd.s32 $0xFFFFE400  }
0x28: {  	[tilespmem:s20], [sflag:$0x1] =	stream.indirect.gather [hbm4b:s4+s19], $0x80, s3, s19, $0xb8;
	[tilespmem:$0x1E800] =	vst v63  }
0x29: {  	s21 =	simm.s32 $0x80;
	s15 =	rddreg [dreg:$0x7];
	s3 =	sshll.u32 s14, $0x6  }
0x2a: {  	[tilespmem:s22], [sflag:$0x2] =	stream.indirect.gather [hbm4b:s4+s19], $0x80, s21, s19, $0xb8;
	[tilespmem:$0x1E800] =	vst v63  }
0x2b: {  	s16 =	rddreg [dreg:$0x4];
	s15 =	sshrl.u32 s15, $0x3;
	s14 =	sor.u32 $0x1C09, s3  }
0x2c: {  	[tilespmem:s24], [sflag:$0x3] =	stream.indirect.gather [hbm4b:s4+s19], $0x80, s23, s19, $0xb8;
	[tilespmem:$0x1E800] =	vst v63  }
0x2d: {  	[spmem:s15], [sflag:s14] =	dma.local [hbm:s16], $0x2800  }
0x2e: {  	_ =	swait.ge [sflag:s17], $0x2800  }
0x2f: {  	[sflag:s17] =	ssyncset.done $0x0  }
0x30: {  	[sflag:s17] =	ssyncadd.s32 $0xFFFFD800  }
0x31: {  	[bflag:$0x0] =	sbarrier.arrive $0xFFFF  }
0x32: {  	[tilespmem:s26], [sflag:$0x4] =	stream.indirect.gather [hbm4b:s4+s19], $0x80, s25, s19, $0xb8;
	[tilespmem:$0x1E800] =	vst v63  }
0x33: {  	_ =	swait.ge [sflag:s28], $0x1900  }
0x34: {  	[sflag:s28] =	ssyncset.done $0x0  }
0x35: {  	[sflag:s28] =	ssyncadd.s32 $0xFFFFE700  }
0x36: {  	[spmem:s1] =	stream.indirect.scatter.add.f32 [tilespmem:s20], [sflag:$0x5], $0x80, s18, s19, $0xb8;
	[tilespmem:$0x1E800] =	vst v63  }
0x37: {  	_ =	swait.ge [sflag:s29], $0x1900  }
0x38: {  	[sflag:s29] =	ssyncset.done $0x0  }
0x39: {  	[sflag:s29] =	ssyncadd.s32 $0xFFFFE700  }
0x3a: {  	[tilespmem:s20], [sflag:$0x1] =	stream.indirect.gather [hbm4b:s4+s19], $0x80, s30, s19, $0xb8;
	[tilespmem:$0x1E800] =	vst v63  }
0x3b: {  	_ =	swait.ge [sflag:s31], $0x1900  }
0x3c: {  	[sflag:s31] =	ssyncset.done $0x0  }
0x3d: {  	[sflag:s31] =	ssyncadd.s32 $0xFFFFE700  }
0x3e: {  	[spmem:s1] =	stream.indirect.scatter.add.f32 [tilespmem:s22], [sflag:$0x6], $0x80, s0, s19, $0xb8;
	[tilespmem:$0x1E800] =	vst v63  }
0x3f: {  	_ =	swait.ge [sflag:s2], $0x1900  }
0x40: {  	[sflag:s2] =	ssyncset.done $0x0  }
0x41: {  	[sflag:s2] =	ssyncadd.s32 $0xFFFFE700  }
0x42: {  	[tilespmem:s22], [sflag:$0x2] =	stream.indirect.gather [hbm4b:s4+s19], $0x80, s5, s19, $0xb8;
	[tilespmem:$0x1E800] =	vst v63  }
0x43: {  	_ =	swait.ge [sflag:s6], $0x1900  }
0x44: {  	[sflag:s6] =	ssyncset.done $0x0  }
0x45: {  	[sflag:s6] =	ssyncadd.s32 $0xFFFFE700  }
0x46: {  	[spmem:s1] =	stream.indirect.scatter.add.f32 [tilespmem:s24], [sflag:$0x7], $0x80, s7, s19, $0xb8;
	[tilespmem:$0x1E800] =	vst v63  }
0x47: {  	_ =	swait.ge [sflag:s8], $0x1900  }
0x48: {  	[sflag:s8] =	ssyncset.done $0x0  }
0x49: {  	[sflag:s8] =	ssyncadd.s32 $0xFFFFE700  }
0x4a: {  	[tilespmem:s24], [sflag:$0x3] =	stream.indirect.gather [hbm4b:s4+s19], $0x80, s9, s19, $0xb8;
	[tilespmem:$0x1E800] =	vst v63  }
0x4b: {  	_ =	swait.ge [sflag:s10], $0x1900  }
0x4c: {  	[sflag:s10] =	ssyncset.done $0x0  }
0x4d: {  	[sflag:s10] =	ssyncadd.s32 $0xFFFFE700  }
0x4e: {  	[spmem:s1] =	stream.indirect.scatter.add.f32 [tilespmem:s26], [sflag:$0x8], $0x80, s11, s19, $0xb8;
	[tilespmem:$0x1E800] =	vst v63  }
0x4f: {  	_ =	swait.ge [sflag:s12], $0x1900  }
0x50: {  	[sflag:s12] =	ssyncset.done $0x0  }
0x51: {  	s21 =	simm.s32 $0x380;
	[sflag:s12] =	ssyncadd.s32 $0xFFFFE700  }
0x52: {  	[tilespmem:s26], [sflag:$0x4] =	stream.indirect.gather [hbm4b:s4+s19], $0x80, s21, s19, $0xb8;
	[tilespmem:$0x1E800] =	vst v63  }
0x53: {  	_ =	swait.ge [sflag:s28], $0x1900  }
0x54: {  	[sflag:s28] =	ssyncset.done $0x0  }
0x55: {  	s16 =	simm.s32 $0x1E00;
	[sflag:s28] =	ssyncadd.s32 $0xFFFFE700  }
0x56: {  	[spmem:s1] =	stream.indirect.scatter.add.f32 [tilespmem:s20], [sflag:$0x5], $0x80, s16, s19, $0xb8;
	[tilespmem:$0x1E800] =	vst v63  }
0x57: {  	_ =	swait.ge [sflag:s29], $0x1900  }
0x58: {  	[sflag:s29] =	ssyncset.done $0x0  }
0x59: {  	s21 =	simm.s32 $0x400;
	[sflag:s29] =	ssyncadd.s32 $0xFFFFE700  }
0x5a: {  	[tilespmem:s20], [sflag:$0x1] =	stream.indirect.gather [hbm4b:s4+s19], $0x80, s21, s19, $0xb8;
	[tilespmem:$0x1E800] =	vst v63  }
0x5b: {  	_ =	swait.ge [sflag:s31], $0x1900  }
0x5c: {  	[sflag:s31] =	ssyncset.done $0x0  }
0x5d: {  	s16 =	simm.s32 $0x1E80;
	[sflag:s31] =	ssyncadd.s32 $0xFFFFE700  }
0x5e: {  	[spmem:s1] =	stream.indirect.scatter.add.f32 [tilespmem:s22], [sflag:$0x6], $0x80, s16, s19, $0xb8;
	[tilespmem:$0x1E800] =	vst v63  }
0x5f: {  	_ =	swait.ge [sflag:s2], $0x1900  }
0x60: {  	[sflag:s2] =	ssyncset.done $0x0  }
0x61: {  	s21 =	simm.s32 $0x480;
	[sflag:s2] =	ssyncadd.s32 $0xFFFFE700  }
0x62: {  	[tilespmem:s22], [sflag:$0x2] =	stream.indirect.gather [hbm4b:s4+s19], $0x80, s21, s19, $0xb8;
	[tilespmem:$0x1E800] =	vst v63  }
0x63: {  	_ =	swait.ge [sflag:s6], $0x1900  }
0x64: {  	[sflag:s6] =	ssyncset.done $0x0  }
0x65: {  	s16 =	simm.s32 $0x1F00;
	[sflag:s6] =	ssyncadd.s32 $0xFFFFE700  }
0x66: {  	[spmem:s1] =	stream.indirect.scatter.add.f32 [tilespmem:s24], [sflag:$0x7], $0x80, s16, s19, $0xb8;
	[tilespmem:$0x1E800] =	vst v63  }
0x67: {  	_ =	swait.ge [sflag:s8], $0x1900  }
0x68: {  	[sflag:s8] =	ssyncset.done $0x0  }
0x69: {  	s21 =	simm.s32 $0x500;
	[sflag:s8] =	ssyncadd.s32 $0xFFFFE700  }
0x6a: {  	[tilespmem:s24], [sflag:$0x3] =	stream.indirect.gather [hbm4b:s4+s19], $0x80, s21, s19, $0xb8;
	[tilespmem:$0x1E800] =	vst v63  }
0x6b: {  	_ =	swait.ge [sflag:s10], $0x1900  }
0x6c: {  	[sflag:s10] =	ssyncset.done $0x0  }
0x6d: {  	s3 =	simm.s32 $0x1F80;
	s16 =	simm.s32 $0x800;
	[sflag:s10] =	ssyncadd.s32 $0xFFFFE700  }
.LBB2_2:
0x6e: {  	[spmem:s1] =	stream.indirect.scatter.add.f32 [tilespmem:s26], [sflag:$0x8], $0x80, s3, s19, $0xb8;
	[tilespmem:$0x1E800] =	vst v63  }
0x6f: {  	s3 =	smov.u32 s16  }
0x70: {  	p0 =	sne.s32 s16, $0x5800;
	s16 =	sadd.s32 $0x800, s16;
	_ =	swait.ge [sflag:s12], $0x1900  }
0x71: {  	s3 =	sshra.s32 s3, $0x2;
	[sflag:s12] =	ssyncset.done $0x0  }
0x72: {  	s21 =	sadd.s32 $0x380, s3;
	[sflag:s12] =	ssyncadd.s32 $0xFFFFE700  }
0x73: {  	[tilespmem:s26], [sflag:$0x4] =	stream.indirect.gather [hbm4b:s4+s19], $0x80, s21, s19, $0xb8;
	[tilespmem:$0x1E800] =	vst v63  }
0x74: {  	_ =	swait.ge [sflag:s28], $0x1900  }
0x75: {  	[sflag:s28] =	ssyncset.done $0x0  }
0x76: {  	s21 =	sadd.s32 $0x1E00, s3;
	[sflag:s28] =	ssyncadd.s32 $0xFFFFE700  }
0x77: {  	[spmem:s1] =	stream.indirect.scatter.add.f32 [tilespmem:s20], [sflag:$0x5], $0x80, s21, s19, $0xb8;
	[tilespmem:$0x1E800] =	vst v63  }
0x78: {  	_ =	swait.ge [sflag:s29], $0x1900  }
0x79: {  	[sflag:s29] =	ssyncset.done $0x0  }
0x7a: {  	s21 =	sadd.s32 $0x400, s3;
	[sflag:s29] =	ssyncadd.s32 $0xFFFFE700  }
0x7b: {  	[tilespmem:s20], [sflag:$0x1] =	stream.indirect.gather [hbm4b:s4+s19], $0x80, s21, s19, $0xb8;
	[tilespmem:$0x1E800] =	vst v63  }
0x7c: {  	_ =	swait.ge [sflag:s31], $0x1900  }
0x7d: {  	[sflag:s31] =	ssyncset.done $0x0  }
0x7e: {  	s21 =	sadd.s32 $0x1E80, s3;
	[sflag:s31] =	ssyncadd.s32 $0xFFFFE700  }
0x7f: {  	[spmem:s1] =	stream.indirect.scatter.add.f32 [tilespmem:s22], [sflag:$0x6], $0x80, s21, s19, $0xb8;
	[tilespmem:$0x1E800] =	vst v63  }
0x80: {  	_ =	swait.ge [sflag:s2], $0x1900  }
0x81: {  	[sflag:s2] =	ssyncset.done $0x0  }
0x82: {  	s21 =	sadd.s32 $0x480, s3;
	[sflag:s2] =	ssyncadd.s32 $0xFFFFE700  }
0x83: {  	[tilespmem:s22], [sflag:$0x2] =	stream.indirect.gather [hbm4b:s4+s19], $0x80, s21, s19, $0xb8;
	[tilespmem:$0x1E800] =	vst v63  }
0x84: {  	_ =	swait.ge [sflag:s6], $0x1900  }
0x85: {  	[sflag:s6] =	ssyncset.done $0x0  }
0x86: {  	s21 =	sadd.s32 $0x1F00, s3;
	[sflag:s6] =	ssyncadd.s32 $0xFFFFE700  }
0x87: {  	[spmem:s1] =	stream.indirect.scatter.add.f32 [tilespmem:s24], [sflag:$0x7], $0x80, s21, s19, $0xb8;
	[tilespmem:$0x1E800] =	vst v63  }
0x88: {  	_ =	swait.ge [sflag:s8], $0x1900  }
0x89: {  	[sflag:s8] =	ssyncset.done $0x0  }
.Ltmp0:
0x8a: {  	s21 =	sadd.s32 $0x500, s3;
	[sflag:s8] =	ssyncadd.s32 $0xFFFFE700;
	(pc) =	sbr.rel @p0 .LBB2_2-.Ltmp0, $4  }
0x8b: {  	[tilespmem:s24], [sflag:$0x3] =	stream.indirect.gather [hbm4b:s4+s19], $0x80, s21, s19, $0xb8;
	[tilespmem:$0x1E800] =	vst v63  }
0x8c: {  	_ =	swait.ge [sflag:s10], $0x1900  }
0x8d: {  	[sflag:s10] =	ssyncset.done $0x0  }
0x8e: {  	s3 =	sadd.s32 $0x1F80, s3;
	[sflag:s10] =	ssyncadd.s32 $0xFFFFE700  }
0x8f: {  	[spmem:s1] =	stream.indirect.scatter.add.f32 [tilespmem:s26], [sflag:$0x8], $0x80, s3, s19, $0xb8;
	[tilespmem:$0x1E800] =	vst v63  }
0x90: {  	_ =	swait.ge [sflag:s12], $0x1900  }
0x91: {  	[sflag:s12] =	ssyncset.done $0x0  }
0x92: {  	s16 =	simm.s32 $0x1B80;
	[sflag:s12] =	ssyncadd.s32 $0xFFFFE700  }
0x93: {  	[tilespmem:s26], [sflag:$0x4] =	stream.indirect.gather [hbm4b:s4+s19], $0x80, s16, s19, $0xb8;
	[tilespmem:$0x1E800] =	vst v63  }
0x94: {  	_ =	swait.ge [sflag:s28], $0x1900  }
0x95: {  	[sflag:s28] =	ssyncset.done $0x0  }
0x96: {  	s21 =	simm.s32 $0x3600;
	[sflag:s28] =	ssyncadd.s32 $0xFFFFE700  }
0x97: {  	[spmem:s1] =	stream.indirect.scatter.add.f32 [tilespmem:s20], [sflag:$0x5], $0x80, s21, s19, $0xb8;
	[tilespmem:$0x1E800] =	vst v63  }
0x98: {  	_ =	swait.ge [sflag:s31], $0x1900  }
0x99: {  	[sflag:s31] =	ssyncset.done $0x0  }
0x9a: {  	s16 =	simm.s32 $0x3680;
	[sflag:s31] =	ssyncadd.s32 $0xFFFFE700  }
0x9b: {  	[spmem:s1] =	stream.indirect.scatter.add.f32 [tilespmem:s22], [sflag:$0x6], $0x80, s16, s19, $0xb8;
	[tilespmem:$0x1E800] =	vst v63  }
0x9c: {  	_ =	swait.ge [sflag:s6], $0x1900  }
0x9d: {  	[sflag:s6] =	ssyncset.done $0x0  }
0x9e: {  	s21 =	simm.s32 $0x3700;
	[sflag:s6] =	ssyncadd.s32 $0xFFFFE700  }
0x9f: {  	[spmem:s1] =	stream.indirect.scatter.add.f32 [tilespmem:s24], [sflag:$0x7], $0x80, s21, s19, $0xb8;
	[tilespmem:$0x1E800] =	vst v63  }
0xa0: {  	_ =	swait.ge [sflag:s10], $0x1900  }
0xa1: {  	[sflag:s10] =	ssyncset.done $0x0  }
0xa2: {  	s16 =	simm.s32 $0x3780;
	[sflag:s10] =	ssyncadd.s32 $0xFFFFE700  }
0xa3: {  	[spmem:s1] =	stream.indirect.scatter.add.f32 [tilespmem:s26], [sflag:$0x8], $0x80, s16, s19, $0xb8;
	[tilespmem:$0x1E800] =	vst v63  }
0xa4: {  	_ =	swait.ge [sflag:s29], $0x1900  }
0xa5: {  	[sflag:s29] =	ssyncset.done $0x0  }
0xa6: {  	[sflag:s29] =	ssyncadd.s32 $0xFFFFE700  }
0xa7: {  	_ =	swait.ge [sflag:s2], $0x1900  }
0xa8: {  	[sflag:s2] =	ssyncset.done $0x0  }
0xa9: {  	[sflag:s2] =	ssyncadd.s32 $0xFFFFE700  }
0xaa: {  	_ =	swait.ge [sflag:s8], $0x1900  }
0xab: {  	[sflag:s8] =	ssyncset.done $0x0  }
0xac: {  	[sflag:s8] =	ssyncadd.s32 $0xFFFFE700  }
0xad: {  	_ =	swait.ge [sflag:s12], $0x1900  }
0xae: {  	[sflag:s12] =	ssyncset.done $0x0  }
0xaf: {  	s3 =	simm.s32 $0x0;
	s16 =	rddreg [dreg:$0x8];
	[sflag:s12] =	ssyncadd.s32 $0xFFFFE700  }
0xb0: {  	[tilespmem:s3], [sflag:$0x9] =	stream.linear.gather [hbm4b:s16+s3], $0x1800, $0x38;
	[tilespmem:$0x1E800] =	vst v63  }
0xb1: {  	_ =	swait.ge [sflag:s17], $0x1800  }
0xb2: {  	[sflag:s17] =	ssyncset.done $0x0  }
0xb3: {  	s21 =	rddreg [dreg:$0x9];
	[sflag:s17] =	ssyncadd.s32 $0xFFFFE800  }
0xb4: {  	[tilespmem:s18], [sflag:$0x9] =	stream.linear.gather [hbm4b:s21+s3], $0x1800, $0x38;
	[tilespmem:$0x1E800] =	vst v63  }
0xb5: {  	_ =	swait.ge [sflag:s17], $0x1800  }
0xb6: {  	[sflag:s17] =	ssyncset.done $0x0  }
0xb7: {  	[sflag:s17] =	ssyncadd.s32 $0xFFFFE800  }
0xb8: {  	[tilespmem:s20], [sflag:$0x1] =	stream.indirect.gather [hbm4b:s4+s19], $0x80, s3, s19, $0xb8;
	[tilespmem:$0x1E800] =	vst v63  }
0xb9: {  	s16 =	simm.s32 $0x80  }
0xba: {  	[tilespmem:s22], [sflag:$0x2] =	stream.indirect.gather [hbm4b:s4+s19], $0x80, s16, s19, $0xb8;
	[tilespmem:$0x1E800] =	vst v63  }
0xbb: {  	_ = 	snop  }
0xbc: {  	[tilespmem:s24], [sflag:$0x3] =	stream.indirect.gather [hbm4b:s4+s19], $0x80, s23, s19, $0xb8;
	[tilespmem:$0x1E800] =	vst v63  }
0xbd: {  	_ = 	snop  }
0xbe: {  	[tilespmem:s26], [sflag:$0x4] =	stream.indirect.gather [hbm4b:s4+s19], $0x80, s25, s19, $0xb8;
	[tilespmem:$0x1E800] =	vst v63  }
0xbf: {  	_ =	swait.ge [sflag:s28], $0x1900  }
0xc0: {  	[sflag:s28] =	ssyncset.done $0x0  }
0xc1: {  	[sflag:s28] =	ssyncadd.s32 $0xFFFFE700  }
0xc2: {  	[spmem:s1] =	stream.indirect.scatter.add.f32 [tilespmem:s20], [sflag:$0x5], $0x80, s18, s19, $0xb8;
	[tilespmem:$0x1E800] =	vst v63  }
0xc3: {  	_ =	swait.ge [sflag:s29], $0x1900  }
0xc4: {  	[sflag:s29] =	ssyncset.done $0x0  }
0xc5: {  	[sflag:s29] =	ssyncadd.s32 $0xFFFFE700  }
0xc6: {  	[tilespmem:s20], [sflag:$0x1] =	stream.indirect.gather [hbm4b:s4+s19], $0x80, s30, s19, $0xb8;
	[tilespmem:$0x1E800] =	vst v63  }
0xc7: {  	_ =	swait.ge [sflag:s31], $0x1900  }
0xc8: {  	[sflag:s31] =	ssyncset.done $0x0  }
0xc9: {  	[sflag:s31] =	ssyncadd.s32 $0xFFFFE700  }
0xca: {  	[spmem:s1] =	stream.indirect.scatter.add.f32 [tilespmem:s22], [sflag:$0x6], $0x80, s0, s19, $0xb8;
	[tilespmem:$0x1E800] =	vst v63  }
0xcb: {  	_ =	swait.ge [sflag:s2], $0x1900  }
0xcc: {  	[sflag:s2] =	ssyncset.done $0x0  }
0xcd: {  	[sflag:s2] =	ssyncadd.s32 $0xFFFFE700  }
0xce: {  	[tilespmem:s22], [sflag:$0x2] =	stream.indirect.gather [hbm4b:s4+s19], $0x80, s5, s19, $0xb8;
	[tilespmem:$0x1E800] =	vst v63  }
0xcf: {  	_ =	swait.ge [sflag:s6], $0x1900  }
0xd0: {  	[sflag:s6] =	ssyncset.done $0x0  }
0xd1: {  	[sflag:s6] =	ssyncadd.s32 $0xFFFFE700  }
0xd2: {  	[spmem:s1] =	stream.indirect.scatter.add.f32 [tilespmem:s24], [sflag:$0x7], $0x80, s7, s19, $0xb8;
	[tilespmem:$0x1E800] =	vst v63  }
0xd3: {  	_ =	swait.ge [sflag:s8], $0x1900  }
0xd4: {  	[sflag:s8] =	ssyncset.done $0x0  }
0xd5: {  	[sflag:s8] =	ssyncadd.s32 $0xFFFFE700  }
0xd6: {  	[tilespmem:s24], [sflag:$0x3] =	stream.indirect.gather [hbm4b:s4+s19], $0x80, s9, s19, $0xb8;
	[tilespmem:$0x1E800] =	vst v63  }
0xd7: {  	_ =	swait.ge [sflag:s10], $0x1900  }
0xd8: {  	[sflag:s10] =	ssyncset.done $0x0  }
0xd9: {  	[sflag:s10] =	ssyncadd.s32 $0xFFFFE700  }
0xda: {  	[spmem:s1] =	stream.indirect.scatter.add.f32 [tilespmem:s26], [sflag:$0x8], $0x80, s11, s19, $0xb8;
	[tilespmem:$0x1E800] =	vst v63  }
0xdb: {  	_ =	swait.ge [sflag:s12], $0x1900  }
0xdc: {  	[sflag:s12] =	ssyncset.done $0x0  }
0xdd: {  	s21 =	simm.s32 $0x380;
	[sflag:s12] =	ssyncadd.s32 $0xFFFFE700  }
0xde: {  	[tilespmem:s26], [sflag:$0x4] =	stream.indirect.gather [hbm4b:s4+s19], $0x80, s21, s19, $0xb8;
	[tilespmem:$0x1E800] =	vst v63  }
0xdf: {  	_ =	swait.ge [sflag:s28], $0x1900  }
0xe0: {  	[sflag:s28] =	ssyncset.done $0x0  }
0xe1: {  	s16 =	simm.s32 $0x1E00;
	[sflag:s28] =	ssyncadd.s32 $0xFFFFE700  }
0xe2: {  	[spmem:s1] =	stream.indirect.scatter.add.f32 [tilespmem:s20], [sflag:$0x5], $0x80, s16, s19, $0xb8;
	[tilespmem:$0x1E800] =	vst v63  }
0xe3: {  	_ =	swait.ge [sflag:s29], $0x1900  }
0xe4: {  	[sflag:s29] =	ssyncset.done $0x0  }
0xe5: {  	s21 =	simm.s32 $0x400;
	[sflag:s29] =	ssyncadd.s32 $0xFFFFE700  }
0xe6: {  	[tilespmem:s20], [sflag:$0x1] =	stream.indirect.gather [hbm4b:s4+s19], $0x80, s21, s19, $0xb8;
	[tilespmem:$0x1E800] =	vst v63  }
0xe7: {  	_ =	swait.ge [sflag:s31], $0x1900  }
0xe8: {  	[sflag:s31] =	ssyncset.done $0x0  }
0xe9: {  	s16 =	simm.s32 $0x1E80;
	[sflag:s31] =	ssyncadd.s32 $0xFFFFE700  }
0xea: {  	[spmem:s1] =	stream.indirect.scatter.add.f32 [tilespmem:s22], [sflag:$0x6], $0x80, s16, s19, $0xb8;
	[tilespmem:$0x1E800] =	vst v63  }
0xeb: {  	_ =	swait.ge [sflag:s2], $0x1900  }
0xec: {  	[sflag:s2] =	ssyncset.done $0x0  }
0xed: {  	s21 =	simm.s32 $0x480;
	[sflag:s2] =	ssyncadd.s32 $0xFFFFE700  }
0xee: {  	[tilespmem:s22], [sflag:$0x2] =	stream.indirect.gather [hbm4b:s4+s19], $0x80, s21, s19, $0xb8;
	[tilespmem:$0x1E800] =	vst v63  }
0xef: {  	_ =	swait.ge [sflag:s6], $0x1900  }
0xf0: {  	[sflag:s6] =	ssyncset.done $0x0  }
0xf1: {  	s16 =	simm.s32 $0x1F00;
	[sflag:s6] =	ssyncadd.s32 $0xFFFFE700  }
0xf2: {  	[spmem:s1] =	stream.indirect.scatter.add.f32 [tilespmem:s24], [sflag:$0x7], $0x80, s16, s19, $0xb8;
	[tilespmem:$0x1E800] =	vst v63  }
0xf3: {  	_ =	swait.ge [sflag:s8], $0x1900  }
0xf4: {  	[sflag:s8] =	ssyncset.done $0x0  }
0xf5: {  	s21 =	simm.s32 $0x500;
	[sflag:s8] =	ssyncadd.s32 $0xFFFFE700  }
0xf6: {  	[tilespmem:s24], [sflag:$0x3] =	stream.indirect.gather [hbm4b:s4+s19], $0x80, s21, s19, $0xb8;
	[tilespmem:$0x1E800] =	vst v63  }
0xf7: {  	_ =	swait.ge [sflag:s10], $0x1900  }
0xf8: {  	[sflag:s10] =	ssyncset.done $0x0  }
0xf9: {  	s3 =	simm.s32 $0x1F80;
	s16 =	simm.s32 $0x800;
	[sflag:s10] =	ssyncadd.s32 $0xFFFFE700  }
.LBB2_4:
0xfa: {  	[spmem:s1] =	stream.indirect.scatter.add.f32 [tilespmem:s26], [sflag:$0x8], $0x80, s3, s19, $0xb8;
	[tilespmem:$0x1E800] =	vst v63  }
0xfb: {  	s3 =	smov.u32 s16  }
0xfc: {  	p0 =	sne.s32 s16, $0x4800;
	s16 =	sadd.s32 $0x800, s16;
	_ =	swait.ge [sflag:s12], $0x1900  }
0xfd: {  	s3 =	sshra.s32 s3, $0x2;
	[sflag:s12] =	ssyncset.done $0x0  }
0xfe: {  	s21 =	sadd.s32 $0x380, s3;
	[sflag:s12] =	ssyncadd.s32 $0xFFFFE700  }
0xff: {  	[tilespmem:s26], [sflag:$0x4] =	stream.indirect.gather [hbm4b:s4+s19], $0x80, s21, s19, $0xb8;
	[tilespmem:$0x1E800] =	vst v63  }
0x100: {  	_ =	swait.ge [sflag:s28], $0x1900  }
0x101: {  	[sflag:s28] =	ssyncset.done $0x0  }
0x102: {  	s21 =	sadd.s32 $0x1E00, s3;
	[sflag:s28] =	ssyncadd.s32 $0xFFFFE700  }
0x103: {  	[spmem:s1] =	stream.indirect.scatter.add.f32 [tilespmem:s20], [sflag:$0x5], $0x80, s21, s19, $0xb8;
	[tilespmem:$0x1E800] =	vst v63  }
0x104: {  	_ =	swait.ge [sflag:s29], $0x1900  }
0x105: {  	[sflag:s29] =	ssyncset.done $0x0  }
0x106: {  	s21 =	sadd.s32 $0x400, s3;
	[sflag:s29] =	ssyncadd.s32 $0xFFFFE700  }
0x107: {  	[tilespmem:s20], [sflag:$0x1] =	stream.indirect.gather [hbm4b:s4+s19], $0x80, s21, s19, $0xb8;
	[tilespmem:$0x1E800] =	vst v63  }
0x108: {  	_ =	swait.ge [sflag:s31], $0x1900  }
0x109: {  	[sflag:s31] =	ssyncset.done $0x0  }
0x10a: {  	s21 =	sadd.s32 $0x1E80, s3;
	[sflag:s31] =	ssyncadd.s32 $0xFFFFE700  }
0x10b: {  	[spmem:s1] =	stream.indirect.scatter.add.f32 [tilespmem:s22], [sflag:$0x6], $0x80, s21, s19, $0xb8;
	[tilespmem:$0x1E800] =	vst v63  }
0x10c: {  	_ =	swait.ge [sflag:s2], $0x1900  }
0x10d: {  	[sflag:s2] =	ssyncset.done $0x0  }
0x10e: {  	s21 =	sadd.s32 $0x480, s3;
	[sflag:s2] =	ssyncadd.s32 $0xFFFFE700  }
0x10f: {  	[tilespmem:s22], [sflag:$0x2] =	stream.indirect.gather [hbm4b:s4+s19], $0x80, s21, s19, $0xb8;
	[tilespmem:$0x1E800] =	vst v63  }
0x110: {  	_ =	swait.ge [sflag:s6], $0x1900  }
0x111: {  	[sflag:s6] =	ssyncset.done $0x0  }
0x112: {  	s21 =	sadd.s32 $0x1F00, s3;
	[sflag:s6] =	ssyncadd.s32 $0xFFFFE700  }
0x113: {  	[spmem:s1] =	stream.indirect.scatter.add.f32 [tilespmem:s24], [sflag:$0x7], $0x80, s21, s19, $0xb8;
	[tilespmem:$0x1E800] =	vst v63  }
0x114: {  	_ =	swait.ge [sflag:s8], $0x1900  }
0x115: {  	[sflag:s8] =	ssyncset.done $0x0  }
.Ltmp1:
0x116: {  	s21 =	sadd.s32 $0x500, s3;
	[sflag:s8] =	ssyncadd.s32 $0xFFFFE700;
	(pc) =	sbr.rel @p0 .LBB2_4-.Ltmp1, $4  }
0x117: {  	[tilespmem:s24], [sflag:$0x3] =	stream.indirect.gather [hbm4b:s4+s19], $0x80, s21, s19, $0xb8;
	[tilespmem:$0x1E800] =	vst v63  }
0x118: {  	_ =	swait.ge [sflag:s10], $0x1900  }
0x119: {  	[sflag:s10] =	ssyncset.done $0x0  }
0x11a: {  	s3 =	sadd.s32 $0x1F80, s3;
	[sflag:s10] =	ssyncadd.s32 $0xFFFFE700  }
0x11b: {  	[spmem:s1] =	stream.indirect.scatter.add.f32 [tilespmem:s26], [sflag:$0x8], $0x80, s3, s19, $0xb8;
	[tilespmem:$0x1E800] =	vst v63  }
0x11c: {  	_ =	swait.ge [sflag:s12], $0x1900  }
0x11d: {  	[sflag:s12] =	ssyncset.done $0x0  }
0x11e: {  	s16 =	simm.s32 $0x1780;
	[sflag:s12] =	ssyncadd.s32 $0xFFFFE700  }
0x11f: {  	[tilespmem:s26], [sflag:$0x4] =	stream.indirect.gather [hbm4b:s4+s19], $0x80, s16, s19, $0xb8;
	[tilespmem:$0x1E800] =	vst v63  }
0x120: {  	_ =	swait.ge [sflag:s28], $0x1900  }
0x121: {  	[sflag:s28] =	ssyncset.done $0x0  }
0x122: {  	s21 =	simm.s32 $0x3200;
	[sflag:s28] =	ssyncadd.s32 $0xFFFFE700  }
0x123: {  	[spmem:s1] =	stream.indirect.scatter.add.f32 [tilespmem:s20], [sflag:$0x5], $0x80, s21, s19, $0xb8;
	[tilespmem:$0x1E800] =	vst v63  }
0x124: {  	_ =	swait.ge [sflag:s31], $0x1900  }
0x125: {  	[sflag:s31] =	ssyncset.done $0x0  }
0x126: {  	s16 =	simm.s32 $0x3280;
	[sflag:s31] =	ssyncadd.s32 $0xFFFFE700  }
0x127: {  	[spmem:s1] =	stream.indirect.scatter.add.f32 [tilespmem:s22], [sflag:$0x6], $0x80, s16, s19, $0xb8;
	[tilespmem:$0x1E800] =	vst v63  }
0x128: {  	_ =	swait.ge [sflag:s6], $0x1900  }
0x129: {  	[sflag:s6] =	ssyncset.done $0x0  }
0x12a: {  	s21 =	simm.s32 $0x3300;
	[sflag:s6] =	ssyncadd.s32 $0xFFFFE700  }
0x12b: {  	[spmem:s1] =	stream.indirect.scatter.add.f32 [tilespmem:s24], [sflag:$0x7], $0x80, s21, s19, $0xb8;
	[tilespmem:$0x1E800] =	vst v63  }
0x12c: {  	_ =	swait.ge [sflag:s10], $0x1900  }
0x12d: {  	[sflag:s10] =	ssyncset.done $0x0  }
0x12e: {  	s16 =	simm.s32 $0x3380;
	[sflag:s10] =	ssyncadd.s32 $0xFFFFE700  }
0x12f: {  	[spmem:s1] =	stream.indirect.scatter.add.f32 [tilespmem:s26], [sflag:$0x8], $0x80, s16, s19, $0xb8;
	[tilespmem:$0x1E800] =	vst v63  }
0x130: {  	_ =	swait.ge [sflag:s29], $0x1900  }
0x131: {  	[sflag:s29] =	ssyncset.done $0x0  }
0x132: {  	[sflag:s29] =	ssyncadd.s32 $0xFFFFE700  }
0x133: {  	_ =	swait.ge [sflag:s2], $0x1900  }
0x134: {  	[sflag:s2] =	ssyncset.done $0x0  }
0x135: {  	[sflag:s2] =	ssyncadd.s32 $0xFFFFE700  }
0x136: {  	_ =	swait.ge [sflag:s8], $0x1900  }
0x137: {  	[sflag:s8] =	ssyncset.done $0x0  }
0x138: {  	[sflag:s8] =	ssyncadd.s32 $0xFFFFE700  }
0x139: {  	_ =	swait.ge [sflag:s12], $0x1900  }
0x13a: {  	[sflag:s12] =	ssyncset.done $0x0  }
0x13b: {  	s3 =	simm.s32 $0x0;
	s16 =	rddreg [dreg:$0xa];
	[sflag:s12] =	ssyncadd.s32 $0xFFFFE700  }
0x13c: {  	[tilespmem:s3], [sflag:$0x9] =	stream.linear.gather [hbm4b:s16+s3], $0x1800, $0x38;
	[tilespmem:$0x1E800] =	vst v63  }
0x13d: {  	_ =	swait.ge [sflag:s17], $0x1800  }
0x13e: {  	[sflag:s17] =	ssyncset.done $0x0  }
0x13f: {  	s21 =	rddreg [dreg:$0xb];
	[sflag:s17] =	ssyncadd.s32 $0xFFFFE800  }
0x140: {  	[tilespmem:s18], [sflag:$0x9] =	stream.linear.gather [hbm4b:s21+s3], $0x1800, $0x38;
	[tilespmem:$0x1E800] =	vst v63  }
0x141: {  	_ =	swait.ge [sflag:s17], $0x1800  }
0x142: {  	[sflag:s17] =	ssyncset.done $0x0  }
0x143: {  	[sflag:s17] =	ssyncadd.s32 $0xFFFFE800  }
0x144: {  	[tilespmem:s20], [sflag:$0x1] =	stream.indirect.gather [hbm4b:s4+s19], $0x80, s3, s19, $0xb8;
	[tilespmem:$0x1E800] =	vst v63  }
0x145: {  	s16 =	simm.s32 $0x80  }
0x146: {  	[tilespmem:s22], [sflag:$0x2] =	stream.indirect.gather [hbm4b:s4+s19], $0x80, s16, s19, $0xb8;
	[tilespmem:$0x1E800] =	vst v63  }
0x147: {  	_ = 	snop  }
0x148: {  	[tilespmem:s24], [sflag:$0x3] =	stream.indirect.gather [hbm4b:s4+s19], $0x80, s23, s19, $0xb8;
	[tilespmem:$0x1E800] =	vst v63  }
0x149: {  	_ = 	snop  }
0x14a: {  	[tilespmem:s26], [sflag:$0x4] =	stream.indirect.gather [hbm4b:s4+s19], $0x80, s25, s19, $0xb8;
	[tilespmem:$0x1E800] =	vst v63  }
0x14b: {  	_ =	swait.ge [sflag:s28], $0x1900  }
0x14c: {  	[sflag:s28] =	ssyncset.done $0x0  }
0x14d: {  	[sflag:s28] =	ssyncadd.s32 $0xFFFFE700  }
0x14e: {  	[spmem:s1] =	stream.indirect.scatter.add.f32 [tilespmem:s20], [sflag:$0x5], $0x80, s18, s19, $0xb8;
	[tilespmem:$0x1E800] =	vst v63  }
0x14f: {  	_ =	swait.ge [sflag:s29], $0x1900  }
0x150: {  	[sflag:s29] =	ssyncset.done $0x0  }
0x151: {  	[sflag:s29] =	ssyncadd.s32 $0xFFFFE700  }
0x152: {  	[tilespmem:s20], [sflag:$0x1] =	stream.indirect.gather [hbm4b:s4+s19], $0x80, s30, s19, $0xb8;
	[tilespmem:$0x1E800] =	vst v63  }
0x153: {  	_ =	swait.ge [sflag:s31], $0x1900  }
0x154: {  	[sflag:s31] =	ssyncset.done $0x0  }
0x155: {  	[sflag:s31] =	ssyncadd.s32 $0xFFFFE700  }
0x156: {  	[spmem:s1] =	stream.indirect.scatter.add.f32 [tilespmem:s22], [sflag:$0x6], $0x80, s0, s19, $0xb8;
	[tilespmem:$0x1E800] =	vst v63  }
0x157: {  	_ =	swait.ge [sflag:s2], $0x1900  }
0x158: {  	[sflag:s2] =	ssyncset.done $0x0  }
0x159: {  	[sflag:s2] =	ssyncadd.s32 $0xFFFFE700  }
0x15a: {  	[tilespmem:s22], [sflag:$0x2] =	stream.indirect.gather [hbm4b:s4+s19], $0x80, s5, s19, $0xb8;
	[tilespmem:$0x1E800] =	vst v63  }
0x15b: {  	_ =	swait.ge [sflag:s6], $0x1900  }
0x15c: {  	[sflag:s6] =	ssyncset.done $0x0  }
0x15d: {  	[sflag:s6] =	ssyncadd.s32 $0xFFFFE700  }
0x15e: {  	[spmem:s1] =	stream.indirect.scatter.add.f32 [tilespmem:s24], [sflag:$0x7], $0x80, s7, s19, $0xb8;
	[tilespmem:$0x1E800] =	vst v63  }
0x15f: {  	_ =	swait.ge [sflag:s8], $0x1900  }
0x160: {  	[sflag:s8] =	ssyncset.done $0x0  }
0x161: {  	[sflag:s8] =	ssyncadd.s32 $0xFFFFE700  }
0x162: {  	[tilespmem:s24], [sflag:$0x3] =	stream.indirect.gather [hbm4b:s4+s19], $0x80, s9, s19, $0xb8;
	[tilespmem:$0x1E800] =	vst v63  }
0x163: {  	_ =	swait.ge [sflag:s10], $0x1900  }
0x164: {  	[sflag:s10] =	ssyncset.done $0x0  }
0x165: {  	[sflag:s10] =	ssyncadd.s32 $0xFFFFE700  }
0x166: {  	[spmem:s1] =	stream.indirect.scatter.add.f32 [tilespmem:s26], [sflag:$0x8], $0x80, s11, s19, $0xb8;
	[tilespmem:$0x1E800] =	vst v63  }
0x167: {  	_ =	swait.ge [sflag:s12], $0x1900  }
0x168: {  	[sflag:s12] =	ssyncset.done $0x0  }
0x169: {  	s21 =	simm.s32 $0x380;
	[sflag:s12] =	ssyncadd.s32 $0xFFFFE700  }
0x16a: {  	[tilespmem:s26], [sflag:$0x4] =	stream.indirect.gather [hbm4b:s4+s19], $0x80, s21, s19, $0xb8;
	[tilespmem:$0x1E800] =	vst v63  }
0x16b: {  	_ =	swait.ge [sflag:s28], $0x1900  }
0x16c: {  	[sflag:s28] =	ssyncset.done $0x0  }
0x16d: {  	s16 =	simm.s32 $0x1E00;
	[sflag:s28] =	ssyncadd.s32 $0xFFFFE700  }
0x16e: {  	[spmem:s1] =	stream.indirect.scatter.add.f32 [tilespmem:s20], [sflag:$0x5], $0x80, s16, s19, $0xb8;
	[tilespmem:$0x1E800] =	vst v63  }
0x16f: {  	_ =	swait.ge [sflag:s29], $0x1900  }
0x170: {  	[sflag:s29] =	ssyncset.done $0x0  }
0x171: {  	s21 =	simm.s32 $0x400;
	[sflag:s29] =	ssyncadd.s32 $0xFFFFE700  }
0x172: {  	[tilespmem:s20], [sflag:$0x1] =	stream.indirect.gather [hbm4b:s4+s19], $0x80, s21, s19, $0xb8;
	[tilespmem:$0x1E800] =	vst v63  }
0x173: {  	_ =	swait.ge [sflag:s31], $0x1900  }
0x174: {  	[sflag:s31] =	ssyncset.done $0x0  }
0x175: {  	s16 =	simm.s32 $0x1E80;
	[sflag:s31] =	ssyncadd.s32 $0xFFFFE700  }
0x176: {  	[spmem:s1] =	stream.indirect.scatter.add.f32 [tilespmem:s22], [sflag:$0x6], $0x80, s16, s19, $0xb8;
	[tilespmem:$0x1E800] =	vst v63  }
0x177: {  	_ =	swait.ge [sflag:s2], $0x1900  }
0x178: {  	[sflag:s2] =	ssyncset.done $0x0  }
0x179: {  	s21 =	simm.s32 $0x480;
	[sflag:s2] =	ssyncadd.s32 $0xFFFFE700  }
0x17a: {  	[tilespmem:s22], [sflag:$0x2] =	stream.indirect.gather [hbm4b:s4+s19], $0x80, s21, s19, $0xb8;
	[tilespmem:$0x1E800] =	vst v63  }
0x17b: {  	_ =	swait.ge [sflag:s6], $0x1900  }
0x17c: {  	[sflag:s6] =	ssyncset.done $0x0  }
0x17d: {  	s16 =	simm.s32 $0x1F00;
	[sflag:s6] =	ssyncadd.s32 $0xFFFFE700  }
0x17e: {  	[spmem:s1] =	stream.indirect.scatter.add.f32 [tilespmem:s24], [sflag:$0x7], $0x80, s16, s19, $0xb8;
	[tilespmem:$0x1E800] =	vst v63  }
0x17f: {  	_ =	swait.ge [sflag:s8], $0x1900  }
0x180: {  	[sflag:s8] =	ssyncset.done $0x0  }
0x181: {  	s21 =	simm.s32 $0x500;
	[sflag:s8] =	ssyncadd.s32 $0xFFFFE700  }
0x182: {  	[tilespmem:s24], [sflag:$0x3] =	stream.indirect.gather [hbm4b:s4+s19], $0x80, s21, s19, $0xb8;
	[tilespmem:$0x1E800] =	vst v63  }
0x183: {  	_ =	swait.ge [sflag:s10], $0x1900  }
0x184: {  	[sflag:s10] =	ssyncset.done $0x0  }
0x185: {  	s3 =	simm.s32 $0x1F80;
	s16 =	simm.s32 $0x800;
	[sflag:s10] =	ssyncadd.s32 $0xFFFFE700  }
.LBB2_6:
0x186: {  	[spmem:s1] =	stream.indirect.scatter.add.f32 [tilespmem:s26], [sflag:$0x8], $0x80, s3, s19, $0xb8;
	[tilespmem:$0x1E800] =	vst v63  }
0x187: {  	s3 =	smov.u32 s16  }
0x188: {  	p0 =	sne.s32 s16, $0x4800;
	s16 =	sadd.s32 $0x800, s16;
	_ =	swait.ge [sflag:s12], $0x1900  }
0x189: {  	s3 =	sshra.s32 s3, $0x2;
	[sflag:s12] =	ssyncset.done $0x0  }
0x18a: {  	s21 =	sadd.s32 $0x380, s3;
	[sflag:s12] =	ssyncadd.s32 $0xFFFFE700  }
0x18b: {  	[tilespmem:s26], [sflag:$0x4] =	stream.indirect.gather [hbm4b:s4+s19], $0x80, s21, s19, $0xb8;
	[tilespmem:$0x1E800] =	vst v63  }
0x18c: {  	_ =	swait.ge [sflag:s28], $0x1900  }
0x18d: {  	[sflag:s28] =	ssyncset.done $0x0  }
0x18e: {  	s21 =	sadd.s32 $0x1E00, s3;
	[sflag:s28] =	ssyncadd.s32 $0xFFFFE700  }
0x18f: {  	[spmem:s1] =	stream.indirect.scatter.add.f32 [tilespmem:s20], [sflag:$0x5], $0x80, s21, s19, $0xb8;
	[tilespmem:$0x1E800] =	vst v63  }
0x190: {  	_ =	swait.ge [sflag:s29], $0x1900  }
0x191: {  	[sflag:s29] =	ssyncset.done $0x0  }
0x192: {  	s21 =	sadd.s32 $0x400, s3;
	[sflag:s29] =	ssyncadd.s32 $0xFFFFE700  }
0x193: {  	[tilespmem:s20], [sflag:$0x1] =	stream.indirect.gather [hbm4b:s4+s19], $0x80, s21, s19, $0xb8;
	[tilespmem:$0x1E800] =	vst v63  }
0x194: {  	_ =	swait.ge [sflag:s31], $0x1900  }
0x195: {  	[sflag:s31] =	ssyncset.done $0x0  }
0x196: {  	s21 =	sadd.s32 $0x1E80, s3;
	[sflag:s31] =	ssyncadd.s32 $0xFFFFE700  }
0x197: {  	[spmem:s1] =	stream.indirect.scatter.add.f32 [tilespmem:s22], [sflag:$0x6], $0x80, s21, s19, $0xb8;
	[tilespmem:$0x1E800] =	vst v63  }
0x198: {  	_ =	swait.ge [sflag:s2], $0x1900  }
0x199: {  	[sflag:s2] =	ssyncset.done $0x0  }
0x19a: {  	s21 =	sadd.s32 $0x480, s3;
	[sflag:s2] =	ssyncadd.s32 $0xFFFFE700  }
0x19b: {  	[tilespmem:s22], [sflag:$0x2] =	stream.indirect.gather [hbm4b:s4+s19], $0x80, s21, s19, $0xb8;
	[tilespmem:$0x1E800] =	vst v63  }
0x19c: {  	_ =	swait.ge [sflag:s6], $0x1900  }
0x19d: {  	[sflag:s6] =	ssyncset.done $0x0  }
0x19e: {  	s21 =	sadd.s32 $0x1F00, s3;
	[sflag:s6] =	ssyncadd.s32 $0xFFFFE700  }
0x19f: {  	[spmem:s1] =	stream.indirect.scatter.add.f32 [tilespmem:s24], [sflag:$0x7], $0x80, s21, s19, $0xb8;
	[tilespmem:$0x1E800] =	vst v63  }
0x1a0: {  	_ =	swait.ge [sflag:s8], $0x1900  }
0x1a1: {  	[sflag:s8] =	ssyncset.done $0x0  }
.Ltmp2:
0x1a2: {  	s21 =	sadd.s32 $0x500, s3;
	[sflag:s8] =	ssyncadd.s32 $0xFFFFE700;
	(pc) =	sbr.rel @p0 .LBB2_6-.Ltmp2, $4  }
0x1a3: {  	[tilespmem:s24], [sflag:$0x3] =	stream.indirect.gather [hbm4b:s4+s19], $0x80, s21, s19, $0xb8;
	[tilespmem:$0x1E800] =	vst v63  }
0x1a4: {  	_ =	swait.ge [sflag:s10], $0x1900  }
0x1a5: {  	[sflag:s10] =	ssyncset.done $0x0  }
0x1a6: {  	s3 =	sadd.s32 $0x1F80, s3;
	[sflag:s10] =	ssyncadd.s32 $0xFFFFE700  }
0x1a7: {  	[spmem:s1] =	stream.indirect.scatter.add.f32 [tilespmem:s26], [sflag:$0x8], $0x80, s3, s19, $0xb8;
	[tilespmem:$0x1E800] =	vst v63  }
0x1a8: {  	_ =	swait.ge [sflag:s12], $0x1900  }
0x1a9: {  	[sflag:s12] =	ssyncset.done $0x0  }
0x1aa: {  	s16 =	simm.s32 $0x1780;
	[sflag:s12] =	ssyncadd.s32 $0xFFFFE700  }
0x1ab: {  	[tilespmem:s26], [sflag:$0x4] =	stream.indirect.gather [hbm4b:s4+s19], $0x80, s16, s19, $0xb8;
	[tilespmem:$0x1E800] =	vst v63  }
0x1ac: {  	_ =	swait.ge [sflag:s28], $0x1900  }
0x1ad: {  	[sflag:s28] =	ssyncset.done $0x0  }
0x1ae: {  	s21 =	simm.s32 $0x3200;
	[sflag:s28] =	ssyncadd.s32 $0xFFFFE700  }
0x1af: {  	[spmem:s1] =	stream.indirect.scatter.add.f32 [tilespmem:s20], [sflag:$0x5], $0x80, s21, s19, $0xb8;
	[tilespmem:$0x1E800] =	vst v63  }
0x1b0: {  	_ =	swait.ge [sflag:s31], $0x1900  }
0x1b1: {  	[sflag:s31] =	ssyncset.done $0x0  }
0x1b2: {  	s16 =	simm.s32 $0x3280;
	[sflag:s31] =	ssyncadd.s32 $0xFFFFE700  }
0x1b3: {  	[spmem:s1] =	stream.indirect.scatter.add.f32 [tilespmem:s22], [sflag:$0x6], $0x80, s16, s19, $0xb8;
	[tilespmem:$0x1E800] =	vst v63  }
0x1b4: {  	_ =	swait.ge [sflag:s6], $0x1900  }
0x1b5: {  	[sflag:s6] =	ssyncset.done $0x0  }
0x1b6: {  	s21 =	simm.s32 $0x3300;
	[sflag:s6] =	ssyncadd.s32 $0xFFFFE700  }
0x1b7: {  	[spmem:s1] =	stream.indirect.scatter.add.f32 [tilespmem:s24], [sflag:$0x7], $0x80, s21, s19, $0xb8;
	[tilespmem:$0x1E800] =	vst v63  }
0x1b8: {  	_ =	swait.ge [sflag:s10], $0x1900  }
0x1b9: {  	[sflag:s10] =	ssyncset.done $0x0  }
0x1ba: {  	s16 =	simm.s32 $0x3380;
	[sflag:s10] =	ssyncadd.s32 $0xFFFFE700  }
0x1bb: {  	[spmem:s1] =	stream.indirect.scatter.add.f32 [tilespmem:s26], [sflag:$0x8], $0x80, s16, s19, $0xb8;
	[tilespmem:$0x1E800] =	vst v63  }
0x1bc: {  	_ =	swait.ge [sflag:s29], $0x1900  }
0x1bd: {  	[sflag:s29] =	ssyncset.done $0x0  }
0x1be: {  	[sflag:s29] =	ssyncadd.s32 $0xFFFFE700  }
0x1bf: {  	_ =	swait.ge [sflag:s2], $0x1900  }
0x1c0: {  	[sflag:s2] =	ssyncset.done $0x0  }
0x1c1: {  	[sflag:s2] =	ssyncadd.s32 $0xFFFFE700  }
0x1c2: {  	_ =	swait.ge [sflag:s8], $0x1900  }
0x1c3: {  	[sflag:s8] =	ssyncset.done $0x0  }
0x1c4: {  	[sflag:s8] =	ssyncadd.s32 $0xFFFFE700  }
0x1c5: {  	_ =	swait.ge [sflag:s12], $0x1900  }
0x1c6: {  	[sflag:s12] =	ssyncset.done $0x0  }
0x1c7: {  	s3 =	simm.s32 $0x0;
	s16 =	rddreg [dreg:$0xc];
	[sflag:s12] =	ssyncadd.s32 $0xFFFFE700  }
0x1c8: {  	[tilespmem:s3], [sflag:$0x9] =	stream.linear.gather [hbm4b:s16+s3], $0x1800, $0x38;
	[tilespmem:$0x1E800] =	vst v63  }
0x1c9: {  	_ =	swait.ge [sflag:s17], $0x1800  }
0x1ca: {  	[sflag:s17] =	ssyncset.done $0x0  }
0x1cb: {  	s21 =	rddreg [dreg:$0xd];
	[sflag:s17] =	ssyncadd.s32 $0xFFFFE800  }
0x1cc: {  	[tilespmem:s18], [sflag:$0x9] =	stream.linear.gather [hbm4b:s21+s3], $0x1800, $0x38;
	[tilespmem:$0x1E800] =	vst v63  }
0x1cd: {  	_ =	swait.ge [sflag:s17], $0x1800  }
0x1ce: {  	[sflag:s17] =	ssyncset.done $0x0  }
0x1cf: {  	[sflag:s17] =	ssyncadd.s32 $0xFFFFE800  }
0x1d0: {  	[tilespmem:s20], [sflag:$0x1] =	stream.indirect.gather [hbm4b:s4+s19], $0x80, s3, s19, $0xb8;
	[tilespmem:$0x1E800] =	vst v63  }
0x1d1: {  	s16 =	simm.s32 $0x80  }
0x1d2: {  	[tilespmem:s22], [sflag:$0x2] =	stream.indirect.gather [hbm4b:s4+s19], $0x80, s16, s19, $0xb8;
	[tilespmem:$0x1E800] =	vst v63  }
0x1d3: {  	_ = 	snop  }
0x1d4: {  	[tilespmem:s24], [sflag:$0x3] =	stream.indirect.gather [hbm4b:s4+s19], $0x80, s23, s19, $0xb8;
	[tilespmem:$0x1E800] =	vst v63  }
0x1d5: {  	_ = 	snop  }
0x1d6: {  	[tilespmem:s26], [sflag:$0x4] =	stream.indirect.gather [hbm4b:s4+s19], $0x80, s25, s19, $0xb8;
	[tilespmem:$0x1E800] =	vst v63  }
0x1d7: {  	_ =	swait.ge [sflag:s28], $0x1900  }
0x1d8: {  	[sflag:s28] =	ssyncset.done $0x0  }
0x1d9: {  	[sflag:s28] =	ssyncadd.s32 $0xFFFFE700  }
0x1da: {  	[spmem:s1] =	stream.indirect.scatter.add.f32 [tilespmem:s20], [sflag:$0x5], $0x80, s18, s19, $0xb8;
	[tilespmem:$0x1E800] =	vst v63  }
0x1db: {  	_ =	swait.ge [sflag:s29], $0x1900  }
0x1dc: {  	[sflag:s29] =	ssyncset.done $0x0  }
0x1dd: {  	[sflag:s29] =	ssyncadd.s32 $0xFFFFE700  }
0x1de: {  	[tilespmem:s20], [sflag:$0x1] =	stream.indirect.gather [hbm4b:s4+s19], $0x80, s30, s19, $0xb8;
	[tilespmem:$0x1E800] =	vst v63  }
0x1df: {  	_ =	swait.ge [sflag:s31], $0x1900  }
0x1e0: {  	[sflag:s31] =	ssyncset.done $0x0  }
0x1e1: {  	[sflag:s31] =	ssyncadd.s32 $0xFFFFE700  }
0x1e2: {  	[spmem:s1] =	stream.indirect.scatter.add.f32 [tilespmem:s22], [sflag:$0x6], $0x80, s0, s19, $0xb8;
	[tilespmem:$0x1E800] =	vst v63  }
0x1e3: {  	_ =	swait.ge [sflag:s2], $0x1900  }
0x1e4: {  	[sflag:s2] =	ssyncset.done $0x0  }
0x1e5: {  	[sflag:s2] =	ssyncadd.s32 $0xFFFFE700  }
0x1e6: {  	[tilespmem:s22], [sflag:$0x2] =	stream.indirect.gather [hbm4b:s4+s19], $0x80, s5, s19, $0xb8;
	[tilespmem:$0x1E800] =	vst v63  }
0x1e7: {  	_ =	swait.ge [sflag:s6], $0x1900  }
0x1e8: {  	[sflag:s6] =	ssyncset.done $0x0  }
0x1e9: {  	[sflag:s6] =	ssyncadd.s32 $0xFFFFE700  }
0x1ea: {  	[spmem:s1] =	stream.indirect.scatter.add.f32 [tilespmem:s24], [sflag:$0x7], $0x80, s7, s19, $0xb8;
	[tilespmem:$0x1E800] =	vst v63  }
0x1eb: {  	_ =	swait.ge [sflag:s8], $0x1900  }
0x1ec: {  	[sflag:s8] =	ssyncset.done $0x0  }
0x1ed: {  	[sflag:s8] =	ssyncadd.s32 $0xFFFFE700  }
0x1ee: {  	[tilespmem:s24], [sflag:$0x3] =	stream.indirect.gather [hbm4b:s4+s19], $0x80, s9, s19, $0xb8;
	[tilespmem:$0x1E800] =	vst v63  }
0x1ef: {  	_ =	swait.ge [sflag:s10], $0x1900  }
0x1f0: {  	[sflag:s10] =	ssyncset.done $0x0  }
0x1f1: {  	[sflag:s10] =	ssyncadd.s32 $0xFFFFE700  }
0x1f2: {  	[spmem:s1] =	stream.indirect.scatter.add.f32 [tilespmem:s26], [sflag:$0x8], $0x80, s11, s19, $0xb8;
	[tilespmem:$0x1E800] =	vst v63  }
0x1f3: {  	_ =	swait.ge [sflag:s12], $0x1900  }
0x1f4: {  	[sflag:s12] =	ssyncset.done $0x0  }
0x1f5: {  	s21 =	simm.s32 $0x380;
	[sflag:s12] =	ssyncadd.s32 $0xFFFFE700  }
0x1f6: {  	[tilespmem:s26], [sflag:$0x4] =	stream.indirect.gather [hbm4b:s4+s19], $0x80, s21, s19, $0xb8;
	[tilespmem:$0x1E800] =	vst v63  }
0x1f7: {  	_ =	swait.ge [sflag:s28], $0x1900  }
0x1f8: {  	[sflag:s28] =	ssyncset.done $0x0  }
0x1f9: {  	s16 =	simm.s32 $0x1E00;
	[sflag:s28] =	ssyncadd.s32 $0xFFFFE700  }
0x1fa: {  	[spmem:s1] =	stream.indirect.scatter.add.f32 [tilespmem:s20], [sflag:$0x5], $0x80, s16, s19, $0xb8;
	[tilespmem:$0x1E800] =	vst v63  }
0x1fb: {  	_ =	swait.ge [sflag:s29], $0x1900  }
0x1fc: {  	[sflag:s29] =	ssyncset.done $0x0  }
0x1fd: {  	s21 =	simm.s32 $0x400;
	[sflag:s29] =	ssyncadd.s32 $0xFFFFE700  }
0x1fe: {  	[tilespmem:s20], [sflag:$0x1] =	stream.indirect.gather [hbm4b:s4+s19], $0x80, s21, s19, $0xb8;
	[tilespmem:$0x1E800] =	vst v63  }
0x1ff: {  	_ =	swait.ge [sflag:s31], $0x1900  }
0x200: {  	[sflag:s31] =	ssyncset.done $0x0  }
0x201: {  	s16 =	simm.s32 $0x1E80;
	[sflag:s31] =	ssyncadd.s32 $0xFFFFE700  }
0x202: {  	[spmem:s1] =	stream.indirect.scatter.add.f32 [tilespmem:s22], [sflag:$0x6], $0x80, s16, s19, $0xb8;
	[tilespmem:$0x1E800] =	vst v63  }
0x203: {  	_ =	swait.ge [sflag:s2], $0x1900  }
0x204: {  	[sflag:s2] =	ssyncset.done $0x0  }
0x205: {  	s21 =	simm.s32 $0x480;
	[sflag:s2] =	ssyncadd.s32 $0xFFFFE700  }
0x206: {  	[tilespmem:s22], [sflag:$0x2] =	stream.indirect.gather [hbm4b:s4+s19], $0x80, s21, s19, $0xb8;
	[tilespmem:$0x1E800] =	vst v63  }
0x207: {  	_ =	swait.ge [sflag:s6], $0x1900  }
0x208: {  	[sflag:s6] =	ssyncset.done $0x0  }
0x209: {  	s16 =	simm.s32 $0x1F00;
	[sflag:s6] =	ssyncadd.s32 $0xFFFFE700  }
0x20a: {  	[spmem:s1] =	stream.indirect.scatter.add.f32 [tilespmem:s24], [sflag:$0x7], $0x80, s16, s19, $0xb8;
	[tilespmem:$0x1E800] =	vst v63  }
0x20b: {  	_ =	swait.ge [sflag:s8], $0x1900  }
0x20c: {  	[sflag:s8] =	ssyncset.done $0x0  }
0x20d: {  	s21 =	simm.s32 $0x500;
	[sflag:s8] =	ssyncadd.s32 $0xFFFFE700  }
0x20e: {  	[tilespmem:s24], [sflag:$0x3] =	stream.indirect.gather [hbm4b:s4+s19], $0x80, s21, s19, $0xb8;
	[tilespmem:$0x1E800] =	vst v63  }
0x20f: {  	_ =	swait.ge [sflag:s10], $0x1900  }
0x210: {  	[sflag:s10] =	ssyncset.done $0x0  }
0x211: {  	s3 =	simm.s32 $0x1F80;
	s16 =	simm.s32 $0x800;
	[sflag:s10] =	ssyncadd.s32 $0xFFFFE700  }
.LBB2_8:
0x212: {  	[spmem:s1] =	stream.indirect.scatter.add.f32 [tilespmem:s26], [sflag:$0x8], $0x80, s3, s19, $0xb8;
	[tilespmem:$0x1E800] =	vst v63  }
0x213: {  	s3 =	smov.u32 s16  }
0x214: {  	p0 =	sne.s32 s16, $0x4800;
	s16 =	sadd.s32 $0x800, s16;
	_ =	swait.ge [sflag:s12], $0x1900  }
0x215: {  	s3 =	sshra.s32 s3, $0x2;
	[sflag:s12] =	ssyncset.done $0x0  }
0x216: {  	s21 =	sadd.s32 $0x380, s3;
	[sflag:s12] =	ssyncadd.s32 $0xFFFFE700  }
0x217: {  	[tilespmem:s26], [sflag:$0x4] =	stream.indirect.gather [hbm4b:s4+s19], $0x80, s21, s19, $0xb8;
	[tilespmem:$0x1E800] =	vst v63  }
0x218: {  	_ =	swait.ge [sflag:s28], $0x1900  }
0x219: {  	[sflag:s28] =	ssyncset.done $0x0  }
0x21a: {  	s21 =	sadd.s32 $0x1E00, s3;
	[sflag:s28] =	ssyncadd.s32 $0xFFFFE700  }
0x21b: {  	[spmem:s1] =	stream.indirect.scatter.add.f32 [tilespmem:s20], [sflag:$0x5], $0x80, s21, s19, $0xb8;
	[tilespmem:$0x1E800] =	vst v63  }
0x21c: {  	_ =	swait.ge [sflag:s29], $0x1900  }
0x21d: {  	[sflag:s29] =	ssyncset.done $0x0  }
0x21e: {  	s21 =	sadd.s32 $0x400, s3;
	[sflag:s29] =	ssyncadd.s32 $0xFFFFE700  }
0x21f: {  	[tilespmem:s20], [sflag:$0x1] =	stream.indirect.gather [hbm4b:s4+s19], $0x80, s21, s19, $0xb8;
	[tilespmem:$0x1E800] =	vst v63  }
0x220: {  	_ =	swait.ge [sflag:s31], $0x1900  }
0x221: {  	[sflag:s31] =	ssyncset.done $0x0  }
0x222: {  	s21 =	sadd.s32 $0x1E80, s3;
	[sflag:s31] =	ssyncadd.s32 $0xFFFFE700  }
0x223: {  	[spmem:s1] =	stream.indirect.scatter.add.f32 [tilespmem:s22], [sflag:$0x6], $0x80, s21, s19, $0xb8;
	[tilespmem:$0x1E800] =	vst v63  }
0x224: {  	_ =	swait.ge [sflag:s2], $0x1900  }
0x225: {  	[sflag:s2] =	ssyncset.done $0x0  }
0x226: {  	s21 =	sadd.s32 $0x480, s3;
	[sflag:s2] =	ssyncadd.s32 $0xFFFFE700  }
0x227: {  	[tilespmem:s22], [sflag:$0x2] =	stream.indirect.gather [hbm4b:s4+s19], $0x80, s21, s19, $0xb8;
	[tilespmem:$0x1E800] =	vst v63  }
0x228: {  	_ =	swait.ge [sflag:s6], $0x1900  }
0x229: {  	[sflag:s6] =	ssyncset.done $0x0  }
0x22a: {  	s21 =	sadd.s32 $0x1F00, s3;
	[sflag:s6] =	ssyncadd.s32 $0xFFFFE700  }
0x22b: {  	[spmem:s1] =	stream.indirect.scatter.add.f32 [tilespmem:s24], [sflag:$0x7], $0x80, s21, s19, $0xb8;
	[tilespmem:$0x1E800] =	vst v63  }
0x22c: {  	_ =	swait.ge [sflag:s8], $0x1900  }
0x22d: {  	[sflag:s8] =	ssyncset.done $0x0  }
.Ltmp3:
0x22e: {  	s21 =	sadd.s32 $0x500, s3;
	[sflag:s8] =	ssyncadd.s32 $0xFFFFE700;
	(pc) =	sbr.rel @p0 .LBB2_8-.Ltmp3, $4  }
0x22f: {  	[tilespmem:s24], [sflag:$0x3] =	stream.indirect.gather [hbm4b:s4+s19], $0x80, s21, s19, $0xb8;
	[tilespmem:$0x1E800] =	vst v63  }
0x230: {  	_ =	swait.ge [sflag:s10], $0x1900  }
0x231: {  	[sflag:s10] =	ssyncset.done $0x0  }
0x232: {  	s3 =	sadd.s32 $0x1F80, s3;
	[sflag:s10] =	ssyncadd.s32 $0xFFFFE700  }
0x233: {  	[spmem:s1] =	stream.indirect.scatter.add.f32 [tilespmem:s26], [sflag:$0x8], $0x80, s3, s19, $0xb8;
	[tilespmem:$0x1E800] =	vst v63  }
0x234: {  	_ =	swait.ge [sflag:s12], $0x1900  }
0x235: {  	[sflag:s12] =	ssyncset.done $0x0  }
0x236: {  	s21 =	simm.s32 $0x1780;
	[sflag:s12] =	ssyncadd.s32 $0xFFFFE700  }
0x237: {  	[tilespmem:s26], [sflag:$0x4] =	stream.indirect.gather [hbm4b:s4+s19], $0x80, s21, s19, $0xb8;
	[tilespmem:$0x1E800] =	vst v63  }
0x238: {  	_ =	swait.ge [sflag:s28], $0x1900  }
0x239: {  	[sflag:s28] =	ssyncset.done $0x0  }
0x23a: {  	s16 =	simm.s32 $0x3200;
	[sflag:s28] =	ssyncadd.s32 $0xFFFFE700  }
0x23b: {  	[spmem:s1] =	stream.indirect.scatter.add.f32 [tilespmem:s20], [sflag:$0x5], $0x80, s16, s19, $0xb8;
	[tilespmem:$0x1E800] =	vst v63  }
0x23c: {  	_ =	swait.ge [sflag:s31], $0x1900  }
0x23d: {  	[sflag:s31] =	ssyncset.done $0x0  }
0x23e: {  	s21 =	simm.s32 $0x3280;
	[sflag:s31] =	ssyncadd.s32 $0xFFFFE700  }
0x23f: {  	[spmem:s1] =	stream.indirect.scatter.add.f32 [tilespmem:s22], [sflag:$0x6], $0x80, s21, s19, $0xb8;
	[tilespmem:$0x1E800] =	vst v63  }
0x240: {  	_ =	swait.ge [sflag:s6], $0x1900  }
0x241: {  	[sflag:s6] =	ssyncset.done $0x0  }
0x242: {  	s16 =	simm.s32 $0x3300;
	[sflag:s6] =	ssyncadd.s32 $0xFFFFE700  }
0x243: {  	[spmem:s1] =	stream.indirect.scatter.add.f32 [tilespmem:s24], [sflag:$0x7], $0x80, s16, s19, $0xb8;
	[tilespmem:$0x1E800] =	vst v63  }
0x244: {  	_ =	swait.ge [sflag:s10], $0x1900  }
0x245: {  	[sflag:s10] =	ssyncset.done $0x0  }
0x246: {  	s21 =	simm.s32 $0x3380;
	[sflag:s10] =	ssyncadd.s32 $0xFFFFE700  }
0x247: {  	[spmem:s1] =	stream.indirect.scatter.add.f32 [tilespmem:s26], [sflag:$0x8], $0x80, s21, s19, $0xb8;
	[tilespmem:$0x1E800] =	vst v63  }
0x248: {  	_ =	swait.ge [sflag:s29], $0x1900  }
0x249: {  	[sflag:s29] =	ssyncset.done $0x0  }
0x24a: {  	[sflag:s29] =	ssyncadd.s32 $0xFFFFE700  }
0x24b: {  	_ =	swait.ge [sflag:s2], $0x1900  }
0x24c: {  	[sflag:s2] =	ssyncset.done $0x0  }
0x24d: {  	[sflag:s2] =	ssyncadd.s32 $0xFFFFE700  }
0x24e: {  	_ =	swait.ge [sflag:s8], $0x1900  }
0x24f: {  	[sflag:s8] =	ssyncset.done $0x0  }
0x250: {  	[sflag:s8] =	ssyncadd.s32 $0xFFFFE700  }
0x251: {  	_ =	swait.ge [sflag:s12], $0x1900  }
0x252: {  	[sflag:s12] =	ssyncset.done $0x0  }
0x253: {  	[sflag:s12] =	ssyncadd.s32 $0xFFFFE700  }
0x254: {  	[bflag:$0x0] =	sbarrier.arrive $0xFFFF  }
0x255: {  	s16 =	rddreg [dreg:$0xe]  }
0x256: {  	[hbm:s16], [sflag:s14] =	dma.local [spmem:s15], $0x2800  }
0x257: {  	_ =	swait.ge [sflag:s17], $0x2800  }
0x258: {  	s13 =	sadd.s32 $0x1, s13;
	s21 =	rddreg [dreg:$0xf]  }
0x259: {  	p0 =	sne.s32 s13, s21  }
.Ltmp4:
0x25a: {  	_ = 	snop;
	(pc) =	sbr.rel @p0 .LBB2_1-.Ltmp4, $3  }
0x25b: {  	_ =	sdelay $0x1  }
0x25c: {  	[sflag:s17] =	ssyncset.done $0x0  }
0x25d: {  	[sflag:s17] =	ssyncadd.s32 $0xFFFFD800  }
0x25e: {  	_ =	sfence.sel $0x180000  }
0x25f: {  	[bflag:$0x0] =	sbarrier.arrive $0xFFFF  }
0x260: {  	_ =	strace $0x9000004A  }
0x261: {  	s0 =	stileid.u32;
	[bflag:$0x2] =	sbarrier.arrive $0xFFFF  }
0x262: {  	p0 =	sne.s32 s0, $0x0;
	s0 =	rddreg [dreg:$0x3]  }
0x263: {  	s0 =	sadd.s32 @!p0 $0x100000, s0  }
0x264: {  	[sflag:s0] =	ssyncadd.tile.s32 @!p0 $0x1;
	_ =	shalt  }
.Lfunc_end2:
_tile_overlayer_lowered:
.L_overlay_start_2:
0x265: {  	(tag) =	ssettag $0x2  }
0x266: {  	s0 =	rddreg [dreg:$0x0];
	s2 =	stileid.u32  }
0x267: {  	s1 =	rddreg [dreg:$0x1];
	p0 =	sne.s32 s2, $0x0  }
0x268: {  	s3 =	rddreg [dreg:$0x2];
	[bflag:$0x3] =	sbarrier.arrive $0xFFFF;
	s2 =	simm.s32 @!p0 $0x1C09  }
0x269: {  	[timem:s3], [sflag:s2] =	dma.local @!p0 [hbm:s0], s1  }
0x26a: {  	s0 =	simm.s32 @!p0 $0x9  }
0x26b: {  	_ =	swait.ge @!p0 [sflag:s0], s1  }
0x26c: {  	s1 =	ssub.s32 @!p0 $0x0, s1;
	[sflag:s0] =	ssyncset.done @!p0 $0x0  }
0x26d: {  	[sflag:s0] =	ssyncadd.s32 @!p0 s1  }
0x26e: {  	[bflag:$0x3] =	sbarrier.arrive $0xFFFF  }
0x26f: {  	_ =	shalt  }

// kernel: kernel.14.cloned.1.call-start
scs
__scs_entry_jumppad:
0x0: {  	(pc) =	sbr.rel $0x88, $3  }
0x1: {  	(tag) =	ssettag $0x0;
	lr =	simm.s32 $0x1  }
0x2: {  	[smem:$0x3F9B] =	sst lr;
	_ =	strace $0xD0000000  }
0x3: {  	_ = 	snop  }
0x4: {  	_ = 	snop  }
0x5: {  	_ = 	snop  }
0x6: {  	_ = 	snop  }
0x7: {  	_ = 	snop  }
__scs_overlays_trampoline_lowered:
0x8: {  	[smem:$0x3FAA] =	sst s0  }
0x9: {  	[smem:$0x3FAB] =	sst s1  }
0xa: {  	[smem:$0x3FAC] =	sst s2  }
0xb: {  	[smem:$0x3FAD] =	sst s3  }
0xc: {  	[smem:$0x3FAE] =	sst s4  }
0xd: {  	[smem:$0x3FAF] =	sst s5  }
0xe: {  	[smem:$0x3FB0] =	sst s6  }
0xf: {  	[smem:$0x3FB1] =	sst s7  }
0x10: {  	[smem:$0x3FB2] =	sst s8  }
0x11: {  	[smem:$0x3FB3] =	sst s9;
	s0 =	simm.s32 @!p0 $0x0  }
0x12: {  	s1 =	sld [smem:$0x3F99];
	s0 =	simm.s32 @p0 $0x1  }
0x13: {  	[smem:$0x3FB4] =	sst s0;
	s0 =	simm.s32 @!p1 $0x0  }
0x14: {  	s2 =	sld [smem:$0x3F98];
	s0 =	simm.s32 @p1 $0x1  }
0x15: {  	[smem:$0x3FB5] =	sst s0;
	s0 =	simm.s32 @!p2 $0x0  }
0x16: {  	s3 =	sld [smem:$0x3FDB];
	s0 =	simm.s32 @p2 $0x1  }
0x17: {  	s4 =	simm.s32 $0x1BF5;
	[smem:$0x3FB7] =	sst s0  }
0x18: {  	s0 =	sld [smem:$0x3F9A];
	_ =	swait.ge [sflag:s4], $0x0  }
0x19: {  	s7 =	sld [smem:$0x3F9B]  }
0x1a: {  	s8 =	sadd.s32 $0xFFFFE003, lr  }
0x1b: {  	s9 =	sadd.s32 $0xFFFFFEF7, lr;
	s5 =	simm.s32 $0xFFFFFFFF;
	p2 =	slt.u32 s8, $0xFFFFF086  }
0x1c: {  	p1 =	slt.u32 s9, $0xF7A;
	s5 =	simm.s32 @!p2 $0x0  }
0x1d: {  	s5 =	simm.s32 @p1 $0x1;
	p0 =	seq.s32 s7, s2  }
0x1e: {  	s7 =	smul.u32 @!p0 $0xF7A, s2;
	p2 =	seq.s32 @!p0 s5, $0x0  }
0x1f: {  	s9 =	smul.u32 $0xF7A, s1;
	s8 =	simm.s32 @!p0 $0x1BF5;
	p2 =	por !p2, p0  }
0x20: {  	[sflag:s8] =	ssyncset.s32 @!p0 $0xFFFFF086;
	s6 =	sadd.s32 @!p0 s3, s7;
	s7 =	simm.s32 @!p0 $0x108  }
0x21: {  	s3 =	sadd.s32 s3, s9;
	s6 =	sadd.s32 @!p0 $0x88, s6;
	s7 =	simm.s32 @p2 $0x1082  }
0x22: {  	[simem:s7], [sflag:s8] =	dma.local @!p0 [hbm:s6], $0xF7A  }
0x23: {  	s9 =	sor.u32 $0xD0000000, s2;
	s6 =	simm.s32 $0x108;
	_ =	swait.ge @!p0 [sflag:s8], $0x0  }
0x24: {  	s3 =	sadd.s32 $0x88, s3;
	s6 =	simm.s32 @!p1 $0x1082;
	[sflag:s4] =	ssyncset.s32 $0xFFFFF086  }
0x25: {  	[simem:s6], [sflag:s4] =	dma.local [hbm:s3], $0xF7A  }
0x26: {  	[smem:$0x3F9B] =	sst s1;
	(tag) =	ssettag s2;
	_ =	strace s9  }
0x27: {  	s1 =	sld [smem:$0x3FAB]  }
0x28: {  	s2 =	sld [smem:$0x3FAC]  }
0x29: {  	s4 =	sld [smem:$0x3FAE]  }
0x2a: {  	p0 =	seq.s32 s5, $0x0;
	s5 =	sld [smem:$0x3FAF]  }
0x2b: {  	s6 =	sld [smem:$0x3FB0]  }
0x2c: {  	s7 =	sld [smem:$0x3FB1]  }
0x2d: {  	s3 =	simm.s32 $0x108;
	s8 =	sld [smem:$0x3FB2]  }
0x2e: {  	s3 =	simm.s32 @!p0 $0x1082;
	s9 =	sld [smem:$0x3FB3]  }
0x2f: {  	lr =	sadd.s32 s0, s3;
	s0 =	sld [smem:$0x3FAA]  }
0x30: {  	s3 =	sld [smem:$0x3FAD]  }
0x31: {  	[smem:$0x3FB6] =	sst s10  }
0x32: {  	s10 =	sld [smem:$0x3FB4];
	_ =	sdelay $0x3  }
0x33: {  	p0 =	seq.s32 s10, $0x1;
	s10 =	sld [smem:$0x3FB6];
	_ =	sdelay $0x3  }
0x34: {  	[smem:$0x3FB6] =	sst s10  }
0x35: {  	s10 =	sld [smem:$0x3FB5];
	_ =	sdelay $0x3  }
0x36: {  	p1 =	seq.s32 s10, $0x1;
	s10 =	sld [smem:$0x3FB6];
	_ =	sdelay $0x3  }
0x37: {  	[smem:$0x3FB6] =	sst s10  }
0x38: {  	s10 =	sld [smem:$0x3FB7]  }
0x39: {  	_ = 	snop;
	(pc) =	sbr.ind lr, $3  }
0x3a: {  	_ = 	snop  }
0x3b: {  	_ = 	snop  }
0x3c: {  	p2 =	seq.s32 s10, $0x1;
	s10 =	sld [smem:$0x3FB6]  }
0x3d: {  	_ =	shalt  }
0x3e: {  	_ =	shalt  }
0x3f: {  	_ =	shalt  }
0x40: {  	_ =	shalt  }
0x41: {  	_ =	shalt  }
0x42: {  	_ =	shalt  }
0x43: {  	_ =	shalt  }
0x44: {  	_ =	shalt  }
0x45: {  	_ =	shalt  }
0x46: {  	_ =	shalt  }
0x47: {  	_ =	shalt  }
0x48: {  	_ =	shalt  }
0x49: {  	_ =	shalt  }
0x4a: {  	_ =	shalt  }
0x4b: {  	_ =	shalt  }
0x4c: {  	_ =	shalt  }
0x4d: {  	_ =	shalt  }
0x4e: {  	_ =	shalt  }
0x4f: {  	_ =	shalt  }
0x50: {  	_ =	shalt  }
0x51: {  	_ =	shalt  }
0x52: {  	_ =	shalt  }
0x53: {  	_ =	shalt  }
0x54: {  	_ =	shalt  }
0x55: {  	_ =	shalt  }
0x56: {  	_ =	shalt  }
0x57: {  	_ =	shalt  }
0x58: {  	_ =	shalt  }
0x59: {  	_ =	shalt  }
0x5a: {  	_ =	shalt  }
0x5b: {  	_ =	shalt  }
0x5c: {  	_ =	shalt  }
0x5d: {  	_ =	shalt  }
0x5e: {  	_ =	shalt  }
0x5f: {  	_ =	shalt  }
0x60: {  	_ =	shalt  }
0x61: {  	_ =	shalt  }
0x62: {  	_ =	shalt  }
0x63: {  	_ =	shalt  }
0x64: {  	_ =	shalt  }
0x65: {  	_ =	shalt  }
0x66: {  	_ =	shalt  }
0x67: {  	_ =	shalt  }
0x68: {  	_ =	shalt  }
0x69: {  	_ =	shalt  }
0x6a: {  	_ =	shalt  }
0x6b: {  	_ =	shalt  }
0x6c: {  	_ =	shalt  }
0x6d: {  	_ =	shalt  }
0x6e: {  	_ =	shalt  }
0x6f: {  	_ =	shalt  }
0x70: {  	_ =	shalt  }
0x71: {  	_ =	shalt  }
0x72: {  	_ =	shalt  }
0x73: {  	_ =	shalt  }
0x74: {  	_ =	shalt  }
0x75: {  	_ =	shalt  }
0x76: {  	_ =	shalt  }
0x77: {  	_ =	shalt  }
0x78: {  	_ =	shalt  }
0x79: {  	_ =	shalt  }
0x7a: {  	_ =	shalt  }
0x7b: {  	_ =	shalt  }
0x7c: {  	_ =	shalt  }
0x7d: {  	_ =	shalt  }
0x7e: {  	_ =	shalt  }
0x7f: {  	_ =	shalt  }
0x80: {  	_ =	shalt  }
0x81: {  	_ =	shalt  }
0x82: {  	_ =	shalt  }
0x83: {  	_ =	shalt  }
0x84: {  	_ =	shalt  }
0x85: {  	_ =	shalt  }
0x86: {  	_ =	shalt  }
0x87: {  	_ =	shalt  }
.Lfunc_end0:
.L_simem_size_0:
called_computation.2_lowered:
.L_overlay_start_0:
0x88: {  	s2 =	sld [smem:$0x3FD9]  }
0x89: {  	s3 =	sld [smem:$0x3FFE];
	_ =	sdelay $0x1  }
0x8a: {  	s1 =	srdreg.scid  }
0x8b: {  	s0 =	sand.u32 $0x1, s1  }
0x8c: {  	s17 =	sshll.u32 s0, $0xA;
	s2 =	sadd.s32 s3, s2  }
0x8d: {  	s2 =	sadd.s32 s2, s17  }
0x8e: {  	[smem:$0x3FC2] =	sst s2  }
0x8f: {  	_ = 	snop  }
0x90: {  	s2 =	sld [smem:$0x3FD0];
	(tm) =	ssettm $0x1  }
0x91: {  	s18 =	sld [smem:$0x3FFB];
	_ =	sdelay $0x3  }
0x92: {  	_ =	strace s18  }
0x93: {  	s3 =	sld [smem:$0x3FFC];
	_ =	sdelay $0x3  }
0x94: {  	_ =	strace s3  }
0x95: {  	s3 =	sld [smem:$0x3FFD];
	_ =	sdelay $0x3  }
0x96: {  	_ =	strace s3  }
0x97: {  	_ =	strace $0x8FFFFFFF  }
0x98: {  	s19 =	sld [smem:$0x3FDB];
	_ =	sdelay $0x1  }
0x99: {  	s4 =	simm.s32 $_scs_section_size  }
0x9a: {  	s5 =	simm.s32 $_size__tile_overlayer_lowered;
	s6 =	simm.s32 $_tile_overlayer_lowered  }
0x9b: {  	s22 =	simm.s32 $0x1BFF;
	s21 =	sshll.u32 s6, $0x1;
	s3 =	sadd.s32 s4, s19  }
0x9c: {  	s7 =	simm.s32 $0x0;
	s20 =	sshll.u32 s5, $0x1;
	s5 =	sadd.s32 s21, s3  }
0x9d: {  	[timem:s7], [sflag:s22] =	dma.local [hbm:s5], s20  }
0x9e: {  	_ =	swait.ge [sflag:s22], s20  }
0x9f: {  	s4 =	ssub.s32 $0x0, s20;
	[sflag:s22] =	ssyncset.done $0x0  }
0xa0: {  	[sflag:s22] =	ssyncadd.s32 s4;
	_ =	sdelay $0x1  }
0xa1: {  	s23 =	simm.s32 $0x1B8B  }
0xa2: {  	_ =	swait.ge [sflag:s23], $0x1  }
0xa3: {  	[sflag:s23] =	ssyncset.done $0x0  }
0xa4: {  	s25 =	simm.s32 $0x1B8E;
	s24 =	sld [smem:$0x3FFE];
	[sflag:s23] =	ssyncadd.s32 $0xFFFFFFFF  }
0xa5: {  	s26 =	simm.s32 $execute0_lowered;
	[smem:$0x3FD2] =	sst s25  }
0xa6: {  	s5 =	sshll.u32 s26, $0x1;
	_ =	strace $0x8000004C;
	[dreg:$0x1] =	wrdreg $0xFFFFFFFF  }
0xa7: {  	s28 =	simm.s32 $_size_execute0_lowered;
	s3 =	sadd.s32 s3, s5;
	[dreg:$0x0] =	wrdreg $0x0  }
0xa8: {  	s5 =	sshll.u32 s28, $0x1;
	[dreg:$0x2] =	wrdreg s3  }
0xa9: {  	[dreg:$0x3] =	wrdreg s5  }
0xaa: {  	[dreg:$0x4] =	wrdreg $0xC0  }
0xab: {  	_ =	task [dreg:s7], $0x5FFFF  }
0xac: {  	[dreg:$0x1] =	wrdreg $0xFFFFFFFF  }
0xad: {  	[dreg:$0x0] =	wrdreg $0x60  }
0xae: {  	[dreg:$0x2] =	wrdreg s24  }
0xaf: {  	[dreg:$0x3] =	wrdreg s2  }
0xb0: {  	[dreg:$0x4] =	wrdreg $0xA8000  }
0xb1: {  	[dreg:$0x5] =	wrdreg $0x9  }
0xb2: {  	_ =	task.clear_ibuf [dreg:s7], $0x6FFFF;
	_ =	strace $0x9000004C  }
0xb3: {  	s29 =	simm.s32 $0x9;
	_ =	strace $0x8000004E  }
0xb4: {  	_ =	swait.ge [sflag:s29], $0x1  }
0xb5: {  	[sflag:s29] =	ssyncadd.s32 $0xFFFFFFFF  }
0xb6: {  	_ =	strace $0x9000004E  }
0xb7: {  	_ =	sfence  }
0xb8: {  	s30 =	sld [smem:$0x0];
	_ =	sdelay $0x2  }
0xb9: {  	s31 =	sshll.u32 s1, $0xD;
	s1 =	sshrl.u32 s1, $0x2  }
0xba: {  	s3 =	sand.u32 $0x4000, s31;
	s1 =	sadd.s32 s1, s30  }
0xbb: {  	s0 =	sor.u32 s3, s0;
	s1 =	sshll.u32 s1, $0x11  }
0xbc: {  	s0 =	sor.u32 s1, s0  }
0xbd: {  	s0 =	sadd.s32 $0x8F2B, s0  }
0xbe: {  	[sflag:s0] =	ssyncadd.remote.s32 $0x1  }
0xbf: {  	_ =	sfence.sel $0xFFFF  }
0xc0: {  	[dreg:$0x0] =	wrdreg $0xFFFFFFFF;
	(pc) =	sbr.abs _section_cstart, $3  }
0xc1: {  	[dreg:$0x1] =	wrdreg $0xFFFFFFFF  }
0xc2: {  	_ =	task.clear_ibuf [dreg:s7], $0x2FFFF;
	_ =	strace $0x9FFFFFFF  }
0xc3: {  	(tm) =	ssettm $0x7FFFFFFF  }
tec
execute0_lowered:
.L_overlay_start_1:
0x0: {  	(tag) =	ssettag $0x1  }
0x1: {  	s0 =	rddreg [dreg:$0x0]  }
0x2: {  	s2 =	rddreg [dreg:$0x1]  }
0x3: {  	s1 =	rddreg [dreg:$0x2];
	s3 =	srdreg.scid;
	s4 =	simm.s32 $0x0  }
0x4: {  	s10 =	stileid.u32;
	s28 =	simm.s32 $0x1;
	s29 =	simm.s32 $0x5  }
0x5: {  	s30 =	simm.s32 $0x200;
	s31 =	simm.s32 $0x2;
	s6 =	smul.u32 $0x14000, s10  }
0x6: {  	s3 =	sand.u32 $0x1, s3;
	[smem:$0x7FF] =	sst s4;
	s26 =	smul.u32 $0x6400, s10  }
0x7: {  	s4 =	sadd.s32 $0x14A00, s0;
	s8 =	sadd.s32 $0x8200, s0;
	s13 =	smul.u32 $0x50000, s10  }
0x8: {  	s9 =	sadd.s32 $0x2400, s0;
	s10 =	simm.s32 $0x4;
	s5 =	smul.u32 $0x140000, s3  }
0x9: {  	_ =	strace $0x8000004D;
	s7 =	smul.u32 $0x64000, s3;
	s3 =	ssub.s32 $0x2, s3  }
0xa: {  	[dreg:$0x4] =	wrdreg s9;
	s9 =	sshrl.u32 s3, $0x1;
	s14 =	sshrl.u32 s26, $0x3  }
0xb: {  	s15 =	sadd.s32 $0x1C00, s26;
	s16 =	sshrl.u32 s13, $0x2;
	s19 =	sadd.s32 $0x3400, s26  }
0xc: {  	s13 =	simm.s32 $0x0;
	s5 =	sadd.s32 s6, s5;
	s11 =	sadd.s32 s26, s7  }
0xd: {  	s3 =	ssub.s32 s3, s9;
	s17 =	sadd.s32 s7, s15;
	s20 =	sshrl.u32 s15, $0x3  }
0xe: {  	s21 =	sadd.s32 s7, s19;
	s6 =	sadd.s32 $0x4C00, s26;
	s23 =	sshrl.u32 s19, $0x3  }
0xf: {  	s19 =	simm.s32 $0x32;
	s9 =	simm.s32 $0x300;
	s5 =	sshrl.u32 s5, $0x3  }
0x10: {  	s12 =	sshrl.u32 s11, $0x3;
	s18 =	sshrl.u32 s17, $0x3;
	s22 =	sshrl.u32 s21, $0x3  }
0x11: {  	s7 =	sadd.s32 s7, s6;
	s6 =	sshrl.u32 s6, $0x3;
	s26 =	smax.u32 s3, $0x1  }
0x12: {  	s17 =	simm.s32 $0x9;
	s11 =	simm.s32 $0x1D80;
	s0 =	sadd.s32 s5, s0  }
0x13: {  	s5 =	sadd.s32 s2, s12;
	s24 =	sshrl.u32 s7, $0x3;
	[dreg:$0xf] =	wrdreg s26  }
0x14: {  	s25 =	sadd.s32 s8, s6;
	s26 =	simm.s32 $0x8C00;
	[dreg:$0x5] =	wrdreg s5  }
0x15: {  	s6 =	simm.s32 $0x3;
	s5 =	sadd.s32 s8, s14;
	[dreg:$0xd] =	wrdreg s25  }
0x16: {  	s7 =	simm.s32 $0x1D00;
	s0 =	sadd.s32 $0x64A00, s0;
	[dreg:$0x6] =	wrdreg s5  }
0x17: {  	s12 =	simm.s32 $0x8;
	s5 =	sadd.s32 s16, s1;
	[dreg:$0xe] =	wrdreg s0  }
0x18: {  	s25 =	simm.s32 $0x180;
	[dreg:$0x7] =	wrdreg s5;
	s5 =	sadd.s32 s2, s18  }
0x19: {  	s0 =	simm.s32 $0x1C80;
	[dreg:$0x8] =	wrdreg s5;
	s5 =	sadd.s32 s8, s20  }
0x1a: {  	s18 =	simm.s32 $0x1C00;
	s20 =	simm.s32 $0x3800;
	[dreg:$0x9] =	wrdreg s5  }
0x1b: {  	s5 =	sadd.s32 s2, s22;
	s2 =	sadd.s32 s2, s24;
	s22 =	simm.s32 $0x5400  }
0x1c: {  	s24 =	simm.s32 $0x7000;
	[dreg:$0xa] =	wrdreg s5;
	s5 =	sadd.s32 s8, s23  }
0x1d: {  	[dreg:$0xc] =	wrdreg s2;
	s23 =	simm.s32 $0x100;
	s2 =	simm.s32 $0x6  }
0x1e: {  	s8 =	simm.s32 $0x7;
	[dreg:$0xb] =	wrdreg s5;
	s5 =	simm.s32 $0x280  }
.LBB2_1:
0x1f: {  	s3 =	simm.s32 $0x0;
	s14 =	rddreg [dreg:$0x5]  }
0x20: {  	[tilespmem:s3], [sflag:$0x9] =	stream.linear.gather [hbm4b:s14+s3], $0x1C00, $0x38;
	[tilespmem:$0x1E800] =	vst v63  }
0x21: {  	_ =	swait.ge [sflag:s17], $0x1C00  }
0x22: {  	[sflag:s17] =	ssyncset.done $0x0  }
0x23: {  	s16 =	rddreg [dreg:$0x6];
	[sflag:s17] =	ssyncadd.s32 $0xFFFFE400  }
0x24: {  	[tilespmem:s18], [sflag:$0x9] =	stream.linear.gather [hbm4b:s16+s3], $0x1C00, $0x38;
	[tilespmem:$0x1E800] =	vst v63  }
0x25: {  	_ =	swait.ge [sflag:s17], $0x1C00  }
0x26: {  	[sflag:s17] =	ssyncset.done $0x0  }
0x27: {  	s14 =	stileid.u32;
	[sflag:s17] =	ssyncadd.s32 $0xFFFFE400  }
0x28: {  	[tilespmem:s20], [sflag:$0x1] =	stream.indirect.gather [hbm4b:s4+s19], $0x80, s3, s19, $0xb8;
	[tilespmem:$0x1E800] =	vst v63  }
0x29: {  	s21 =	simm.s32 $0x80;
	s15 =	rddreg [dreg:$0x7];
	s3 =	sshll.u32 s14, $0x6  }
0x2a: {  	[tilespmem:s22], [sflag:$0x2] =	stream.indirect.gather [hbm4b:s4+s19], $0x80, s21, s19, $0xb8;
	[tilespmem:$0x1E800] =	vst v63  }
0x2b: {  	s16 =	rddreg [dreg:$0x4];
	s15 =	sshrl.u32 s15, $0x3;
	s14 =	sor.u32 $0x1C09, s3  }
0x2c: {  	[tilespmem:s24], [sflag:$0x3] =	stream.indirect.gather [hbm4b:s4+s19], $0x80, s23, s19, $0xb8;
	[tilespmem:$0x1E800] =	vst v63  }
0x2d: {  	[spmem:s15], [sflag:s14] =	dma.local [hbm:s16], $0x2800  }
0x2e: {  	_ =	swait.ge [sflag:s17], $0x2800  }
0x2f: {  	[sflag:s17] =	ssyncset.done $0x0  }
0x30: {  	[sflag:s17] =	ssyncadd.s32 $0xFFFFD800  }
0x31: {  	[bflag:$0x0] =	sbarrier.arrive $0xFFFF  }
0x32: {  	[tilespmem:s26], [sflag:$0x4] =	stream.indirect.gather [hbm4b:s4+s19], $0x80, s25, s19, $0xb8;
	[tilespmem:$0x1E800] =	vst v63  }
0x33: {  	_ =	swait.ge [sflag:s28], $0x1900  }
0x34: {  	[sflag:s28] =	ssyncset.done $0x0  }
0x35: {  	[sflag:s28] =	ssyncadd.s32 $0xFFFFE700  }
0x36: {  	[spmem:s1] =	stream.indirect.scatter.add.f32 [tilespmem:s20], [sflag:$0x5], $0x80, s18, s19, $0xb8;
	[tilespmem:$0x1E800] =	vst v63  }
0x37: {  	_ =	swait.ge [sflag:s29], $0x1900  }
0x38: {  	[sflag:s29] =	ssyncset.done $0x0  }
0x39: {  	[sflag:s29] =	ssyncadd.s32 $0xFFFFE700  }
0x3a: {  	[tilespmem:s20], [sflag:$0x1] =	stream.indirect.gather [hbm4b:s4+s19], $0x80, s30, s19, $0xb8;
	[tilespmem:$0x1E800] =	vst v63  }
0x3b: {  	_ =	swait.ge [sflag:s31], $0x1900  }
0x3c: {  	[sflag:s31] =	ssyncset.done $0x0  }
0x3d: {  	[sflag:s31] =	ssyncadd.s32 $0xFFFFE700  }
0x3e: {  	[spmem:s1] =	stream.indirect.scatter.add.f32 [tilespmem:s22], [sflag:$0x6], $0x80, s0, s19, $0xb8;
	[tilespmem:$0x1E800] =	vst v63  }
0x3f: {  	_ =	swait.ge [sflag:s2], $0x1900  }
0x40: {  	[sflag:s2] =	ssyncset.done $0x0  }
0x41: {  	[sflag:s2] =	ssyncadd.s32 $0xFFFFE700  }
0x42: {  	[tilespmem:s22], [sflag:$0x2] =	stream.indirect.gather [hbm4b:s4+s19], $0x80, s5, s19, $0xb8;
	[tilespmem:$0x1E800] =	vst v63  }
0x43: {  	_ =	swait.ge [sflag:s6], $0x1900  }
0x44: {  	[sflag:s6] =	ssyncset.done $0x0  }
0x45: {  	[sflag:s6] =	ssyncadd.s32 $0xFFFFE700  }
0x46: {  	[spmem:s1] =	stream.indirect.scatter.add.f32 [tilespmem:s24], [sflag:$0x7], $0x80, s7, s19, $0xb8;
	[tilespmem:$0x1E800] =	vst v63  }
0x47: {  	_ =	swait.ge [sflag:s8], $0x1900  }
0x48: {  	[sflag:s8] =	ssyncset.done $0x0  }
0x49: {  	[sflag:s8] =	ssyncadd.s32 $0xFFFFE700  }
0x4a: {  	[tilespmem:s24], [sflag:$0x3] =	stream.indirect.gather [hbm4b:s4+s19], $0x80, s9, s19, $0xb8;
	[tilespmem:$0x1E800] =	vst v63  }
0x4b: {  	_ =	swait.ge [sflag:s10], $0x1900  }
0x4c: {  	[sflag:s10] =	ssyncset.done $0x0  }
0x4d: {  	[sflag:s10] =	ssyncadd.s32 $0xFFFFE700  }
0x4e: {  	[spmem:s1] =	stream.indirect.scatter.add.f32 [tilespmem:s26], [sflag:$0x8], $0x80, s11, s19, $0xb8;
	[tilespmem:$0x1E800] =	vst v63  }
0x4f: {  	_ =	swait.ge [sflag:s12], $0x1900  }
0x50: {  	[sflag:s12] =	ssyncset.done $0x0  }
0x51: {  	s21 =	simm.s32 $0x380;
	[sflag:s12] =	ssyncadd.s32 $0xFFFFE700  }
0x52: {  	[tilespmem:s26], [sflag:$0x4] =	stream.indirect.gather [hbm4b:s4+s19], $0x80, s21, s19, $0xb8;
	[tilespmem:$0x1E800] =	vst v63  }
0x53: {  	_ =	swait.ge [sflag:s28], $0x1900  }
0x54: {  	[sflag:s28] =	ssyncset.done $0x0  }
0x55: {  	s16 =	simm.s32 $0x1E00;
	[sflag:s28] =	ssyncadd.s32 $0xFFFFE700  }
0x56: {  	[spmem:s1] =	stream.indirect.scatter.add.f32 [tilespmem:s20], [sflag:$0x5], $0x80, s16, s19, $0xb8;
	[tilespmem:$0x1E800] =	vst v63  }
0x57: {  	_ =	swait.ge [sflag:s29], $0x1900  }
0x58: {  	[sflag:s29] =	ssyncset.done $0x0  }
0x59: {  	s21 =	simm.s32 $0x400;
	[sflag:s29] =	ssyncadd.s32 $0xFFFFE700  }
0x5a: {  	[tilespmem:s20], [sflag:$0x1] =	stream.indirect.gather [hbm4b:s4+s19], $0x80, s21, s19, $0xb8;
	[tilespmem:$0x1E800] =	vst v63  }
0x5b: {  	_ =	swait.ge [sflag:s31], $0x1900  }
0x5c: {  	[sflag:s31] =	ssyncset.done $0x0  }
0x5d: {  	s16 =	simm.s32 $0x1E80;
	[sflag:s31] =	ssyncadd.s32 $0xFFFFE700  }
0x5e: {  	[spmem:s1] =	stream.indirect.scatter.add.f32 [tilespmem:s22], [sflag:$0x6], $0x80, s16, s19, $0xb8;
	[tilespmem:$0x1E800] =	vst v63  }
0x5f: {  	_ =	swait.ge [sflag:s2], $0x1900  }
0x60: {  	[sflag:s2] =	ssyncset.done $0x0  }
0x61: {  	s21 =	simm.s32 $0x480;
	[sflag:s2] =	ssyncadd.s32 $0xFFFFE700  }
0x62: {  	[tilespmem:s22], [sflag:$0x2] =	stream.indirect.gather [hbm4b:s4+s19], $0x80, s21, s19, $0xb8;
	[tilespmem:$0x1E800] =	vst v63  }
0x63: {  	_ =	swait.ge [sflag:s6], $0x1900  }
0x64: {  	[sflag:s6] =	ssyncset.done $0x0  }
0x65: {  	s16 =	simm.s32 $0x1F00;
	[sflag:s6] =	ssyncadd.s32 $0xFFFFE700  }
0x66: {  	[spmem:s1] =	stream.indirect.scatter.add.f32 [tilespmem:s24], [sflag:$0x7], $0x80, s16, s19, $0xb8;
	[tilespmem:$0x1E800] =	vst v63  }
0x67: {  	_ =	swait.ge [sflag:s8], $0x1900  }
0x68: {  	[sflag:s8] =	ssyncset.done $0x0  }
0x69: {  	s21 =	simm.s32 $0x500;
	[sflag:s8] =	ssyncadd.s32 $0xFFFFE700  }
0x6a: {  	[tilespmem:s24], [sflag:$0x3] =	stream.indirect.gather [hbm4b:s4+s19], $0x80, s21, s19, $0xb8;
	[tilespmem:$0x1E800] =	vst v63  }
0x6b: {  	_ =	swait.ge [sflag:s10], $0x1900  }
0x6c: {  	[sflag:s10] =	ssyncset.done $0x0  }
0x6d: {  	s3 =	simm.s32 $0x1F80;
	s16 =	simm.s32 $0x800;
	[sflag:s10] =	ssyncadd.s32 $0xFFFFE700  }
.LBB2_2:
0x6e: {  	[spmem:s1] =	stream.indirect.scatter.add.f32 [tilespmem:s26], [sflag:$0x8], $0x80, s3, s19, $0xb8;
	[tilespmem:$0x1E800] =	vst v63  }
0x6f: {  	s3 =	smov.u32 s16  }
0x70: {  	p0 =	sne.s32 s16, $0x5800;
	s16 =	sadd.s32 $0x800, s16;
	_ =	swait.ge [sflag:s12], $0x1900  }
0x71: {  	s3 =	sshra.s32 s3, $0x2;
	[sflag:s12] =	ssyncset.done $0x0  }
0x72: {  	s21 =	sadd.s32 $0x380, s3;
	[sflag:s12] =	ssyncadd.s32 $0xFFFFE700  }
0x73: {  	[tilespmem:s26], [sflag:$0x4] =	stream.indirect.gather [hbm4b:s4+s19], $0x80, s21, s19, $0xb8;
	[tilespmem:$0x1E800] =	vst v63  }
0x74: {  	_ =	swait.ge [sflag:s28], $0x1900  }
0x75: {  	[sflag:s28] =	ssyncset.done $0x0  }
0x76: {  	s21 =	sadd.s32 $0x1E00, s3;
	[sflag:s28] =	ssyncadd.s32 $0xFFFFE700  }
0x77: {  	[spmem:s1] =	stream.indirect.scatter.add.f32 [tilespmem:s20], [sflag:$0x5], $0x80, s21, s19, $0xb8;
	[tilespmem:$0x1E800] =	vst v63  }
0x78: {  	_ =	swait.ge [sflag:s29], $0x1900  }
0x79: {  	[sflag:s29] =	ssyncset.done $0x0  }
0x7a: {  	s21 =	sadd.s32 $0x400, s3;
	[sflag:s29] =	ssyncadd.s32 $0xFFFFE700  }
0x7b: {  	[tilespmem:s20], [sflag:$0x1] =	stream.indirect.gather [hbm4b:s4+s19], $0x80, s21, s19, $0xb8;
	[tilespmem:$0x1E800] =	vst v63  }
0x7c: {  	_ =	swait.ge [sflag:s31], $0x1900  }
0x7d: {  	[sflag:s31] =	ssyncset.done $0x0  }
0x7e: {  	s21 =	sadd.s32 $0x1E80, s3;
	[sflag:s31] =	ssyncadd.s32 $0xFFFFE700  }
0x7f: {  	[spmem:s1] =	stream.indirect.scatter.add.f32 [tilespmem:s22], [sflag:$0x6], $0x80, s21, s19, $0xb8;
	[tilespmem:$0x1E800] =	vst v63  }
0x80: {  	_ =	swait.ge [sflag:s2], $0x1900  }
0x81: {  	[sflag:s2] =	ssyncset.done $0x0  }
0x82: {  	s21 =	sadd.s32 $0x480, s3;
	[sflag:s2] =	ssyncadd.s32 $0xFFFFE700  }
0x83: {  	[tilespmem:s22], [sflag:$0x2] =	stream.indirect.gather [hbm4b:s4+s19], $0x80, s21, s19, $0xb8;
	[tilespmem:$0x1E800] =	vst v63  }
0x84: {  	_ =	swait.ge [sflag:s6], $0x1900  }
0x85: {  	[sflag:s6] =	ssyncset.done $0x0  }
0x86: {  	s21 =	sadd.s32 $0x1F00, s3;
	[sflag:s6] =	ssyncadd.s32 $0xFFFFE700  }
0x87: {  	[spmem:s1] =	stream.indirect.scatter.add.f32 [tilespmem:s24], [sflag:$0x7], $0x80, s21, s19, $0xb8;
	[tilespmem:$0x1E800] =	vst v63  }
0x88: {  	_ =	swait.ge [sflag:s8], $0x1900  }
0x89: {  	[sflag:s8] =	ssyncset.done $0x0  }
.Ltmp0:
0x8a: {  	s21 =	sadd.s32 $0x500, s3;
	[sflag:s8] =	ssyncadd.s32 $0xFFFFE700;
	(pc) =	sbr.rel @p0 .LBB2_2-.Ltmp0, $4  }
0x8b: {  	[tilespmem:s24], [sflag:$0x3] =	stream.indirect.gather [hbm4b:s4+s19], $0x80, s21, s19, $0xb8;
	[tilespmem:$0x1E800] =	vst v63  }
0x8c: {  	_ =	swait.ge [sflag:s10], $0x1900  }
0x8d: {  	[sflag:s10] =	ssyncset.done $0x0  }
0x8e: {  	s3 =	sadd.s32 $0x1F80, s3;
	[sflag:s10] =	ssyncadd.s32 $0xFFFFE700  }
0x8f: {  	[spmem:s1] =	stream.indirect.scatter.add.f32 [tilespmem:s26], [sflag:$0x8], $0x80, s3, s19, $0xb8;
	[tilespmem:$0x1E800] =	vst v63  }
0x90: {  	_ =	swait.ge [sflag:s12], $0x1900  }
0x91: {  	[sflag:s12] =	ssyncset.done $0x0  }
0x92: {  	s16 =	simm.s32 $0x1B80;
	[sflag:s12] =	ssyncadd.s32 $0xFFFFE700  }
0x93: {  	[tilespmem:s26], [sflag:$0x4] =	stream.indirect.gather [hbm4b:s4+s19], $0x80, s16, s19, $0xb8;
	[tilespmem:$0x1E800] =	vst v63  }
0x94: {  	_ =	swait.ge [sflag:s28], $0x1900  }
0x95: {  	[sflag:s28] =	ssyncset.done $0x0  }
0x96: {  	s21 =	simm.s32 $0x3600;
	[sflag:s28] =	ssyncadd.s32 $0xFFFFE700  }
0x97: {  	[spmem:s1] =	stream.indirect.scatter.add.f32 [tilespmem:s20], [sflag:$0x5], $0x80, s21, s19, $0xb8;
	[tilespmem:$0x1E800] =	vst v63  }
0x98: {  	_ =	swait.ge [sflag:s31], $0x1900  }
0x99: {  	[sflag:s31] =	ssyncset.done $0x0  }
0x9a: {  	s16 =	simm.s32 $0x3680;
	[sflag:s31] =	ssyncadd.s32 $0xFFFFE700  }
0x9b: {  	[spmem:s1] =	stream.indirect.scatter.add.f32 [tilespmem:s22], [sflag:$0x6], $0x80, s16, s19, $0xb8;
	[tilespmem:$0x1E800] =	vst v63  }
0x9c: {  	_ =	swait.ge [sflag:s6], $0x1900  }
0x9d: {  	[sflag:s6] =	ssyncset.done $0x0  }
0x9e: {  	s21 =	simm.s32 $0x3700;
	[sflag:s6] =	ssyncadd.s32 $0xFFFFE700  }
0x9f: {  	[spmem:s1] =	stream.indirect.scatter.add.f32 [tilespmem:s24], [sflag:$0x7], $0x80, s21, s19, $0xb8;
	[tilespmem:$0x1E800] =	vst v63  }
0xa0: {  	_ =	swait.ge [sflag:s10], $0x1900  }
0xa1: {  	[sflag:s10] =	ssyncset.done $0x0  }
0xa2: {  	s16 =	simm.s32 $0x3780;
	[sflag:s10] =	ssyncadd.s32 $0xFFFFE700  }
0xa3: {  	[spmem:s1] =	stream.indirect.scatter.add.f32 [tilespmem:s26], [sflag:$0x8], $0x80, s16, s19, $0xb8;
	[tilespmem:$0x1E800] =	vst v63  }
0xa4: {  	_ =	swait.ge [sflag:s29], $0x1900  }
0xa5: {  	[sflag:s29] =	ssyncset.done $0x0  }
0xa6: {  	[sflag:s29] =	ssyncadd.s32 $0xFFFFE700  }
0xa7: {  	_ =	swait.ge [sflag:s2], $0x1900  }
0xa8: {  	[sflag:s2] =	ssyncset.done $0x0  }
0xa9: {  	[sflag:s2] =	ssyncadd.s32 $0xFFFFE700  }
0xaa: {  	_ =	swait.ge [sflag:s8], $0x1900  }
0xab: {  	[sflag:s8] =	ssyncset.done $0x0  }
0xac: {  	[sflag:s8] =	ssyncadd.s32 $0xFFFFE700  }
0xad: {  	_ =	swait.ge [sflag:s12], $0x1900  }
0xae: {  	[sflag:s12] =	ssyncset.done $0x0  }
0xaf: {  	s3 =	simm.s32 $0x0;
	s16 =	rddreg [dreg:$0x8];
	[sflag:s12] =	ssyncadd.s32 $0xFFFFE700  }
0xb0: {  	[tilespmem:s3], [sflag:$0x9] =	stream.linear.gather [hbm4b:s16+s3], $0x1800, $0x38;
	[tilespmem:$0x1E800] =	vst v63  }
0xb1: {  	_ =	swait.ge [sflag:s17], $0x1800  }
0xb2: {  	[sflag:s17] =	ssyncset.done $0x0  }
0xb3: {  	s21 =	rddreg [dreg:$0x9];
	[sflag:s17] =	ssyncadd.s32 $0xFFFFE800  }
0xb4: {  	[tilespmem:s18], [sflag:$0x9] =	stream.linear.gather [hbm4b:s21+s3], $0x1800, $0x38;
	[tilespmem:$0x1E800] =	vst v63  }
0xb5: {  	_ =	swait.ge [sflag:s17], $0x1800  }
0xb6: {  	[sflag:s17] =	ssyncset.done $0x0  }
0xb7: {  	[sflag:s17] =	ssyncadd.s32 $0xFFFFE800  }
0xb8: {  	[tilespmem:s20], [sflag:$0x1] =	stream.indirect.gather [hbm4b:s4+s19], $0x80, s3, s19, $0xb8;
	[tilespmem:$0x1E800] =	vst v63  }
0xb9: {  	s16 =	simm.s32 $0x80  }
0xba: {  	[tilespmem:s22], [sflag:$0x2] =	stream.indirect.gather [hbm4b:s4+s19], $0x80, s16, s19, $0xb8;
	[tilespmem:$0x1E800] =	vst v63  }
0xbb: {  	_ = 	snop  }
0xbc: {  	[tilespmem:s24], [sflag:$0x3] =	stream.indirect.gather [hbm4b:s4+s19], $0x80, s23, s19, $0xb8;
	[tilespmem:$0x1E800] =	vst v63  }
0xbd: {  	_ = 	snop  }
0xbe: {  	[tilespmem:s26], [sflag:$0x4] =	stream.indirect.gather [hbm4b:s4+s19], $0x80, s25, s19, $0xb8;
	[tilespmem:$0x1E800] =	vst v63  }
0xbf: {  	_ =	swait.ge [sflag:s28], $0x1900  }
0xc0: {  	[sflag:s28] =	ssyncset.done $0x0  }
0xc1: {  	[sflag:s28] =	ssyncadd.s32 $0xFFFFE700  }
0xc2: {  	[spmem:s1] =	stream.indirect.scatter.add.f32 [tilespmem:s20], [sflag:$0x5], $0x80, s18, s19, $0xb8;
	[tilespmem:$0x1E800] =	vst v63  }
0xc3: {  	_ =	swait.ge [sflag:s29], $0x1900  }
0xc4: {  	[sflag:s29] =	ssyncset.done $0x0  }
0xc5: {  	[sflag:s29] =	ssyncadd.s32 $0xFFFFE700  }
0xc6: {  	[tilespmem:s20], [sflag:$0x1] =	stream.indirect.gather [hbm4b:s4+s19], $0x80, s30, s19, $0xb8;
	[tilespmem:$0x1E800] =	vst v63  }
0xc7: {  	_ =	swait.ge [sflag:s31], $0x1900  }
0xc8: {  	[sflag:s31] =	ssyncset.done $0x0  }
0xc9: {  	[sflag:s31] =	ssyncadd.s32 $0xFFFFE700  }
0xca: {  	[spmem:s1] =	stream.indirect.scatter.add.f32 [tilespmem:s22], [sflag:$0x6], $0x80, s0, s19, $0xb8;
	[tilespmem:$0x1E800] =	vst v63  }
0xcb: {  	_ =	swait.ge [sflag:s2], $0x1900  }
0xcc: {  	[sflag:s2] =	ssyncset.done $0x0  }
0xcd: {  	[sflag:s2] =	ssyncadd.s32 $0xFFFFE700  }
0xce: {  	[tilespmem:s22], [sflag:$0x2] =	stream.indirect.gather [hbm4b:s4+s19], $0x80, s5, s19, $0xb8;
	[tilespmem:$0x1E800] =	vst v63  }
0xcf: {  	_ =	swait.ge [sflag:s6], $0x1900  }
0xd0: {  	[sflag:s6] =	ssyncset.done $0x0  }
0xd1: {  	[sflag:s6] =	ssyncadd.s32 $0xFFFFE700  }
0xd2: {  	[spmem:s1] =	stream.indirect.scatter.add.f32 [tilespmem:s24], [sflag:$0x7], $0x80, s7, s19, $0xb8;
	[tilespmem:$0x1E800] =	vst v63  }
0xd3: {  	_ =	swait.ge [sflag:s8], $0x1900  }
0xd4: {  	[sflag:s8] =	ssyncset.done $0x0  }
0xd5: {  	[sflag:s8] =	ssyncadd.s32 $0xFFFFE700  }
0xd6: {  	[tilespmem:s24], [sflag:$0x3] =	stream.indirect.gather [hbm4b:s4+s19], $0x80, s9, s19, $0xb8;
	[tilespmem:$0x1E800] =	vst v63  }
0xd7: {  	_ =	swait.ge [sflag:s10], $0x1900  }
0xd8: {  	[sflag:s10] =	ssyncset.done $0x0  }
0xd9: {  	[sflag:s10] =	ssyncadd.s32 $0xFFFFE700  }
0xda: {  	[spmem:s1] =	stream.indirect.scatter.add.f32 [tilespmem:s26], [sflag:$0x8], $0x80, s11, s19, $0xb8;
	[tilespmem:$0x1E800] =	vst v63  }
0xdb: {  	_ =	swait.ge [sflag:s12], $0x1900  }
0xdc: {  	[sflag:s12] =	ssyncset.done $0x0  }
0xdd: {  	s21 =	simm.s32 $0x380;
	[sflag:s12] =	ssyncadd.s32 $0xFFFFE700  }
0xde: {  	[tilespmem:s26], [sflag:$0x4] =	stream.indirect.gather [hbm4b:s4+s19], $0x80, s21, s19, $0xb8;
	[tilespmem:$0x1E800] =	vst v63  }
0xdf: {  	_ =	swait.ge [sflag:s28], $0x1900  }
0xe0: {  	[sflag:s28] =	ssyncset.done $0x0  }
0xe1: {  	s16 =	simm.s32 $0x1E00;
	[sflag:s28] =	ssyncadd.s32 $0xFFFFE700  }
0xe2: {  	[spmem:s1] =	stream.indirect.scatter.add.f32 [tilespmem:s20], [sflag:$0x5], $0x80, s16, s19, $0xb8;
	[tilespmem:$0x1E800] =	vst v63  }
0xe3: {  	_ =	swait.ge [sflag:s29], $0x1900  }
0xe4: {  	[sflag:s29] =	ssyncset.done $0x0  }
0xe5: {  	s21 =	simm.s32 $0x400;
	[sflag:s29] =	ssyncadd.s32 $0xFFFFE700  }
0xe6: {  	[tilespmem:s20], [sflag:$0x1] =	stream.indirect.gather [hbm4b:s4+s19], $0x80, s21, s19, $0xb8;
	[tilespmem:$0x1E800] =	vst v63  }
0xe7: {  	_ =	swait.ge [sflag:s31], $0x1900  }
0xe8: {  	[sflag:s31] =	ssyncset.done $0x0  }
0xe9: {  	s16 =	simm.s32 $0x1E80;
	[sflag:s31] =	ssyncadd.s32 $0xFFFFE700  }
0xea: {  	[spmem:s1] =	stream.indirect.scatter.add.f32 [tilespmem:s22], [sflag:$0x6], $0x80, s16, s19, $0xb8;
	[tilespmem:$0x1E800] =	vst v63  }
0xeb: {  	_ =	swait.ge [sflag:s2], $0x1900  }
0xec: {  	[sflag:s2] =	ssyncset.done $0x0  }
0xed: {  	s21 =	simm.s32 $0x480;
	[sflag:s2] =	ssyncadd.s32 $0xFFFFE700  }
0xee: {  	[tilespmem:s22], [sflag:$0x2] =	stream.indirect.gather [hbm4b:s4+s19], $0x80, s21, s19, $0xb8;
	[tilespmem:$0x1E800] =	vst v63  }
0xef: {  	_ =	swait.ge [sflag:s6], $0x1900  }
0xf0: {  	[sflag:s6] =	ssyncset.done $0x0  }
0xf1: {  	s16 =	simm.s32 $0x1F00;
	[sflag:s6] =	ssyncadd.s32 $0xFFFFE700  }
0xf2: {  	[spmem:s1] =	stream.indirect.scatter.add.f32 [tilespmem:s24], [sflag:$0x7], $0x80, s16, s19, $0xb8;
	[tilespmem:$0x1E800] =	vst v63  }
0xf3: {  	_ =	swait.ge [sflag:s8], $0x1900  }
0xf4: {  	[sflag:s8] =	ssyncset.done $0x0  }
0xf5: {  	s21 =	simm.s32 $0x500;
	[sflag:s8] =	ssyncadd.s32 $0xFFFFE700  }
0xf6: {  	[tilespmem:s24], [sflag:$0x3] =	stream.indirect.gather [hbm4b:s4+s19], $0x80, s21, s19, $0xb8;
	[tilespmem:$0x1E800] =	vst v63  }
0xf7: {  	_ =	swait.ge [sflag:s10], $0x1900  }
0xf8: {  	[sflag:s10] =	ssyncset.done $0x0  }
0xf9: {  	s3 =	simm.s32 $0x1F80;
	s16 =	simm.s32 $0x800;
	[sflag:s10] =	ssyncadd.s32 $0xFFFFE700  }
.LBB2_4:
0xfa: {  	[spmem:s1] =	stream.indirect.scatter.add.f32 [tilespmem:s26], [sflag:$0x8], $0x80, s3, s19, $0xb8;
	[tilespmem:$0x1E800] =	vst v63  }
0xfb: {  	s3 =	smov.u32 s16  }
0xfc: {  	p0 =	sne.s32 s16, $0x4800;
	s16 =	sadd.s32 $0x800, s16;
	_ =	swait.ge [sflag:s12], $0x1900  }
0xfd: {  	s3 =	sshra.s32 s3, $0x2;
	[sflag:s12] =	ssyncset.done $0x0  }
0xfe: {  	s21 =	sadd.s32 $0x380, s3;
	[sflag:s12] =	ssyncadd.s32 $0xFFFFE700  }
0xff: {  	[tilespmem:s26], [sflag:$0x4] =	stream.indirect.gather [hbm4b:s4+s19], $0x80, s21, s19, $0xb8;
	[tilespmem:$0x1E800] =	vst v63  }
0x100: {  	_ =	swait.ge [sflag:s28], $0x1900  }
0x101: {  	[sflag:s28] =	ssyncset.done $0x0  }
0x102: {  	s21 =	sadd.s32 $0x1E00, s3;
	[sflag:s28] =	ssyncadd.s32 $0xFFFFE700  }
0x103: {  	[spmem:s1] =	stream.indirect.scatter.add.f32 [tilespmem:s20], [sflag:$0x5], $0x80, s21, s19, $0xb8;
	[tilespmem:$0x1E800] =	vst v63  }
0x104: {  	_ =	swait.ge [sflag:s29], $0x1900  }
0x105: {  	[sflag:s29] =	ssyncset.done $0x0  }
0x106: {  	s21 =	sadd.s32 $0x400, s3;
	[sflag:s29] =	ssyncadd.s32 $0xFFFFE700  }
0x107: {  	[tilespmem:s20], [sflag:$0x1] =	stream.indirect.gather [hbm4b:s4+s19], $0x80, s21, s19, $0xb8;
	[tilespmem:$0x1E800] =	vst v63  }
0x108: {  	_ =	swait.ge [sflag:s31], $0x1900  }
0x109: {  	[sflag:s31] =	ssyncset.done $0x0  }
0x10a: {  	s21 =	sadd.s32 $0x1E80, s3;
	[sflag:s31] =	ssyncadd.s32 $0xFFFFE700  }
0x10b: {  	[spmem:s1] =	stream.indirect.scatter.add.f32 [tilespmem:s22], [sflag:$0x6], $0x80, s21, s19, $0xb8;
	[tilespmem:$0x1E800] =	vst v63  }
0x10c: {  	_ =	swait.ge [sflag:s2], $0x1900  }
0x10d: {  	[sflag:s2] =	ssyncset.done $0x0  }
0x10e: {  	s21 =	sadd.s32 $0x480, s3;
	[sflag:s2] =	ssyncadd.s32 $0xFFFFE700  }
0x10f: {  	[tilespmem:s22], [sflag:$0x2] =	stream.indirect.gather [hbm4b:s4+s19], $0x80, s21, s19, $0xb8;
	[tilespmem:$0x1E800] =	vst v63  }
0x110: {  	_ =	swait.ge [sflag:s6], $0x1900  }
0x111: {  	[sflag:s6] =	ssyncset.done $0x0  }
0x112: {  	s21 =	sadd.s32 $0x1F00, s3;
	[sflag:s6] =	ssyncadd.s32 $0xFFFFE700  }
0x113: {  	[spmem:s1] =	stream.indirect.scatter.add.f32 [tilespmem:s24], [sflag:$0x7], $0x80, s21, s19, $0xb8;
	[tilespmem:$0x1E800] =	vst v63  }
0x114: {  	_ =	swait.ge [sflag:s8], $0x1900  }
0x115: {  	[sflag:s8] =	ssyncset.done $0x0  }
.Ltmp1:
0x116: {  	s21 =	sadd.s32 $0x500, s3;
	[sflag:s8] =	ssyncadd.s32 $0xFFFFE700;
	(pc) =	sbr.rel @p0 .LBB2_4-.Ltmp1, $4  }
0x117: {  	[tilespmem:s24], [sflag:$0x3] =	stream.indirect.gather [hbm4b:s4+s19], $0x80, s21, s19, $0xb8;
	[tilespmem:$0x1E800] =	vst v63  }
0x118: {  	_ =	swait.ge [sflag:s10], $0x1900  }
0x119: {  	[sflag:s10] =	ssyncset.done $0x0  }
0x11a: {  	s3 =	sadd.s32 $0x1F80, s3;
	[sflag:s10] =	ssyncadd.s32 $0xFFFFE700  }
0x11b: {  	[spmem:s1] =	stream.indirect.scatter.add.f32 [tilespmem:s26], [sflag:$0x8], $0x80, s3, s19, $0xb8;
	[tilespmem:$0x1E800] =	vst v63  }
0x11c: {  	_ =	swait.ge [sflag:s12], $0x1900  }
0x11d: {  	[sflag:s12] =	ssyncset.done $0x0  }
0x11e: {  	s16 =	simm.s32 $0x1780;
	[sflag:s12] =	ssyncadd.s32 $0xFFFFE700  }
0x11f: {  	[tilespmem:s26], [sflag:$0x4] =	stream.indirect.gather [hbm4b:s4+s19], $0x80, s16, s19, $0xb8;
	[tilespmem:$0x1E800] =	vst v63  }
0x120: {  	_ =	swait.ge [sflag:s28], $0x1900  }
0x121: {  	[sflag:s28] =	ssyncset.done $0x0  }
0x122: {  	s21 =	simm.s32 $0x3200;
	[sflag:s28] =	ssyncadd.s32 $0xFFFFE700  }
0x123: {  	[spmem:s1] =	stream.indirect.scatter.add.f32 [tilespmem:s20], [sflag:$0x5], $0x80, s21, s19, $0xb8;
	[tilespmem:$0x1E800] =	vst v63  }
0x124: {  	_ =	swait.ge [sflag:s31], $0x1900  }
0x125: {  	[sflag:s31] =	ssyncset.done $0x0  }
0x126: {  	s16 =	simm.s32 $0x3280;
	[sflag:s31] =	ssyncadd.s32 $0xFFFFE700  }
0x127: {  	[spmem:s1] =	stream.indirect.scatter.add.f32 [tilespmem:s22], [sflag:$0x6], $0x80, s16, s19, $0xb8;
	[tilespmem:$0x1E800] =	vst v63  }
0x128: {  	_ =	swait.ge [sflag:s6], $0x1900  }
0x129: {  	[sflag:s6] =	ssyncset.done $0x0  }
0x12a: {  	s21 =	simm.s32 $0x3300;
	[sflag:s6] =	ssyncadd.s32 $0xFFFFE700  }
0x12b: {  	[spmem:s1] =	stream.indirect.scatter.add.f32 [tilespmem:s24], [sflag:$0x7], $0x80, s21, s19, $0xb8;
	[tilespmem:$0x1E800] =	vst v63  }
0x12c: {  	_ =	swait.ge [sflag:s10], $0x1900  }
0x12d: {  	[sflag:s10] =	ssyncset.done $0x0  }
0x12e: {  	s16 =	simm.s32 $0x3380;
	[sflag:s10] =	ssyncadd.s32 $0xFFFFE700  }
0x12f: {  	[spmem:s1] =	stream.indirect.scatter.add.f32 [tilespmem:s26], [sflag:$0x8], $0x80, s16, s19, $0xb8;
	[tilespmem:$0x1E800] =	vst v63  }
0x130: {  	_ =	swait.ge [sflag:s29], $0x1900  }
0x131: {  	[sflag:s29] =	ssyncset.done $0x0  }
0x132: {  	[sflag:s29] =	ssyncadd.s32 $0xFFFFE700  }
0x133: {  	_ =	swait.ge [sflag:s2], $0x1900  }
0x134: {  	[sflag:s2] =	ssyncset.done $0x0  }
0x135: {  	[sflag:s2] =	ssyncadd.s32 $0xFFFFE700  }
0x136: {  	_ =	swait.ge [sflag:s8], $0x1900  }
0x137: {  	[sflag:s8] =	ssyncset.done $0x0  }
0x138: {  	[sflag:s8] =	ssyncadd.s32 $0xFFFFE700  }
0x139: {  	_ =	swait.ge [sflag:s12], $0x1900  }
0x13a: {  	[sflag:s12] =	ssyncset.done $0x0  }
0x13b: {  	s3 =	simm.s32 $0x0;
	s16 =	rddreg [dreg:$0xa];
	[sflag:s12] =	ssyncadd.s32 $0xFFFFE700  }
0x13c: {  	[tilespmem:s3], [sflag:$0x9] =	stream.linear.gather [hbm4b:s16+s3], $0x1800, $0x38;
	[tilespmem:$0x1E800] =	vst v63  }
0x13d: {  	_ =	swait.ge [sflag:s17], $0x1800  }
0x13e: {  	[sflag:s17] =	ssyncset.done $0x0  }
0x13f: {  	s21 =	rddreg [dreg:$0xb];
	[sflag:s17] =	ssyncadd.s32 $0xFFFFE800  }
0x140: {  	[tilespmem:s18], [sflag:$0x9] =	stream.linear.gather [hbm4b:s21+s3], $0x1800, $0x38;
	[tilespmem:$0x1E800] =	vst v63  }
0x141: {  	_ =	swait.ge [sflag:s17], $0x1800  }
0x142: {  	[sflag:s17] =	ssyncset.done $0x0  }
0x143: {  	[sflag:s17] =	ssyncadd.s32 $0xFFFFE800  }
0x144: {  	[tilespmem:s20], [sflag:$0x1] =	stream.indirect.gather [hbm4b:s4+s19], $0x80, s3, s19, $0xb8;
	[tilespmem:$0x1E800] =	vst v63  }
0x145: {  	s16 =	simm.s32 $0x80  }
0x146: {  	[tilespmem:s22], [sflag:$0x2] =	stream.indirect.gather [hbm4b:s4+s19], $0x80, s16, s19, $0xb8;
	[tilespmem:$0x1E800] =	vst v63  }
0x147: {  	_ = 	snop  }
0x148: {  	[tilespmem:s24], [sflag:$0x3] =	stream.indirect.gather [hbm4b:s4+s19], $0x80, s23, s19, $0xb8;
	[tilespmem:$0x1E800] =	vst v63  }
0x149: {  	_ = 	snop  }
0x14a: {  	[tilespmem:s26], [sflag:$0x4] =	stream.indirect.gather [hbm4b:s4+s19], $0x80, s25, s19, $0xb8;
	[tilespmem:$0x1E800] =	vst v63  }
0x14b: {  	_ =	swait.ge [sflag:s28], $0x1900  }
0x14c: {  	[sflag:s28] =	ssyncset.done $0x0  }
0x14d: {  	[sflag:s28] =	ssyncadd.s32 $0xFFFFE700  }
0x14e: {  	[spmem:s1] =	stream.indirect.scatter.add.f32 [tilespmem:s20], [sflag:$0x5], $0x80, s18, s19, $0xb8;
	[tilespmem:$0x1E800] =	vst v63  }
0x14f: {  	_ =	swait.ge [sflag:s29], $0x1900  }
0x150: {  	[sflag:s29] =	ssyncset.done $0x0  }
0x151: {  	[sflag:s29] =	ssyncadd.s32 $0xFFFFE700  }
0x152: {  	[tilespmem:s20], [sflag:$0x1] =	stream.indirect.gather [hbm4b:s4+s19], $0x80, s30, s19, $0xb8;
	[tilespmem:$0x1E800] =	vst v63  }
0x153: {  	_ =	swait.ge [sflag:s31], $0x1900  }
0x154: {  	[sflag:s31] =	ssyncset.done $0x0  }
0x155: {  	[sflag:s31] =	ssyncadd.s32 $0xFFFFE700  }
0x156: {  	[spmem:s1] =	stream.indirect.scatter.add.f32 [tilespmem:s22], [sflag:$0x6], $0x80, s0, s19, $0xb8;
	[tilespmem:$0x1E800] =	vst v63  }
0x157: {  	_ =	swait.ge [sflag:s2], $0x1900  }
0x158: {  	[sflag:s2] =	ssyncset.done $0x0  }
0x159: {  	[sflag:s2] =	ssyncadd.s32 $0xFFFFE700  }
0x15a: {  	[tilespmem:s22], [sflag:$0x2] =	stream.indirect.gather [hbm4b:s4+s19], $0x80, s5, s19, $0xb8;
	[tilespmem:$0x1E800] =	vst v63  }
0x15b: {  	_ =	swait.ge [sflag:s6], $0x1900  }
0x15c: {  	[sflag:s6] =	ssyncset.done $0x0  }
0x15d: {  	[sflag:s6] =	ssyncadd.s32 $0xFFFFE700  }
0x15e: {  	[spmem:s1] =	stream.indirect.scatter.add.f32 [tilespmem:s24], [sflag:$0x7], $0x80, s7, s19, $0xb8;
	[tilespmem:$0x1E800] =	vst v63  }
0x15f: {  	_ =	swait.ge [sflag:s8], $0x1900  }
0x160: {  	[sflag:s8] =	ssyncset.done $0x0  }
0x161: {  	[sflag:s8] =	ssyncadd.s32 $0xFFFFE700  }
0x162: {  	[tilespmem:s24], [sflag:$0x3] =	stream.indirect.gather [hbm4b:s4+s19], $0x80, s9, s19, $0xb8;
	[tilespmem:$0x1E800] =	vst v63  }
0x163: {  	_ =	swait.ge [sflag:s10], $0x1900  }
0x164: {  	[sflag:s10] =	ssyncset.done $0x0  }
0x165: {  	[sflag:s10] =	ssyncadd.s32 $0xFFFFE700  }
0x166: {  	[spmem:s1] =	stream.indirect.scatter.add.f32 [tilespmem:s26], [sflag:$0x8], $0x80, s11, s19, $0xb8;
	[tilespmem:$0x1E800] =	vst v63  }
0x167: {  	_ =	swait.ge [sflag:s12], $0x1900  }
0x168: {  	[sflag:s12] =	ssyncset.done $0x0  }
0x169: {  	s21 =	simm.s32 $0x380;
	[sflag:s12] =	ssyncadd.s32 $0xFFFFE700  }
0x16a: {  	[tilespmem:s26], [sflag:$0x4] =	stream.indirect.gather [hbm4b:s4+s19], $0x80, s21, s19, $0xb8;
	[tilespmem:$0x1E800] =	vst v63  }
0x16b: {  	_ =	swait.ge [sflag:s28], $0x1900  }
0x16c: {  	[sflag:s28] =	ssyncset.done $0x0  }
0x16d: {  	s16 =	simm.s32 $0x1E00;
	[sflag:s28] =	ssyncadd.s32 $0xFFFFE700  }
0x16e: {  	[spmem:s1] =	stream.indirect.scatter.add.f32 [tilespmem:s20], [sflag:$0x5], $0x80, s16, s19, $0xb8;
	[tilespmem:$0x1E800] =	vst v63  }
0x16f: {  	_ =	swait.ge [sflag:s29], $0x1900  }
0x170: {  	[sflag:s29] =	ssyncset.done $0x0  }
0x171: {  	s21 =	simm.s32 $0x400;
	[sflag:s29] =	ssyncadd.s32 $0xFFFFE700  }
0x172: {  	[tilespmem:s20], [sflag:$0x1] =	stream.indirect.gather [hbm4b:s4+s19], $0x80, s21, s19, $0xb8;
	[tilespmem:$0x1E800] =	vst v63  }
0x173: {  	_ =	swait.ge [sflag:s31], $0x1900  }
0x174: {  	[sflag:s31] =	ssyncset.done $0x0  }
0x175: {  	s16 =	simm.s32 $0x1E80;
	[sflag:s31] =	ssyncadd.s32 $0xFFFFE700  }
0x176: {  	[spmem:s1] =	stream.indirect.scatter.add.f32 [tilespmem:s22], [sflag:$0x6], $0x80, s16, s19, $0xb8;
	[tilespmem:$0x1E800] =	vst v63  }
0x177: {  	_ =	swait.ge [sflag:s2], $0x1900  }
0x178: {  	[sflag:s2] =	ssyncset.done $0x0  }
0x179: {  	s21 =	simm.s32 $0x480;
	[sflag:s2] =	ssyncadd.s32 $0xFFFFE700  }
0x17a: {  	[tilespmem:s22], [sflag:$0x2] =	stream.indirect.gather [hbm4b:s4+s19], $0x80, s21, s19, $0xb8;
	[tilespmem:$0x1E800] =	vst v63  }
0x17b: {  	_ =	swait.ge [sflag:s6], $0x1900  }
0x17c: {  	[sflag:s6] =	ssyncset.done $0x0  }
0x17d: {  	s16 =	simm.s32 $0x1F00;
	[sflag:s6] =	ssyncadd.s32 $0xFFFFE700  }
0x17e: {  	[spmem:s1] =	stream.indirect.scatter.add.f32 [tilespmem:s24], [sflag:$0x7], $0x80, s16, s19, $0xb8;
	[tilespmem:$0x1E800] =	vst v63  }
0x17f: {  	_ =	swait.ge [sflag:s8], $0x1900  }
0x180: {  	[sflag:s8] =	ssyncset.done $0x0  }
0x181: {  	s21 =	simm.s32 $0x500;
	[sflag:s8] =	ssyncadd.s32 $0xFFFFE700  }
0x182: {  	[tilespmem:s24], [sflag:$0x3] =	stream.indirect.gather [hbm4b:s4+s19], $0x80, s21, s19, $0xb8;
	[tilespmem:$0x1E800] =	vst v63  }
0x183: {  	_ =	swait.ge [sflag:s10], $0x1900  }
0x184: {  	[sflag:s10] =	ssyncset.done $0x0  }
0x185: {  	s3 =	simm.s32 $0x1F80;
	s16 =	simm.s32 $0x800;
	[sflag:s10] =	ssyncadd.s32 $0xFFFFE700  }
.LBB2_6:
0x186: {  	[spmem:s1] =	stream.indirect.scatter.add.f32 [tilespmem:s26], [sflag:$0x8], $0x80, s3, s19, $0xb8;
	[tilespmem:$0x1E800] =	vst v63  }
0x187: {  	s3 =	smov.u32 s16  }
0x188: {  	p0 =	sne.s32 s16, $0x4800;
	s16 =	sadd.s32 $0x800, s16;
	_ =	swait.ge [sflag:s12], $0x1900  }
0x189: {  	s3 =	sshra.s32 s3, $0x2;
	[sflag:s12] =	ssyncset.done $0x0  }
0x18a: {  	s21 =	sadd.s32 $0x380, s3;
	[sflag:s12] =	ssyncadd.s32 $0xFFFFE700  }
0x18b: {  	[tilespmem:s26], [sflag:$0x4] =	stream.indirect.gather [hbm4b:s4+s19], $0x80, s21, s19, $0xb8;
	[tilespmem:$0x1E800] =	vst v63  }
0x18c: {  	_ =	swait.ge [sflag:s28], $0x1900  }
0x18d: {  	[sflag:s28] =	ssyncset.done $0x0  }
0x18e: {  	s21 =	sadd.s32 $0x1E00, s3;
	[sflag:s28] =	ssyncadd.s32 $0xFFFFE700  }
0x18f: {  	[spmem:s1] =	stream.indirect.scatter.add.f32 [tilespmem:s20], [sflag:$0x5], $0x80, s21, s19, $0xb8;
	[tilespmem:$0x1E800] =	vst v63  }
0x190: {  	_ =	swait.ge [sflag:s29], $0x1900  }
0x191: {  	[sflag:s29] =	ssyncset.done $0x0  }
0x192: {  	s21 =	sadd.s32 $0x400, s3;
	[sflag:s29] =	ssyncadd.s32 $0xFFFFE700  }
0x193: {  	[tilespmem:s20], [sflag:$0x1] =	stream.indirect.gather [hbm4b:s4+s19], $0x80, s21, s19, $0xb8;
	[tilespmem:$0x1E800] =	vst v63  }
0x194: {  	_ =	swait.ge [sflag:s31], $0x1900  }
0x195: {  	[sflag:s31] =	ssyncset.done $0x0  }
0x196: {  	s21 =	sadd.s32 $0x1E80, s3;
	[sflag:s31] =	ssyncadd.s32 $0xFFFFE700  }
0x197: {  	[spmem:s1] =	stream.indirect.scatter.add.f32 [tilespmem:s22], [sflag:$0x6], $0x80, s21, s19, $0xb8;
	[tilespmem:$0x1E800] =	vst v63  }
0x198: {  	_ =	swait.ge [sflag:s2], $0x1900  }
0x199: {  	[sflag:s2] =	ssyncset.done $0x0  }
0x19a: {  	s21 =	sadd.s32 $0x480, s3;
	[sflag:s2] =	ssyncadd.s32 $0xFFFFE700  }
0x19b: {  	[tilespmem:s22], [sflag:$0x2] =	stream.indirect.gather [hbm4b:s4+s19], $0x80, s21, s19, $0xb8;
	[tilespmem:$0x1E800] =	vst v63  }
0x19c: {  	_ =	swait.ge [sflag:s6], $0x1900  }
0x19d: {  	[sflag:s6] =	ssyncset.done $0x0  }
0x19e: {  	s21 =	sadd.s32 $0x1F00, s3;
	[sflag:s6] =	ssyncadd.s32 $0xFFFFE700  }
0x19f: {  	[spmem:s1] =	stream.indirect.scatter.add.f32 [tilespmem:s24], [sflag:$0x7], $0x80, s21, s19, $0xb8;
	[tilespmem:$0x1E800] =	vst v63  }
0x1a0: {  	_ =	swait.ge [sflag:s8], $0x1900  }
0x1a1: {  	[sflag:s8] =	ssyncset.done $0x0  }
.Ltmp2:
0x1a2: {  	s21 =	sadd.s32 $0x500, s3;
	[sflag:s8] =	ssyncadd.s32 $0xFFFFE700;
	(pc) =	sbr.rel @p0 .LBB2_6-.Ltmp2, $4  }
0x1a3: {  	[tilespmem:s24], [sflag:$0x3] =	stream.indirect.gather [hbm4b:s4+s19], $0x80, s21, s19, $0xb8;
	[tilespmem:$0x1E800] =	vst v63  }
0x1a4: {  	_ =	swait.ge [sflag:s10], $0x1900  }
0x1a5: {  	[sflag:s10] =	ssyncset.done $0x0  }
0x1a6: {  	s3 =	sadd.s32 $0x1F80, s3;
	[sflag:s10] =	ssyncadd.s32 $0xFFFFE700  }
0x1a7: {  	[spmem:s1] =	stream.indirect.scatter.add.f32 [tilespmem:s26], [sflag:$0x8], $0x80, s3, s19, $0xb8;
	[tilespmem:$0x1E800] =	vst v63  }
0x1a8: {  	_ =	swait.ge [sflag:s12], $0x1900  }
0x1a9: {  	[sflag:s12] =	ssyncset.done $0x0  }
0x1aa: {  	s16 =	simm.s32 $0x1780;
	[sflag:s12] =	ssyncadd.s32 $0xFFFFE700  }
0x1ab: {  	[tilespmem:s26], [sflag:$0x4] =	stream.indirect.gather [hbm4b:s4+s19], $0x80, s16, s19, $0xb8;
	[tilespmem:$0x1E800] =	vst v63  }
0x1ac: {  	_ =	swait.ge [sflag:s28], $0x1900  }
0x1ad: {  	[sflag:s28] =	ssyncset.done $0x0  }
0x1ae: {  	s21 =	simm.s32 $0x3200;
	[sflag:s28] =	ssyncadd.s32 $0xFFFFE700  }
0x1af: {  	[spmem:s1] =	stream.indirect.scatter.add.f32 [tilespmem:s20], [sflag:$0x5], $0x80, s21, s19, $0xb8;
	[tilespmem:$0x1E800] =	vst v63  }
0x1b0: {  	_ =	swait.ge [sflag:s31], $0x1900  }
0x1b1: {  	[sflag:s31] =	ssyncset.done $0x0  }
0x1b2: {  	s16 =	simm.s32 $0x3280;
	[sflag:s31] =	ssyncadd.s32 $0xFFFFE700  }
0x1b3: {  	[spmem:s1] =	stream.indirect.scatter.add.f32 [tilespmem:s22], [sflag:$0x6], $0x80, s16, s19, $0xb8;
	[tilespmem:$0x1E800] =	vst v63  }
0x1b4: {  	_ =	swait.ge [sflag:s6], $0x1900  }
0x1b5: {  	[sflag:s6] =	ssyncset.done $0x0  }
0x1b6: {  	s21 =	simm.s32 $0x3300;
	[sflag:s6] =	ssyncadd.s32 $0xFFFFE700  }
0x1b7: {  	[spmem:s1] =	stream.indirect.scatter.add.f32 [tilespmem:s24], [sflag:$0x7], $0x80, s21, s19, $0xb8;
	[tilespmem:$0x1E800] =	vst v63  }
0x1b8: {  	_ =	swait.ge [sflag:s10], $0x1900  }
0x1b9: {  	[sflag:s10] =	ssyncset.done $0x0  }
0x1ba: {  	s16 =	simm.s32 $0x3380;
	[sflag:s10] =	ssyncadd.s32 $0xFFFFE700  }
0x1bb: {  	[spmem:s1] =	stream.indirect.scatter.add.f32 [tilespmem:s26], [sflag:$0x8], $0x80, s16, s19, $0xb8;
	[tilespmem:$0x1E800] =	vst v63  }
0x1bc: {  	_ =	swait.ge [sflag:s29], $0x1900  }
0x1bd: {  	[sflag:s29] =	ssyncset.done $0x0  }
0x1be: {  	[sflag:s29] =	ssyncadd.s32 $0xFFFFE700  }
0x1bf: {  	_ =	swait.ge [sflag:s2], $0x1900  }
0x1c0: {  	[sflag:s2] =	ssyncset.done $0x0  }
0x1c1: {  	[sflag:s2] =	ssyncadd.s32 $0xFFFFE700  }
0x1c2: {  	_ =	swait.ge [sflag:s8], $0x1900  }
0x1c3: {  	[sflag:s8] =	ssyncset.done $0x0  }
0x1c4: {  	[sflag:s8] =	ssyncadd.s32 $0xFFFFE700  }
0x1c5: {  	_ =	swait.ge [sflag:s12], $0x1900  }
0x1c6: {  	[sflag:s12] =	ssyncset.done $0x0  }
0x1c7: {  	s3 =	simm.s32 $0x0;
	s16 =	rddreg [dreg:$0xc];
	[sflag:s12] =	ssyncadd.s32 $0xFFFFE700  }
0x1c8: {  	[tilespmem:s3], [sflag:$0x9] =	stream.linear.gather [hbm4b:s16+s3], $0x1800, $0x38;
	[tilespmem:$0x1E800] =	vst v63  }
0x1c9: {  	_ =	swait.ge [sflag:s17], $0x1800  }
0x1ca: {  	[sflag:s17] =	ssyncset.done $0x0  }
0x1cb: {  	s21 =	rddreg [dreg:$0xd];
	[sflag:s17] =	ssyncadd.s32 $0xFFFFE800  }
0x1cc: {  	[tilespmem:s18], [sflag:$0x9] =	stream.linear.gather [hbm4b:s21+s3], $0x1800, $0x38;
	[tilespmem:$0x1E800] =	vst v63  }
0x1cd: {  	_ =	swait.ge [sflag:s17], $0x1800  }
0x1ce: {  	[sflag:s17] =	ssyncset.done $0x0  }
0x1cf: {  	[sflag:s17] =	ssyncadd.s32 $0xFFFFE800  }
0x1d0: {  	[tilespmem:s20], [sflag:$0x1] =	stream.indirect.gather [hbm4b:s4+s19], $0x80, s3, s19, $0xb8;
	[tilespmem:$0x1E800] =	vst v63  }
0x1d1: {  	s16 =	simm.s32 $0x80  }
0x1d2: {  	[tilespmem:s22], [sflag:$0x2] =	stream.indirect.gather [hbm4b:s4+s19], $0x80, s16, s19, $0xb8;
	[tilespmem:$0x1E800] =	vst v63  }
0x1d3: {  	_ = 	snop  }
0x1d4: {  	[tilespmem:s24], [sflag:$0x3] =	stream.indirect.gather [hbm4b:s4+s19], $0x80, s23, s19, $0xb8;
	[tilespmem:$0x1E800] =	vst v63  }
0x1d5: {  	_ = 	snop  }
0x1d6: {  	[tilespmem:s26], [sflag:$0x4] =	stream.indirect.gather [hbm4b:s4+s19], $0x80, s25, s19, $0xb8;
	[tilespmem:$0x1E800] =	vst v63  }
0x1d7: {  	_ =	swait.ge [sflag:s28], $0x1900  }
0x1d8: {  	[sflag:s28] =	ssyncset.done $0x0  }
0x1d9: {  	[sflag:s28] =	ssyncadd.s32 $0xFFFFE700  }
0x1da: {  	[spmem:s1] =	stream.indirect.scatter.add.f32 [tilespmem:s20], [sflag:$0x5], $0x80, s18, s19, $0xb8;
	[tilespmem:$0x1E800] =	vst v63  }
0x1db: {  	_ =	swait.ge [sflag:s29], $0x1900  }
0x1dc: {  	[sflag:s29] =	ssyncset.done $0x0  }
0x1dd: {  	[sflag:s29] =	ssyncadd.s32 $0xFFFFE700  }
0x1de: {  	[tilespmem:s20], [sflag:$0x1] =	stream.indirect.gather [hbm4b:s4+s19], $0x80, s30, s19, $0xb8;
	[tilespmem:$0x1E800] =	vst v63  }
0x1df: {  	_ =	swait.ge [sflag:s31], $0x1900  }
0x1e0: {  	[sflag:s31] =	ssyncset.done $0x0  }
0x1e1: {  	[sflag:s31] =	ssyncadd.s32 $0xFFFFE700  }
0x1e2: {  	[spmem:s1] =	stream.indirect.scatter.add.f32 [tilespmem:s22], [sflag:$0x6], $0x80, s0, s19, $0xb8;
	[tilespmem:$0x1E800] =	vst v63  }
0x1e3: {  	_ =	swait.ge [sflag:s2], $0x1900  }
0x1e4: {  	[sflag:s2] =	ssyncset.done $0x0  }
0x1e5: {  	[sflag:s2] =	ssyncadd.s32 $0xFFFFE700  }
0x1e6: {  	[tilespmem:s22], [sflag:$0x2] =	stream.indirect.gather [hbm4b:s4+s19], $0x80, s5, s19, $0xb8;
	[tilespmem:$0x1E800] =	vst v63  }
0x1e7: {  	_ =	swait.ge [sflag:s6], $0x1900  }
0x1e8: {  	[sflag:s6] =	ssyncset.done $0x0  }
0x1e9: {  	[sflag:s6] =	ssyncadd.s32 $0xFFFFE700  }
0x1ea: {  	[spmem:s1] =	stream.indirect.scatter.add.f32 [tilespmem:s24], [sflag:$0x7], $0x80, s7, s19, $0xb8;
	[tilespmem:$0x1E800] =	vst v63  }
0x1eb: {  	_ =	swait.ge [sflag:s8], $0x1900  }
0x1ec: {  	[sflag:s8] =	ssyncset.done $0x0  }
0x1ed: {  	[sflag:s8] =	ssyncadd.s32 $0xFFFFE700  }
0x1ee: {  	[tilespmem:s24], [sflag:$0x3] =	stream.indirect.gather [hbm4b:s4+s19], $0x80, s9, s19, $0xb8;
	[tilespmem:$0x1E800] =	vst v63  }
0x1ef: {  	_ =	swait.ge [sflag:s10], $0x1900  }
0x1f0: {  	[sflag:s10] =	ssyncset.done $0x0  }
0x1f1: {  	[sflag:s10] =	ssyncadd.s32 $0xFFFFE700  }
0x1f2: {  	[spmem:s1] =	stream.indirect.scatter.add.f32 [tilespmem:s26], [sflag:$0x8], $0x80, s11, s19, $0xb8;
	[tilespmem:$0x1E800] =	vst v63  }
0x1f3: {  	_ =	swait.ge [sflag:s12], $0x1900  }
0x1f4: {  	[sflag:s12] =	ssyncset.done $0x0  }
0x1f5: {  	s21 =	simm.s32 $0x380;
	[sflag:s12] =	ssyncadd.s32 $0xFFFFE700  }
0x1f6: {  	[tilespmem:s26], [sflag:$0x4] =	stream.indirect.gather [hbm4b:s4+s19], $0x80, s21, s19, $0xb8;
	[tilespmem:$0x1E800] =	vst v63  }
0x1f7: {  	_ =	swait.ge [sflag:s28], $0x1900  }
0x1f8: {  	[sflag:s28] =	ssyncset.done $0x0  }
0x1f9: {  	s16 =	simm.s32 $0x1E00;
	[sflag:s28] =	ssyncadd.s32 $0xFFFFE700  }
0x1fa: {  	[spmem:s1] =	stream.indirect.scatter.add.f32 [tilespmem:s20], [sflag:$0x5], $0x80, s16, s19, $0xb8;
	[tilespmem:$0x1E800] =	vst v63  }
0x1fb: {  	_ =	swait.ge [sflag:s29], $0x1900  }
0x1fc: {  	[sflag:s29] =	ssyncset.done $0x0  }
0x1fd: {  	s21 =	simm.s32 $0x400;
	[sflag:s29] =	ssyncadd.s32 $0xFFFFE700  }
0x1fe: {  	[tilespmem:s20], [sflag:$0x1] =	stream.indirect.gather [hbm4b:s4+s19], $0x80, s21, s19, $0xb8;
	[tilespmem:$0x1E800] =	vst v63  }
0x1ff: {  	_ =	swait.ge [sflag:s31], $0x1900  }
0x200: {  	[sflag:s31] =	ssyncset.done $0x0  }
0x201: {  	s16 =	simm.s32 $0x1E80;
	[sflag:s31] =	ssyncadd.s32 $0xFFFFE700  }
0x202: {  	[spmem:s1] =	stream.indirect.scatter.add.f32 [tilespmem:s22], [sflag:$0x6], $0x80, s16, s19, $0xb8;
	[tilespmem:$0x1E800] =	vst v63  }
0x203: {  	_ =	swait.ge [sflag:s2], $0x1900  }
0x204: {  	[sflag:s2] =	ssyncset.done $0x0  }
0x205: {  	s21 =	simm.s32 $0x480;
	[sflag:s2] =	ssyncadd.s32 $0xFFFFE700  }
0x206: {  	[tilespmem:s22], [sflag:$0x2] =	stream.indirect.gather [hbm4b:s4+s19], $0x80, s21, s19, $0xb8;
	[tilespmem:$0x1E800] =	vst v63  }
0x207: {  	_ =	swait.ge [sflag:s6], $0x1900  }
0x208: {  	[sflag:s6] =	ssyncset.done $0x0  }
0x209: {  	s16 =	simm.s32 $0x1F00;
	[sflag:s6] =	ssyncadd.s32 $0xFFFFE700  }
0x20a: {  	[spmem:s1] =	stream.indirect.scatter.add.f32 [tilespmem:s24], [sflag:$0x7], $0x80, s16, s19, $0xb8;
	[tilespmem:$0x1E800] =	vst v63  }
0x20b: {  	_ =	swait.ge [sflag:s8], $0x1900  }
0x20c: {  	[sflag:s8] =	ssyncset.done $0x0  }
0x20d: {  	s21 =	simm.s32 $0x500;
	[sflag:s8] =	ssyncadd.s32 $0xFFFFE700  }
0x20e: {  	[tilespmem:s24], [sflag:$0x3] =	stream.indirect.gather [hbm4b:s4+s19], $0x80, s21, s19, $0xb8;
	[tilespmem:$0x1E800] =	vst v63  }
0x20f: {  	_ =	swait.ge [sflag:s10], $0x1900  }
0x210: {  	[sflag:s10] =	ssyncset.done $0x0  }
0x211: {  	s3 =	simm.s32 $0x1F80;
	s16 =	simm.s32 $0x800;
	[sflag:s10] =	ssyncadd.s32 $0xFFFFE700  }
.LBB2_8:
0x212: {  	[spmem:s1] =	stream.indirect.scatter.add.f32 [tilespmem:s26], [sflag:$0x8], $0x80, s3, s19, $0xb8;
	[tilespmem:$0x1E800] =	vst v63  }
0x213: {  	s3 =	smov.u32 s16  }
0x214: {  	p0 =	sne.s32 s16, $0x4800;
	s16 =	sadd.s32 $0x800, s16;
	_ =	swait.ge [sflag:s12], $0x1900  }
0x215: {  	s3 =	sshra.s32 s3, $0x2;
	[sflag:s12] =	ssyncset.done $0x0  }
0x216: {  	s21 =	sadd.s32 $0x380, s3;
	[sflag:s12] =	ssyncadd.s32 $0xFFFFE700  }
0x217: {  	[tilespmem:s26], [sflag:$0x4] =	stream.indirect.gather [hbm4b:s4+s19], $0x80, s21, s19, $0xb8;
	[tilespmem:$0x1E800] =	vst v63  }
0x218: {  	_ =	swait.ge [sflag:s28], $0x1900  }
0x219: {  	[sflag:s28] =	ssyncset.done $0x0  }
0x21a: {  	s21 =	sadd.s32 $0x1E00, s3;
	[sflag:s28] =	ssyncadd.s32 $0xFFFFE700  }
0x21b: {  	[spmem:s1] =	stream.indirect.scatter.add.f32 [tilespmem:s20], [sflag:$0x5], $0x80, s21, s19, $0xb8;
	[tilespmem:$0x1E800] =	vst v63  }
0x21c: {  	_ =	swait.ge [sflag:s29], $0x1900  }
0x21d: {  	[sflag:s29] =	ssyncset.done $0x0  }
0x21e: {  	s21 =	sadd.s32 $0x400, s3;
	[sflag:s29] =	ssyncadd.s32 $0xFFFFE700  }
0x21f: {  	[tilespmem:s20], [sflag:$0x1] =	stream.indirect.gather [hbm4b:s4+s19], $0x80, s21, s19, $0xb8;
	[tilespmem:$0x1E800] =	vst v63  }
0x220: {  	_ =	swait.ge [sflag:s31], $0x1900  }
0x221: {  	[sflag:s31] =	ssyncset.done $0x0  }
0x222: {  	s21 =	sadd.s32 $0x1E80, s3;
	[sflag:s31] =	ssyncadd.s32 $0xFFFFE700  }
0x223: {  	[spmem:s1] =	stream.indirect.scatter.add.f32 [tilespmem:s22], [sflag:$0x6], $0x80, s21, s19, $0xb8;
	[tilespmem:$0x1E800] =	vst v63  }
0x224: {  	_ =	swait.ge [sflag:s2], $0x1900  }
0x225: {  	[sflag:s2] =	ssyncset.done $0x0  }
0x226: {  	s21 =	sadd.s32 $0x480, s3;
	[sflag:s2] =	ssyncadd.s32 $0xFFFFE700  }
0x227: {  	[tilespmem:s22], [sflag:$0x2] =	stream.indirect.gather [hbm4b:s4+s19], $0x80, s21, s19, $0xb8;
	[tilespmem:$0x1E800] =	vst v63  }
0x228: {  	_ =	swait.ge [sflag:s6], $0x1900  }
0x229: {  	[sflag:s6] =	ssyncset.done $0x0  }
0x22a: {  	s21 =	sadd.s32 $0x1F00, s3;
	[sflag:s6] =	ssyncadd.s32 $0xFFFFE700  }
0x22b: {  	[spmem:s1] =	stream.indirect.scatter.add.f32 [tilespmem:s24], [sflag:$0x7], $0x80, s21, s19, $0xb8;
	[tilespmem:$0x1E800] =	vst v63  }
0x22c: {  	_ =	swait.ge [sflag:s8], $0x1900  }
0x22d: {  	[sflag:s8] =	ssyncset.done $0x0  }
.Ltmp3:
0x22e: {  	s21 =	sadd.s32 $0x500, s3;
	[sflag:s8] =	ssyncadd.s32 $0xFFFFE700;
	(pc) =	sbr.rel @p0 .LBB2_8-.Ltmp3, $4  }
0x22f: {  	[tilespmem:s24], [sflag:$0x3] =	stream.indirect.gather [hbm4b:s4+s19], $0x80, s21, s19, $0xb8;
	[tilespmem:$0x1E800] =	vst v63  }
0x230: {  	_ =	swait.ge [sflag:s10], $0x1900  }
0x231: {  	[sflag:s10] =	ssyncset.done $0x0  }
0x232: {  	s3 =	sadd.s32 $0x1F80, s3;
	[sflag:s10] =	ssyncadd.s32 $0xFFFFE700  }
0x233: {  	[spmem:s1] =	stream.indirect.scatter.add.f32 [tilespmem:s26], [sflag:$0x8], $0x80, s3, s19, $0xb8;
	[tilespmem:$0x1E800] =	vst v63  }
0x234: {  	_ =	swait.ge [sflag:s12], $0x1900  }
0x235: {  	[sflag:s12] =	ssyncset.done $0x0  }
0x236: {  	s21 =	simm.s32 $0x1780;
	[sflag:s12] =	ssyncadd.s32 $0xFFFFE700  }
0x237: {  	[tilespmem:s26], [sflag:$0x4] =	stream.indirect.gather [hbm4b:s4+s19], $0x80, s21, s19, $0xb8;
	[tilespmem:$0x1E800] =	vst v63  }
0x238: {  	_ =	swait.ge [sflag:s28], $0x1900  }
0x239: {  	[sflag:s28] =	ssyncset.done $0x0  }
0x23a: {  	s16 =	simm.s32 $0x3200;
	[sflag:s28] =	ssyncadd.s32 $0xFFFFE700  }
0x23b: {  	[spmem:s1] =	stream.indirect.scatter.add.f32 [tilespmem:s20], [sflag:$0x5], $0x80, s16, s19, $0xb8;
	[tilespmem:$0x1E800] =	vst v63  }
0x23c: {  	_ =	swait.ge [sflag:s31], $0x1900  }
0x23d: {  	[sflag:s31] =	ssyncset.done $0x0  }
0x23e: {  	s21 =	simm.s32 $0x3280;
	[sflag:s31] =	ssyncadd.s32 $0xFFFFE700  }
0x23f: {  	[spmem:s1] =	stream.indirect.scatter.add.f32 [tilespmem:s22], [sflag:$0x6], $0x80, s21, s19, $0xb8;
	[tilespmem:$0x1E800] =	vst v63  }
0x240: {  	_ =	swait.ge [sflag:s6], $0x1900  }
0x241: {  	[sflag:s6] =	ssyncset.done $0x0  }
0x242: {  	s16 =	simm.s32 $0x3300;
	[sflag:s6] =	ssyncadd.s32 $0xFFFFE700  }
0x243: {  	[spmem:s1] =	stream.indirect.scatter.add.f32 [tilespmem:s24], [sflag:$0x7], $0x80, s16, s19, $0xb8;
	[tilespmem:$0x1E800] =	vst v63  }
0x244: {  	_ =	swait.ge [sflag:s10], $0x1900  }
0x245: {  	[sflag:s10] =	ssyncset.done $0x0  }
0x246: {  	s21 =	simm.s32 $0x3380;
	[sflag:s10] =	ssyncadd.s32 $0xFFFFE700  }
0x247: {  	[spmem:s1] =	stream.indirect.scatter.add.f32 [tilespmem:s26], [sflag:$0x8], $0x80, s21, s19, $0xb8;
	[tilespmem:$0x1E800] =	vst v63  }
0x248: {  	_ =	swait.ge [sflag:s29], $0x1900  }
0x249: {  	[sflag:s29] =	ssyncset.done $0x0  }
0x24a: {  	[sflag:s29] =	ssyncadd.s32 $0xFFFFE700  }
0x24b: {  	_ =	swait.ge [sflag:s2], $0x1900  }
0x24c: {  	[sflag:s2] =	ssyncset.done $0x0  }
0x24d: {  	[sflag:s2] =	ssyncadd.s32 $0xFFFFE700  }
0x24e: {  	_ =	swait.ge [sflag:s8], $0x1900  }
0x24f: {  	[sflag:s8] =	ssyncset.done $0x0  }
0x250: {  	[sflag:s8] =	ssyncadd.s32 $0xFFFFE700  }
0x251: {  	_ =	swait.ge [sflag:s12], $0x1900  }
0x252: {  	[sflag:s12] =	ssyncset.done $0x0  }
0x253: {  	[sflag:s12] =	ssyncadd.s32 $0xFFFFE700  }
0x254: {  	[bflag:$0x0] =	sbarrier.arrive $0xFFFF  }
0x255: {  	s16 =	rddreg [dreg:$0xe]  }
0x256: {  	[hbm:s16], [sflag:s14] =	dma.local [spmem:s15], $0x2800  }
0x257: {  	_ =	swait.ge [sflag:s17], $0x2800  }
0x258: {  	s13 =	sadd.s32 $0x1, s13;
	s21 =	rddreg [dreg:$0xf]  }
0x259: {  	p0 =	sne.s32 s13, s21  }
.Ltmp4:
0x25a: {  	_ = 	snop;
	(pc) =	sbr.rel @p0 .LBB2_1-.Ltmp4, $3  }
0x25b: {  	_ =	sdelay $0x1  }
0x25c: {  	[sflag:s17] =	ssyncset.done $0x0  }
0x25d: {  	[sflag:s17] =	ssyncadd.s32 $0xFFFFD800  }
0x25e: {  	_ =	sfence.sel $0x180000  }
0x25f: {  	[bflag:$0x0] =	sbarrier.arrive $0xFFFF  }
0x260: {  	_ =	strace $0x9000004D  }
0x261: {  	s0 =	stileid.u32;
	[bflag:$0x2] =	sbarrier.arrive $0xFFFF  }
0x262: {  	p0 =	sne.s32 s0, $0x0;
	s0 =	rddreg [dreg:$0x3]  }
0x263: {  	s0 =	sadd.s32 @!p0 $0x100000, s0  }
0x264: {  	[sflag:s0] =	ssyncadd.tile.s32 @!p0 $0x1;
	_ =	shalt  }
.Lfunc_end2:
_tile_overlayer_lowered:
.L_overlay_start_2:
0x265: {  	(tag) =	ssettag $0x2  }
0x266: {  	s0 =	rddreg [dreg:$0x0];
	s2 =	stileid.u32  }
0x267: {  	s1 =	rddreg [dreg:$0x1];
	p0 =	sne.s32 s2, $0x0  }
0x268: {  	s3 =	rddreg [dreg:$0x2];
	[bflag:$0x3] =	sbarrier.arrive $0xFFFF;
	s2 =	simm.s32 @!p0 $0x1C09  }
0x269: {  	[timem:s3], [sflag:s2] =	dma.local @!p0 [hbm:s0], s1  }
0x26a: {  	s0 =	simm.s32 @!p0 $0x9  }
0x26b: {  	_ =	swait.ge @!p0 [sflag:s0], s1  }
0x26c: {  	s1 =	ssub.s32 @!p0 $0x0, s1;
	[sflag:s0] =	ssyncset.done @!p0 $0x0  }
0x26d: {  	[sflag:s0] =	ssyncadd.s32 @!p0 s1  }
0x26e: {  	[bflag:$0x3] =	sbarrier.arrive $0xFFFF  }
0x26f: {  	_ =	shalt  }

// kernel: kernel.8.cloned.1.call-start
scs
__scs_entry_jumppad:
0x0: {  	(pc) =	sbr.rel $0x88, $3  }
0x1: {  	(tag) =	ssettag $0x0;
	lr =	simm.s32 $0x1  }
0x2: {  	[smem:$0x3F9B] =	sst lr;
	_ =	strace $0xD0000000  }
0x3: {  	_ = 	snop  }
0x4: {  	_ = 	snop  }
0x5: {  	_ = 	snop  }
0x6: {  	_ = 	snop  }
0x7: {  	_ = 	snop  }
__scs_overlays_trampoline_lowered:
0x8: {  	[smem:$0x3FAA] =	sst s0  }
0x9: {  	[smem:$0x3FAB] =	sst s1  }
0xa: {  	[smem:$0x3FAC] =	sst s2  }
0xb: {  	[smem:$0x3FAD] =	sst s3  }
0xc: {  	[smem:$0x3FAE] =	sst s4  }
0xd: {  	[smem:$0x3FAF] =	sst s5  }
0xe: {  	[smem:$0x3FB0] =	sst s6  }
0xf: {  	[smem:$0x3FB1] =	sst s7  }
0x10: {  	[smem:$0x3FB2] =	sst s8  }
0x11: {  	[smem:$0x3FB3] =	sst s9;
	s0 =	simm.s32 @!p0 $0x0  }
0x12: {  	s1 =	sld [smem:$0x3F99];
	s0 =	simm.s32 @p0 $0x1  }
0x13: {  	[smem:$0x3FB4] =	sst s0;
	s0 =	simm.s32 @!p1 $0x0  }
0x14: {  	s2 =	sld [smem:$0x3F98];
	s0 =	simm.s32 @p1 $0x1  }
0x15: {  	[smem:$0x3FB5] =	sst s0;
	s0 =	simm.s32 @!p2 $0x0  }
0x16: {  	s3 =	sld [smem:$0x3FDB];
	s0 =	simm.s32 @p2 $0x1  }
0x17: {  	s4 =	simm.s32 $0x1BF5;
	[smem:$0x3FB7] =	sst s0  }
0x18: {  	s0 =	sld [smem:$0x3F9A];
	_ =	swait.ge [sflag:s4], $0x0  }
0x19: {  	s7 =	sld [smem:$0x3F9B]  }
0x1a: {  	s8 =	sadd.s32 $0xFFFFE003, lr  }
0x1b: {  	s9 =	sadd.s32 $0xFFFFFEF7, lr;
	s5 =	simm.s32 $0xFFFFFFFF;
	p2 =	slt.u32 s8, $0xFFFFF086  }
0x1c: {  	p1 =	slt.u32 s9, $0xF7A;
	s5 =	simm.s32 @!p2 $0x0  }
0x1d: {  	s5 =	simm.s32 @p1 $0x1;
	p0 =	seq.s32 s7, s2  }
0x1e: {  	s7 =	smul.u32 @!p0 $0xF7A, s2;
	p2 =	seq.s32 @!p0 s5, $0x0  }
0x1f: {  	s9 =	smul.u32 $0xF7A, s1;
	s8 =	simm.s32 @!p0 $0x1BF5;
	p2 =	por !p2, p0  }
0x20: {  	[sflag:s8] =	ssyncset.s32 @!p0 $0xFFFFF086;
	s6 =	sadd.s32 @!p0 s3, s7;
	s7 =	simm.s32 @!p0 $0x108  }
0x21: {  	s3 =	sadd.s32 s3, s9;
	s6 =	sadd.s32 @!p0 $0x88, s6;
	s7 =	simm.s32 @p2 $0x1082  }
0x22: {  	[simem:s7], [sflag:s8] =	dma.local @!p0 [hbm:s6], $0xF7A  }
0x23: {  	s9 =	sor.u32 $0xD0000000, s2;
	s6 =	simm.s32 $0x108;
	_ =	swait.ge @!p0 [sflag:s8], $0x0  }
0x24: {  	s3 =	sadd.s32 $0x88, s3;
	s6 =	simm.s32 @!p1 $0x1082;
	[sflag:s4] =	ssyncset.s32 $0xFFFFF086  }
0x25: {  	[simem:s6], [sflag:s4] =	dma.local [hbm:s3], $0xF7A  }
0x26: {  	[smem:$0x3F9B] =	sst s1;
	(tag) =	ssettag s2;
	_ =	strace s9  }
0x27: {  	s1 =	sld [smem:$0x3FAB]  }
0x28: {  	s2 =	sld [smem:$0x3FAC]  }
0x29: {  	s4 =	sld [smem:$0x3FAE]  }
0x2a: {  	p0 =	seq.s32 s5, $0x0;
	s5 =	sld [smem:$0x3FAF]  }
0x2b: {  	s6 =	sld [smem:$0x3FB0]  }
0x2c: {  	s7 =	sld [smem:$0x3FB1]  }
0x2d: {  	s3 =	simm.s32 $0x108;
	s8 =	sld [smem:$0x3FB2]  }
0x2e: {  	s3 =	simm.s32 @!p0 $0x1082;
	s9 =	sld [smem:$0x3FB3]  }
0x2f: {  	lr =	sadd.s32 s0, s3;
	s0 =	sld [smem:$0x3FAA]  }
0x30: {  	s3 =	sld [smem:$0x3FAD]  }
0x31: {  	[smem:$0x3FB6] =	sst s10  }
0x32: {  	s10 =	sld [smem:$0x3FB4];
	_ =	sdelay $0x3  }
0x33: {  	p0 =	seq.s32 s10, $0x1;
	s10 =	sld [smem:$0x3FB6];
	_ =	sdelay $0x3  }
0x34: {  	[smem:$0x3FB6] =	sst s10  }
0x35: {  	s10 =	sld [smem:$0x3FB5];
	_ =	sdelay $0x3  }
0x36: {  	p1 =	seq.s32 s10, $0x1;
	s10 =	sld [smem:$0x3FB6];
	_ =	sdelay $0x3  }
0x37: {  	[smem:$0x3FB6] =	sst s10  }
0x38: {  	s10 =	sld [smem:$0x3FB7]  }
0x39: {  	_ = 	snop;
	(pc) =	sbr.ind lr, $3  }
0x3a: {  	_ = 	snop  }
0x3b: {  	_ = 	snop  }
0x3c: {  	p2 =	seq.s32 s10, $0x1;
	s10 =	sld [smem:$0x3FB6]  }
0x3d: {  	_ =	shalt  }
0x3e: {  	_ =	shalt  }
0x3f: {  	_ =	shalt  }
0x40: {  	_ =	shalt  }
0x41: {  	_ =	shalt  }
0x42: {  	_ =	shalt  }
0x43: {  	_ =	shalt  }
0x44: {  	_ =	shalt  }
0x45: {  	_ =	shalt  }
0x46: {  	_ =	shalt  }
0x47: {  	_ =	shalt  }
0x48: {  	_ =	shalt  }
0x49: {  	_ =	shalt  }
0x4a: {  	_ =	shalt  }
0x4b: {  	_ =	shalt  }
0x4c: {  	_ =	shalt  }
0x4d: {  	_ =	shalt  }
0x4e: {  	_ =	shalt  }
0x4f: {  	_ =	shalt  }
0x50: {  	_ =	shalt  }
0x51: {  	_ =	shalt  }
0x52: {  	_ =	shalt  }
0x53: {  	_ =	shalt  }
0x54: {  	_ =	shalt  }
0x55: {  	_ =	shalt  }
0x56: {  	_ =	shalt  }
0x57: {  	_ =	shalt  }
0x58: {  	_ =	shalt  }
0x59: {  	_ =	shalt  }
0x5a: {  	_ =	shalt  }
0x5b: {  	_ =	shalt  }
0x5c: {  	_ =	shalt  }
0x5d: {  	_ =	shalt  }
0x5e: {  	_ =	shalt  }
0x5f: {  	_ =	shalt  }
0x60: {  	_ =	shalt  }
0x61: {  	_ =	shalt  }
0x62: {  	_ =	shalt  }
0x63: {  	_ =	shalt  }
0x64: {  	_ =	shalt  }
0x65: {  	_ =	shalt  }
0x66: {  	_ =	shalt  }
0x67: {  	_ =	shalt  }
0x68: {  	_ =	shalt  }
0x69: {  	_ =	shalt  }
0x6a: {  	_ =	shalt  }
0x6b: {  	_ =	shalt  }
0x6c: {  	_ =	shalt  }
0x6d: {  	_ =	shalt  }
0x6e: {  	_ =	shalt  }
0x6f: {  	_ =	shalt  }
0x70: {  	_ =	shalt  }
0x71: {  	_ =	shalt  }
0x72: {  	_ =	shalt  }
0x73: {  	_ =	shalt  }
0x74: {  	_ =	shalt  }
0x75: {  	_ =	shalt  }
0x76: {  	_ =	shalt  }
0x77: {  	_ =	shalt  }
0x78: {  	_ =	shalt  }
0x79: {  	_ =	shalt  }
0x7a: {  	_ =	shalt  }
0x7b: {  	_ =	shalt  }
0x7c: {  	_ =	shalt  }
0x7d: {  	_ =	shalt  }
0x7e: {  	_ =	shalt  }
0x7f: {  	_ =	shalt  }
0x80: {  	_ =	shalt  }
0x81: {  	_ =	shalt  }
0x82: {  	_ =	shalt  }
0x83: {  	_ =	shalt  }
0x84: {  	_ =	shalt  }
0x85: {  	_ =	shalt  }
0x86: {  	_ =	shalt  }
0x87: {  	_ =	shalt  }
.Lfunc_end0:
.L_simem_size_0:
called_computation_lowered:
.L_overlay_start_0:
0x88: {  	s2 =	sld [smem:$0x3FD9]  }
0x89: {  	s3 =	sld [smem:$0x3FFE];
	_ =	sdelay $0x1  }
0x8a: {  	s1 =	srdreg.scid  }
0x8b: {  	s0 =	sand.u32 $0x1, s1  }
0x8c: {  	s16 =	sshll.u32 s0, $0xA;
	s2 =	sadd.s32 s3, s2  }
0x8d: {  	s2 =	sadd.s32 s2, s16  }
0x8e: {  	[smem:$0x3FC2] =	sst s2  }
0x8f: {  	_ = 	snop  }
0x90: {  	(tm) =	ssettm $0x1  }
0x91: {  	s17 =	sld [smem:$0x3FFB];
	_ =	sdelay $0x3  }
0x92: {  	_ =	strace s17  }
0x93: {  	s2 =	sld [smem:$0x3FFC];
	_ =	sdelay $0x3  }
0x94: {  	_ =	strace s2  }
0x95: {  	s2 =	sld [smem:$0x3FFD];
	_ =	sdelay $0x3  }
0x96: {  	_ =	strace s2  }
0x97: {  	_ =	strace $0x8FFFFFFF  }
0x98: {  	s18 =	sld [smem:$0x3FDB];
	_ =	sdelay $0x1  }
0x99: {  	s19 =	simm.s32 $_scs_section_size  }
0x9a: {  	s4 =	simm.s32 $_size__tile_overlayer_lowered;
	s5 =	simm.s32 $_tile_overlayer_lowered  }
0x9b: {  	s22 =	simm.s32 $0x1BFF;
	s21 =	sshll.u32 s5, $0x1;
	s2 =	sadd.s32 s19, s18  }
0x9c: {  	s6 =	simm.s32 $0x0;
	s20 =	sshll.u32 s4, $0x1;
	s4 =	sadd.s32 s21, s2  }
0x9d: {  	[timem:s6], [sflag:s22] =	dma.local [hbm:s4], s20  }
0x9e: {  	_ =	swait.ge [sflag:s22], s20  }
0x9f: {  	s3 =	ssub.s32 $0x0, s20;
	[sflag:s22] =	ssyncset.done $0x0  }
0xa0: {  	[sflag:s22] =	ssyncadd.s32 s3;
	_ =	sdelay $0x1  }
0xa1: {  	s23 =	simm.s32 $0x1B8B  }
0xa2: {  	_ =	swait.ge [sflag:s23], $0x1  }
0xa3: {  	[sflag:s23] =	ssyncset.done $0x0  }
0xa4: {  	s25 =	simm.s32 $0x1B8E;
	s24 =	sld [smem:$0x3FFE];
	[sflag:s23] =	ssyncadd.s32 $0xFFFFFFFF  }
0xa5: {  	s26 =	simm.s32 $execute0_lowered;
	[smem:$0x3FD2] =	sst s25  }
0xa6: {  	s4 =	sshll.u32 s26, $0x1;
	_ =	strace $0x80000046;
	[dreg:$0x1] =	wrdreg $0xFFFFFFFF  }
0xa7: {  	s28 =	simm.s32 $_size_execute0_lowered;
	s2 =	sadd.s32 s2, s4;
	[dreg:$0x0] =	wrdreg $0x0  }
0xa8: {  	s4 =	sshll.u32 s28, $0x1;
	[dreg:$0x2] =	wrdreg s2  }
0xa9: {  	[dreg:$0x3] =	wrdreg s4  }
0xaa: {  	[dreg:$0x4] =	wrdreg $0xC0  }
0xab: {  	_ =	task [dreg:s6], $0x5FFFF  }
0xac: {  	[dreg:$0x1] =	wrdreg $0xFFFFFFFF  }
0xad: {  	[dreg:$0x0] =	wrdreg $0x60  }
0xae: {  	[dreg:$0x2] =	wrdreg s24  }
0xaf: {  	[dreg:$0x3] =	wrdreg $0x14800  }
0xb0: {  	[dreg:$0x4] =	wrdreg $0x9  }
0xb1: {  	_ =	task.clear_ibuf [dreg:s6], $0x5FFFF;
	_ =	strace $0x90000046  }
0xb2: {  	s29 =	simm.s32 $0x9;
	_ =	strace $0x80000048  }
0xb3: {  	_ =	swait.ge [sflag:s29], $0x1  }
0xb4: {  	[sflag:s29] =	ssyncadd.s32 $0xFFFFFFFF  }
0xb5: {  	_ =	strace $0x90000048  }
0xb6: {  	_ =	sfence  }
0xb7: {  	s30 =	sld [smem:$0x0];
	_ =	sdelay $0x2  }
0xb8: {  	s31 =	sshll.u32 s1, $0xD;
	s1 =	sshrl.u32 s1, $0x2  }
0xb9: {  	s3 =	sand.u32 $0x4000, s31;
	s1 =	sadd.s32 s1, s30  }
0xba: {  	s0 =	sor.u32 s3, s0;
	s1 =	sshll.u32 s1, $0x11  }
0xbb: {  	s0 =	sor.u32 s1, s0  }
0xbc: {  	s0 =	sadd.s32 $0x8F2B, s0  }
0xbd: {  	[sflag:s0] =	ssyncadd.remote.s32 $0x1  }
0xbe: {  	_ =	sfence.sel $0xFFFF  }
0xbf: {  	[dreg:$0x0] =	wrdreg $0xFFFFFFFF;
	(pc) =	sbr.abs _section_cstart, $3  }
0xc0: {  	[dreg:$0x1] =	wrdreg $0xFFFFFFFF  }
0xc1: {  	_ =	task.clear_ibuf [dreg:s6], $0x2FFFF;
	_ =	strace $0x9FFFFFFF  }
0xc2: {  	(tm) =	ssettm $0x7FFFFFFF  }
0xc3: {  	_ =	shalt  }
tec
execute0_lowered:
.L_overlay_start_1:
0x0: {  	(tag) =	ssettag $0x1  }
0x1: {  	s0 =	srdreg.scid;
	s6 =	rddreg [dreg:$0x0]  }
0x2: {  	s9 =	stileid.u32;
	s2 =	rddreg [dreg:$0x1];
	s3 =	simm.s32 $0x0  }
0x3: {  	s11 =	simm.s32 $0x2;
	s12 =	simm.s32 $0x1400;
	s13 =	simm.s32 $0x7D  }
0x4: {  	s18 =	simm.s32 $0xC00;
	s19 =	simm.s32 $0xC80;
	s20 =	simm.s32 $0xD00  }
0x5: {  	s21 =	simm.s32 $0xD80;
	s22 =	simm.s32 $0xE00;
	s23 =	simm.s32 $0xE80  }
0x6: {  	s24 =	simm.s32 $0xF00;
	s25 =	simm.s32 $0xF80;
	s28 =	simm.s32 $0x1080  }
0x7: {  	s29 =	simm.s32 $0x1100;
	s30 =	simm.s32 $0x1180;
	s31 =	simm.s32 $0x1200  }
0x8: {  	s14 =	simm.s32 $0x1380;
	s15 =	simm.s32 $0x1;
	s16 =	simm.s32 $0x0  }
0x9: {  	s0 =	sand.u32 $0x1, s0;
	s1 =	sshll.u32 s9, $0x1;
	s7 =	smul.u32 $0x280, s9  }
0xa: {  	[smem:$0x7FF] =	sst s3;
	s4 =	sadd.s32 $0x7400, s6;
	s9 =	sshll.u32 s9, $0x6  }
0xb: {  	s1 =	sor.u32 s0, s1;
	s5 =	smul.u32 $0x2800, s0;
	s0 =	ssub.s32 $0x2, s0  }
0xc: {  	_ =	strace $0x80000047;
	s1 =	smul.u32 $0x280, s1;
	s26 =	sshrl.u32 s0, $0x1  }
0xd: {  	s10 =	sadd.s32 s7, s2;
	s8 =	sadd.s32 s7, s5;
	s5 =	sadd.s32 $0x7600, s6  }
0xe: {  	s0 =	ssub.s32 s0, s26;
	s10 =	sshrl.u32 s10, $0x3;
	s8 =	sshrl.u32 s8, $0x3  }
0xf: {  	s26 =	simm.s32 $0x1000;
	s1 =	sadd.s32 s1, s6;
	s8 =	sadd.s32 s8, s6  }
0x10: {  	s6 =	sor.u32 $0x1C02, s9;
	s7 =	sadd.s32 $0x2400, s1;
	s9 =	smax.u32 s0, $0x1  }
0x11: {  	s1 =	simm.s32 $0x1280;
	s0 =	simm.s32 $0x1300;
	s8 =	sadd.s32 $0x7800, s8  }
.LBB2_1:
0x12: {  	[spmem:s10], [sflag:s6] =	dma.local [hbm:s5], $0x50  }
0x13: {  	_ =	swait.ge [sflag:s11], $0x50  }
0x14: {  	[sflag:s11] =	ssyncset.done $0x0  }
0x15: {  	[sflag:s11] =	ssyncadd.s32 $0xFFFFFFB0  }
0x16: {  	[tilespmem:s12], [sflag:$0x2] =	stream.linear.gather [hbm4b:s4+s3], $0x80, $0x38;
	[tilespmem:$0x1700] =	vst v63  }
0x17: {  	_ =	swait.ge [sflag:s11], $0x80  }
0x18: {  	[sflag:s11] =	ssyncset.done $0x0  }
0x19: {  	[sflag:s11] =	ssyncadd.s32 $0xFFFFFF80  }
0x1a: {  	[tilespmem:s3], [sflag:$0x2] =	stream.linear.gather [hbm4b:s7+s3], $0x1400, $0x38;
	[tilespmem:$0x1700] =	vst v63  }
0x1b: {  	_ =	swait.ge [sflag:s11], $0x1400  }
0x1c: {  	[sflag:s11] =	ssyncset.done $0x0  }
0x1d: {  	[sflag:s11] =	ssyncadd.s32 $0xFFFFEC00  }
0x1e: {  	[bflag:$0x0] =	sbarrier.arrive $0xFFFF  }
0x1f: {  	[spmem:s2] =	stream.indirect.scatter.add.f32 [tilespmem:s12], [sflag:$0x1], $0x1, s3, s13, $0xb8;
	[tilespmem:$0x1700] =	vst v63  }
0x20: {  	s17 =	simm.s32 $0x80  }
0x21: {  	[spmem:s2] =	stream.indirect.scatter.add.f32 [tilespmem:s12], [sflag:$0x1], $0x1, s17, s13, $0xb8;
	[tilespmem:$0x1700] =	vst v63  }
0x22: {  	s17 =	simm.s32 $0x100  }
0x23: {  	[spmem:s2] =	stream.indirect.scatter.add.f32 [tilespmem:s12], [sflag:$0x1], $0x1, s17, s13, $0xb8;
	[tilespmem:$0x1700] =	vst v63  }
0x24: {  	s17 =	simm.s32 $0x180  }
0x25: {  	[spmem:s2] =	stream.indirect.scatter.add.f32 [tilespmem:s12], [sflag:$0x1], $0x1, s17, s13, $0xb8;
	[tilespmem:$0x1700] =	vst v63  }
0x26: {  	s17 =	simm.s32 $0x200  }
0x27: {  	[spmem:s2] =	stream.indirect.scatter.add.f32 [tilespmem:s12], [sflag:$0x1], $0x1, s17, s13, $0xb8;
	[tilespmem:$0x1700] =	vst v63  }
0x28: {  	s17 =	simm.s32 $0x280  }
0x29: {  	[spmem:s2] =	stream.indirect.scatter.add.f32 [tilespmem:s12], [sflag:$0x1], $0x1, s17, s13, $0xb8;
	[tilespmem:$0x1700] =	vst v63  }
0x2a: {  	s17 =	simm.s32 $0x300  }
0x2b: {  	[spmem:s2] =	stream.indirect.scatter.add.f32 [tilespmem:s12], [sflag:$0x1], $0x1, s17, s13, $0xb8;
	[tilespmem:$0x1700] =	vst v63  }
0x2c: {  	s17 =	simm.s32 $0x380  }
0x2d: {  	[spmem:s2] =	stream.indirect.scatter.add.f32 [tilespmem:s12], [sflag:$0x1], $0x1, s17, s13, $0xb8;
	[tilespmem:$0x1700] =	vst v63  }
0x2e: {  	s17 =	simm.s32 $0x400  }
0x2f: {  	[spmem:s2] =	stream.indirect.scatter.add.f32 [tilespmem:s12], [sflag:$0x1], $0x1, s17, s13, $0xb8;
	[tilespmem:$0x1700] =	vst v63  }
0x30: {  	s17 =	simm.s32 $0x480  }
0x31: {  	[spmem:s2] =	stream.indirect.scatter.add.f32 [tilespmem:s12], [sflag:$0x1], $0x1, s17, s13, $0xb8;
	[tilespmem:$0x1700] =	vst v63  }
0x32: {  	s17 =	simm.s32 $0x500  }
0x33: {  	[spmem:s2] =	stream.indirect.scatter.add.f32 [tilespmem:s12], [sflag:$0x1], $0x1, s17, s13, $0xb8;
	[tilespmem:$0x1700] =	vst v63  }
0x34: {  	s17 =	simm.s32 $0x580  }
0x35: {  	[spmem:s2] =	stream.indirect.scatter.add.f32 [tilespmem:s12], [sflag:$0x1], $0x1, s17, s13, $0xb8;
	[tilespmem:$0x1700] =	vst v63  }
0x36: {  	s17 =	simm.s32 $0x600  }
0x37: {  	[spmem:s2] =	stream.indirect.scatter.add.f32 [tilespmem:s12], [sflag:$0x1], $0x1, s17, s13, $0xb8;
	[tilespmem:$0x1700] =	vst v63  }
0x38: {  	s17 =	simm.s32 $0x680  }
0x39: {  	[spmem:s2] =	stream.indirect.scatter.add.f32 [tilespmem:s12], [sflag:$0x1], $0x1, s17, s13, $0xb8;
	[tilespmem:$0x1700] =	vst v63  }
0x3a: {  	s17 =	simm.s32 $0x700  }
0x3b: {  	[spmem:s2] =	stream.indirect.scatter.add.f32 [tilespmem:s12], [sflag:$0x1], $0x1, s17, s13, $0xb8;
	[tilespmem:$0x1700] =	vst v63  }
0x3c: {  	s17 =	simm.s32 $0x780  }
0x3d: {  	[spmem:s2] =	stream.indirect.scatter.add.f32 [tilespmem:s12], [sflag:$0x1], $0x1, s17, s13, $0xb8;
	[tilespmem:$0x1700] =	vst v63  }
0x3e: {  	s17 =	simm.s32 $0x800  }
0x3f: {  	[spmem:s2] =	stream.indirect.scatter.add.f32 [tilespmem:s12], [sflag:$0x1], $0x1, s17, s13, $0xb8;
	[tilespmem:$0x1700] =	vst v63  }
0x40: {  	s17 =	simm.s32 $0x880  }
0x41: {  	[spmem:s2] =	stream.indirect.scatter.add.f32 [tilespmem:s12], [sflag:$0x1], $0x1, s17, s13, $0xb8;
	[tilespmem:$0x1700] =	vst v63  }
0x42: {  	s17 =	simm.s32 $0x900  }
0x43: {  	[spmem:s2] =	stream.indirect.scatter.add.f32 [tilespmem:s12], [sflag:$0x1], $0x1, s17, s13, $0xb8;
	[tilespmem:$0x1700] =	vst v63  }
0x44: {  	s17 =	simm.s32 $0x980  }
0x45: {  	[spmem:s2] =	stream.indirect.scatter.add.f32 [tilespmem:s12], [sflag:$0x1], $0x1, s17, s13, $0xb8;
	[tilespmem:$0x1700] =	vst v63  }
0x46: {  	s17 =	simm.s32 $0xA00  }
0x47: {  	[spmem:s2] =	stream.indirect.scatter.add.f32 [tilespmem:s12], [sflag:$0x1], $0x1, s17, s13, $0xb8;
	[tilespmem:$0x1700] =	vst v63  }
0x48: {  	s17 =	simm.s32 $0xA80  }
0x49: {  	[spmem:s2] =	stream.indirect.scatter.add.f32 [tilespmem:s12], [sflag:$0x1], $0x1, s17, s13, $0xb8;
	[tilespmem:$0x1700] =	vst v63  }
0x4a: {  	s17 =	simm.s32 $0xB00  }
0x4b: {  	[spmem:s2] =	stream.indirect.scatter.add.f32 [tilespmem:s12], [sflag:$0x1], $0x1, s17, s13, $0xb8;
	[tilespmem:$0x1700] =	vst v63  }
0x4c: {  	s17 =	simm.s32 $0xB80  }
0x4d: {  	[spmem:s2] =	stream.indirect.scatter.add.f32 [tilespmem:s12], [sflag:$0x1], $0x1, s17, s13, $0xb8;
	[tilespmem:$0x1700] =	vst v63  }
0x4e: {  	_ = 	snop  }
0x4f: {  	[spmem:s2] =	stream.indirect.scatter.add.f32 [tilespmem:s12], [sflag:$0x1], $0x1, s18, s13, $0xb8;
	[tilespmem:$0x1700] =	vst v63  }
0x50: {  	_ = 	snop  }
0x51: {  	[spmem:s2] =	stream.indirect.scatter.add.f32 [tilespmem:s12], [sflag:$0x1], $0x1, s19, s13, $0xb8;
	[tilespmem:$0x1700] =	vst v63  }
0x52: {  	_ = 	snop  }
0x53: {  	[spmem:s2] =	stream.indirect.scatter.add.f32 [tilespmem:s12], [sflag:$0x1], $0x1, s20, s13, $0xb8;
	[tilespmem:$0x1700] =	vst v63  }
0x54: {  	_ = 	snop  }
0x55: {  	[spmem:s2] =	stream.indirect.scatter.add.f32 [tilespmem:s12], [sflag:$0x1], $0x1, s21, s13, $0xb8;
	[tilespmem:$0x1700] =	vst v63  }
0x56: {  	_ = 	snop  }
0x57: {  	[spmem:s2] =	stream.indirect.scatter.add.f32 [tilespmem:s12], [sflag:$0x1], $0x1, s22, s13, $0xb8;
	[tilespmem:$0x1700] =	vst v63  }
0x58: {  	_ = 	snop  }
0x59: {  	[spmem:s2] =	stream.indirect.scatter.add.f32 [tilespmem:s12], [sflag:$0x1], $0x1, s23, s13, $0xb8;
	[tilespmem:$0x1700] =	vst v63  }
0x5a: {  	_ = 	snop  }
0x5b: {  	[spmem:s2] =	stream.indirect.scatter.add.f32 [tilespmem:s12], [sflag:$0x1], $0x1, s24, s13, $0xb8;
	[tilespmem:$0x1700] =	vst v63  }
0x5c: {  	_ = 	snop  }
0x5d: {  	[spmem:s2] =	stream.indirect.scatter.add.f32 [tilespmem:s12], [sflag:$0x1], $0x1, s25, s13, $0xb8;
	[tilespmem:$0x1700] =	vst v63  }
0x5e: {  	_ = 	snop  }
0x5f: {  	[spmem:s2] =	stream.indirect.scatter.add.f32 [tilespmem:s12], [sflag:$0x1], $0x1, s26, s13, $0xb8;
	[tilespmem:$0x1700] =	vst v63  }
0x60: {  	_ = 	snop  }
0x61: {  	[spmem:s2] =	stream.indirect.scatter.add.f32 [tilespmem:s12], [sflag:$0x1], $0x1, s28, s13, $0xb8;
	[tilespmem:$0x1700] =	vst v63  }
0x62: {  	_ = 	snop  }
0x63: {  	[spmem:s2] =	stream.indirect.scatter.add.f32 [tilespmem:s12], [sflag:$0x1], $0x1, s29, s13, $0xb8;
	[tilespmem:$0x1700] =	vst v63  }
0x64: {  	_ = 	snop  }
0x65: {  	[spmem:s2] =	stream.indirect.scatter.add.f32 [tilespmem:s12], [sflag:$0x1], $0x1, s30, s13, $0xb8;
	[tilespmem:$0x1700] =	vst v63  }
0x66: {  	_ = 	snop  }
0x67: {  	[spmem:s2] =	stream.indirect.scatter.add.f32 [tilespmem:s12], [sflag:$0x1], $0x1, s31, s13, $0xb8;
	[tilespmem:$0x1700] =	vst v63  }
0x68: {  	_ = 	snop  }
0x69: {  	[spmem:s2] =	stream.indirect.scatter.add.f32 [tilespmem:s12], [sflag:$0x1], $0x1, s1, s13, $0xb8;
	[tilespmem:$0x1700] =	vst v63  }
0x6a: {  	_ = 	snop  }
0x6b: {  	[spmem:s2] =	stream.indirect.scatter.add.f32 [tilespmem:s12], [sflag:$0x1], $0x1, s0, s13, $0xb8;
	[tilespmem:$0x1700] =	vst v63  }
0x6c: {  	_ = 	snop  }
0x6d: {  	[spmem:s2] =	stream.indirect.scatter.add.f32 [tilespmem:s12], [sflag:$0x1], $0x1, s14, s13, $0xb8;
	[tilespmem:$0x1700] =	vst v63  }
0x6e: {  	_ =	swait.ge [sflag:s15], $0x7D  }
0x6f: {  	s17 =	simm.s32 $0x27;
	[sflag:s15] =	ssyncset.done $0x0  }
.LBB2_2:
0x70: {  	p0 =	sne.s32 s17, $0x1;
	s17 =	sadd.s32 $0xFFFFFFFF, s17;
	[sflag:s15] =	ssyncadd.s32 $0xFFFFFF83  }
.Ltmp0:
0x71: {  	(pc) =	sbr.rel @p0 .LBB2_2-.Ltmp0, $3  }
0x72: {  	_ =	sdelay $0x1  }
0x73: {  	_ =	swait.ge [sflag:s15], $0x7D  }
0x74: {  	[sflag:s15] =	ssyncset.done $0x0  }
0x75: {  	s16 =	sadd.s32 $0x1, s16  }
0x76: {  	[sflag:s15] =	ssyncadd.s32 $0xFFFFFF83;
	p0 =	sne.s32 s16, s9  }
.Ltmp1:
0x77: {  	[bflag:$0x0] =	sbarrier.arrive $0xFFFF;
	(pc) =	sbr.rel @p0 .LBB2_1-.Ltmp1, $4  }
0x78: {  	[hbm:s8], [sflag:s6] =	dma.local [spmem:s10], $0x50  }
0x79: {  	_ =	swait.ge [sflag:s11], $0x50  }
0x7a: {  	[sflag:s11] =	ssyncset.done $0x0  }
0x7b: {  	[sflag:s11] =	ssyncadd.s32 $0xFFFFFFB0  }
0x7c: {  	_ =	sfence.sel $0x180000  }
0x7d: {  	[bflag:$0x0] =	sbarrier.arrive $0xFFFF  }
0x7e: {  	_ =	strace $0x90000047  }
0x7f: {  	s0 =	stileid.u32;
	[bflag:$0x2] =	sbarrier.arrive $0xFFFF  }
0x80: {  	p0 =	sne.s32 s0, $0x0;
	s0 =	rddreg [dreg:$0x2]  }
0x81: {  	s0 =	sadd.s32 @!p0 $0x100000, s0  }
0x82: {  	[sflag:s0] =	ssyncadd.tile.s32 @!p0 $0x1;
	_ =	shalt  }
.Lfunc_end2:
_tile_overlayer_lowered:
.L_overlay_start_2:
0x83: {  	(tag) =	ssettag $0x2  }
0x84: {  	s0 =	rddreg [dreg:$0x0];
	s2 =	stileid.u32  }
0x85: {  	s1 =	rddreg [dreg:$0x1];
	p0 =	sne.s32 s2, $0x0  }
0x86: {  	s3 =	rddreg [dreg:$0x2];
	[bflag:$0x3] =	sbarrier.arrive $0xFFFF;
	s2 =	simm.s32 @!p0 $0x1C02  }
0x87: {  	[timem:s3], [sflag:s2] =	dma.local @!p0 [hbm:s0], s1  }
0x88: {  	s0 =	simm.s32 @!p0 $0x2  }
0x89: {  	_ =	swait.ge @!p0 [sflag:s0], s1  }
0x8a: {  	s1 =	ssub.s32 @!p0 $0x0, s1;
	[sflag:s0] =	ssyncset.done @!p0 $0x0  }
0x8b: {  	[sflag:s0] =	ssyncadd.s32 @!p0 s1  }
0x8c: {  	[bflag:$0x3] =	sbarrier.arrive $0xFFFF  }
0x8d: {  	_ =	shalt  }

</sc_bundles>
